<compile_context>
chip_gen: v7x
topology: tpu7x:2x2x1
jax: 0.10.2.dev20260603
libtpu: 0.0.44.dev20260713+nightly
codegen_flags: <defaults>
</compile_context>

<pallas_src>
import functools

import jax
import jax.numpy as jnp
from jax import lax
from jax.experimental import pallas as pl
from jax.experimental.pallas import tpu as pltpu
from jax.experimental.pallas import tpu_sc as plsc

_N = 10000
_E = 160000
_H = 256
_R = 16
_BD = _H - _R
_NC = 2
_NS = 16
_LANES = 16
_HALF = _H // _NC
_VPR = _HALF // _LANES
_EPT = _E // _NS
_KC = 80
_NCHUNK = _EPT // _KC
_RPT = _N // _NS


def _sc_message_passing(x3, x2r, src3, dst3, a03, rand4, embc_r, eps16):
  mesh = plsc.VectorSubcoreMesh(core_axis_name="c", subcore_axis_name="s")

  @functools.partial(
      pl.kernel,
      out_type=jax.ShapeDtypeStruct((_N, _NC, _HALF), jnp.float32),
      mesh=mesh,
      scratch_types=[
          pltpu.VMEM_SHARED((_N, _HALF), jnp.float32),
          pltpu.VMEM_SHARED((2 * 5 * 6 * 2, _HALF), jnp.float32),
          pltpu.VMEM((3, _KC), jnp.int32),
          pltpu.VMEM((3, _KC), jnp.int32),
          pltpu.VMEM((2, _KC), jnp.int32),
          pltpu.VMEM((2, _KC), jnp.int32),
          pltpu.VMEM((_KC,), jnp.int32),
          pltpu.VMEM((_KC,), jnp.int32),
          pltpu.VMEM((_KC, _HALF), jnp.float32),
          pltpu.VMEM((_KC, _HALF), jnp.float32),
          pltpu.VMEM((_KC, _R), jnp.float32),
          pltpu.VMEM((_KC, _R), jnp.float32),
          pltpu.VMEM((_LANES,), jnp.float32),
          pltpu.SemaphoreType.DMA,
          pltpu.SemaphoreType.DMA,
          pltpu.SemaphoreType.DMA,
          pltpu.SemaphoreType.DMA,
          pltpu.SemaphoreType.DMA,
          pltpu.SemaphoreType.DMA,
          pltpu.SemaphoreType.DMA,
          pltpu.SemaphoreType.DMA,
          pltpu.SemaphoreType.DMA,
          pltpu.SemaphoreType.DMA,
      ],
  )
  def k(x3h, x2rh, src3h, dst3h, cidxh, randh, embch, epsh, outh,
        acc, embs, idx0, idx1, gidx0, gidx1, dstb0, dstb1,
        mbuf0, mbuf1, rbuf0, rbuf1, epsv,
        si0, si1, sx0, sx1, se0, se1, sr0, sr1, ss0, ss1):
    c = lax.axis_index("c")
    s = lax.axis_index("s")
    cf = c.astype(jnp.float32)
    pltpu.sync_copy(epsh, epsv)
    e1 = epsv[:] + 1.0

    @pl.when(s == 0)
    def _():
      pltpu.sync_copy(embch.at[pl.ds(0, 64)], mbuf0.at[pl.ds(0, 64)])
      pltpu.sync_copy(mbuf0.at[pl.ds(0, 64)], embs.at[pl.ds(0, 64)])
      pltpu.sync_copy(embch.at[pl.ds(64, 56)], mbuf0.at[pl.ds(0, 56)])
      pltpu.sync_copy(mbuf0.at[pl.ds(0, 56)], embs.at[pl.ds(64, 56)])

    r0 = s * _RPT

    def init_block(rr, nrows):
      pltpu.sync_copy(x3h.at[pl.ds(rr, nrows), c], mbuf0.at[pl.ds(0, nrows)])

      @plsc.parallel_loop(0, nrows, 1, unroll=4)
      def _(i):
        for v in range(_VPR):
          sl = pl.ds(v * _LANES, _LANES)
          mbuf0[i, sl] = mbuf0[i, sl] * e1

      pltpu.sync_copy(mbuf0.at[pl.ds(0, nrows)], acc.at[pl.ds(rr, nrows)])

    for kk in range(_RPT // _KC):
      init_block(r0 + kk * _KC, _KC)
    init_block(r0 + (_RPT // _KC) * _KC, _RPT % _KC)
    plsc.subcore_barrier()

    e0 = s * _EPT

    def issue_idx(j, ib, si):
      off = e0 + jnp.minimum(j, _NCHUNK - 1) * _KC
      pltpu.async_copy(src3h.at[pl.ds(off, _KC)], ib.at[0], si)
      pltpu.async_copy(dst3h.at[pl.ds(off, _KC)], ib.at[1], si)
      pltpu.async_copy(cidxh.at[pl.ds(off, _KC)], ib.at[2], si)

    def wait_idx(ib, si):
      for r in range(3):
        pltpu.make_async_copy(src3h.at[pl.ds(0, _KC)], ib.at[r], si).wait()

    def compute_gidx(ib, gb, db):
      for i in range(_KC // _LANES):
        sl = pl.ds(i * _LANES, _LANES)
        gb[0, sl] = ib[0, sl] * 2 + c
        gb[1, sl] = ib[2, sl] * 2 + c
        db[sl] = ib[1, sl]

    def issue_xr(j, gb, mb, rb, sx, sr):
      pltpu.async_copy(x2rh.at[gb.at[0]], mb, sx)
      pltpu.async_copy(randh.at[pl.ds(e0 + j * _KC, _KC)], rb, sr)

    def wait_x(gb, mb, sx):
      pltpu.make_async_copy(x2rh.at[gb.at[0]], mb, sx).wait()

    def issue_emb(gb, mb, se):
      pltpu.async_copy(embs.at[gb.at[1]], mb, se, add=True)

    def wait_emb(gb, mb, se):
      pltpu.make_async_copy(embs.at[gb.at[1]], mb, se).wait()

    def wait_rand(rb, sr):
      pltpu.make_async_copy(randh.at[pl.ds(0, _KC)], rb, sr).wait()

    def relu_scatter(mb, rb, db, ss):
      @plsc.parallel_loop(0, _KC, 1, unroll=4)
      def _(r):
        for v in range(_VPR):
          sl = pl.ds(v * _LANES, _LANES)
          val = mb[r, sl]
          if v == _VPR - 1:
            val = val + rb[r, :] * cf
          mb[r, sl] = jnp.maximum(val, 0.0)

      pltpu.async_copy(mb, acc.at[db], ss, add=True)

    def wait_scatter(mb, db, ss):
      pltpu.make_async_copy(mb, acc.at[db], ss).wait()

    P0 = (idx0, gidx0, dstb0, mbuf0, rbuf0, si0, sx0, se0, sr0, ss0)
    P1 = (idx1, gidx1, dstb1, mbuf1, rbuf1, si1, sx1, se1, sr1, ss1)

    def half(j, B, Bo, wait_prev_scatter):
      (ib, gb, db, mb, rb, si, sx, se, sr, ss) = B
      (ibo, gbo, dbo, mbo, rbo, sio, sxo, seo, sro, sso) = Bo
      wait_idx(ibo, sio)
      if wait_prev_scatter is True:
        wait_scatter(mbo, dbo, sso)
      elif wait_prev_scatter is not False:
        @pl.when(wait_prev_scatter)
        def _():
          wait_scatter(mbo, dbo, sso)
      compute_gidx(ibo, gbo, dbo)
      issue_xr(j + 1, gbo, mbo, rbo, sxo, sro)
      issue_idx(j + 2, ib, si)
      wait_emb(gb, mb, se)
      wait_rand(rb, sr)
      relu_scatter(mb, rb, db, ss)
      wait_x(gbo, mbo, sxo)
      issue_emb(gbo, mbo, seo)

    pltpu.sync_copy(src3h.at[pl.ds(e0, _KC)], idx0.at[0])
    pltpu.sync_copy(dst3h.at[pl.ds(e0, _KC)], idx0.at[1])
    pltpu.sync_copy(cidxh.at[pl.ds(e0, _KC)], idx0.at[2])
    compute_gidx(idx0, gidx0, dstb0)
    issue_xr(0, gidx0, mbuf0, rbuf0, sx0, sr0)
    issue_idx(1, idx1, si1)
    wait_x(gidx0, mbuf0, sx0)
    issue_emb(gidx0, mbuf0, se0)

    def pair(g, _):
      j0 = g * 2
      half(j0, P0, P1, jnp.greater(g, 0))
      half(j0 + 1, P1, P0, True)
      return 0

    lax.fori_loop(0, (_NCHUNK - 1) // 2, pair, 0)
    wait_emb(gidx0, mbuf0, se0)
    wait_rand(rbuf0, sr0)
    relu_scatter(mbuf0, rbuf0, dstb0, ss0)
    wait_scatter(mbuf0, dstb0, ss0)
    wait_scatter(mbuf1, dstb1, ss1)
    wait_idx(idx1, si1)

    plsc.subcore_barrier()

    pltpu.sync_copy(acc.at[pl.ds(r0, _RPT)], outh.at[pl.ds(r0, _RPT), c])

  return k(x3, x2r, src3, dst3, a03, rand4, embc_r, eps16)


_NB = 10
_BR = _N // _NB


def _mlp(h, W1, b1, gamma, beta, W2, b2):

  def body(h_ref, w1_ref, b1_ref, g_ref, be_ref, w2_ref, b2_ref, o_ref,
           h1s, accs):
    p = pl.program_id(0)
    i = pl.program_id(1)

    @pl.when(p == 0)
    def _():
      h1 = jnp.dot(h_ref[:], w1_ref[:], preferred_element_type=jnp.float32)
      h1 = h1 + b1_ref[:]
      h1s[pl.ds(i * _BR, _BR), :] = h1

      @pl.when(i == 0)
      def _():
        accs[:] = jnp.zeros_like(accs)

      accs[0:1, :] = accs[0:1, :] + jnp.sum(h1, axis=0, keepdims=True)
      accs[1:2, :] = accs[1:2, :] + jnp.sum(h1 * h1, axis=0, keepdims=True)

    @pl.when(p == 1)
    def _():
      mu = accs[0:1, :] / _N
      var = accs[1:2, :] / _N - mu * mu
      inv = lax.rsqrt(var + 1e-5)
      a = (h1s[pl.ds(i * _BR, _BR), :] - mu) * (inv * g_ref[:]) + be_ref[:]
      a = jnp.maximum(a, 0.0)
      o_ref[:] = jnp.dot(a, w2_ref[:],
                         preferred_element_type=jnp.float32) + b2_ref[:]

  cst = lambda p, i: (0, 0)
  return pl.pallas_call(
      body,
      grid=(2, _NB),
      in_specs=[
          pl.BlockSpec((_BR, _H), lambda p, i: (i * (1 - p), 0)),
          pl.BlockSpec((_H, _H), cst),
          pl.BlockSpec((1, _H), cst),
          pl.BlockSpec((1, _H), cst),
          pl.BlockSpec((1, _H), cst),
          pl.BlockSpec((_H, _H), cst),
          pl.BlockSpec((1, _H), cst),
      ],
      out_specs=pl.BlockSpec((_BR, _H), lambda p, i: (i * p, 0)),
      out_shape=jax.ShapeDtypeStruct((_N, _H), jnp.float32),
      scratch_shapes=[
          pltpu.VMEM((_N, _H), jnp.float32),
          pltpu.VMEM((8, _H), jnp.float32),
      ],
  )(h, W1, b1.reshape(1, _H), gamma.reshape(1, _H), beta.reshape(1, _H),
    W2, b2.reshape(1, _H))


def kernel(x, edge_index, edge_attr, rand_edge, emb0, emb1, emb2,
           W1, b1, gamma, beta, W2, b2, eps):
  x3 = x.reshape(_N, _NC, _HALF)
  x2r = x.reshape(_N * _NC, _HALF)
  src3 = edge_index[0]
  dst3 = edge_index[1]
  cidx = jnp.dot(edge_attr.astype(jnp.float32),
                 jnp.array([12.0, 2.0, 1.0], jnp.float32)).astype(jnp.int32)
  rand4 = rand_edge
  embc = (emb0[:, None, None, :] + emb1[None, :, None, :]
          + emb2[None, None, :, :]).reshape(5 * 6 * 2, _BD)
  embc = jnp.concatenate([embc, jnp.zeros((5 * 6 * 2, _R), jnp.float32)],
                         axis=1)
  embc_r = embc.reshape(2 * 5 * 6 * 2, _HALF)
  eps16 = jnp.broadcast_to(eps, (_LANES,)).astype(jnp.float32)

  h = _sc_message_passing(x3, x2r, src3, dst3, cidx, rand4, embc_r, eps16)
  h = h.reshape(_N, _H)
  return _mlp(h, W1, b1, gamma, beta, W2, b2)

# --- scband reference (transcript-rebuilt; emitter-appended) ---
"""Pipeline reference for scband-ginconv-random-20263655703337 (READ-ONLY COPY).

The authoritative reference and input builder live on the scoring server;
editing this copy changes nothing except your own understanding.
"""

import jax, jax.numpy as jnp
import numpy as np

N = 10000
E = 160000
H = 256
R = 16
BD = H - R  # bond encoder embedding dim = 240
BOND_VOCABS = [5, 6, 2]  # OGB bond feature dims (bond type, stereo, conjugated)


def setup_inputs(seed: int = 0) -> dict:
    key = jax.random.key(seed)
    ks = jax.random.split(key, 16)
    x = jax.random.normal(ks[0], (N, H), dtype=jnp.float32)
    edge_index = jax.random.randint(ks[1], (2, E), 0, N, dtype=jnp.int32)
    edge_attr = jax.random.randint(ks[2], (E, 3), 0, 2, dtype=jnp.int32)
    rand_edge = jax.random.normal(ks[3], (E, R), dtype=jnp.float32)
    emb0 = jax.random.normal(ks[4], (BOND_VOCABS[0], BD), dtype=jnp.float32) * 0.1
    emb1 = jax.random.normal(ks[5], (BOND_VOCABS[1], BD), dtype=jnp.float32) * 0.1
    emb2 = jax.random.normal(ks[6], (BOND_VOCABS[2], BD), dtype=jnp.float32) * 0.1
    W1 = jax.random.normal(ks[7], (H, H), dtype=jnp.float32) * 0.05
    b1 = jnp.zeros((H,), dtype=jnp.float32)
    gamma = jnp.ones((H,), dtype=jnp.float32)
    beta = jnp.zeros((H,), dtype=jnp.float32)
    W2 = jax.random.normal(ks[8], (H, H), dtype=jnp.float32) * 0.05
    b2 = jnp.zeros((H,), dtype=jnp.float32)
    eps = jnp.zeros((1,), dtype=jnp.float32)
    return {"x": x, "edge_index": edge_index, "edge_attr": edge_attr,
            "rand_edge": rand_edge, "emb0": emb0, "emb1": emb1, "emb2": emb2,
            "W1": W1, "b1": b1, "gamma": gamma, "beta": beta,
            "W2": W2, "b2": b2, "eps": eps}


def reference(x, edge_index, edge_attr, rand_edge, emb0, emb1, emb2,
              W1, b1, gamma, beta, W2, b2, eps):
    # BondEncoder: sum of per-feature embedding lookups
    edge_embedding = emb0[edge_attr[:, 0]] + emb1[edge_attr[:, 1]] + emb2[edge_attr[:, 2]]
    edge_embedding = jnp.concatenate([edge_embedding, rand_edge], axis=-1)  # [E, H]
    src = edge_index[0]
    dst = edge_index[1]
    # apply_edges(copy_u) then add edge embedding + relu
    m = jax.nn.relu(jnp.take(x, src, axis=0) + edge_embedding)
    # update_all(copy_e, sum) -> scatter-add into destination nodes
    new_x = jax.ops.segment_sum(m, dst, num_segments=x.shape[0])
    h = (1.0 + eps) * x + new_x
    # MLP: Linear -> BatchNorm1d (training-mode batch stats) -> ReLU -> Linear
    h = h @ W1 + b1
    mu = jnp.mean(h, axis=0)
    var = jnp.var(h, axis=0)
    h = (h - mu) / jnp.sqrt(var + 1e-5) * gamma + beta
    h = jax.nn.relu(h)
    out = h @ W2 + b2
    return out

if __name__ == "__main__":
    import jax
    _d = setup_inputs()
    print(jax.jit(kernel)(*tuple(_d.values())))

</pallas_src>

<mosaic_0001>
#map = affine_map<(d0, d1) -> (0, 0, 0)>
#map1 = affine_map<(d0, d1) -> (0, 0)>
#map2 = affine_map<(d0, d1) -> (0)>
module attributes {stable_mosaic.version = 14 : i64} {
  func.func @k(%arg0: i32, %arg1: i32, %arg2: memref<10000x2x128xf32, #tpu.memory_space<hbm>>, %arg3: memref<20000x128xf32, #tpu.memory_space<hbm>>, %arg4: memref<160000xi32, #tpu.memory_space<hbm>>, %arg5: memref<160000xi32, #tpu.memory_space<hbm>>, %arg6: memref<160000xi32, #tpu.memory_space<hbm>>, %arg7: memref<160000x16xf32, #tpu.memory_space<hbm>>, %arg8: memref<120x128xf32, #tpu.memory_space<hbm>>, %arg9: memref<16xf32, #tpu.memory_space<hbm>>, %arg10: memref<10000x2x128xf32, #tpu.memory_space<hbm>>, %arg11: memref<10000x128xf32, #tpu.memory_space<vmem_shared>>, %arg12: memref<120x128xf32, #tpu.memory_space<vmem_shared>>, %arg13: memref<3x80xi32, #tpu.memory_space<vmem>>, %arg14: memref<3x80xi32, #tpu.memory_space<vmem>>, %arg15: memref<2x80xi32, #tpu.memory_space<vmem>>, %arg16: memref<2x80xi32, #tpu.memory_space<vmem>>, %arg17: memref<80xi32, #tpu.memory_space<vmem>>, %arg18: memref<80xi32, #tpu.memory_space<vmem>>, %arg19: memref<80x128xf32, #tpu.memory_space<vmem>>, %arg20: memref<80x128xf32, #tpu.memory_space<vmem>>, %arg21: memref<80x16xf32, #tpu.memory_space<vmem>>, %arg22: memref<80x16xf32, #tpu.memory_space<vmem>>, %arg23: memref<16xf32, #tpu.memory_space<vmem>>, %arg24: memref<!tpu.dma_semaphore, #tpu.memory_space<semaphore_mem>>, %arg25: memref<!tpu.dma_semaphore, #tpu.memory_space<semaphore_mem>>, %arg26: memref<!tpu.dma_semaphore, #tpu.memory_space<semaphore_mem>>, %arg27: memref<!tpu.dma_semaphore, #tpu.memory_space<semaphore_mem>>, %arg28: memref<!tpu.dma_semaphore, #tpu.memory_space<semaphore_mem>>, %arg29: memref<!tpu.dma_semaphore, #tpu.memory_space<semaphore_mem>>, %arg30: memref<!tpu.dma_semaphore, #tpu.memory_space<semaphore_mem>>, %arg31: memref<!tpu.dma_semaphore, #tpu.memory_space<semaphore_mem>>, %arg32: memref<!tpu.dma_semaphore, #tpu.memory_space<semaphore_mem>>, %arg33: memref<!tpu.dma_semaphore, #tpu.memory_space<semaphore_mem>>) attributes {dimension_semantics = [#tpu.dimension_semantics<core_parallel>, #tpu.dimension_semantics<subcore_parallel>], iteration_bounds = array<i64: 2, 16>, scalar_prefetch = 0 : i64, scratch_operands = 23 : i64, tpu.core_type = #tpu.core_type<sc_vector_subcore>, window_params = [{transform_indices = #map}, {transform_indices = #map1}, {transform_indices = #map2}, {transform_indices = #map2}, {transform_indices = #map2}, {transform_indices = #map1}, {transform_indices = #map1}, {transform_indices = #map2}, {transform_indices = #map}]} {
    %convert_element_type3A = arith.sitofp %arg0 : i32 to f32
    "tpu.region"() ({
      %run_scoped3A_377 = tpu.sem_alloc : memref<!tpu.dma_semaphore, #tpu.memory_space<semaphore_mem>>
      tpu.enqueue_dma source(%arg9 : memref<16xf32, #tpu.memory_space<hbm>>) target(%arg23 : memref<16xf32, #tpu.memory_space<vmem>>) target_semaphore(%run_scoped3A_377 : memref<!tpu.dma_semaphore, #tpu.memory_space<semaphore_mem>>)
      tpu.wait_dma2 semaphore(%run_scoped3A_377 : memref<!tpu.dma_semaphore, #tpu.memory_space<semaphore_mem>>) src(%arg9 : memref<16xf32, #tpu.memory_space<hbm>>) dst(%arg23 : memref<16xf32, #tpu.memory_space<vmem>>)
      tpu.yield
    }) : () -> ()
    %get3A = arith.constant 0 : index
    %get3A_0 = tpu.vector_load %arg23[%get3A] {strides = array<i32>} : memref<16xf32, #tpu.memory_space<vmem>>, vector<16xf32>,
    %get3A_1 = vector.shape_cast %get3A_0 : vector<16xf32> to vector<16xf32>
    %add3A = arith.constant 1.000000e+00 : f32
    %add3A_2 = vector.broadcast %add3A : f32 to vector<16xf32>
    %add3A_3 = arith.addf %get3A_1, %add3A_2 : vector<16xf32>
    %eq3A = arith.constant 0 : i32
    %eq3A_4 = arith.cmpi eq, %arg1, %eq3A : i32
    %convert_element_type3A_5 = arith.extui %eq3A_4 : i1 to i32
    %cond3A = arith.constant 0 : i32
    %cond3A_6 = arith.cmpi ne, %convert_element_type3A_5, %cond3A : i32
    scf.if %cond3A_6 {
      "tpu.region"() ({
        %run_scoped3A_377 = tpu.sem_alloc : memref<!tpu.dma_semaphore, #tpu.memory_space<semaphore_mem>>
        %dma_start3A_378 = arith.constant 0 : i32
        %dma_start3A_379 = arith.constant 0 : i32
        %dma_start3A_380 = tpu.memref_slice %arg19[%dma_start3A_378, %dma_start3A_379] : memref<80x128xf32, #tpu.memory_space<vmem>> -> memref<64x128xf32, #tpu.memory_space<vmem>>
        %dma_start3A_381 = arith.constant 0 : i32
        %dma_start3A_382 = arith.constant 0 : i32
        %dma_start3A_383 = tpu.memref_slice %arg8[%dma_start3A_381, %dma_start3A_382] : memref<120x128xf32, #tpu.memory_space<hbm>> -> memref<64x128xf32, #tpu.memory_space<hbm>>
        %dma_start3A_384 = arith.constant 0 : i32
        %dma_start3A_385 = arith.constant 0 : i32
        %dma_start3A_386 = tpu.memref_slice %arg19[%dma_start3A_384, %dma_start3A_385] : memref<80x128xf32, #tpu.memory_space<vmem>> -> memref<64x128xf32, #tpu.memory_space<vmem>>
        %dma_start3A_387 = arith.constant 0 : i32
        %dma_start3A_388 = arith.constant 0 : i32
        %dma_start3A_389 = tpu.memref_slice %arg8[%dma_start3A_387, %dma_start3A_388] : memref<120x128xf32, #tpu.memory_space<hbm>> -> memref<64x128xf32, #tpu.memory_space<hbm>>
        tpu.enqueue_dma source(%dma_start3A_389 : memref<64x128xf32, #tpu.memory_space<hbm>>) target(%dma_start3A_386 : memref<64x128xf32, #tpu.memory_space<vmem>>) target_semaphore(%run_scoped3A_377 : memref<!tpu.dma_semaphore, #tpu.memory_space<semaphore_mem>>)
        %dma_wait3A_390 = arith.constant 0 : i32
        %dma_wait3A_391 = arith.constant 0 : i32
        %dma_wait3A_392 = tpu.memref_slice %arg19[%dma_wait3A_390, %dma_wait3A_391] : memref<80x128xf32, #tpu.memory_space<vmem>> -> memref<64x128xf32, #tpu.memory_space<vmem>>
        %dma_wait3A_393 = arith.constant 0 : i32
        %dma_wait3A_394 = arith.constant 0 : i32
        %dma_wait3A_395 = tpu.memref_slice %arg8[%dma_wait3A_393, %dma_wait3A_394] : memref<120x128xf32, #tpu.memory_space<hbm>> -> memref<64x128xf32, #tpu.memory_space<hbm>>
        %dma_wait3A_396 = arith.constant 0 : i32
        %dma_wait3A_397 = arith.constant 0 : i32
        %dma_wait3A_398 = tpu.memref_slice %arg19[%dma_wait3A_396, %dma_wait3A_397] : memref<80x128xf32, #tpu.memory_space<vmem>> -> memref<64x128xf32, #tpu.memory_space<vmem>>
        %dma_wait3A_399 = arith.constant 0 : i32
        %dma_wait3A_400 = arith.constant 0 : i32
        %dma_wait3A_401 = tpu.memref_slice %arg8[%dma_wait3A_399, %dma_wait3A_400] : memref<120x128xf32, #tpu.memory_space<hbm>> -> memref<64x128xf32, #tpu.memory_space<hbm>>
        tpu.wait_dma2 semaphore(%run_scoped3A_377 : memref<!tpu.dma_semaphore, #tpu.memory_space<semaphore_mem>>) src(%dma_wait3A_401 : memref<64x128xf32, #tpu.memory_space<hbm>>) dst(%dma_wait3A_398 : memref<64x128xf32, #tpu.memory_space<vmem>>)
        tpu.yield
      }) : () -> ()
      "tpu.region"() ({
        %run_scoped3A_377 = tpu.sem_alloc : memref<!tpu.dma_semaphore, #tpu.memory_space<semaphore_mem>>
        %dma_start3A_378 = arith.constant 0 : i32
        %dma_start3A_379 = arith.constant 0 : i32
        %dma_start3A_380 = tpu.memref_slice %arg19[%dma_start3A_378, %dma_start3A_379] : memref<80x128xf32, #tpu.memory_space<vmem>> -> memref<64x128xf32, #tpu.memory_space<vmem>>
        %dma_start3A_381 = arith.constant 0 : i32
        %dma_start3A_382 = arith.constant 0 : i32
        %dma_start3A_383 = tpu.memref_slice %arg12[%dma_start3A_381, %dma_start3A_382] : memref<120x128xf32, #tpu.memory_space<vmem_shared>> -> memref<64x128xf32, #tpu.memory_space<vmem_shared>>
        %dma_start3A_384 = arith.constant 0 : i32
        %dma_start3A_385 = arith.constant 0 : i32
        %dma_start3A_386 = tpu.memref_slice %arg12[%dma_start3A_384, %dma_start3A_385] : memref<120x128xf32, #tpu.memory_space<vmem_shared>> -> memref<64x128xf32, #tpu.memory_space<vmem_shared>>
        %dma_start3A_387 = arith.constant 0 : i32
        %dma_start3A_388 = arith.constant 0 : i32
        %dma_start3A_389 = tpu.memref_slice %arg19[%dma_start3A_387, %dma_start3A_388] : memref<80x128xf32, #tpu.memory_space<vmem>> -> memref<64x128xf32, #tpu.memory_space<vmem>>
        tpu.enqueue_dma source(%dma_start3A_389 : memref<64x128xf32, #tpu.memory_space<vmem>>) target(%dma_start3A_386 : memref<64x128xf32, #tpu.memory_space<vmem_shared>>) target_semaphore(%run_scoped3A_377 : memref<!tpu.dma_semaphore, #tpu.memory_space<semaphore_mem>>)
        %dma_wait3A_390 = arith.constant 0 : i32
        %dma_wait3A_391 = arith.constant 0 : i32
        %dma_wait3A_392 = tpu.memref_slice %arg19[%dma_wait3A_390, %dma_wait3A_391] : memref<80x128xf32, #tpu.memory_space<vmem>> -> memref<64x128xf32, #tpu.memory_space<vmem>>
        %dma_wait3A_393 = arith.constant 0 : i32
        %dma_wait3A_394 = arith.constant 0 : i32
        %dma_wait3A_395 = tpu.memref_slice %arg12[%dma_wait3A_393, %dma_wait3A_394] : memref<120x128xf32, #tpu.memory_space<vmem_shared>> -> memref<64x128xf32, #tpu.memory_space<vmem_shared>>
        %dma_wait3A_396 = arith.constant 0 : i32
        %dma_wait3A_397 = arith.constant 0 : i32
        %dma_wait3A_398 = tpu.memref_slice %arg12[%dma_wait3A_396, %dma_wait3A_397] : memref<120x128xf32, #tpu.memory_space<vmem_shared>> -> memref<64x128xf32, #tpu.memory_space<vmem_shared>>
        %dma_wait3A_399 = arith.constant 0 : i32
        %dma_wait3A_400 = arith.constant 0 : i32
        %dma_wait3A_401 = tpu.memref_slice %arg19[%dma_wait3A_399, %dma_wait3A_400] : memref<80x128xf32, #tpu.memory_space<vmem>> -> memref<64x128xf32, #tpu.memory_space<vmem>>
        tpu.wait_dma2 semaphore(%run_scoped3A_377 : memref<!tpu.dma_semaphore, #tpu.memory_space<semaphore_mem>>) src(%dma_wait3A_401 : memref<64x128xf32, #tpu.memory_space<vmem>>) dst(%dma_wait3A_398 : memref<64x128xf32, #tpu.memory_space<vmem_shared>>)
        tpu.yield
      }) : () -> ()
      "tpu.region"() ({
        %run_scoped3A_377 = tpu.sem_alloc : memref<!tpu.dma_semaphore, #tpu.memory_space<semaphore_mem>>
        %dma_start3A_378 = arith.constant 0 : i32
        %dma_start3A_379 = arith.constant 0 : i32
        %dma_start3A_380 = tpu.memref_slice %arg19[%dma_start3A_378, %dma_start3A_379] : memref<80x128xf32, #tpu.memory_space<vmem>> -> memref<56x128xf32, #tpu.memory_space<vmem>>
        %dma_start3A_381 = arith.constant 64 : i32
        %dma_start3A_382 = arith.constant 0 : i32
        %dma_start3A_383 = tpu.memref_slice %arg8[%dma_start3A_381, %dma_start3A_382] : memref<120x128xf32, #tpu.memory_space<hbm>> -> memref<56x128xf32, #tpu.memory_space<hbm>>
        %dma_start3A_384 = arith.constant 0 : i32
        %dma_start3A_385 = arith.constant 0 : i32
        %dma_start3A_386 = tpu.memref_slice %arg19[%dma_start3A_384, %dma_start3A_385] : memref<80x128xf32, #tpu.memory_space<vmem>> -> memref<56x128xf32, #tpu.memory_space<vmem>>
        %dma_start3A_387 = arith.constant 64 : i32
        %dma_start3A_388 = arith.constant 0 : i32
        %dma_start3A_389 = tpu.memref_slice %arg8[%dma_start3A_387, %dma_start3A_388] : memref<120x128xf32, #tpu.memory_space<hbm>> -> memref<56x128xf32, #tpu.memory_space<hbm>>
        tpu.enqueue_dma source(%dma_start3A_389 : memref<56x128xf32, #tpu.memory_space<hbm>>) target(%dma_start3A_386 : memref<56x128xf32, #tpu.memory_space<vmem>>) target_semaphore(%run_scoped3A_377 : memref<!tpu.dma_semaphore, #tpu.memory_space<semaphore_mem>>)
        %dma_wait3A_390 = arith.constant 0 : i32
        %dma_wait3A_391 = arith.constant 0 : i32
        %dma_wait3A_392 = tpu.memref_slice %arg19[%dma_wait3A_390, %dma_wait3A_391] : memref<80x128xf32, #tpu.memory_space<vmem>> -> memref<56x128xf32, #tpu.memory_space<vmem>>
        %dma_wait3A_393 = arith.constant 64 : i32
        %dma_wait3A_394 = arith.constant 0 : i32
        %dma_wait3A_395 = tpu.memref_slice %arg8[%dma_wait3A_393, %dma_wait3A_394] : memref<120x128xf32, #tpu.memory_space<hbm>> -> memref<56x128xf32, #tpu.memory_space<hbm>>
        %dma_wait3A_396 = arith.constant 0 : i32
        %dma_wait3A_397 = arith.constant 0 : i32
        %dma_wait3A_398 = tpu.memref_slice %arg19[%dma_wait3A_396, %dma_wait3A_397] : memref<80x128xf32, #tpu.memory_space<vmem>> -> memref<56x128xf32, #tpu.memory_space<vmem>>
        %dma_wait3A_399 = arith.constant 64 : i32
        %dma_wait3A_400 = arith.constant 0 : i32
        %dma_wait3A_401 = tpu.memref_slice %arg8[%dma_wait3A_399, %dma_wait3A_400] : memref<120x128xf32, #tpu.memory_space<hbm>> -> memref<56x128xf32, #tpu.memory_space<hbm>>
        tpu.wait_dma2 semaphore(%run_scoped3A_377 : memref<!tpu.dma_semaphore, #tpu.memory_space<semaphore_mem>>) src(%dma_wait3A_401 : memref<56x128xf32, #tpu.memory_space<hbm>>) dst(%dma_wait3A_398 : memref<56x128xf32, #tpu.memory_space<vmem>>)
        tpu.yield
      }) : () -> ()
      "tpu.region"() ({
        %run_scoped3A_377 = tpu.sem_alloc : memref<!tpu.dma_semaphore, #tpu.memory_space<semaphore_mem>>
        %dma_start3A_378 = arith.constant 0 : i32
        %dma_start3A_379 = arith.constant 0 : i32
        %dma_start3A_380 = tpu.memref_slice %arg19[%dma_start3A_378, %dma_start3A_379] : memref<80x128xf32, #tpu.memory_space<vmem>> -> memref<56x128xf32, #tpu.memory_space<vmem>>
        %dma_start3A_381 = arith.constant 64 : i32
        %dma_start3A_382 = arith.constant 0 : i32
        %dma_start3A_383 = tpu.memref_slice %arg12[%dma_start3A_381, %dma_start3A_382] : memref<120x128xf32, #tpu.memory_space<vmem_shared>> -> memref<56x128xf32, #tpu.memory_space<vmem_shared>>
        %dma_start3A_384 = arith.constant 64 : i32
        %dma_start3A_385 = arith.constant 0 : i32
        %dma_start3A_386 = tpu.memref_slice %arg12[%dma_start3A_384, %dma_start3A_385] : memref<120x128xf32, #tpu.memory_space<vmem_shared>> -> memref<56x128xf32, #tpu.memory_space<vmem_shared>>
        %dma_start3A_387 = arith.constant 0 : i32
        %dma_start3A_388 = arith.constant 0 : i32
        %dma_start3A_389 = tpu.memref_slice %arg19[%dma_start3A_387, %dma_start3A_388] : memref<80x128xf32, #tpu.memory_space<vmem>> -> memref<56x128xf32, #tpu.memory_space<vmem>>
        tpu.enqueue_dma source(%dma_start3A_389 : memref<56x128xf32, #tpu.memory_space<vmem>>) target(%dma_start3A_386 : memref<56x128xf32, #tpu.memory_space<vmem_shared>>) target_semaphore(%run_scoped3A_377 : memref<!tpu.dma_semaphore, #tpu.memory_space<semaphore_mem>>)
        %dma_wait3A_390 = arith.constant 0 : i32
        %dma_wait3A_391 = arith.constant 0 : i32
        %dma_wait3A_392 = tpu.memref_slice %arg19[%dma_wait3A_390, %dma_wait3A_391] : memref<80x128xf32, #tpu.memory_space<vmem>> -> memref<56x128xf32, #tpu.memory_space<vmem>>
        %dma_wait3A_393 = arith.constant 64 : i32
        %dma_wait3A_394 = arith.constant 0 : i32
        %dma_wait3A_395 = tpu.memref_slice %arg12[%dma_wait3A_393, %dma_wait3A_394] : memref<120x128xf32, #tpu.memory_space<vmem_shared>> -> memref<56x128xf32, #tpu.memory_space<vmem_shared>>
        %dma_wait3A_396 = arith.constant 64 : i32
        %dma_wait3A_397 = arith.constant 0 : i32
        %dma_wait3A_398 = tpu.memref_slice %arg12[%dma_wait3A_396, %dma_wait3A_397] : memref<120x128xf32, #tpu.memory_space<vmem_shared>> -> memref<56x128xf32, #tpu.memory_space<vmem_shared>>
        %dma_wait3A_399 = arith.constant 0 : i32
        %dma_wait3A_400 = arith.constant 0 : i32
        %dma_wait3A_401 = tpu.memref_slice %arg19[%dma_wait3A_399, %dma_wait3A_400] : memref<80x128xf32, #tpu.memory_space<vmem>> -> memref<56x128xf32, #tpu.memory_space<vmem>>
        tpu.wait_dma2 semaphore(%run_scoped3A_377 : memref<!tpu.dma_semaphore, #tpu.memory_space<semaphore_mem>>) src(%dma_wait3A_401 : memref<56x128xf32, #tpu.memory_space<vmem>>) dst(%dma_wait3A_398 : memref<56x128xf32, #tpu.memory_space<vmem_shared>>)
        tpu.yield
      }) : () -> ()
    } else {
    }
    %mul3A = arith.constant 625 : i32
    %mul3A_7 = arith.muli %arg1, %mul3A : i32
    %add3A_8 = arith.constant 0 : i32
    %add3A_9 = arith.addi %mul3A_7, %add3A_8 : i32
    "tpu.region"() ({
      %run_scoped3A_377 = tpu.sem_alloc : memref<!tpu.dma_semaphore, #tpu.memory_space<semaphore_mem>>
      %dma_start3A_378 = arith.constant 0 : i32
      %dma_start3A_379 = arith.constant 0 : i32
      %dma_start3A_380 = tpu.memref_slice %arg19[%dma_start3A_378, %dma_start3A_379] : memref<80x128xf32, #tpu.memory_space<vmem>> -> memref<80x128xf32, #tpu.memory_space<vmem>>
      %dma_start3A_381 = arith.constant 0 : i32
      %dma_start3A_382 = tpu.memref_slice %arg2[%add3A_9, %arg0, %dma_start3A_381] : memref<10000x2x128xf32, #tpu.memory_space<hbm>> -> memref<80x1x128xf32, #tpu.memory_space<hbm>>
      %dma_start3A_383 = tpu.memref_squeeze %dma_start3A_382 : memref<80x1x128xf32, #tpu.memory_space<hbm>> -> memref<80x128xf32, #tpu.memory_space<hbm>>
      %dma_start3A_384 = arith.constant 0 : i32
      %dma_start3A_385 = arith.constant 0 : i32
      %dma_start3A_386 = tpu.memref_slice %arg19[%dma_start3A_384, %dma_start3A_385] : memref<80x128xf32, #tpu.memory_space<vmem>> -> memref<80x128xf32, #tpu.memory_space<vmem>>
      %dma_start3A_387 = arith.constant 0 : i32
      %dma_start3A_388 = tpu.memref_slice %arg2[%add3A_9, %arg0, %dma_start3A_387] : memref<10000x2x128xf32, #tpu.memory_space<hbm>> -> memref<80x1x128xf32, #tpu.memory_space<hbm>>
      %dma_start3A_389 = tpu.memref_squeeze %dma_start3A_388 : memref<80x1x128xf32, #tpu.memory_space<hbm>> -> memref<80x128xf32, #tpu.memory_space<hbm>>
      tpu.enqueue_dma source(%dma_start3A_389 : memref<80x128xf32, #tpu.memory_space<hbm>>) target(%dma_start3A_386 : memref<80x128xf32, #tpu.memory_space<vmem>>) target_semaphore(%run_scoped3A_377 : memref<!tpu.dma_semaphore, #tpu.memory_space<semaphore_mem>>)
      %dma_wait3A_390 = arith.constant 0 : i32
      %dma_wait3A_391 = arith.constant 0 : i32
      %dma_wait3A_392 = tpu.memref_slice %arg19[%dma_wait3A_390, %dma_wait3A_391] : memref<80x128xf32, #tpu.memory_space<vmem>> -> memref<80x128xf32, #tpu.memory_space<vmem>>
      %dma_wait3A_393 = arith.constant 0 : i32
      %dma_wait3A_394 = tpu.memref_slice %arg2[%add3A_9, %arg0, %dma_wait3A_393] : memref<10000x2x128xf32, #tpu.memory_space<hbm>> -> memref<80x1x128xf32, #tpu.memory_space<hbm>>
      %dma_wait3A_395 = tpu.memref_squeeze %dma_wait3A_394 : memref<80x1x128xf32, #tpu.memory_space<hbm>> -> memref<80x128xf32, #tpu.memory_space<hbm>>
      %dma_wait3A_396 = arith.constant 0 : i32
      %dma_wait3A_397 = arith.constant 0 : i32
      %dma_wait3A_398 = tpu.memref_slice %arg19[%dma_wait3A_396, %dma_wait3A_397] : memref<80x128xf32, #tpu.memory_space<vmem>> -> memref<80x128xf32, #tpu.memory_space<vmem>>
      %dma_wait3A_399 = arith.constant 0 : i32
      %dma_wait3A_400 = tpu.memref_slice %arg2[%add3A_9, %arg0, %dma_wait3A_399] : memref<10000x2x128xf32, #tpu.memory_space<hbm>> -> memref<80x1x128xf32, #tpu.memory_space<hbm>>
      %dma_wait3A_401 = tpu.memref_squeeze %dma_wait3A_400 : memref<80x1x128xf32, #tpu.memory_space<hbm>> -> memref<80x128xf32, #tpu.memory_space<hbm>>
      tpu.wait_dma2 semaphore(%run_scoped3A_377 : memref<!tpu.dma_semaphore, #tpu.memory_space<semaphore_mem>>) src(%dma_wait3A_401 : memref<80x128xf32, #tpu.memory_space<hbm>>) dst(%dma_wait3A_398 : memref<80x128xf32, #tpu.memory_space<vmem>>)
      tpu.yield
    }) : () -> ()
    %parallel_loop3A = arith.constant 0 : i32
    %parallel_loop3A_10 = arith.constant 80 : i32
    %parallel_loop3A_11 = arith.constant 1 : i32
    scf.for %parallel_loop3A_377 = %parallel_loop3A to %parallel_loop3A_10 step %parallel_loop3A_11  : i32 {
      %parallel_loop3A_378 = arith.index_cast %parallel_loop3A_377 : i32 to index
      %parallel_loop3A_379 = arith.constant 0 : index
      %parallel_loop3A_380 = tpu.vector_load %arg19[%parallel_loop3A_378, %parallel_loop3A_379] {strides = array<i32>} : memref<80x128xf32, #tpu.memory_space<vmem>>, vector<1x16xf32>,
      %parallel_loop3A_381 = vector.shape_cast %parallel_loop3A_380 : vector<1x16xf32> to vector<16xf32>
      %parallel_loop3A_382 = arith.mulf %parallel_loop3A_381, %add3A_3 : vector<16xf32>
      %parallel_loop3A_383 = arith.index_cast %parallel_loop3A_377 : i32 to index
      %parallel_loop3A_384 = arith.constant 0 : index
      %parallel_loop3A_385 = tpu.vector_load %arg19[%parallel_loop3A_383, %parallel_loop3A_384] {strides = array<i32>} : memref<80x128xf32, #tpu.memory_space<vmem>>, vector<1x16xf32>,
      %parallel_loop3A_386 = vector.shape_cast %parallel_loop3A_385 : vector<1x16xf32> to vector<16xf32>
      %parallel_loop3A_387 = vector.shape_cast %parallel_loop3A_382 : vector<16xf32> to vector<1x16xf32>
      tpu.vector_store %arg19[%parallel_loop3A_383, %parallel_loop3A_384], %parallel_loop3A_387 {strides = array<i32>} : memref<80x128xf32, #tpu.memory_space<vmem>>, vector<1x16xf32>,
      %parallel_loop3A_388 = arith.index_cast %parallel_loop3A_377 : i32 to index
      %parallel_loop3A_389 = arith.constant 16 : index
      %parallel_loop3A_390 = tpu.vector_load %arg19[%parallel_loop3A_388, %parallel_loop3A_389] {strides = array<i32>} : memref<80x128xf32, #tpu.memory_space<vmem>>, vector<1x16xf32>,
      %parallel_loop3A_391 = vector.shape_cast %parallel_loop3A_390 : vector<1x16xf32> to vector<16xf32>
      %parallel_loop3A_392 = arith.mulf %parallel_loop3A_391, %add3A_3 : vector<16xf32>
      %parallel_loop3A_393 = arith.index_cast %parallel_loop3A_377 : i32 to index
      %parallel_loop3A_394 = arith.constant 16 : index
      %parallel_loop3A_395 = tpu.vector_load %arg19[%parallel_loop3A_393, %parallel_loop3A_394] {strides = array<i32>} : memref<80x128xf32, #tpu.memory_space<vmem>>, vector<1x16xf32>,
      %parallel_loop3A_396 = vector.shape_cast %parallel_loop3A_395 : vector<1x16xf32> to vector<16xf32>
      %parallel_loop3A_397 = vector.shape_cast %parallel_loop3A_392 : vector<16xf32> to vector<1x16xf32>
      tpu.vector_store %arg19[%parallel_loop3A_393, %parallel_loop3A_394], %parallel_loop3A_397 {strides = array<i32>} : memref<80x128xf32, #tpu.memory_space<vmem>>, vector<1x16xf32>,
      %parallel_loop3A_398 = arith.index_cast %parallel_loop3A_377 : i32 to index
      %parallel_loop3A_399 = arith.constant 32 : index
      %parallel_loop3A_400 = tpu.vector_load %arg19[%parallel_loop3A_398, %parallel_loop3A_399] {strides = array<i32>} : memref<80x128xf32, #tpu.memory_space<vmem>>, vector<1x16xf32>,
      %parallel_loop3A_401 = vector.shape_cast %parallel_loop3A_400 : vector<1x16xf32> to vector<16xf32>
      %parallel_loop3A_402 = arith.mulf %parallel_loop3A_401, %add3A_3 : vector<16xf32>
      %parallel_loop3A_403 = arith.index_cast %parallel_loop3A_377 : i32 to index
      %parallel_loop3A_404 = arith.constant 32 : index
      %parallel_loop3A_405 = tpu.vector_load %arg19[%parallel_loop3A_403, %parallel_loop3A_404] {strides = array<i32>} : memref<80x128xf32, #tpu.memory_space<vmem>>, vector<1x16xf32>,
      %parallel_loop3A_406 = vector.shape_cast %parallel_loop3A_405 : vector<1x16xf32> to vector<16xf32>
      %parallel_loop3A_407 = vector.shape_cast %parallel_loop3A_402 : vector<16xf32> to vector<1x16xf32>
      tpu.vector_store %arg19[%parallel_loop3A_403, %parallel_loop3A_404], %parallel_loop3A_407 {strides = array<i32>} : memref<80x128xf32, #tpu.memory_space<vmem>>, vector<1x16xf32>,
      %parallel_loop3A_408 = arith.index_cast %parallel_loop3A_377 : i32 to index
      %parallel_loop3A_409 = arith.constant 48 : index
      %parallel_loop3A_410 = tpu.vector_load %arg19[%parallel_loop3A_408, %parallel_loop3A_409] {strides = array<i32>} : memref<80x128xf32, #tpu.memory_space<vmem>>, vector<1x16xf32>,
      %parallel_loop3A_411 = vector.shape_cast %parallel_loop3A_410 : vector<1x16xf32> to vector<16xf32>
      %parallel_loop3A_412 = arith.mulf %parallel_loop3A_411, %add3A_3 : vector<16xf32>
      %parallel_loop3A_413 = arith.index_cast %parallel_loop3A_377 : i32 to index
      %parallel_loop3A_414 = arith.constant 48 : index
      %parallel_loop3A_415 = tpu.vector_load %arg19[%parallel_loop3A_413, %parallel_loop3A_414] {strides = array<i32>} : memref<80x128xf32, #tpu.memory_space<vmem>>, vector<1x16xf32>,
      %parallel_loop3A_416 = vector.shape_cast %parallel_loop3A_415 : vector<1x16xf32> to vector<16xf32>
      %parallel_loop3A_417 = vector.shape_cast %parallel_loop3A_412 : vector<16xf32> to vector<1x16xf32>
      tpu.vector_store %arg19[%parallel_loop3A_413, %parallel_loop3A_414], %parallel_loop3A_417 {strides = array<i32>} : memref<80x128xf32, #tpu.memory_space<vmem>>, vector<1x16xf32>,
      %parallel_loop3A_418 = arith.index_cast %parallel_loop3A_377 : i32 to index
      %parallel_loop3A_419 = arith.constant 64 : index
      %parallel_loop3A_420 = tpu.vector_load %arg19[%parallel_loop3A_418, %parallel_loop3A_419] {strides = array<i32>} : memref<80x128xf32, #tpu.memory_space<vmem>>, vector<1x16xf32>,
      %parallel_loop3A_421 = vector.shape_cast %parallel_loop3A_420 : vector<1x16xf32> to vector<16xf32>
      %parallel_loop3A_422 = arith.mulf %parallel_loop3A_421, %add3A_3 : vector<16xf32>
      %parallel_loop3A_423 = arith.index_cast %parallel_loop3A_377 : i32 to index
      %parallel_loop3A_424 = arith.constant 64 : index
      %parallel_loop3A_425 = tpu.vector_load %arg19[%parallel_loop3A_423, %parallel_loop3A_424] {strides = array<i32>} : memref<80x128xf32, #tpu.memory_space<vmem>>, vector<1x16xf32>,
      %parallel_loop3A_426 = vector.shape_cast %parallel_loop3A_425 : vector<1x16xf32> to vector<16xf32>
      %parallel_loop3A_427 = vector.shape_cast %parallel_loop3A_422 : vector<16xf32> to vector<1x16xf32>
      tpu.vector_store %arg19[%parallel_loop3A_423, %parallel_loop3A_424], %parallel_loop3A_427 {strides = array<i32>} : memref<80x128xf32, #tpu.memory_space<vmem>>, vector<1x16xf32>,
      %parallel_loop3A_428 = arith.index_cast %parallel_loop3A_377 : i32 to index
      %parallel_loop3A_429 = arith.constant 80 : index
      %parallel_loop3A_430 = tpu.vector_load %arg19[%parallel_loop3A_428, %parallel_loop3A_429] {strides = array<i32>} : memref<80x128xf32, #tpu.memory_space<vmem>>, vector<1x16xf32>,
      %parallel_loop3A_431 = vector.shape_cast %parallel_loop3A_430 : vector<1x16xf32> to vector<16xf32>
      %parallel_loop3A_432 = arith.mulf %parallel_loop3A_431, %add3A_3 : vector<16xf32>
      %parallel_loop3A_433 = arith.index_cast %parallel_loop3A_377 : i32 to index
      %parallel_loop3A_434 = arith.constant 80 : index
      %parallel_loop3A_435 = tpu.vector_load %arg19[%parallel_loop3A_433, %parallel_loop3A_434] {strides = array<i32>} : memref<80x128xf32, #tpu.memory_space<vmem>>, vector<1x16xf32>,
      %parallel_loop3A_436 = vector.shape_cast %parallel_loop3A_435 : vector<1x16xf32> to vector<16xf32>
      %parallel_loop3A_437 = vector.shape_cast %parallel_loop3A_432 : vector<16xf32> to vector<1x16xf32>
      tpu.vector_store %arg19[%parallel_loop3A_433, %parallel_loop3A_434], %parallel_loop3A_437 {strides = array<i32>} : memref<80x128xf32, #tpu.memory_space<vmem>>, vector<1x16xf32>,
      %parallel_loop3A_438 = arith.index_cast %parallel_loop3A_377 : i32 to index
      %parallel_loop3A_439 = arith.constant 96 : index
      %parallel_loop3A_440 = tpu.vector_load %arg19[%parallel_loop3A_438, %parallel_loop3A_439] {strides = array<i32>} : memref<80x128xf32, #tpu.memory_space<vmem>>, vector<1x16xf32>,
      %parallel_loop3A_441 = vector.shape_cast %parallel_loop3A_440 : vector<1x16xf32> to vector<16xf32>
      %parallel_loop3A_442 = arith.mulf %parallel_loop3A_441, %add3A_3 : vector<16xf32>
      %parallel_loop3A_443 = arith.index_cast %parallel_loop3A_377 : i32 to index
      %parallel_loop3A_444 = arith.constant 96 : index
      %parallel_loop3A_445 = tpu.vector_load %arg19[%parallel_loop3A_443, %parallel_loop3A_444] {strides = array<i32>} : memref<80x128xf32, #tpu.memory_space<vmem>>, vector<1x16xf32>,
      %parallel_loop3A_446 = vector.shape_cast %parallel_loop3A_445 : vector<1x16xf32> to vector<16xf32>
      %parallel_loop3A_447 = vector.shape_cast %parallel_loop3A_442 : vector<16xf32> to vector<1x16xf32>
      tpu.vector_store %arg19[%parallel_loop3A_443, %parallel_loop3A_444], %parallel_loop3A_447 {strides = array<i32>} : memref<80x128xf32, #tpu.memory_space<vmem>>, vector<1x16xf32>,
      %parallel_loop3A_448 = arith.index_cast %parallel_loop3A_377 : i32 to index
      %parallel_loop3A_449 = arith.constant 112 : index
      %parallel_loop3A_450 = tpu.vector_load %arg19[%parallel_loop3A_448, %parallel_loop3A_449] {strides = array<i32>} : memref<80x128xf32, #tpu.memory_space<vmem>>, vector<1x16xf32>,
      %parallel_loop3A_451 = vector.shape_cast %parallel_loop3A_450 : vector<1x16xf32> to vector<16xf32>
      %parallel_loop3A_452 = arith.mulf %parallel_loop3A_451, %add3A_3 : vector<16xf32>
      %parallel_loop3A_453 = arith.index_cast %parallel_loop3A_377 : i32 to index
      %parallel_loop3A_454 = arith.constant 112 : index
      %parallel_loop3A_455 = tpu.vector_load %arg19[%parallel_loop3A_453, %parallel_loop3A_454] {strides = array<i32>} : memref<80x128xf32, #tpu.memory_space<vmem>>, vector<1x16xf32>,
      %parallel_loop3A_456 = vector.shape_cast %parallel_loop3A_455 : vector<1x16xf32> to vector<16xf32>
      %parallel_loop3A_457 = vector.shape_cast %parallel_loop3A_452 : vector<16xf32> to vector<1x16xf32>
      tpu.vector_store %arg19[%parallel_loop3A_453, %parallel_loop3A_454], %parallel_loop3A_457 {strides = array<i32>} : memref<80x128xf32, #tpu.memory_space<vmem>>, vector<1x16xf32>,
    } {sc.loop_unroll_factor = 4 : i64, sc.parallel_access}
    "tpu.region"() ({
      %run_scoped3A_377 = tpu.sem_alloc : memref<!tpu.dma_semaphore, #tpu.memory_space<semaphore_mem>>
      %dma_start3A_378 = arith.constant 0 : i32
      %dma_start3A_379 = arith.constant 0 : i32
      %dma_start3A_380 = tpu.memref_slice %arg19[%dma_start3A_378, %dma_start3A_379] : memref<80x128xf32, #tpu.memory_space<vmem>> -> memref<80x128xf32, #tpu.memory_space<vmem>>
      %dma_start3A_381 = arith.constant 0 : i32
      %dma_start3A_382 = tpu.memref_slice %arg11[%add3A_9, %dma_start3A_381] : memref<10000x128xf32, #tpu.memory_space<vmem_shared>> -> memref<80x128xf32, #tpu.memory_space<vmem_shared>>
      %dma_start3A_383 = arith.constant 0 : i32
      %dma_start3A_384 = tpu.memref_slice %arg11[%add3A_9, %dma_start3A_383] : memref<10000x128xf32, #tpu.memory_space<vmem_shared>> -> memref<80x128xf32, #tpu.memory_space<vmem_shared>>
      %dma_start3A_385 = arith.constant 0 : i32
      %dma_start3A_386 = arith.constant 0 : i32
      %dma_start3A_387 = tpu.memref_slice %arg19[%dma_start3A_385, %dma_start3A_386] : memref<80x128xf32, #tpu.memory_space<vmem>> -> memref<80x128xf32, #tpu.memory_space<vmem>>
      tpu.enqueue_dma source(%dma_start3A_387 : memref<80x128xf32, #tpu.memory_space<vmem>>) target(%dma_start3A_384 : memref<80x128xf32, #tpu.memory_space<vmem_shared>>) target_semaphore(%run_scoped3A_377 : memref<!tpu.dma_semaphore, #tpu.memory_space<semaphore_mem>>)
      %dma_wait3A_388 = arith.constant 0 : i32
      %dma_wait3A_389 = arith.constant 0 : i32
      %dma_wait3A_390 = tpu.memref_slice %arg19[%dma_wait3A_388, %dma_wait3A_389] : memref<80x128xf32, #tpu.memory_space<vmem>> -> memref<80x128xf32, #tpu.memory_space<vmem>>
      %dma_wait3A_391 = arith.constant 0 : i32
      %dma_wait3A_392 = tpu.memref_slice %arg11[%add3A_9, %dma_wait3A_391] : memref<10000x128xf32, #tpu.memory_space<vmem_shared>> -> memref<80x128xf32, #tpu.memory_space<vmem_shared>>
      %dma_wait3A_393 = arith.constant 0 : i32
      %dma_wait3A_394 = tpu.memref_slice %arg11[%add3A_9, %dma_wait3A_393] : memref<10000x128xf32, #tpu.memory_space<vmem_shared>> -> memref<80x128xf32, #tpu.memory_space<vmem_shared>>
      %dma_wait3A_395 = arith.constant 0 : i32
      %dma_wait3A_396 = arith.constant 0 : i32
      %dma_wait3A_397 = tpu.memref_slice %arg19[%dma_wait3A_395, %dma_wait3A_396] : memref<80x128xf32, #tpu.memory_space<vmem>> -> memref<80x128xf32, #tpu.memory_space<vmem>>
      tpu.wait_dma2 semaphore(%run_scoped3A_377 : memref<!tpu.dma_semaphore, #tpu.memory_space<semaphore_mem>>) src(%dma_wait3A_397 : memref<80x128xf32, #tpu.memory_space<vmem>>) dst(%dma_wait3A_394 : memref<80x128xf32, #tpu.memory_space<vmem_shared>>)
      tpu.yield
    }) : () -> ()
    %add3A_12 = arith.constant 80 : i32
    %add3A_13 = arith.addi %mul3A_7, %add3A_12 : i32
    "tpu.region"() ({
      %run_scoped3A_377 = tpu.sem_alloc : memref<!tpu.dma_semaphore, #tpu.memory_space<semaphore_mem>>
      %dma_start3A_378 = arith.constant 0 : i32
      %dma_start3A_379 = arith.constant 0 : i32
      %dma_start3A_380 = tpu.memref_slice %arg19[%dma_start3A_378, %dma_start3A_379] : memref<80x128xf32, #tpu.memory_space<vmem>> -> memref<80x128xf32, #tpu.memory_space<vmem>>
      %dma_start3A_381 = arith.constant 0 : i32
      %dma_start3A_382 = tpu.memref_slice %arg2[%add3A_13, %arg0, %dma_start3A_381] : memref<10000x2x128xf32, #tpu.memory_space<hbm>> -> memref<80x1x128xf32, #tpu.memory_space<hbm>>
      %dma_start3A_383 = tpu.memref_squeeze %dma_start3A_382 : memref<80x1x128xf32, #tpu.memory_space<hbm>> -> memref<80x128xf32, #tpu.memory_space<hbm>>
      %dma_start3A_384 = arith.constant 0 : i32
      %dma_start3A_385 = arith.constant 0 : i32
      %dma_start3A_386 = tpu.memref_slice %arg19[%dma_start3A_384, %dma_start3A_385] : memref<80x128xf32, #tpu.memory_space<vmem>> -> memref<80x128xf32, #tpu.memory_space<vmem>>
      %dma_start3A_387 = arith.constant 0 : i32
      %dma_start3A_388 = tpu.memref_slice %arg2[%add3A_13, %arg0, %dma_start3A_387] : memref<10000x2x128xf32, #tpu.memory_space<hbm>> -> memref<80x1x128xf32, #tpu.memory_space<hbm>>
      %dma_start3A_389 = tpu.memref_squeeze %dma_start3A_388 : memref<80x1x128xf32, #tpu.memory_space<hbm>> -> memref<80x128xf32, #tpu.memory_space<hbm>>
      tpu.enqueue_dma source(%dma_start3A_389 : memref<80x128xf32, #tpu.memory_space<hbm>>) target(%dma_start3A_386 : memref<80x128xf32, #tpu.memory_space<vmem>>) target_semaphore(%run_scoped3A_377 : memref<!tpu.dma_semaphore, #tpu.memory_space<semaphore_mem>>)
      %dma_wait3A_390 = arith.constant 0 : i32
      %dma_wait3A_391 = arith.constant 0 : i32
      %dma_wait3A_392 = tpu.memref_slice %arg19[%dma_wait3A_390, %dma_wait3A_391] : memref<80x128xf32, #tpu.memory_space<vmem>> -> memref<80x128xf32, #tpu.memory_space<vmem>>
      %dma_wait3A_393 = arith.constant 0 : i32
      %dma_wait3A_394 = tpu.memref_slice %arg2[%add3A_13, %arg0, %dma_wait3A_393] : memref<10000x2x128xf32, #tpu.memory_space<hbm>> -> memref<80x1x128xf32, #tpu.memory_space<hbm>>
      %dma_wait3A_395 = tpu.memref_squeeze %dma_wait3A_394 : memref<80x1x128xf32, #tpu.memory_space<hbm>> -> memref<80x128xf32, #tpu.memory_space<hbm>>
      %dma_wait3A_396 = arith.constant 0 : i32
      %dma_wait3A_397 = arith.constant 0 : i32
      %dma_wait3A_398 = tpu.memref_slice %arg19[%dma_wait3A_396, %dma_wait3A_397] : memref<80x128xf32, #tpu.memory_space<vmem>> -> memref<80x128xf32, #tpu.memory_space<vmem>>
      %dma_wait3A_399 = arith.constant 0 : i32
      %dma_wait3A_400 = tpu.memref_slice %arg2[%add3A_13, %arg0, %dma_wait3A_399] : memref<10000x2x128xf32, #tpu.memory_space<hbm>> -> memref<80x1x128xf32, #tpu.memory_space<hbm>>
      %dma_wait3A_401 = tpu.memref_squeeze %dma_wait3A_400 : memref<80x1x128xf32, #tpu.memory_space<hbm>> -> memref<80x128xf32, #tpu.memory_space<hbm>>
      tpu.wait_dma2 semaphore(%run_scoped3A_377 : memref<!tpu.dma_semaphore, #tpu.memory_space<semaphore_mem>>) src(%dma_wait3A_401 : memref<80x128xf32, #tpu.memory_space<hbm>>) dst(%dma_wait3A_398 : memref<80x128xf32, #tpu.memory_space<vmem>>)
      tpu.yield
    }) : () -> ()
    %parallel_loop3A_14 = arith.constant 0 : i32
    %parallel_loop3A_15 = arith.constant 80 : i32
    %parallel_loop3A_16 = arith.constant 1 : i32
    scf.for %parallel_loop3A_377 = %parallel_loop3A_14 to %parallel_loop3A_15 step %parallel_loop3A_16  : i32 {
      %parallel_loop3A_378 = arith.index_cast %parallel_loop3A_377 : i32 to index
      %parallel_loop3A_379 = arith.constant 0 : index
      %parallel_loop3A_380 = tpu.vector_load %arg19[%parallel_loop3A_378, %parallel_loop3A_379] {strides = array<i32>} : memref<80x128xf32, #tpu.memory_space<vmem>>, vector<1x16xf32>,
      %parallel_loop3A_381 = vector.shape_cast %parallel_loop3A_380 : vector<1x16xf32> to vector<16xf32>
      %parallel_loop3A_382 = arith.mulf %parallel_loop3A_381, %add3A_3 : vector<16xf32>
      %parallel_loop3A_383 = arith.index_cast %parallel_loop3A_377 : i32 to index
      %parallel_loop3A_384 = arith.constant 0 : index
      %parallel_loop3A_385 = tpu.vector_load %arg19[%parallel_loop3A_383, %parallel_loop3A_384] {strides = array<i32>} : memref<80x128xf32, #tpu.memory_space<vmem>>, vector<1x16xf32>,
      %parallel_loop3A_386 = vector.shape_cast %parallel_loop3A_385 : vector<1x16xf32> to vector<16xf32>
      %parallel_loop3A_387 = vector.shape_cast %parallel_loop3A_382 : vector<16xf32> to vector<1x16xf32>
      tpu.vector_store %arg19[%parallel_loop3A_383, %parallel_loop3A_384], %parallel_loop3A_387 {strides = array<i32>} : memref<80x128xf32, #tpu.memory_space<vmem>>, vector<1x16xf32>,
      %parallel_loop3A_388 = arith.index_cast %parallel_loop3A_377 : i32 to index
      %parallel_loop3A_389 = arith.constant 16 : index
      %parallel_loop3A_390 = tpu.vector_load %arg19[%parallel_loop3A_388, %parallel_loop3A_389] {strides = array<i32>} : memref<80x128xf32, #tpu.memory_space<vmem>>, vector<1x16xf32>,
      %parallel_loop3A_391 = vector.shape_cast %parallel_loop3A_390 : vector<1x16xf32> to vector<16xf32>
      %parallel_loop3A_392 = arith.mulf %parallel_loop3A_391, %add3A_3 : vector<16xf32>
      %parallel_loop3A_393 = arith.index_cast %parallel_loop3A_377 : i32 to index
      %parallel_loop3A_394 = arith.constant 16 : index
      %parallel_loop3A_395 = tpu.vector_load %arg19[%parallel_loop3A_393, %parallel_loop3A_394] {strides = array<i32>} : memref<80x128xf32, #tpu.memory_space<vmem>>, vector<1x16xf32>,
      %parallel_loop3A_396 = vector.shape_cast %parallel_loop3A_395 : vector<1x16xf32> to vector<16xf32>
      %parallel_loop3A_397 = vector.shape_cast %parallel_loop3A_392 : vector<16xf32> to vector<1x16xf32>
      tpu.vector_store %arg19[%parallel_loop3A_393, %parallel_loop3A_394], %parallel_loop3A_397 {strides = array<i32>} : memref<80x128xf32, #tpu.memory_space<vmem>>, vector<1x16xf32>,
      %parallel_loop3A_398 = arith.index_cast %parallel_loop3A_377 : i32 to index
      %parallel_loop3A_399 = arith.constant 32 : index
      %parallel_loop3A_400 = tpu.vector_load %arg19[%parallel_loop3A_398, %parallel_loop3A_399] {strides = array<i32>} : memref<80x128xf32, #tpu.memory_space<vmem>>, vector<1x16xf32>,
      %parallel_loop3A_401 = vector.shape_cast %parallel_loop3A_400 : vector<1x16xf32> to vector<16xf32>
      %parallel_loop3A_402 = arith.mulf %parallel_loop3A_401, %add3A_3 : vector<16xf32>
      %parallel_loop3A_403 = arith.index_cast %parallel_loop3A_377 : i32 to index
      %parallel_loop3A_404 = arith.constant 32 : index
      %parallel_loop3A_405 = tpu.vector_load %arg19[%parallel_loop3A_403, %parallel_loop3A_404] {strides = array<i32>} : memref<80x128xf32, #tpu.memory_space<vmem>>, vector<1x16xf32>,
      %parallel_loop3A_406 = vector.shape_cast %parallel_loop3A_405 : vector<1x16xf32> to vector<16xf32>
      %parallel_loop3A_407 = vector.shape_cast %parallel_loop3A_402 : vector<16xf32> to vector<1x16xf32>
      tpu.vector_store %arg19[%parallel_loop3A_403, %parallel_loop3A_404], %parallel_loop3A_407 {strides = array<i32>} : memref<80x128xf32, #tpu.memory_space<vmem>>, vector<1x16xf32>,
      %parallel_loop3A_408 = arith.index_cast %parallel_loop3A_377 : i32 to index
      %parallel_loop3A_409 = arith.constant 48 : index
      %parallel_loop3A_410 = tpu.vector_load %arg19[%parallel_loop3A_408, %parallel_loop3A_409] {strides = array<i32>} : memref<80x128xf32, #tpu.memory_space<vmem>>, vector<1x16xf32>,
      %parallel_loop3A_411 = vector.shape_cast %parallel_loop3A_410 : vector<1x16xf32> to vector<16xf32>
      %parallel_loop3A_412 = arith.mulf %parallel_loop3A_411, %add3A_3 : vector<16xf32>
      %parallel_loop3A_413 = arith.index_cast %parallel_loop3A_377 : i32 to index
      %parallel_loop3A_414 = arith.constant 48 : index
      %parallel_loop3A_415 = tpu.vector_load %arg19[%parallel_loop3A_413, %parallel_loop3A_414] {strides = array<i32>} : memref<80x128xf32, #tpu.memory_space<vmem>>, vector<1x16xf32>,
      %parallel_loop3A_416 = vector.shape_cast %parallel_loop3A_415 : vector<1x16xf32> to vector<16xf32>
      %parallel_loop3A_417 = vector.shape_cast %parallel_loop3A_412 : vector<16xf32> to vector<1x16xf32>
      tpu.vector_store %arg19[%parallel_loop3A_413, %parallel_loop3A_414], %parallel_loop3A_417 {strides = array<i32>} : memref<80x128xf32, #tpu.memory_space<vmem>>, vector<1x16xf32>,
      %parallel_loop3A_418 = arith.index_cast %parallel_loop3A_377 : i32 to index
      %parallel_loop3A_419 = arith.constant 64 : index
      %parallel_loop3A_420 = tpu.vector_load %arg19[%parallel_loop3A_418, %parallel_loop3A_419] {strides = array<i32>} : memref<80x128xf32, #tpu.memory_space<vmem>>, vector<1x16xf32>,
      %parallel_loop3A_421 = vector.shape_cast %parallel_loop3A_420 : vector<1x16xf32> to vector<16xf32>
      %parallel_loop3A_422 = arith.mulf %parallel_loop3A_421, %add3A_3 : vector<16xf32>
      %parallel_loop3A_423 = arith.index_cast %parallel_loop3A_377 : i32 to index
      %parallel_loop3A_424 = arith.constant 64 : index
      %parallel_loop3A_425 = tpu.vector_load %arg19[%parallel_loop3A_423, %parallel_loop3A_424] {strides = array<i32>} : memref<80x128xf32, #tpu.memory_space<vmem>>, vector<1x16xf32>,
      %parallel_loop3A_426 = vector.shape_cast %parallel_loop3A_425 : vector<1x16xf32> to vector<16xf32>
      %parallel_loop3A_427 = vector.shape_cast %parallel_loop3A_422 : vector<16xf32> to vector<1x16xf32>
      tpu.vector_store %arg19[%parallel_loop3A_423, %parallel_loop3A_424], %parallel_loop3A_427 {strides = array<i32>} : memref<80x128xf32, #tpu.memory_space<vmem>>, vector<1x16xf32>,
      %parallel_loop3A_428 = arith.index_cast %parallel_loop3A_377 : i32 to index
      %parallel_loop3A_429 = arith.constant 80 : index
      %parallel_loop3A_430 = tpu.vector_load %arg19[%parallel_loop3A_428, %parallel_loop3A_429] {strides = array<i32>} : memref<80x128xf32, #tpu.memory_space<vmem>>, vector<1x16xf32>,
      %parallel_loop3A_431 = vector.shape_cast %parallel_loop3A_430 : vector<1x16xf32> to vector<16xf32>
      %parallel_loop3A_432 = arith.mulf %parallel_loop3A_431, %add3A_3 : vector<16xf32>
      %parallel_loop3A_433 = arith.index_cast %parallel_loop3A_377 : i32 to index
      %parallel_loop3A_434 = arith.constant 80 : index
      %parallel_loop3A_435 = tpu.vector_load %arg19[%parallel_loop3A_433, %parallel_loop3A_434] {strides = array<i32>} : memref<80x128xf32, #tpu.memory_space<vmem>>, vector<1x16xf32>,
      %parallel_loop3A_436 = vector.shape_cast %parallel_loop3A_435 : vector<1x16xf32> to vector<16xf32>
      %parallel_loop3A_437 = vector.shape_cast %parallel_loop3A_432 : vector<16xf32> to vector<1x16xf32>
      tpu.vector_store %arg19[%parallel_loop3A_433, %parallel_loop3A_434], %parallel_loop3A_437 {strides = array<i32>} : memref<80x128xf32, #tpu.memory_space<vmem>>, vector<1x16xf32>,
      %parallel_loop3A_438 = arith.index_cast %parallel_loop3A_377 : i32 to index
      %parallel_loop3A_439 = arith.constant 96 : index
      %parallel_loop3A_440 = tpu.vector_load %arg19[%parallel_loop3A_438, %parallel_loop3A_439] {strides = array<i32>} : memref<80x128xf32, #tpu.memory_space<vmem>>, vector<1x16xf32>,
      %parallel_loop3A_441 = vector.shape_cast %parallel_loop3A_440 : vector<1x16xf32> to vector<16xf32>
      %parallel_loop3A_442 = arith.mulf %parallel_loop3A_441, %add3A_3 : vector<16xf32>
      %parallel_loop3A_443 = arith.index_cast %parallel_loop3A_377 : i32 to index
      %parallel_loop3A_444 = arith.constant 96 : index
      %parallel_loop3A_445 = tpu.vector_load %arg19[%parallel_loop3A_443, %parallel_loop3A_444] {strides = array<i32>} : memref<80x128xf32, #tpu.memory_space<vmem>>, vector<1x16xf32>,
      %parallel_loop3A_446 = vector.shape_cast %parallel_loop3A_445 : vector<1x16xf32> to vector<16xf32>
      %parallel_loop3A_447 = vector.shape_cast %parallel_loop3A_442 : vector<16xf32> to vector<1x16xf32>
      tpu.vector_store %arg19[%parallel_loop3A_443, %parallel_loop3A_444], %parallel_loop3A_447 {strides = array<i32>} : memref<80x128xf32, #tpu.memory_space<vmem>>, vector<1x16xf32>,
      %parallel_loop3A_448 = arith.index_cast %parallel_loop3A_377 : i32 to index
      %parallel_loop3A_449 = arith.constant 112 : index
      %parallel_loop3A_450 = tpu.vector_load %arg19[%parallel_loop3A_448, %parallel_loop3A_449] {strides = array<i32>} : memref<80x128xf32, #tpu.memory_space<vmem>>, vector<1x16xf32>,
      %parallel_loop3A_451 = vector.shape_cast %parallel_loop3A_450 : vector<1x16xf32> to vector<16xf32>
      %parallel_loop3A_452 = arith.mulf %parallel_loop3A_451, %add3A_3 : vector<16xf32>
      %parallel_loop3A_453 = arith.index_cast %parallel_loop3A_377 : i32 to index
      %parallel_loop3A_454 = arith.constant 112 : index
      %parallel_loop3A_455 = tpu.vector_load %arg19[%parallel_loop3A_453, %parallel_loop3A_454] {strides = array<i32>} : memref<80x128xf32, #tpu.memory_space<vmem>>, vector<1x16xf32>,
      %parallel_loop3A_456 = vector.shape_cast %parallel_loop3A_455 : vector<1x16xf32> to vector<16xf32>
      %parallel_loop3A_457 = vector.shape_cast %parallel_loop3A_452 : vector<16xf32> to vector<1x16xf32>
      tpu.vector_store %arg19[%parallel_loop3A_453, %parallel_loop3A_454], %parallel_loop3A_457 {strides = array<i32>} : memref<80x128xf32, #tpu.memory_space<vmem>>, vector<1x16xf32>,
    } {sc.loop_unroll_factor = 4 : i64, sc.parallel_access}
    "tpu.region"() ({
      %run_scoped3A_377 = tpu.sem_alloc : memref<!tpu.dma_semaphore, #tpu.memory_space<semaphore_mem>>
      %dma_start3A_378 = arith.constant 0 : i32
      %dma_start3A_379 = arith.constant 0 : i32
      %dma_start3A_380 = tpu.memref_slice %arg19[%dma_start3A_378, %dma_start3A_379] : memref<80x128xf32, #tpu.memory_space<vmem>> -> memref<80x128xf32, #tpu.memory_space<vmem>>
      %dma_start3A_381 = arith.constant 0 : i32
      %dma_start3A_382 = tpu.memref_slice %arg11[%add3A_13, %dma_start3A_381] : memref<10000x128xf32, #tpu.memory_space<vmem_shared>> -> memref<80x128xf32, #tpu.memory_space<vmem_shared>>
      %dma_start3A_383 = arith.constant 0 : i32
      %dma_start3A_384 = tpu.memref_slice %arg11[%add3A_13, %dma_start3A_383] : memref<10000x128xf32, #tpu.memory_space<vmem_shared>> -> memref<80x128xf32, #tpu.memory_space<vmem_shared>>
      %dma_start3A_385 = arith.constant 0 : i32
      %dma_start3A_386 = arith.constant 0 : i32
      %dma_start3A_387 = tpu.memref_slice %arg19[%dma_start3A_385, %dma_start3A_386] : memref<80x128xf32, #tpu.memory_space<vmem>> -> memref<80x128xf32, #tpu.memory_space<vmem>>
      tpu.enqueue_dma source(%dma_start3A_387 : memref<80x128xf32, #tpu.memory_space<vmem>>) target(%dma_start3A_384 : memref<80x128xf32, #tpu.memory_space<vmem_shared>>) target_semaphore(%run_scoped3A_377 : memref<!tpu.dma_semaphore, #tpu.memory_space<semaphore_mem>>)
      %dma_wait3A_388 = arith.constant 0 : i32
      %dma_wait3A_389 = arith.constant 0 : i32
      %dma_wait3A_390 = tpu.memref_slice %arg19[%dma_wait3A_388, %dma_wait3A_389] : memref<80x128xf32, #tpu.memory_space<vmem>> -> memref<80x128xf32, #tpu.memory_space<vmem>>
      %dma_wait3A_391 = arith.constant 0 : i32
      %dma_wait3A_392 = tpu.memref_slice %arg11[%add3A_13, %dma_wait3A_391] : memref<10000x128xf32, #tpu.memory_space<vmem_shared>> -> memref<80x128xf32, #tpu.memory_space<vmem_shared>>
      %dma_wait3A_393 = arith.constant 0 : i32
      %dma_wait3A_394 = tpu.memref_slice %arg11[%add3A_13, %dma_wait3A_393] : memref<10000x128xf32, #tpu.memory_space<vmem_shared>> -> memref<80x128xf32, #tpu.memory_space<vmem_shared>>
      %dma_wait3A_395 = arith.constant 0 : i32
      %dma_wait3A_396 = arith.constant 0 : i32
      %dma_wait3A_397 = tpu.memref_slice %arg19[%dma_wait3A_395, %dma_wait3A_396] : memref<80x128xf32, #tpu.memory_space<vmem>> -> memref<80x128xf32, #tpu.memory_space<vmem>>
      tpu.wait_dma2 semaphore(%run_scoped3A_377 : memref<!tpu.dma_semaphore, #tpu.memory_space<semaphore_mem>>) src(%dma_wait3A_397 : memref<80x128xf32, #tpu.memory_space<vmem>>) dst(%dma_wait3A_394 : memref<80x128xf32, #tpu.memory_space<vmem_shared>>)
      tpu.yield
    }) : () -> ()
    %add3A_17 = arith.constant 160 : i32
    %add3A_18 = arith.addi %mul3A_7, %add3A_17 : i32
    "tpu.region"() ({
      %run_scoped3A_377 = tpu.sem_alloc : memref<!tpu.dma_semaphore, #tpu.memory_space<semaphore_mem>>
      %dma_start3A_378 = arith.constant 0 : i32
      %dma_start3A_379 = arith.constant 0 : i32
      %dma_start3A_380 = tpu.memref_slice %arg19[%dma_start3A_378, %dma_start3A_379] : memref<80x128xf32, #tpu.memory_space<vmem>> -> memref<80x128xf32, #tpu.memory_space<vmem>>
      %dma_start3A_381 = arith.constant 0 : i32
      %dma_start3A_382 = tpu.memref_slice %arg2[%add3A_18, %arg0, %dma_start3A_381] : memref<10000x2x128xf32, #tpu.memory_space<hbm>> -> memref<80x1x128xf32, #tpu.memory_space<hbm>>
      %dma_start3A_383 = tpu.memref_squeeze %dma_start3A_382 : memref<80x1x128xf32, #tpu.memory_space<hbm>> -> memref<80x128xf32, #tpu.memory_space<hbm>>
      %dma_start3A_384 = arith.constant 0 : i32
      %dma_start3A_385 = arith.constant 0 : i32
      %dma_start3A_386 = tpu.memref_slice %arg19[%dma_start3A_384, %dma_start3A_385] : memref<80x128xf32, #tpu.memory_space<vmem>> -> memref<80x128xf32, #tpu.memory_space<vmem>>
      %dma_start3A_387 = arith.constant 0 : i32
      %dma_start3A_388 = tpu.memref_slice %arg2[%add3A_18, %arg0, %dma_start3A_387] : memref<10000x2x128xf32, #tpu.memory_space<hbm>> -> memref<80x1x128xf32, #tpu.memory_space<hbm>>
      %dma_start3A_389 = tpu.memref_squeeze %dma_start3A_388 : memref<80x1x128xf32, #tpu.memory_space<hbm>> -> memref<80x128xf32, #tpu.memory_space<hbm>>
      tpu.enqueue_dma source(%dma_start3A_389 : memref<80x128xf32, #tpu.memory_space<hbm>>) target(%dma_start3A_386 : memref<80x128xf32, #tpu.memory_space<vmem>>) target_semaphore(%run_scoped3A_377 : memref<!tpu.dma_semaphore, #tpu.memory_space<semaphore_mem>>)
      %dma_wait3A_390 = arith.constant 0 : i32
      %dma_wait3A_391 = arith.constant 0 : i32
      %dma_wait3A_392 = tpu.memref_slice %arg19[%dma_wait3A_390, %dma_wait3A_391] : memref<80x128xf32, #tpu.memory_space<vmem>> -> memref<80x128xf32, #tpu.memory_space<vmem>>
      %dma_wait3A_393 = arith.constant 0 : i32
      %dma_wait3A_394 = tpu.memref_slice %arg2[%add3A_18, %arg0, %dma_wait3A_393] : memref<10000x2x128xf32, #tpu.memory_space<hbm>> -> memref<80x1x128xf32, #tpu.memory_space<hbm>>
      %dma_wait3A_395 = tpu.memref_squeeze %dma_wait3A_394 : memref<80x1x128xf32, #tpu.memory_space<hbm>> -> memref<80x128xf32, #tpu.memory_space<hbm>>
      %dma_wait3A_396 = arith.constant 0 : i32
      %dma_wait3A_397 = arith.constant 0 : i32
      %dma_wait3A_398 = tpu.memref_slice %arg19[%dma_wait3A_396, %dma_wait3A_397] : memref<80x128xf32, #tpu.memory_space<vmem>> -> memref<80x128xf32, #tpu.memory_space<vmem>>
      %dma_wait3A_399 = arith.constant 0 : i32
      %dma_wait3A_400 = tpu.memref_slice %arg2[%add3A_18, %arg0, %dma_wait3A_399] : memref<10000x2x128xf32, #tpu.memory_space<hbm>> -> memref<80x1x128xf32, #tpu.memory_space<hbm>>
      %dma_wait3A_401 = tpu.memref_squeeze %dma_wait3A_400 : memref<80x1x128xf32, #tpu.memory_space<hbm>> -> memref<80x128xf32, #tpu.memory_space<hbm>>
      tpu.wait_dma2 semaphore(%run_scoped3A_377 : memref<!tpu.dma_semaphore, #tpu.memory_space<semaphore_mem>>) src(%dma_wait3A_401 : memref<80x128xf32, #tpu.memory_space<hbm>>) dst(%dma_wait3A_398 : memref<80x128xf32, #tpu.memory_space<vmem>>)
      tpu.yield
    }) : () -> ()
    %parallel_loop3A_19 = arith.constant 0 : i32
    %parallel_loop3A_20 = arith.constant 80 : i32
    %parallel_loop3A_21 = arith.constant 1 : i32
    scf.for %parallel_loop3A_377 = %parallel_loop3A_19 to %parallel_loop3A_20 step %parallel_loop3A_21  : i32 {
      %parallel_loop3A_378 = arith.index_cast %parallel_loop3A_377 : i32 to index
      %parallel_loop3A_379 = arith.constant 0 : index
      %parallel_loop3A_380 = tpu.vector_load %arg19[%parallel_loop3A_378, %parallel_loop3A_379] {strides = array<i32>} : memref<80x128xf32, #tpu.memory_space<vmem>>, vector<1x16xf32>,
      %parallel_loop3A_381 = vector.shape_cast %parallel_loop3A_380 : vector<1x16xf32> to vector<16xf32>
      %parallel_loop3A_382 = arith.mulf %parallel_loop3A_381, %add3A_3 : vector<16xf32>
      %parallel_loop3A_383 = arith.index_cast %parallel_loop3A_377 : i32 to index
      %parallel_loop3A_384 = arith.constant 0 : index
      %parallel_loop3A_385 = tpu.vector_load %arg19[%parallel_loop3A_383, %parallel_loop3A_384] {strides = array<i32>} : memref<80x128xf32, #tpu.memory_space<vmem>>, vector<1x16xf32>,
      %parallel_loop3A_386 = vector.shape_cast %parallel_loop3A_385 : vector<1x16xf32> to vector<16xf32>
      %parallel_loop3A_387 = vector.shape_cast %parallel_loop3A_382 : vector<16xf32> to vector<1x16xf32>
      tpu.vector_store %arg19[%parallel_loop3A_383, %parallel_loop3A_384], %parallel_loop3A_387 {strides = array<i32>} : memref<80x128xf32, #tpu.memory_space<vmem>>, vector<1x16xf32>,
      %parallel_loop3A_388 = arith.index_cast %parallel_loop3A_377 : i32 to index
      %parallel_loop3A_389 = arith.constant 16 : index
      %parallel_loop3A_390 = tpu.vector_load %arg19[%parallel_loop3A_388, %parallel_loop3A_389] {strides = array<i32>} : memref<80x128xf32, #tpu.memory_space<vmem>>, vector<1x16xf32>,
      %parallel_loop3A_391 = vector.shape_cast %parallel_loop3A_390 : vector<1x16xf32> to vector<16xf32>
      %parallel_loop3A_392 = arith.mulf %parallel_loop3A_391, %add3A_3 : vector<16xf32>
      %parallel_loop3A_393 = arith.index_cast %parallel_loop3A_377 : i32 to index
      %parallel_loop3A_394 = arith.constant 16 : index
      %parallel_loop3A_395 = tpu.vector_load %arg19[%parallel_loop3A_393, %parallel_loop3A_394] {strides = array<i32>} : memref<80x128xf32, #tpu.memory_space<vmem>>, vector<1x16xf32>,
      %parallel_loop3A_396 = vector.shape_cast %parallel_loop3A_395 : vector<1x16xf32> to vector<16xf32>
      %parallel_loop3A_397 = vector.shape_cast %parallel_loop3A_392 : vector<16xf32> to vector<1x16xf32>
      tpu.vector_store %arg19[%parallel_loop3A_393, %parallel_loop3A_394], %parallel_loop3A_397 {strides = array<i32>} : memref<80x128xf32, #tpu.memory_space<vmem>>, vector<1x16xf32>,
      %parallel_loop3A_398 = arith.index_cast %parallel_loop3A_377 : i32 to index
      %parallel_loop3A_399 = arith.constant 32 : index
      %parallel_loop3A_400 = tpu.vector_load %arg19[%parallel_loop3A_398, %parallel_loop3A_399] {strides = array<i32>} : memref<80x128xf32, #tpu.memory_space<vmem>>, vector<1x16xf32>,
      %parallel_loop3A_401 = vector.shape_cast %parallel_loop3A_400 : vector<1x16xf32> to vector<16xf32>
      %parallel_loop3A_402 = arith.mulf %parallel_loop3A_401, %add3A_3 : vector<16xf32>
      %parallel_loop3A_403 = arith.index_cast %parallel_loop3A_377 : i32 to index
      %parallel_loop3A_404 = arith.constant 32 : index
      %parallel_loop3A_405 = tpu.vector_load %arg19[%parallel_loop3A_403, %parallel_loop3A_404] {strides = array<i32>} : memref<80x128xf32, #tpu.memory_space<vmem>>, vector<1x16xf32>,
      %parallel_loop3A_406 = vector.shape_cast %parallel_loop3A_405 : vector<1x16xf32> to vector<16xf32>
      %parallel_loop3A_407 = vector.shape_cast %parallel_loop3A_402 : vector<16xf32> to vector<1x16xf32>
      tpu.vector_store %arg19[%parallel_loop3A_403, %parallel_loop3A_404], %parallel_loop3A_407 {strides = array<i32>} : memref<80x128xf32, #tpu.memory_space<vmem>>, vector<1x16xf32>,
      %parallel_loop3A_408 = arith.index_cast %parallel_loop3A_377 : i32 to index
      %parallel_loop3A_409 = arith.constant 48 : index
      %parallel_loop3A_410 = tpu.vector_load %arg19[%parallel_loop3A_408, %parallel_loop3A_409] {strides = array<i32>} : memref<80x128xf32, #tpu.memory_space<vmem>>, vector<1x16xf32>,
      %parallel_loop3A_411 = vector.shape_cast %parallel_loop3A_410 : vector<1x16xf32> to vector<16xf32>
      %parallel_loop3A_412 = arith.mulf %parallel_loop3A_411, %add3A_3 : vector<16xf32>
      %parallel_loop3A_413 = arith.index_cast %parallel_loop3A_377 : i32 to index
      %parallel_loop3A_414 = arith.constant 48 : index
      %parallel_loop3A_415 = tpu.vector_load %arg19[%parallel_loop3A_413, %parallel_loop3A_414] {strides = array<i32>} : memref<80x128xf32, #tpu.memory_space<vmem>>, vector<1x16xf32>,
      %parallel_loop3A_416 = vector.shape_cast %parallel_loop3A_415 : vector<1x16xf32> to vector<16xf32>
      %parallel_loop3A_417 = vector.shape_cast %parallel_loop3A_412 : vector<16xf32> to vector<1x16xf32>
      tpu.vector_store %arg19[%parallel_loop3A_413, %parallel_loop3A_414], %parallel_loop3A_417 {strides = array<i32>} : memref<80x128xf32, #tpu.memory_space<vmem>>, vector<1x16xf32>,
      %parallel_loop3A_418 = arith.index_cast %parallel_loop3A_377 : i32 to index
      %parallel_loop3A_419 = arith.constant 64 : index
      %parallel_loop3A_420 = tpu.vector_load %arg19[%parallel_loop3A_418, %parallel_loop3A_419] {strides = array<i32>} : memref<80x128xf32, #tpu.memory_space<vmem>>, vector<1x16xf32>,
      %parallel_loop3A_421 = vector.shape_cast %parallel_loop3A_420 : vector<1x16xf32> to vector<16xf32>
      %parallel_loop3A_422 = arith.mulf %parallel_loop3A_421, %add3A_3 : vector<16xf32>
      %parallel_loop3A_423 = arith.index_cast %parallel_loop3A_377 : i32 to index
      %parallel_loop3A_424 = arith.constant 64 : index
      %parallel_loop3A_425 = tpu.vector_load %arg19[%parallel_loop3A_423, %parallel_loop3A_424] {strides = array<i32>} : memref<80x128xf32, #tpu.memory_space<vmem>>, vector<1x16xf32>,
      %parallel_loop3A_426 = vector.shape_cast %parallel_loop3A_425 : vector<1x16xf32> to vector<16xf32>
      %parallel_loop3A_427 = vector.shape_cast %parallel_loop3A_422 : vector<16xf32> to vector<1x16xf32>
      tpu.vector_store %arg19[%parallel_loop3A_423, %parallel_loop3A_424], %parallel_loop3A_427 {strides = array<i32>} : memref<80x128xf32, #tpu.memory_space<vmem>>, vector<1x16xf32>,
      %parallel_loop3A_428 = arith.index_cast %parallel_loop3A_377 : i32 to index
      %parallel_loop3A_429 = arith.constant 80 : index
      %parallel_loop3A_430 = tpu.vector_load %arg19[%parallel_loop3A_428, %parallel_loop3A_429] {strides = array<i32>} : memref<80x128xf32, #tpu.memory_space<vmem>>, vector<1x16xf32>,
      %parallel_loop3A_431 = vector.shape_cast %parallel_loop3A_430 : vector<1x16xf32> to vector<16xf32>
      %parallel_loop3A_432 = arith.mulf %parallel_loop3A_431, %add3A_3 : vector<16xf32>
      %parallel_loop3A_433 = arith.index_cast %parallel_loop3A_377 : i32 to index
      %parallel_loop3A_434 = arith.constant 80 : index
      %parallel_loop3A_435 = tpu.vector_load %arg19[%parallel_loop3A_433, %parallel_loop3A_434] {strides = array<i32>} : memref<80x128xf32, #tpu.memory_space<vmem>>, vector<1x16xf32>,
      %parallel_loop3A_436 = vector.shape_cast %parallel_loop3A_435 : vector<1x16xf32> to vector<16xf32>
      %parallel_loop3A_437 = vector.shape_cast %parallel_loop3A_432 : vector<16xf32> to vector<1x16xf32>
      tpu.vector_store %arg19[%parallel_loop3A_433, %parallel_loop3A_434], %parallel_loop3A_437 {strides = array<i32>} : memref<80x128xf32, #tpu.memory_space<vmem>>, vector<1x16xf32>,
      %parallel_loop3A_438 = arith.index_cast %parallel_loop3A_377 : i32 to index
      %parallel_loop3A_439 = arith.constant 96 : index
      %parallel_loop3A_440 = tpu.vector_load %arg19[%parallel_loop3A_438, %parallel_loop3A_439] {strides = array<i32>} : memref<80x128xf32, #tpu.memory_space<vmem>>, vector<1x16xf32>,
      %parallel_loop3A_441 = vector.shape_cast %parallel_loop3A_440 : vector<1x16xf32> to vector<16xf32>
      %parallel_loop3A_442 = arith.mulf %parallel_loop3A_441, %add3A_3 : vector<16xf32>
      %parallel_loop3A_443 = arith.index_cast %parallel_loop3A_377 : i32 to index
      %parallel_loop3A_444 = arith.constant 96 : index
      %parallel_loop3A_445 = tpu.vector_load %arg19[%parallel_loop3A_443, %parallel_loop3A_444] {strides = array<i32>} : memref<80x128xf32, #tpu.memory_space<vmem>>, vector<1x16xf32>,
      %parallel_loop3A_446 = vector.shape_cast %parallel_loop3A_445 : vector<1x16xf32> to vector<16xf32>
      %parallel_loop3A_447 = vector.shape_cast %parallel_loop3A_442 : vector<16xf32> to vector<1x16xf32>
      tpu.vector_store %arg19[%parallel_loop3A_443, %parallel_loop3A_444], %parallel_loop3A_447 {strides = array<i32>} : memref<80x128xf32, #tpu.memory_space<vmem>>, vector<1x16xf32>,
      %parallel_loop3A_448 = arith.index_cast %parallel_loop3A_377 : i32 to index
      %parallel_loop3A_449 = arith.constant 112 : index
      %parallel_loop3A_450 = tpu.vector_load %arg19[%parallel_loop3A_448, %parallel_loop3A_449] {strides = array<i32>} : memref<80x128xf32, #tpu.memory_space<vmem>>, vector<1x16xf32>,
      %parallel_loop3A_451 = vector.shape_cast %parallel_loop3A_450 : vector<1x16xf32> to vector<16xf32>
      %parallel_loop3A_452 = arith.mulf %parallel_loop3A_451, %add3A_3 : vector<16xf32>
      %parallel_loop3A_453 = arith.index_cast %parallel_loop3A_377 : i32 to index
      %parallel_loop3A_454 = arith.constant 112 : index
      %parallel_loop3A_455 = tpu.vector_load %arg19[%parallel_loop3A_453, %parallel_loop3A_454] {strides = array<i32>} : memref<80x128xf32, #tpu.memory_space<vmem>>, vector<1x16xf32>,
      %parallel_loop3A_456 = vector.shape_cast %parallel_loop3A_455 : vector<1x16xf32> to vector<16xf32>
      %parallel_loop3A_457 = vector.shape_cast %parallel_loop3A_452 : vector<16xf32> to vector<1x16xf32>
      tpu.vector_store %arg19[%parallel_loop3A_453, %parallel_loop3A_454], %parallel_loop3A_457 {strides = array<i32>} : memref<80x128xf32, #tpu.memory_space<vmem>>, vector<1x16xf32>,
    } {sc.loop_unroll_factor = 4 : i64, sc.parallel_access}
    "tpu.region"() ({
      %run_scoped3A_377 = tpu.sem_alloc : memref<!tpu.dma_semaphore, #tpu.memory_space<semaphore_mem>>
      %dma_start3A_378 = arith.constant 0 : i32
      %dma_start3A_379 = arith.constant 0 : i32
      %dma_start3A_380 = tpu.memref_slice %arg19[%dma_start3A_378, %dma_start3A_379] : memref<80x128xf32, #tpu.memory_space<vmem>> -> memref<80x128xf32, #tpu.memory_space<vmem>>
      %dma_start3A_381 = arith.constant 0 : i32
      %dma_start3A_382 = tpu.memref_slice %arg11[%add3A_18, %dma_start3A_381] : memref<10000x128xf32, #tpu.memory_space<vmem_shared>> -> memref<80x128xf32, #tpu.memory_space<vmem_shared>>
      %dma_start3A_383 = arith.constant 0 : i32
      %dma_start3A_384 = tpu.memref_slice %arg11[%add3A_18, %dma_start3A_383] : memref<10000x128xf32, #tpu.memory_space<vmem_shared>> -> memref<80x128xf32, #tpu.memory_space<vmem_shared>>
      %dma_start3A_385 = arith.constant 0 : i32
      %dma_start3A_386 = arith.constant 0 : i32
      %dma_start3A_387 = tpu.memref_slice %arg19[%dma_start3A_385, %dma_start3A_386] : memref<80x128xf32, #tpu.memory_space<vmem>> -> memref<80x128xf32, #tpu.memory_space<vmem>>
      tpu.enqueue_dma source(%dma_start3A_387 : memref<80x128xf32, #tpu.memory_space<vmem>>) target(%dma_start3A_384 : memref<80x128xf32, #tpu.memory_space<vmem_shared>>) target_semaphore(%run_scoped3A_377 : memref<!tpu.dma_semaphore, #tpu.memory_space<semaphore_mem>>)
      %dma_wait3A_388 = arith.constant 0 : i32
      %dma_wait3A_389 = arith.constant 0 : i32
      %dma_wait3A_390 = tpu.memref_slice %arg19[%dma_wait3A_388, %dma_wait3A_389] : memref<80x128xf32, #tpu.memory_space<vmem>> -> memref<80x128xf32, #tpu.memory_space<vmem>>
      %dma_wait3A_391 = arith.constant 0 : i32
      %dma_wait3A_392 = tpu.memref_slice %arg11[%add3A_18, %dma_wait3A_391] : memref<10000x128xf32, #tpu.memory_space<vmem_shared>> -> memref<80x128xf32, #tpu.memory_space<vmem_shared>>
      %dma_wait3A_393 = arith.constant 0 : i32
      %dma_wait3A_394 = tpu.memref_slice %arg11[%add3A_18, %dma_wait3A_393] : memref<10000x128xf32, #tpu.memory_space<vmem_shared>> -> memref<80x128xf32, #tpu.memory_space<vmem_shared>>
      %dma_wait3A_395 = arith.constant 0 : i32
      %dma_wait3A_396 = arith.constant 0 : i32
      %dma_wait3A_397 = tpu.memref_slice %arg19[%dma_wait3A_395, %dma_wait3A_396] : memref<80x128xf32, #tpu.memory_space<vmem>> -> memref<80x128xf32, #tpu.memory_space<vmem>>
      tpu.wait_dma2 semaphore(%run_scoped3A_377 : memref<!tpu.dma_semaphore, #tpu.memory_space<semaphore_mem>>) src(%dma_wait3A_397 : memref<80x128xf32, #tpu.memory_space<vmem>>) dst(%dma_wait3A_394 : memref<80x128xf32, #tpu.memory_space<vmem_shared>>)
      tpu.yield
    }) : () -> ()
    %add3A_22 = arith.constant 240 : i32
    %add3A_23 = arith.addi %mul3A_7, %add3A_22 : i32
    "tpu.region"() ({
      %run_scoped3A_377 = tpu.sem_alloc : memref<!tpu.dma_semaphore, #tpu.memory_space<semaphore_mem>>
      %dma_start3A_378 = arith.constant 0 : i32
      %dma_start3A_379 = arith.constant 0 : i32
      %dma_start3A_380 = tpu.memref_slice %arg19[%dma_start3A_378, %dma_start3A_379] : memref<80x128xf32, #tpu.memory_space<vmem>> -> memref<80x128xf32, #tpu.memory_space<vmem>>
      %dma_start3A_381 = arith.constant 0 : i32
      %dma_start3A_382 = tpu.memref_slice %arg2[%add3A_23, %arg0, %dma_start3A_381] : memref<10000x2x128xf32, #tpu.memory_space<hbm>> -> memref<80x1x128xf32, #tpu.memory_space<hbm>>
      %dma_start3A_383 = tpu.memref_squeeze %dma_start3A_382 : memref<80x1x128xf32, #tpu.memory_space<hbm>> -> memref<80x128xf32, #tpu.memory_space<hbm>>
      %dma_start3A_384 = arith.constant 0 : i32
      %dma_start3A_385 = arith.constant 0 : i32
      %dma_start3A_386 = tpu.memref_slice %arg19[%dma_start3A_384, %dma_start3A_385] : memref<80x128xf32, #tpu.memory_space<vmem>> -> memref<80x128xf32, #tpu.memory_space<vmem>>
      %dma_start3A_387 = arith.constant 0 : i32
      %dma_start3A_388 = tpu.memref_slice %arg2[%add3A_23, %arg0, %dma_start3A_387] : memref<10000x2x128xf32, #tpu.memory_space<hbm>> -> memref<80x1x128xf32, #tpu.memory_space<hbm>>
      %dma_start3A_389 = tpu.memref_squeeze %dma_start3A_388 : memref<80x1x128xf32, #tpu.memory_space<hbm>> -> memref<80x128xf32, #tpu.memory_space<hbm>>
      tpu.enqueue_dma source(%dma_start3A_389 : memref<80x128xf32, #tpu.memory_space<hbm>>) target(%dma_start3A_386 : memref<80x128xf32, #tpu.memory_space<vmem>>) target_semaphore(%run_scoped3A_377 : memref<!tpu.dma_semaphore, #tpu.memory_space<semaphore_mem>>)
      %dma_wait3A_390 = arith.constant 0 : i32
      %dma_wait3A_391 = arith.constant 0 : i32
      %dma_wait3A_392 = tpu.memref_slice %arg19[%dma_wait3A_390, %dma_wait3A_391] : memref<80x128xf32, #tpu.memory_space<vmem>> -> memref<80x128xf32, #tpu.memory_space<vmem>>
      %dma_wait3A_393 = arith.constant 0 : i32
      %dma_wait3A_394 = tpu.memref_slice %arg2[%add3A_23, %arg0, %dma_wait3A_393] : memref<10000x2x128xf32, #tpu.memory_space<hbm>> -> memref<80x1x128xf32, #tpu.memory_space<hbm>>
      %dma_wait3A_395 = tpu.memref_squeeze %dma_wait3A_394 : memref<80x1x128xf32, #tpu.memory_space<hbm>> -> memref<80x128xf32, #tpu.memory_space<hbm>>
      %dma_wait3A_396 = arith.constant 0 : i32
      %dma_wait3A_397 = arith.constant 0 : i32
      %dma_wait3A_398 = tpu.memref_slice %arg19[%dma_wait3A_396, %dma_wait3A_397] : memref<80x128xf32, #tpu.memory_space<vmem>> -> memref<80x128xf32, #tpu.memory_space<vmem>>
      %dma_wait3A_399 = arith.constant 0 : i32
      %dma_wait3A_400 = tpu.memref_slice %arg2[%add3A_23, %arg0, %dma_wait3A_399] : memref<10000x2x128xf32, #tpu.memory_space<hbm>> -> memref<80x1x128xf32, #tpu.memory_space<hbm>>
      %dma_wait3A_401 = tpu.memref_squeeze %dma_wait3A_400 : memref<80x1x128xf32, #tpu.memory_space<hbm>> -> memref<80x128xf32, #tpu.memory_space<hbm>>
      tpu.wait_dma2 semaphore(%run_scoped3A_377 : memref<!tpu.dma_semaphore, #tpu.memory_space<semaphore_mem>>) src(%dma_wait3A_401 : memref<80x128xf32, #tpu.memory_space<hbm>>) dst(%dma_wait3A_398 : memref<80x128xf32, #tpu.memory_space<vmem>>)
      tpu.yield
    }) : () -> ()
    %parallel_loop3A_24 = arith.constant 0 : i32
    %parallel_loop3A_25 = arith.constant 80 : i32
    %parallel_loop3A_26 = arith.constant 1 : i32
    scf.for %parallel_loop3A_377 = %parallel_loop3A_24 to %parallel_loop3A_25 step %parallel_loop3A_26  : i32 {
      %parallel_loop3A_378 = arith.index_cast %parallel_loop3A_377 : i32 to index
      %parallel_loop3A_379 = arith.constant 0 : index
      %parallel_loop3A_380 = tpu.vector_load %arg19[%parallel_loop3A_378, %parallel_loop3A_379] {strides = array<i32>} : memref<80x128xf32, #tpu.memory_space<vmem>>, vector<1x16xf32>,
      %parallel_loop3A_381 = vector.shape_cast %parallel_loop3A_380 : vector<1x16xf32> to vector<16xf32>
      %parallel_loop3A_382 = arith.mulf %parallel_loop3A_381, %add3A_3 : vector<16xf32>
      %parallel_loop3A_383 = arith.index_cast %parallel_loop3A_377 : i32 to index
      %parallel_loop3A_384 = arith.constant 0 : index
      %parallel_loop3A_385 = tpu.vector_load %arg19[%parallel_loop3A_383, %parallel_loop3A_384] {strides = array<i32>} : memref<80x128xf32, #tpu.memory_space<vmem>>, vector<1x16xf32>,
      %parallel_loop3A_386 = vector.shape_cast %parallel_loop3A_385 : vector<1x16xf32> to vector<16xf32>
      %parallel_loop3A_387 = vector.shape_cast %parallel_loop3A_382 : vector<16xf32> to vector<1x16xf32>
      tpu.vector_store %arg19[%parallel_loop3A_383, %parallel_loop3A_384], %parallel_loop3A_387 {strides = array<i32>} : memref<80x128xf32, #tpu.memory_space<vmem>>, vector<1x16xf32>,
      %parallel_loop3A_388 = arith.index_cast %parallel_loop3A_377 : i32 to index
      %parallel_loop3A_389 = arith.constant 16 : index
      %parallel_loop3A_390 = tpu.vector_load %arg19[%parallel_loop3A_388, %parallel_loop3A_389] {strides = array<i32>} : memref<80x128xf32, #tpu.memory_space<vmem>>, vector<1x16xf32>,
      %parallel_loop3A_391 = vector.shape_cast %parallel_loop3A_390 : vector<1x16xf32> to vector<16xf32>
      %parallel_loop3A_392 = arith.mulf %parallel_loop3A_391, %add3A_3 : vector<16xf32>
      %parallel_loop3A_393 = arith.index_cast %parallel_loop3A_377 : i32 to index
      %parallel_loop3A_394 = arith.constant 16 : index
      %parallel_loop3A_395 = tpu.vector_load %arg19[%parallel_loop3A_393, %parallel_loop3A_394] {strides = array<i32>} : memref<80x128xf32, #tpu.memory_space<vmem>>, vector<1x16xf32>,
      %parallel_loop3A_396 = vector.shape_cast %parallel_loop3A_395 : vector<1x16xf32> to vector<16xf32>
      %parallel_loop3A_397 = vector.shape_cast %parallel_loop3A_392 : vector<16xf32> to vector<1x16xf32>
      tpu.vector_store %arg19[%parallel_loop3A_393, %parallel_loop3A_394], %parallel_loop3A_397 {strides = array<i32>} : memref<80x128xf32, #tpu.memory_space<vmem>>, vector<1x16xf32>,
      %parallel_loop3A_398 = arith.index_cast %parallel_loop3A_377 : i32 to index
      %parallel_loop3A_399 = arith.constant 32 : index
      %parallel_loop3A_400 = tpu.vector_load %arg19[%parallel_loop3A_398, %parallel_loop3A_399] {strides = array<i32>} : memref<80x128xf32, #tpu.memory_space<vmem>>, vector<1x16xf32>,
      %parallel_loop3A_401 = vector.shape_cast %parallel_loop3A_400 : vector<1x16xf32> to vector<16xf32>
      %parallel_loop3A_402 = arith.mulf %parallel_loop3A_401, %add3A_3 : vector<16xf32>
      %parallel_loop3A_403 = arith.index_cast %parallel_loop3A_377 : i32 to index
      %parallel_loop3A_404 = arith.constant 32 : index
      %parallel_loop3A_405 = tpu.vector_load %arg19[%parallel_loop3A_403, %parallel_loop3A_404] {strides = array<i32>} : memref<80x128xf32, #tpu.memory_space<vmem>>, vector<1x16xf32>,
      %parallel_loop3A_406 = vector.shape_cast %parallel_loop3A_405 : vector<1x16xf32> to vector<16xf32>
      %parallel_loop3A_407 = vector.shape_cast %parallel_loop3A_402 : vector<16xf32> to vector<1x16xf32>
      tpu.vector_store %arg19[%parallel_loop3A_403, %parallel_loop3A_404], %parallel_loop3A_407 {strides = array<i32>} : memref<80x128xf32, #tpu.memory_space<vmem>>, vector<1x16xf32>,
      %parallel_loop3A_408 = arith.index_cast %parallel_loop3A_377 : i32 to index
      %parallel_loop3A_409 = arith.constant 48 : index
      %parallel_loop3A_410 = tpu.vector_load %arg19[%parallel_loop3A_408, %parallel_loop3A_409] {strides = array<i32>} : memref<80x128xf32, #tpu.memory_space<vmem>>, vector<1x16xf32>,
      %parallel_loop3A_411 = vector.shape_cast %parallel_loop3A_410 : vector<1x16xf32> to vector<16xf32>
      %parallel_loop3A_412 = arith.mulf %parallel_loop3A_411, %add3A_3 : vector<16xf32>
      %parallel_loop3A_413 = arith.index_cast %parallel_loop3A_377 : i32 to index
      %parallel_loop3A_414 = arith.constant 48 : index
      %parallel_loop3A_415 = tpu.vector_load %arg19[%parallel_loop3A_413, %parallel_loop3A_414] {strides = array<i32>} : memref<80x128xf32, #tpu.memory_space<vmem>>, vector<1x16xf32>,
      %parallel_loop3A_416 = vector.shape_cast %parallel_loop3A_415 : vector<1x16xf32> to vector<16xf32>
      %parallel_loop3A_417 = vector.shape_cast %parallel_loop3A_412 : vector<16xf32> to vector<1x16xf32>
      tpu.vector_store %arg19[%parallel_loop3A_413, %parallel_loop3A_414], %parallel_loop3A_417 {strides = array<i32>} : memref<80x128xf32, #tpu.memory_space<vmem>>, vector<1x16xf32>,
      %parallel_loop3A_418 = arith.index_cast %parallel_loop3A_377 : i32 to index
      %parallel_loop3A_419 = arith.constant 64 : index
      %parallel_loop3A_420 = tpu.vector_load %arg19[%parallel_loop3A_418, %parallel_loop3A_419] {strides = array<i32>} : memref<80x128xf32, #tpu.memory_space<vmem>>, vector<1x16xf32>,
      %parallel_loop3A_421 = vector.shape_cast %parallel_loop3A_420 : vector<1x16xf32> to vector<16xf32>
      %parallel_loop3A_422 = arith.mulf %parallel_loop3A_421, %add3A_3 : vector<16xf32>
      %parallel_loop3A_423 = arith.index_cast %parallel_loop3A_377 : i32 to index
      %parallel_loop3A_424 = arith.constant 64 : index
      %parallel_loop3A_425 = tpu.vector_load %arg19[%parallel_loop3A_423, %parallel_loop3A_424] {strides = array<i32>} : memref<80x128xf32, #tpu.memory_space<vmem>>, vector<1x16xf32>,
      %parallel_loop3A_426 = vector.shape_cast %parallel_loop3A_425 : vector<1x16xf32> to vector<16xf32>
      %parallel_loop3A_427 = vector.shape_cast %parallel_loop3A_422 : vector<16xf32> to vector<1x16xf32>
      tpu.vector_store %arg19[%parallel_loop3A_423, %parallel_loop3A_424], %parallel_loop3A_427 {strides = array<i32>} : memref<80x128xf32, #tpu.memory_space<vmem>>, vector<1x16xf32>,
      %parallel_loop3A_428 = arith.index_cast %parallel_loop3A_377 : i32 to index
      %parallel_loop3A_429 = arith.constant 80 : index
      %parallel_loop3A_430 = tpu.vector_load %arg19[%parallel_loop3A_428, %parallel_loop3A_429] {strides = array<i32>} : memref<80x128xf32, #tpu.memory_space<vmem>>, vector<1x16xf32>,
      %parallel_loop3A_431 = vector.shape_cast %parallel_loop3A_430 : vector<1x16xf32> to vector<16xf32>
      %parallel_loop3A_432 = arith.mulf %parallel_loop3A_431, %add3A_3 : vector<16xf32>
      %parallel_loop3A_433 = arith.index_cast %parallel_loop3A_377 : i32 to index
      %parallel_loop3A_434 = arith.constant 80 : index
      %parallel_loop3A_435 = tpu.vector_load %arg19[%parallel_loop3A_433, %parallel_loop3A_434] {strides = array<i32>} : memref<80x128xf32, #tpu.memory_space<vmem>>, vector<1x16xf32>,
      %parallel_loop3A_436 = vector.shape_cast %parallel_loop3A_435 : vector<1x16xf32> to vector<16xf32>
      %parallel_loop3A_437 = vector.shape_cast %parallel_loop3A_432 : vector<16xf32> to vector<1x16xf32>
      tpu.vector_store %arg19[%parallel_loop3A_433, %parallel_loop3A_434], %parallel_loop3A_437 {strides = array<i32>} : memref<80x128xf32, #tpu.memory_space<vmem>>, vector<1x16xf32>,
      %parallel_loop3A_438 = arith.index_cast %parallel_loop3A_377 : i32 to index
      %parallel_loop3A_439 = arith.constant 96 : index
      %parallel_loop3A_440 = tpu.vector_load %arg19[%parallel_loop3A_438, %parallel_loop3A_439] {strides = array<i32>} : memref<80x128xf32, #tpu.memory_space<vmem>>, vector<1x16xf32>,
      %parallel_loop3A_441 = vector.shape_cast %parallel_loop3A_440 : vector<1x16xf32> to vector<16xf32>
      %parallel_loop3A_442 = arith.mulf %parallel_loop3A_441, %add3A_3 : vector<16xf32>
      %parallel_loop3A_443 = arith.index_cast %parallel_loop3A_377 : i32 to index
      %parallel_loop3A_444 = arith.constant 96 : index
      %parallel_loop3A_445 = tpu.vector_load %arg19[%parallel_loop3A_443, %parallel_loop3A_444] {strides = array<i32>} : memref<80x128xf32, #tpu.memory_space<vmem>>, vector<1x16xf32>,
      %parallel_loop3A_446 = vector.shape_cast %parallel_loop3A_445 : vector<1x16xf32> to vector<16xf32>
      %parallel_loop3A_447 = vector.shape_cast %parallel_loop3A_442 : vector<16xf32> to vector<1x16xf32>
      tpu.vector_store %arg19[%parallel_loop3A_443, %parallel_loop3A_444], %parallel_loop3A_447 {strides = array<i32>} : memref<80x128xf32, #tpu.memory_space<vmem>>, vector<1x16xf32>,
      %parallel_loop3A_448 = arith.index_cast %parallel_loop3A_377 : i32 to index
      %parallel_loop3A_449 = arith.constant 112 : index
      %parallel_loop3A_450 = tpu.vector_load %arg19[%parallel_loop3A_448, %parallel_loop3A_449] {strides = array<i32>} : memref<80x128xf32, #tpu.memory_space<vmem>>, vector<1x16xf32>,
      %parallel_loop3A_451 = vector.shape_cast %parallel_loop3A_450 : vector<1x16xf32> to vector<16xf32>
      %parallel_loop3A_452 = arith.mulf %parallel_loop3A_451, %add3A_3 : vector<16xf32>
      %parallel_loop3A_453 = arith.index_cast %parallel_loop3A_377 : i32 to index
      %parallel_loop3A_454 = arith.constant 112 : index
      %parallel_loop3A_455 = tpu.vector_load %arg19[%parallel_loop3A_453, %parallel_loop3A_454] {strides = array<i32>} : memref<80x128xf32, #tpu.memory_space<vmem>>, vector<1x16xf32>,
      %parallel_loop3A_456 = vector.shape_cast %parallel_loop3A_455 : vector<1x16xf32> to vector<16xf32>
      %parallel_loop3A_457 = vector.shape_cast %parallel_loop3A_452 : vector<16xf32> to vector<1x16xf32>
      tpu.vector_store %arg19[%parallel_loop3A_453, %parallel_loop3A_454], %parallel_loop3A_457 {strides = array<i32>} : memref<80x128xf32, #tpu.memory_space<vmem>>, vector<1x16xf32>,
    } {sc.loop_unroll_factor = 4 : i64, sc.parallel_access}
    "tpu.region"() ({
      %run_scoped3A_377 = tpu.sem_alloc : memref<!tpu.dma_semaphore, #tpu.memory_space<semaphore_mem>>
      %dma_start3A_378 = arith.constant 0 : i32
      %dma_start3A_379 = arith.constant 0 : i32
      %dma_start3A_380 = tpu.memref_slice %arg19[%dma_start3A_378, %dma_start3A_379] : memref<80x128xf32, #tpu.memory_space<vmem>> -> memref<80x128xf32, #tpu.memory_space<vmem>>
      %dma_start3A_381 = arith.constant 0 : i32
      %dma_start3A_382 = tpu.memref_slice %arg11[%add3A_23, %dma_start3A_381] : memref<10000x128xf32, #tpu.memory_space<vmem_shared>> -> memref<80x128xf32, #tpu.memory_space<vmem_shared>>
      %dma_start3A_383 = arith.constant 0 : i32
      %dma_start3A_384 = tpu.memref_slice %arg11[%add3A_23, %dma_start3A_383] : memref<10000x128xf32, #tpu.memory_space<vmem_shared>> -> memref<80x128xf32, #tpu.memory_space<vmem_shared>>
      %dma_start3A_385 = arith.constant 0 : i32
      %dma_start3A_386 = arith.constant 0 : i32
      %dma_start3A_387 = tpu.memref_slice %arg19[%dma_start3A_385, %dma_start3A_386] : memref<80x128xf32, #tpu.memory_space<vmem>> -> memref<80x128xf32, #tpu.memory_space<vmem>>
      tpu.enqueue_dma source(%dma_start3A_387 : memref<80x128xf32, #tpu.memory_space<vmem>>) target(%dma_start3A_384 : memref<80x128xf32, #tpu.memory_space<vmem_shared>>) target_semaphore(%run_scoped3A_377 : memref<!tpu.dma_semaphore, #tpu.memory_space<semaphore_mem>>)
      %dma_wait3A_388 = arith.constant 0 : i32
      %dma_wait3A_389 = arith.constant 0 : i32
      %dma_wait3A_390 = tpu.memref_slice %arg19[%dma_wait3A_388, %dma_wait3A_389] : memref<80x128xf32, #tpu.memory_space<vmem>> -> memref<80x128xf32, #tpu.memory_space<vmem>>
      %dma_wait3A_391 = arith.constant 0 : i32
      %dma_wait3A_392 = tpu.memref_slice %arg11[%add3A_23, %dma_wait3A_391] : memref<10000x128xf32, #tpu.memory_space<vmem_shared>> -> memref<80x128xf32, #tpu.memory_space<vmem_shared>>
      %dma_wait3A_393 = arith.constant 0 : i32
      %dma_wait3A_394 = tpu.memref_slice %arg11[%add3A_23, %dma_wait3A_393] : memref<10000x128xf32, #tpu.memory_space<vmem_shared>> -> memref<80x128xf32, #tpu.memory_space<vmem_shared>>
      %dma_wait3A_395 = arith.constant 0 : i32
      %dma_wait3A_396 = arith.constant 0 : i32
      %dma_wait3A_397 = tpu.memref_slice %arg19[%dma_wait3A_395, %dma_wait3A_396] : memref<80x128xf32, #tpu.memory_space<vmem>> -> memref<80x128xf32, #tpu.memory_space<vmem>>
      tpu.wait_dma2 semaphore(%run_scoped3A_377 : memref<!tpu.dma_semaphore, #tpu.memory_space<semaphore_mem>>) src(%dma_wait3A_397 : memref<80x128xf32, #tpu.memory_space<vmem>>) dst(%dma_wait3A_394 : memref<80x128xf32, #tpu.memory_space<vmem_shared>>)
      tpu.yield
    }) : () -> ()
    %add3A_27 = arith.constant 320 : i32
    %add3A_28 = arith.addi %mul3A_7, %add3A_27 : i32
    "tpu.region"() ({
      %run_scoped3A_377 = tpu.sem_alloc : memref<!tpu.dma_semaphore, #tpu.memory_space<semaphore_mem>>
      %dma_start3A_378 = arith.constant 0 : i32
      %dma_start3A_379 = arith.constant 0 : i32
      %dma_start3A_380 = tpu.memref_slice %arg19[%dma_start3A_378, %dma_start3A_379] : memref<80x128xf32, #tpu.memory_space<vmem>> -> memref<80x128xf32, #tpu.memory_space<vmem>>
      %dma_start3A_381 = arith.constant 0 : i32
      %dma_start3A_382 = tpu.memref_slice %arg2[%add3A_28, %arg0, %dma_start3A_381] : memref<10000x2x128xf32, #tpu.memory_space<hbm>> -> memref<80x1x128xf32, #tpu.memory_space<hbm>>
      %dma_start3A_383 = tpu.memref_squeeze %dma_start3A_382 : memref<80x1x128xf32, #tpu.memory_space<hbm>> -> memref<80x128xf32, #tpu.memory_space<hbm>>
      %dma_start3A_384 = arith.constant 0 : i32
      %dma_start3A_385 = arith.constant 0 : i32
      %dma_start3A_386 = tpu.memref_slice %arg19[%dma_start3A_384, %dma_start3A_385] : memref<80x128xf32, #tpu.memory_space<vmem>> -> memref<80x128xf32, #tpu.memory_space<vmem>>
      %dma_start3A_387 = arith.constant 0 : i32
      %dma_start3A_388 = tpu.memref_slice %arg2[%add3A_28, %arg0, %dma_start3A_387] : memref<10000x2x128xf32, #tpu.memory_space<hbm>> -> memref<80x1x128xf32, #tpu.memory_space<hbm>>
      %dma_start3A_389 = tpu.memref_squeeze %dma_start3A_388 : memref<80x1x128xf32, #tpu.memory_space<hbm>> -> memref<80x128xf32, #tpu.memory_space<hbm>>
      tpu.enqueue_dma source(%dma_start3A_389 : memref<80x128xf32, #tpu.memory_space<hbm>>) target(%dma_start3A_386 : memref<80x128xf32, #tpu.memory_space<vmem>>) target_semaphore(%run_scoped3A_377 : memref<!tpu.dma_semaphore, #tpu.memory_space<semaphore_mem>>)
      %dma_wait3A_390 = arith.constant 0 : i32
      %dma_wait3A_391 = arith.constant 0 : i32
      %dma_wait3A_392 = tpu.memref_slice %arg19[%dma_wait3A_390, %dma_wait3A_391] : memref<80x128xf32, #tpu.memory_space<vmem>> -> memref<80x128xf32, #tpu.memory_space<vmem>>
      %dma_wait3A_393 = arith.constant 0 : i32
      %dma_wait3A_394 = tpu.memref_slice %arg2[%add3A_28, %arg0, %dma_wait3A_393] : memref<10000x2x128xf32, #tpu.memory_space<hbm>> -> memref<80x1x128xf32, #tpu.memory_space<hbm>>
      %dma_wait3A_395 = tpu.memref_squeeze %dma_wait3A_394 : memref<80x1x128xf32, #tpu.memory_space<hbm>> -> memref<80x128xf32, #tpu.memory_space<hbm>>
      %dma_wait3A_396 = arith.constant 0 : i32
      %dma_wait3A_397 = arith.constant 0 : i32
      %dma_wait3A_398 = tpu.memref_slice %arg19[%dma_wait3A_396, %dma_wait3A_397] : memref<80x128xf32, #tpu.memory_space<vmem>> -> memref<80x128xf32, #tpu.memory_space<vmem>>
      %dma_wait3A_399 = arith.constant 0 : i32
      %dma_wait3A_400 = tpu.memref_slice %arg2[%add3A_28, %arg0, %dma_wait3A_399] : memref<10000x2x128xf32, #tpu.memory_space<hbm>> -> memref<80x1x128xf32, #tpu.memory_space<hbm>>
      %dma_wait3A_401 = tpu.memref_squeeze %dma_wait3A_400 : memref<80x1x128xf32, #tpu.memory_space<hbm>> -> memref<80x128xf32, #tpu.memory_space<hbm>>
      tpu.wait_dma2 semaphore(%run_scoped3A_377 : memref<!tpu.dma_semaphore, #tpu.memory_space<semaphore_mem>>) src(%dma_wait3A_401 : memref<80x128xf32, #tpu.memory_space<hbm>>) dst(%dma_wait3A_398 : memref<80x128xf32, #tpu.memory_space<vmem>>)
      tpu.yield
    }) : () -> ()
    %parallel_loop3A_29 = arith.constant 0 : i32
    %parallel_loop3A_30 = arith.constant 80 : i32
    %parallel_loop3A_31 = arith.constant 1 : i32
    scf.for %parallel_loop3A_377 = %parallel_loop3A_29 to %parallel_loop3A_30 step %parallel_loop3A_31  : i32 {
      %parallel_loop3A_378 = arith.index_cast %parallel_loop3A_377 : i32 to index
      %parallel_loop3A_379 = arith.constant 0 : index
      %parallel_loop3A_380 = tpu.vector_load %arg19[%parallel_loop3A_378, %parallel_loop3A_379] {strides = array<i32>} : memref<80x128xf32, #tpu.memory_space<vmem>>, vector<1x16xf32>,
      %parallel_loop3A_381 = vector.shape_cast %parallel_loop3A_380 : vector<1x16xf32> to vector<16xf32>
      %parallel_loop3A_382 = arith.mulf %parallel_loop3A_381, %add3A_3 : vector<16xf32>
      %parallel_loop3A_383 = arith.index_cast %parallel_loop3A_377 : i32 to index
      %parallel_loop3A_384 = arith.constant 0 : index
      %parallel_loop3A_385 = tpu.vector_load %arg19[%parallel_loop3A_383, %parallel_loop3A_384] {strides = array<i32>} : memref<80x128xf32, #tpu.memory_space<vmem>>, vector<1x16xf32>,
      %parallel_loop3A_386 = vector.shape_cast %parallel_loop3A_385 : vector<1x16xf32> to vector<16xf32>
      %parallel_loop3A_387 = vector.shape_cast %parallel_loop3A_382 : vector<16xf32> to vector<1x16xf32>
      tpu.vector_store %arg19[%parallel_loop3A_383, %parallel_loop3A_384], %parallel_loop3A_387 {strides = array<i32>} : memref<80x128xf32, #tpu.memory_space<vmem>>, vector<1x16xf32>,
      %parallel_loop3A_388 = arith.index_cast %parallel_loop3A_377 : i32 to index
      %parallel_loop3A_389 = arith.constant 16 : index
      %parallel_loop3A_390 = tpu.vector_load %arg19[%parallel_loop3A_388, %parallel_loop3A_389] {strides = array<i32>} : memref<80x128xf32, #tpu.memory_space<vmem>>, vector<1x16xf32>,
      %parallel_loop3A_391 = vector.shape_cast %parallel_loop3A_390 : vector<1x16xf32> to vector<16xf32>
      %parallel_loop3A_392 = arith.mulf %parallel_loop3A_391, %add3A_3 : vector<16xf32>
      %parallel_loop3A_393 = arith.index_cast %parallel_loop3A_377 : i32 to index
      %parallel_loop3A_394 = arith.constant 16 : index
      %parallel_loop3A_395 = tpu.vector_load %arg19[%parallel_loop3A_393, %parallel_loop3A_394] {strides = array<i32>} : memref<80x128xf32, #tpu.memory_space<vmem>>, vector<1x16xf32>,
      %parallel_loop3A_396 = vector.shape_cast %parallel_loop3A_395 : vector<1x16xf32> to vector<16xf32>
      %parallel_loop3A_397 = vector.shape_cast %parallel_loop3A_392 : vector<16xf32> to vector<1x16xf32>
      tpu.vector_store %arg19[%parallel_loop3A_393, %parallel_loop3A_394], %parallel_loop3A_397 {strides = array<i32>} : memref<80x128xf32, #tpu.memory_space<vmem>>, vector<1x16xf32>,
      %parallel_loop3A_398 = arith.index_cast %parallel_loop3A_377 : i32 to index
      %parallel_loop3A_399 = arith.constant 32 : index
      %parallel_loop3A_400 = tpu.vector_load %arg19[%parallel_loop3A_398, %parallel_loop3A_399] {strides = array<i32>} : memref<80x128xf32, #tpu.memory_space<vmem>>, vector<1x16xf32>,
      %parallel_loop3A_401 = vector.shape_cast %parallel_loop3A_400 : vector<1x16xf32> to vector<16xf32>
      %parallel_loop3A_402 = arith.mulf %parallel_loop3A_401, %add3A_3 : vector<16xf32>
      %parallel_loop3A_403 = arith.index_cast %parallel_loop3A_377 : i32 to index
      %parallel_loop3A_404 = arith.constant 32 : index
      %parallel_loop3A_405 = tpu.vector_load %arg19[%parallel_loop3A_403, %parallel_loop3A_404] {strides = array<i32>} : memref<80x128xf32, #tpu.memory_space<vmem>>, vector<1x16xf32>,
      %parallel_loop3A_406 = vector.shape_cast %parallel_loop3A_405 : vector<1x16xf32> to vector<16xf32>
      %parallel_loop3A_407 = vector.shape_cast %parallel_loop3A_402 : vector<16xf32> to vector<1x16xf32>
      tpu.vector_store %arg19[%parallel_loop3A_403, %parallel_loop3A_404], %parallel_loop3A_407 {strides = array<i32>} : memref<80x128xf32, #tpu.memory_space<vmem>>, vector<1x16xf32>,
      %parallel_loop3A_408 = arith.index_cast %parallel_loop3A_377 : i32 to index
      %parallel_loop3A_409 = arith.constant 48 : index
      %parallel_loop3A_410 = tpu.vector_load %arg19[%parallel_loop3A_408, %parallel_loop3A_409] {strides = array<i32>} : memref<80x128xf32, #tpu.memory_space<vmem>>, vector<1x16xf32>,
      %parallel_loop3A_411 = vector.shape_cast %parallel_loop3A_410 : vector<1x16xf32> to vector<16xf32>
      %parallel_loop3A_412 = arith.mulf %parallel_loop3A_411, %add3A_3 : vector<16xf32>
      %parallel_loop3A_413 = arith.index_cast %parallel_loop3A_377 : i32 to index
      %parallel_loop3A_414 = arith.constant 48 : index
      %parallel_loop3A_415 = tpu.vector_load %arg19[%parallel_loop3A_413, %parallel_loop3A_414] {strides = array<i32>} : memref<80x128xf32, #tpu.memory_space<vmem>>, vector<1x16xf32>,
      %parallel_loop3A_416 = vector.shape_cast %parallel_loop3A_415 : vector<1x16xf32> to vector<16xf32>
      %parallel_loop3A_417 = vector.shape_cast %parallel_loop3A_412 : vector<16xf32> to vector<1x16xf32>
      tpu.vector_store %arg19[%parallel_loop3A_413, %parallel_loop3A_414], %parallel_loop3A_417 {strides = array<i32>} : memref<80x128xf32, #tpu.memory_space<vmem>>, vector<1x16xf32>,
      %parallel_loop3A_418 = arith.index_cast %parallel_loop3A_377 : i32 to index
      %parallel_loop3A_419 = arith.constant 64 : index
      %parallel_loop3A_420 = tpu.vector_load %arg19[%parallel_loop3A_418, %parallel_loop3A_419] {strides = array<i32>} : memref<80x128xf32, #tpu.memory_space<vmem>>, vector<1x16xf32>,
      %parallel_loop3A_421 = vector.shape_cast %parallel_loop3A_420 : vector<1x16xf32> to vector<16xf32>
      %parallel_loop3A_422 = arith.mulf %parallel_loop3A_421, %add3A_3 : vector<16xf32>
      %parallel_loop3A_423 = arith.index_cast %parallel_loop3A_377 : i32 to index
      %parallel_loop3A_424 = arith.constant 64 : index
      %parallel_loop3A_425 = tpu.vector_load %arg19[%parallel_loop3A_423, %parallel_loop3A_424] {strides = array<i32>} : memref<80x128xf32, #tpu.memory_space<vmem>>, vector<1x16xf32>,
      %parallel_loop3A_426 = vector.shape_cast %parallel_loop3A_425 : vector<1x16xf32> to vector<16xf32>
      %parallel_loop3A_427 = vector.shape_cast %parallel_loop3A_422 : vector<16xf32> to vector<1x16xf32>
      tpu.vector_store %arg19[%parallel_loop3A_423, %parallel_loop3A_424], %parallel_loop3A_427 {strides = array<i32>} : memref<80x128xf32, #tpu.memory_space<vmem>>, vector<1x16xf32>,
      %parallel_loop3A_428 = arith.index_cast %parallel_loop3A_377 : i32 to index
      %parallel_loop3A_429 = arith.constant 80 : index
      %parallel_loop3A_430 = tpu.vector_load %arg19[%parallel_loop3A_428, %parallel_loop3A_429] {strides = array<i32>} : memref<80x128xf32, #tpu.memory_space<vmem>>, vector<1x16xf32>,
      %parallel_loop3A_431 = vector.shape_cast %parallel_loop3A_430 : vector<1x16xf32> to vector<16xf32>
      %parallel_loop3A_432 = arith.mulf %parallel_loop3A_431, %add3A_3 : vector<16xf32>
      %parallel_loop3A_433 = arith.index_cast %parallel_loop3A_377 : i32 to index
      %parallel_loop3A_434 = arith.constant 80 : index
      %parallel_loop3A_435 = tpu.vector_load %arg19[%parallel_loop3A_433, %parallel_loop3A_434] {strides = array<i32>} : memref<80x128xf32, #tpu.memory_space<vmem>>, vector<1x16xf32>,
      %parallel_loop3A_436 = vector.shape_cast %parallel_loop3A_435 : vector<1x16xf32> to vector<16xf32>
      %parallel_loop3A_437 = vector.shape_cast %parallel_loop3A_432 : vector<16xf32> to vector<1x16xf32>
      tpu.vector_store %arg19[%parallel_loop3A_433, %parallel_loop3A_434], %parallel_loop3A_437 {strides = array<i32>} : memref<80x128xf32, #tpu.memory_space<vmem>>, vector<1x16xf32>,
      %parallel_loop3A_438 = arith.index_cast %parallel_loop3A_377 : i32 to index
      %parallel_loop3A_439 = arith.constant 96 : index
      %parallel_loop3A_440 = tpu.vector_load %arg19[%parallel_loop3A_438, %parallel_loop3A_439] {strides = array<i32>} : memref<80x128xf32, #tpu.memory_space<vmem>>, vector<1x16xf32>,
      %parallel_loop3A_441 = vector.shape_cast %parallel_loop3A_440 : vector<1x16xf32> to vector<16xf32>
      %parallel_loop3A_442 = arith.mulf %parallel_loop3A_441, %add3A_3 : vector<16xf32>
      %parallel_loop3A_443 = arith.index_cast %parallel_loop3A_377 : i32 to index
      %parallel_loop3A_444 = arith.constant 96 : index
      %parallel_loop3A_445 = tpu.vector_load %arg19[%parallel_loop3A_443, %parallel_loop3A_444] {strides = array<i32>} : memref<80x128xf32, #tpu.memory_space<vmem>>, vector<1x16xf32>,
      %parallel_loop3A_446 = vector.shape_cast %parallel_loop3A_445 : vector<1x16xf32> to vector<16xf32>
      %parallel_loop3A_447 = vector.shape_cast %parallel_loop3A_442 : vector<16xf32> to vector<1x16xf32>
      tpu.vector_store %arg19[%parallel_loop3A_443, %parallel_loop3A_444], %parallel_loop3A_447 {strides = array<i32>} : memref<80x128xf32, #tpu.memory_space<vmem>>, vector<1x16xf32>,
      %parallel_loop3A_448 = arith.index_cast %parallel_loop3A_377 : i32 to index
      %parallel_loop3A_449 = arith.constant 112 : index
      %parallel_loop3A_450 = tpu.vector_load %arg19[%parallel_loop3A_448, %parallel_loop3A_449] {strides = array<i32>} : memref<80x128xf32, #tpu.memory_space<vmem>>, vector<1x16xf32>,
      %parallel_loop3A_451 = vector.shape_cast %parallel_loop3A_450 : vector<1x16xf32> to vector<16xf32>
      %parallel_loop3A_452 = arith.mulf %parallel_loop3A_451, %add3A_3 : vector<16xf32>
      %parallel_loop3A_453 = arith.index_cast %parallel_loop3A_377 : i32 to index
      %parallel_loop3A_454 = arith.constant 112 : index
      %parallel_loop3A_455 = tpu.vector_load %arg19[%parallel_loop3A_453, %parallel_loop3A_454] {strides = array<i32>} : memref<80x128xf32, #tpu.memory_space<vmem>>, vector<1x16xf32>,
      %parallel_loop3A_456 = vector.shape_cast %parallel_loop3A_455 : vector<1x16xf32> to vector<16xf32>
      %parallel_loop3A_457 = vector.shape_cast %parallel_loop3A_452 : vector<16xf32> to vector<1x16xf32>
      tpu.vector_store %arg19[%parallel_loop3A_453, %parallel_loop3A_454], %parallel_loop3A_457 {strides = array<i32>} : memref<80x128xf32, #tpu.memory_space<vmem>>, vector<1x16xf32>,
    } {sc.loop_unroll_factor = 4 : i64, sc.parallel_access}
    "tpu.region"() ({
      %run_scoped3A_377 = tpu.sem_alloc : memref<!tpu.dma_semaphore, #tpu.memory_space<semaphore_mem>>
      %dma_start3A_378 = arith.constant 0 : i32
      %dma_start3A_379 = arith.constant 0 : i32
      %dma_start3A_380 = tpu.memref_slice %arg19[%dma_start3A_378, %dma_start3A_379] : memref<80x128xf32, #tpu.memory_space<vmem>> -> memref<80x128xf32, #tpu.memory_space<vmem>>
      %dma_start3A_381 = arith.constant 0 : i32
      %dma_start3A_382 = tpu.memref_slice %arg11[%add3A_28, %dma_start3A_381] : memref<10000x128xf32, #tpu.memory_space<vmem_shared>> -> memref<80x128xf32, #tpu.memory_space<vmem_shared>>
      %dma_start3A_383 = arith.constant 0 : i32
      %dma_start3A_384 = tpu.memref_slice %arg11[%add3A_28, %dma_start3A_383] : memref<10000x128xf32, #tpu.memory_space<vmem_shared>> -> memref<80x128xf32, #tpu.memory_space<vmem_shared>>
      %dma_start3A_385 = arith.constant 0 : i32
      %dma_start3A_386 = arith.constant 0 : i32
      %dma_start3A_387 = tpu.memref_slice %arg19[%dma_start3A_385, %dma_start3A_386] : memref<80x128xf32, #tpu.memory_space<vmem>> -> memref<80x128xf32, #tpu.memory_space<vmem>>
      tpu.enqueue_dma source(%dma_start3A_387 : memref<80x128xf32, #tpu.memory_space<vmem>>) target(%dma_start3A_384 : memref<80x128xf32, #tpu.memory_space<vmem_shared>>) target_semaphore(%run_scoped3A_377 : memref<!tpu.dma_semaphore, #tpu.memory_space<semaphore_mem>>)
      %dma_wait3A_388 = arith.constant 0 : i32
      %dma_wait3A_389 = arith.constant 0 : i32
      %dma_wait3A_390 = tpu.memref_slice %arg19[%dma_wait3A_388, %dma_wait3A_389] : memref<80x128xf32, #tpu.memory_space<vmem>> -> memref<80x128xf32, #tpu.memory_space<vmem>>
      %dma_wait3A_391 = arith.constant 0 : i32
      %dma_wait3A_392 = tpu.memref_slice %arg11[%add3A_28, %dma_wait3A_391] : memref<10000x128xf32, #tpu.memory_space<vmem_shared>> -> memref<80x128xf32, #tpu.memory_space<vmem_shared>>
      %dma_wait3A_393 = arith.constant 0 : i32
      %dma_wait3A_394 = tpu.memref_slice %arg11[%add3A_28, %dma_wait3A_393] : memref<10000x128xf32, #tpu.memory_space<vmem_shared>> -> memref<80x128xf32, #tpu.memory_space<vmem_shared>>
      %dma_wait3A_395 = arith.constant 0 : i32
      %dma_wait3A_396 = arith.constant 0 : i32
      %dma_wait3A_397 = tpu.memref_slice %arg19[%dma_wait3A_395, %dma_wait3A_396] : memref<80x128xf32, #tpu.memory_space<vmem>> -> memref<80x128xf32, #tpu.memory_space<vmem>>
      tpu.wait_dma2 semaphore(%run_scoped3A_377 : memref<!tpu.dma_semaphore, #tpu.memory_space<semaphore_mem>>) src(%dma_wait3A_397 : memref<80x128xf32, #tpu.memory_space<vmem>>) dst(%dma_wait3A_394 : memref<80x128xf32, #tpu.memory_space<vmem_shared>>)
      tpu.yield
    }) : () -> ()
    %add3A_32 = arith.constant 400 : i32
    %add3A_33 = arith.addi %mul3A_7, %add3A_32 : i32
    "tpu.region"() ({
      %run_scoped3A_377 = tpu.sem_alloc : memref<!tpu.dma_semaphore, #tpu.memory_space<semaphore_mem>>
      %dma_start3A_378 = arith.constant 0 : i32
      %dma_start3A_379 = arith.constant 0 : i32
      %dma_start3A_380 = tpu.memref_slice %arg19[%dma_start3A_378, %dma_start3A_379] : memref<80x128xf32, #tpu.memory_space<vmem>> -> memref<80x128xf32, #tpu.memory_space<vmem>>
      %dma_start3A_381 = arith.constant 0 : i32
      %dma_start3A_382 = tpu.memref_slice %arg2[%add3A_33, %arg0, %dma_start3A_381] : memref<10000x2x128xf32, #tpu.memory_space<hbm>> -> memref<80x1x128xf32, #tpu.memory_space<hbm>>
      %dma_start3A_383 = tpu.memref_squeeze %dma_start3A_382 : memref<80x1x128xf32, #tpu.memory_space<hbm>> -> memref<80x128xf32, #tpu.memory_space<hbm>>
      %dma_start3A_384 = arith.constant 0 : i32
      %dma_start3A_385 = arith.constant 0 : i32
      %dma_start3A_386 = tpu.memref_slice %arg19[%dma_start3A_384, %dma_start3A_385] : memref<80x128xf32, #tpu.memory_space<vmem>> -> memref<80x128xf32, #tpu.memory_space<vmem>>
      %dma_start3A_387 = arith.constant 0 : i32
      %dma_start3A_388 = tpu.memref_slice %arg2[%add3A_33, %arg0, %dma_start3A_387] : memref<10000x2x128xf32, #tpu.memory_space<hbm>> -> memref<80x1x128xf32, #tpu.memory_space<hbm>>
      %dma_start3A_389 = tpu.memref_squeeze %dma_start3A_388 : memref<80x1x128xf32, #tpu.memory_space<hbm>> -> memref<80x128xf32, #tpu.memory_space<hbm>>
      tpu.enqueue_dma source(%dma_start3A_389 : memref<80x128xf32, #tpu.memory_space<hbm>>) target(%dma_start3A_386 : memref<80x128xf32, #tpu.memory_space<vmem>>) target_semaphore(%run_scoped3A_377 : memref<!tpu.dma_semaphore, #tpu.memory_space<semaphore_mem>>)
      %dma_wait3A_390 = arith.constant 0 : i32
      %dma_wait3A_391 = arith.constant 0 : i32
      %dma_wait3A_392 = tpu.memref_slice %arg19[%dma_wait3A_390, %dma_wait3A_391] : memref<80x128xf32, #tpu.memory_space<vmem>> -> memref<80x128xf32, #tpu.memory_space<vmem>>
      %dma_wait3A_393 = arith.constant 0 : i32
      %dma_wait3A_394 = tpu.memref_slice %arg2[%add3A_33, %arg0, %dma_wait3A_393] : memref<10000x2x128xf32, #tpu.memory_space<hbm>> -> memref<80x1x128xf32, #tpu.memory_space<hbm>>
      %dma_wait3A_395 = tpu.memref_squeeze %dma_wait3A_394 : memref<80x1x128xf32, #tpu.memory_space<hbm>> -> memref<80x128xf32, #tpu.memory_space<hbm>>
      %dma_wait3A_396 = arith.constant 0 : i32
      %dma_wait3A_397 = arith.constant 0 : i32
      %dma_wait3A_398 = tpu.memref_slice %arg19[%dma_wait3A_396, %dma_wait3A_397] : memref<80x128xf32, #tpu.memory_space<vmem>> -> memref<80x128xf32, #tpu.memory_space<vmem>>
      %dma_wait3A_399 = arith.constant 0 : i32
      %dma_wait3A_400 = tpu.memref_slice %arg2[%add3A_33, %arg0, %dma_wait3A_399] : memref<10000x2x128xf32, #tpu.memory_space<hbm>> -> memref<80x1x128xf32, #tpu.memory_space<hbm>>
      %dma_wait3A_401 = tpu.memref_squeeze %dma_wait3A_400 : memref<80x1x128xf32, #tpu.memory_space<hbm>> -> memref<80x128xf32, #tpu.memory_space<hbm>>
      tpu.wait_dma2 semaphore(%run_scoped3A_377 : memref<!tpu.dma_semaphore, #tpu.memory_space<semaphore_mem>>) src(%dma_wait3A_401 : memref<80x128xf32, #tpu.memory_space<hbm>>) dst(%dma_wait3A_398 : memref<80x128xf32, #tpu.memory_space<vmem>>)
      tpu.yield
    }) : () -> ()
    %parallel_loop3A_34 = arith.constant 0 : i32
    %parallel_loop3A_35 = arith.constant 80 : i32
    %parallel_loop3A_36 = arith.constant 1 : i32
    scf.for %parallel_loop3A_377 = %parallel_loop3A_34 to %parallel_loop3A_35 step %parallel_loop3A_36  : i32 {
      %parallel_loop3A_378 = arith.index_cast %parallel_loop3A_377 : i32 to index
      %parallel_loop3A_379 = arith.constant 0 : index
      %parallel_loop3A_380 = tpu.vector_load %arg19[%parallel_loop3A_378, %parallel_loop3A_379] {strides = array<i32>} : memref<80x128xf32, #tpu.memory_space<vmem>>, vector<1x16xf32>,
      %parallel_loop3A_381 = vector.shape_cast %parallel_loop3A_380 : vector<1x16xf32> to vector<16xf32>
      %parallel_loop3A_382 = arith.mulf %parallel_loop3A_381, %add3A_3 : vector<16xf32>
      %parallel_loop3A_383 = arith.index_cast %parallel_loop3A_377 : i32 to index
      %parallel_loop3A_384 = arith.constant 0 : index
      %parallel_loop3A_385 = tpu.vector_load %arg19[%parallel_loop3A_383, %parallel_loop3A_384] {strides = array<i32>} : memref<80x128xf32, #tpu.memory_space<vmem>>, vector<1x16xf32>,
      %parallel_loop3A_386 = vector.shape_cast %parallel_loop3A_385 : vector<1x16xf32> to vector<16xf32>
      %parallel_loop3A_387 = vector.shape_cast %parallel_loop3A_382 : vector<16xf32> to vector<1x16xf32>
      tpu.vector_store %arg19[%parallel_loop3A_383, %parallel_loop3A_384], %parallel_loop3A_387 {strides = array<i32>} : memref<80x128xf32, #tpu.memory_space<vmem>>, vector<1x16xf32>,
      %parallel_loop3A_388 = arith.index_cast %parallel_loop3A_377 : i32 to index
      %parallel_loop3A_389 = arith.constant 16 : index
      %parallel_loop3A_390 = tpu.vector_load %arg19[%parallel_loop3A_388, %parallel_loop3A_389] {strides = array<i32>} : memref<80x128xf32, #tpu.memory_space<vmem>>, vector<1x16xf32>,
      %parallel_loop3A_391 = vector.shape_cast %parallel_loop3A_390 : vector<1x16xf32> to vector<16xf32>
      %parallel_loop3A_392 = arith.mulf %parallel_loop3A_391, %add3A_3 : vector<16xf32>
      %parallel_loop3A_393 = arith.index_cast %parallel_loop3A_377 : i32 to index
      %parallel_loop3A_394 = arith.constant 16 : index
      %parallel_loop3A_395 = tpu.vector_load %arg19[%parallel_loop3A_393, %parallel_loop3A_394] {strides = array<i32>} : memref<80x128xf32, #tpu.memory_space<vmem>>, vector<1x16xf32>,
      %parallel_loop3A_396 = vector.shape_cast %parallel_loop3A_395 : vector<1x16xf32> to vector<16xf32>
      %parallel_loop3A_397 = vector.shape_cast %parallel_loop3A_392 : vector<16xf32> to vector<1x16xf32>
      tpu.vector_store %arg19[%parallel_loop3A_393, %parallel_loop3A_394], %parallel_loop3A_397 {strides = array<i32>} : memref<80x128xf32, #tpu.memory_space<vmem>>, vector<1x16xf32>,
      %parallel_loop3A_398 = arith.index_cast %parallel_loop3A_377 : i32 to index
      %parallel_loop3A_399 = arith.constant 32 : index
      %parallel_loop3A_400 = tpu.vector_load %arg19[%parallel_loop3A_398, %parallel_loop3A_399] {strides = array<i32>} : memref<80x128xf32, #tpu.memory_space<vmem>>, vector<1x16xf32>,
      %parallel_loop3A_401 = vector.shape_cast %parallel_loop3A_400 : vector<1x16xf32> to vector<16xf32>
      %parallel_loop3A_402 = arith.mulf %parallel_loop3A_401, %add3A_3 : vector<16xf32>
      %parallel_loop3A_403 = arith.index_cast %parallel_loop3A_377 : i32 to index
      %parallel_loop3A_404 = arith.constant 32 : index
      %parallel_loop3A_405 = tpu.vector_load %arg19[%parallel_loop3A_403, %parallel_loop3A_404] {strides = array<i32>} : memref<80x128xf32, #tpu.memory_space<vmem>>, vector<1x16xf32>,
      %parallel_loop3A_406 = vector.shape_cast %parallel_loop3A_405 : vector<1x16xf32> to vector<16xf32>
      %parallel_loop3A_407 = vector.shape_cast %parallel_loop3A_402 : vector<16xf32> to vector<1x16xf32>
      tpu.vector_store %arg19[%parallel_loop3A_403, %parallel_loop3A_404], %parallel_loop3A_407 {strides = array<i32>} : memref<80x128xf32, #tpu.memory_space<vmem>>, vector<1x16xf32>,
      %parallel_loop3A_408 = arith.index_cast %parallel_loop3A_377 : i32 to index
      %parallel_loop3A_409 = arith.constant 48 : index
      %parallel_loop3A_410 = tpu.vector_load %arg19[%parallel_loop3A_408, %parallel_loop3A_409] {strides = array<i32>} : memref<80x128xf32, #tpu.memory_space<vmem>>, vector<1x16xf32>,
      %parallel_loop3A_411 = vector.shape_cast %parallel_loop3A_410 : vector<1x16xf32> to vector<16xf32>
      %parallel_loop3A_412 = arith.mulf %parallel_loop3A_411, %add3A_3 : vector<16xf32>
      %parallel_loop3A_413 = arith.index_cast %parallel_loop3A_377 : i32 to index
      %parallel_loop3A_414 = arith.constant 48 : index
      %parallel_loop3A_415 = tpu.vector_load %arg19[%parallel_loop3A_413, %parallel_loop3A_414] {strides = array<i32>} : memref<80x128xf32, #tpu.memory_space<vmem>>, vector<1x16xf32>,
      %parallel_loop3A_416 = vector.shape_cast %parallel_loop3A_415 : vector<1x16xf32> to vector<16xf32>
      %parallel_loop3A_417 = vector.shape_cast %parallel_loop3A_412 : vector<16xf32> to vector<1x16xf32>
      tpu.vector_store %arg19[%parallel_loop3A_413, %parallel_loop3A_414], %parallel_loop3A_417 {strides = array<i32>} : memref<80x128xf32, #tpu.memory_space<vmem>>, vector<1x16xf32>,
      %parallel_loop3A_418 = arith.index_cast %parallel_loop3A_377 : i32 to index
      %parallel_loop3A_419 = arith.constant 64 : index
      %parallel_loop3A_420 = tpu.vector_load %arg19[%parallel_loop3A_418, %parallel_loop3A_419] {strides = array<i32>} : memref<80x128xf32, #tpu.memory_space<vmem>>, vector<1x16xf32>,
      %parallel_loop3A_421 = vector.shape_cast %parallel_loop3A_420 : vector<1x16xf32> to vector<16xf32>
      %parallel_loop3A_422 = arith.mulf %parallel_loop3A_421, %add3A_3 : vector<16xf32>
      %parallel_loop3A_423 = arith.index_cast %parallel_loop3A_377 : i32 to index
      %parallel_loop3A_424 = arith.constant 64 : index
      %parallel_loop3A_425 = tpu.vector_load %arg19[%parallel_loop3A_423, %parallel_loop3A_424] {strides = array<i32>} : memref<80x128xf32, #tpu.memory_space<vmem>>, vector<1x16xf32>,
      %parallel_loop3A_426 = vector.shape_cast %parallel_loop3A_425 : vector<1x16xf32> to vector<16xf32>
      %parallel_loop3A_427 = vector.shape_cast %parallel_loop3A_422 : vector<16xf32> to vector<1x16xf32>
      tpu.vector_store %arg19[%parallel_loop3A_423, %parallel_loop3A_424], %parallel_loop3A_427 {strides = array<i32>} : memref<80x128xf32, #tpu.memory_space<vmem>>, vector<1x16xf32>,
      %parallel_loop3A_428 = arith.index_cast %parallel_loop3A_377 : i32 to index
      %parallel_loop3A_429 = arith.constant 80 : index
      %parallel_loop3A_430 = tpu.vector_load %arg19[%parallel_loop3A_428, %parallel_loop3A_429] {strides = array<i32>} : memref<80x128xf32, #tpu.memory_space<vmem>>, vector<1x16xf32>,
      %parallel_loop3A_431 = vector.shape_cast %parallel_loop3A_430 : vector<1x16xf32> to vector<16xf32>
      %parallel_loop3A_432 = arith.mulf %parallel_loop3A_431, %add3A_3 : vector<16xf32>
      %parallel_loop3A_433 = arith.index_cast %parallel_loop3A_377 : i32 to index
      %parallel_loop3A_434 = arith.constant 80 : index
      %parallel_loop3A_435 = tpu.vector_load %arg19[%parallel_loop3A_433, %parallel_loop3A_434] {strides = array<i32>} : memref<80x128xf32, #tpu.memory_space<vmem>>, vector<1x16xf32>,
      %parallel_loop3A_436 = vector.shape_cast %parallel_loop3A_435 : vector<1x16xf32> to vector<16xf32>
      %parallel_loop3A_437 = vector.shape_cast %parallel_loop3A_432 : vector<16xf32> to vector<1x16xf32>
      tpu.vector_store %arg19[%parallel_loop3A_433, %parallel_loop3A_434], %parallel_loop3A_437 {strides = array<i32>} : memref<80x128xf32, #tpu.memory_space<vmem>>, vector<1x16xf32>,
      %parallel_loop3A_438 = arith.index_cast %parallel_loop3A_377 : i32 to index
      %parallel_loop3A_439 = arith.constant 96 : index
      %parallel_loop3A_440 = tpu.vector_load %arg19[%parallel_loop3A_438, %parallel_loop3A_439] {strides = array<i32>} : memref<80x128xf32, #tpu.memory_space<vmem>>, vector<1x16xf32>,
      %parallel_loop3A_441 = vector.shape_cast %parallel_loop3A_440 : vector<1x16xf32> to vector<16xf32>
      %parallel_loop3A_442 = arith.mulf %parallel_loop3A_441, %add3A_3 : vector<16xf32>
      %parallel_loop3A_443 = arith.index_cast %parallel_loop3A_377 : i32 to index
      %parallel_loop3A_444 = arith.constant 96 : index
      %parallel_loop3A_445 = tpu.vector_load %arg19[%parallel_loop3A_443, %parallel_loop3A_444] {strides = array<i32>} : memref<80x128xf32, #tpu.memory_space<vmem>>, vector<1x16xf32>,
      %parallel_loop3A_446 = vector.shape_cast %parallel_loop3A_445 : vector<1x16xf32> to vector<16xf32>
      %parallel_loop3A_447 = vector.shape_cast %parallel_loop3A_442 : vector<16xf32> to vector<1x16xf32>
      tpu.vector_store %arg19[%parallel_loop3A_443, %parallel_loop3A_444], %parallel_loop3A_447 {strides = array<i32>} : memref<80x128xf32, #tpu.memory_space<vmem>>, vector<1x16xf32>,
      %parallel_loop3A_448 = arith.index_cast %parallel_loop3A_377 : i32 to index
      %parallel_loop3A_449 = arith.constant 112 : index
      %parallel_loop3A_450 = tpu.vector_load %arg19[%parallel_loop3A_448, %parallel_loop3A_449] {strides = array<i32>} : memref<80x128xf32, #tpu.memory_space<vmem>>, vector<1x16xf32>,
      %parallel_loop3A_451 = vector.shape_cast %parallel_loop3A_450 : vector<1x16xf32> to vector<16xf32>
      %parallel_loop3A_452 = arith.mulf %parallel_loop3A_451, %add3A_3 : vector<16xf32>
      %parallel_loop3A_453 = arith.index_cast %parallel_loop3A_377 : i32 to index
      %parallel_loop3A_454 = arith.constant 112 : index
      %parallel_loop3A_455 = tpu.vector_load %arg19[%parallel_loop3A_453, %parallel_loop3A_454] {strides = array<i32>} : memref<80x128xf32, #tpu.memory_space<vmem>>, vector<1x16xf32>,
      %parallel_loop3A_456 = vector.shape_cast %parallel_loop3A_455 : vector<1x16xf32> to vector<16xf32>
      %parallel_loop3A_457 = vector.shape_cast %parallel_loop3A_452 : vector<16xf32> to vector<1x16xf32>
      tpu.vector_store %arg19[%parallel_loop3A_453, %parallel_loop3A_454], %parallel_loop3A_457 {strides = array<i32>} : memref<80x128xf32, #tpu.memory_space<vmem>>, vector<1x16xf32>,
    } {sc.loop_unroll_factor = 4 : i64, sc.parallel_access}
    "tpu.region"() ({
      %run_scoped3A_377 = tpu.sem_alloc : memref<!tpu.dma_semaphore, #tpu.memory_space<semaphore_mem>>
      %dma_start3A_378 = arith.constant 0 : i32
      %dma_start3A_379 = arith.constant 0 : i32
      %dma_start3A_380 = tpu.memref_slice %arg19[%dma_start3A_378, %dma_start3A_379] : memref<80x128xf32, #tpu.memory_space<vmem>> -> memref<80x128xf32, #tpu.memory_space<vmem>>
      %dma_start3A_381 = arith.constant 0 : i32
      %dma_start3A_382 = tpu.memref_slice %arg11[%add3A_33, %dma_start3A_381] : memref<10000x128xf32, #tpu.memory_space<vmem_shared>> -> memref<80x128xf32, #tpu.memory_space<vmem_shared>>
      %dma_start3A_383 = arith.constant 0 : i32
      %dma_start3A_384 = tpu.memref_slice %arg11[%add3A_33, %dma_start3A_383] : memref<10000x128xf32, #tpu.memory_space<vmem_shared>> -> memref<80x128xf32, #tpu.memory_space<vmem_shared>>
      %dma_start3A_385 = arith.constant 0 : i32
      %dma_start3A_386 = arith.constant 0 : i32
      %dma_start3A_387 = tpu.memref_slice %arg19[%dma_start3A_385, %dma_start3A_386] : memref<80x128xf32, #tpu.memory_space<vmem>> -> memref<80x128xf32, #tpu.memory_space<vmem>>
      tpu.enqueue_dma source(%dma_start3A_387 : memref<80x128xf32, #tpu.memory_space<vmem>>) target(%dma_start3A_384 : memref<80x128xf32, #tpu.memory_space<vmem_shared>>) target_semaphore(%run_scoped3A_377 : memref<!tpu.dma_semaphore, #tpu.memory_space<semaphore_mem>>)
      %dma_wait3A_388 = arith.constant 0 : i32
      %dma_wait3A_389 = arith.constant 0 : i32
      %dma_wait3A_390 = tpu.memref_slice %arg19[%dma_wait3A_388, %dma_wait3A_389] : memref<80x128xf32, #tpu.memory_space<vmem>> -> memref<80x128xf32, #tpu.memory_space<vmem>>
      %dma_wait3A_391 = arith.constant 0 : i32
      %dma_wait3A_392 = tpu.memref_slice %arg11[%add3A_33, %dma_wait3A_391] : memref<10000x128xf32, #tpu.memory_space<vmem_shared>> -> memref<80x128xf32, #tpu.memory_space<vmem_shared>>
      %dma_wait3A_393 = arith.constant 0 : i32
      %dma_wait3A_394 = tpu.memref_slice %arg11[%add3A_33, %dma_wait3A_393] : memref<10000x128xf32, #tpu.memory_space<vmem_shared>> -> memref<80x128xf32, #tpu.memory_space<vmem_shared>>
      %dma_wait3A_395 = arith.constant 0 : i32
      %dma_wait3A_396 = arith.constant 0 : i32
      %dma_wait3A_397 = tpu.memref_slice %arg19[%dma_wait3A_395, %dma_wait3A_396] : memref<80x128xf32, #tpu.memory_space<vmem>> -> memref<80x128xf32, #tpu.memory_space<vmem>>
      tpu.wait_dma2 semaphore(%run_scoped3A_377 : memref<!tpu.dma_semaphore, #tpu.memory_space<semaphore_mem>>) src(%dma_wait3A_397 : memref<80x128xf32, #tpu.memory_space<vmem>>) dst(%dma_wait3A_394 : memref<80x128xf32, #tpu.memory_space<vmem_shared>>)
      tpu.yield
    }) : () -> ()
    %add3A_37 = arith.constant 480 : i32
    %add3A_38 = arith.addi %mul3A_7, %add3A_37 : i32
    "tpu.region"() ({
      %run_scoped3A_377 = tpu.sem_alloc : memref<!tpu.dma_semaphore, #tpu.memory_space<semaphore_mem>>
      %dma_start3A_378 = arith.constant 0 : i32
      %dma_start3A_379 = arith.constant 0 : i32
      %dma_start3A_380 = tpu.memref_slice %arg19[%dma_start3A_378, %dma_start3A_379] : memref<80x128xf32, #tpu.memory_space<vmem>> -> memref<80x128xf32, #tpu.memory_space<vmem>>
      %dma_start3A_381 = arith.constant 0 : i32
      %dma_start3A_382 = tpu.memref_slice %arg2[%add3A_38, %arg0, %dma_start3A_381] : memref<10000x2x128xf32, #tpu.memory_space<hbm>> -> memref<80x1x128xf32, #tpu.memory_space<hbm>>
      %dma_start3A_383 = tpu.memref_squeeze %dma_start3A_382 : memref<80x1x128xf32, #tpu.memory_space<hbm>> -> memref<80x128xf32, #tpu.memory_space<hbm>>
      %dma_start3A_384 = arith.constant 0 : i32
      %dma_start3A_385 = arith.constant 0 : i32
      %dma_start3A_386 = tpu.memref_slice %arg19[%dma_start3A_384, %dma_start3A_385] : memref<80x128xf32, #tpu.memory_space<vmem>> -> memref<80x128xf32, #tpu.memory_space<vmem>>
      %dma_start3A_387 = arith.constant 0 : i32
      %dma_start3A_388 = tpu.memref_slice %arg2[%add3A_38, %arg0, %dma_start3A_387] : memref<10000x2x128xf32, #tpu.memory_space<hbm>> -> memref<80x1x128xf32, #tpu.memory_space<hbm>>
      %dma_start3A_389 = tpu.memref_squeeze %dma_start3A_388 : memref<80x1x128xf32, #tpu.memory_space<hbm>> -> memref<80x128xf32, #tpu.memory_space<hbm>>
      tpu.enqueue_dma source(%dma_start3A_389 : memref<80x128xf32, #tpu.memory_space<hbm>>) target(%dma_start3A_386 : memref<80x128xf32, #tpu.memory_space<vmem>>) target_semaphore(%run_scoped3A_377 : memref<!tpu.dma_semaphore, #tpu.memory_space<semaphore_mem>>)
      %dma_wait3A_390 = arith.constant 0 : i32
      %dma_wait3A_391 = arith.constant 0 : i32
      %dma_wait3A_392 = tpu.memref_slice %arg19[%dma_wait3A_390, %dma_wait3A_391] : memref<80x128xf32, #tpu.memory_space<vmem>> -> memref<80x128xf32, #tpu.memory_space<vmem>>
      %dma_wait3A_393 = arith.constant 0 : i32
      %dma_wait3A_394 = tpu.memref_slice %arg2[%add3A_38, %arg0, %dma_wait3A_393] : memref<10000x2x128xf32, #tpu.memory_space<hbm>> -> memref<80x1x128xf32, #tpu.memory_space<hbm>>
      %dma_wait3A_395 = tpu.memref_squeeze %dma_wait3A_394 : memref<80x1x128xf32, #tpu.memory_space<hbm>> -> memref<80x128xf32, #tpu.memory_space<hbm>>
      %dma_wait3A_396 = arith.constant 0 : i32
      %dma_wait3A_397 = arith.constant 0 : i32
      %dma_wait3A_398 = tpu.memref_slice %arg19[%dma_wait3A_396, %dma_wait3A_397] : memref<80x128xf32, #tpu.memory_space<vmem>> -> memref<80x128xf32, #tpu.memory_space<vmem>>
      %dma_wait3A_399 = arith.constant 0 : i32
      %dma_wait3A_400 = tpu.memref_slice %arg2[%add3A_38, %arg0, %dma_wait3A_399] : memref<10000x2x128xf32, #tpu.memory_space<hbm>> -> memref<80x1x128xf32, #tpu.memory_space<hbm>>
      %dma_wait3A_401 = tpu.memref_squeeze %dma_wait3A_400 : memref<80x1x128xf32, #tpu.memory_space<hbm>> -> memref<80x128xf32, #tpu.memory_space<hbm>>
      tpu.wait_dma2 semaphore(%run_scoped3A_377 : memref<!tpu.dma_semaphore, #tpu.memory_space<semaphore_mem>>) src(%dma_wait3A_401 : memref<80x128xf32, #tpu.memory_space<hbm>>) dst(%dma_wait3A_398 : memref<80x128xf32, #tpu.memory_space<vmem>>)
      tpu.yield
    }) : () -> ()
    %parallel_loop3A_39 = arith.constant 0 : i32
    %parallel_loop3A_40 = arith.constant 80 : i32
    %parallel_loop3A_41 = arith.constant 1 : i32
    scf.for %parallel_loop3A_377 = %parallel_loop3A_39 to %parallel_loop3A_40 step %parallel_loop3A_41  : i32 {
      %parallel_loop3A_378 = arith.index_cast %parallel_loop3A_377 : i32 to index
      %parallel_loop3A_379 = arith.constant 0 : index
      %parallel_loop3A_380 = tpu.vector_load %arg19[%parallel_loop3A_378, %parallel_loop3A_379] {strides = array<i32>} : memref<80x128xf32, #tpu.memory_space<vmem>>, vector<1x16xf32>,
      %parallel_loop3A_381 = vector.shape_cast %parallel_loop3A_380 : vector<1x16xf32> to vector<16xf32>
      %parallel_loop3A_382 = arith.mulf %parallel_loop3A_381, %add3A_3 : vector<16xf32>
      %parallel_loop3A_383 = arith.index_cast %parallel_loop3A_377 : i32 to index
      %parallel_loop3A_384 = arith.constant 0 : index
      %parallel_loop3A_385 = tpu.vector_load %arg19[%parallel_loop3A_383, %parallel_loop3A_384] {strides = array<i32>} : memref<80x128xf32, #tpu.memory_space<vmem>>, vector<1x16xf32>,
      %parallel_loop3A_386 = vector.shape_cast %parallel_loop3A_385 : vector<1x16xf32> to vector<16xf32>
      %parallel_loop3A_387 = vector.shape_cast %parallel_loop3A_382 : vector<16xf32> to vector<1x16xf32>
      tpu.vector_store %arg19[%parallel_loop3A_383, %parallel_loop3A_384], %parallel_loop3A_387 {strides = array<i32>} : memref<80x128xf32, #tpu.memory_space<vmem>>, vector<1x16xf32>,
      %parallel_loop3A_388 = arith.index_cast %parallel_loop3A_377 : i32 to index
      %parallel_loop3A_389 = arith.constant 16 : index
      %parallel_loop3A_390 = tpu.vector_load %arg19[%parallel_loop3A_388, %parallel_loop3A_389] {strides = array<i32>} : memref<80x128xf32, #tpu.memory_space<vmem>>, vector<1x16xf32>,
      %parallel_loop3A_391 = vector.shape_cast %parallel_loop3A_390 : vector<1x16xf32> to vector<16xf32>
      %parallel_loop3A_392 = arith.mulf %parallel_loop3A_391, %add3A_3 : vector<16xf32>
      %parallel_loop3A_393 = arith.index_cast %parallel_loop3A_377 : i32 to index
      %parallel_loop3A_394 = arith.constant 16 : index
      %parallel_loop3A_395 = tpu.vector_load %arg19[%parallel_loop3A_393, %parallel_loop3A_394] {strides = array<i32>} : memref<80x128xf32, #tpu.memory_space<vmem>>, vector<1x16xf32>,
      %parallel_loop3A_396 = vector.shape_cast %parallel_loop3A_395 : vector<1x16xf32> to vector<16xf32>
      %parallel_loop3A_397 = vector.shape_cast %parallel_loop3A_392 : vector<16xf32> to vector<1x16xf32>
      tpu.vector_store %arg19[%parallel_loop3A_393, %parallel_loop3A_394], %parallel_loop3A_397 {strides = array<i32>} : memref<80x128xf32, #tpu.memory_space<vmem>>, vector<1x16xf32>,
      %parallel_loop3A_398 = arith.index_cast %parallel_loop3A_377 : i32 to index
      %parallel_loop3A_399 = arith.constant 32 : index
      %parallel_loop3A_400 = tpu.vector_load %arg19[%parallel_loop3A_398, %parallel_loop3A_399] {strides = array<i32>} : memref<80x128xf32, #tpu.memory_space<vmem>>, vector<1x16xf32>,
      %parallel_loop3A_401 = vector.shape_cast %parallel_loop3A_400 : vector<1x16xf32> to vector<16xf32>
      %parallel_loop3A_402 = arith.mulf %parallel_loop3A_401, %add3A_3 : vector<16xf32>
      %parallel_loop3A_403 = arith.index_cast %parallel_loop3A_377 : i32 to index
      %parallel_loop3A_404 = arith.constant 32 : index
      %parallel_loop3A_405 = tpu.vector_load %arg19[%parallel_loop3A_403, %parallel_loop3A_404] {strides = array<i32>} : memref<80x128xf32, #tpu.memory_space<vmem>>, vector<1x16xf32>,
      %parallel_loop3A_406 = vector.shape_cast %parallel_loop3A_405 : vector<1x16xf32> to vector<16xf32>
      %parallel_loop3A_407 = vector.shape_cast %parallel_loop3A_402 : vector<16xf32> to vector<1x16xf32>
      tpu.vector_store %arg19[%parallel_loop3A_403, %parallel_loop3A_404], %parallel_loop3A_407 {strides = array<i32>} : memref<80x128xf32, #tpu.memory_space<vmem>>, vector<1x16xf32>,
      %parallel_loop3A_408 = arith.index_cast %parallel_loop3A_377 : i32 to index
      %parallel_loop3A_409 = arith.constant 48 : index
      %parallel_loop3A_410 = tpu.vector_load %arg19[%parallel_loop3A_408, %parallel_loop3A_409] {strides = array<i32>} : memref<80x128xf32, #tpu.memory_space<vmem>>, vector<1x16xf32>,
      %parallel_loop3A_411 = vector.shape_cast %parallel_loop3A_410 : vector<1x16xf32> to vector<16xf32>
      %parallel_loop3A_412 = arith.mulf %parallel_loop3A_411, %add3A_3 : vector<16xf32>
      %parallel_loop3A_413 = arith.index_cast %parallel_loop3A_377 : i32 to index
      %parallel_loop3A_414 = arith.constant 48 : index
      %parallel_loop3A_415 = tpu.vector_load %arg19[%parallel_loop3A_413, %parallel_loop3A_414] {strides = array<i32>} : memref<80x128xf32, #tpu.memory_space<vmem>>, vector<1x16xf32>,
      %parallel_loop3A_416 = vector.shape_cast %parallel_loop3A_415 : vector<1x16xf32> to vector<16xf32>
      %parallel_loop3A_417 = vector.shape_cast %parallel_loop3A_412 : vector<16xf32> to vector<1x16xf32>
      tpu.vector_store %arg19[%parallel_loop3A_413, %parallel_loop3A_414], %parallel_loop3A_417 {strides = array<i32>} : memref<80x128xf32, #tpu.memory_space<vmem>>, vector<1x16xf32>,
      %parallel_loop3A_418 = arith.index_cast %parallel_loop3A_377 : i32 to index
      %parallel_loop3A_419 = arith.constant 64 : index
      %parallel_loop3A_420 = tpu.vector_load %arg19[%parallel_loop3A_418, %parallel_loop3A_419] {strides = array<i32>} : memref<80x128xf32, #tpu.memory_space<vmem>>, vector<1x16xf32>,
      %parallel_loop3A_421 = vector.shape_cast %parallel_loop3A_420 : vector<1x16xf32> to vector<16xf32>
      %parallel_loop3A_422 = arith.mulf %parallel_loop3A_421, %add3A_3 : vector<16xf32>
      %parallel_loop3A_423 = arith.index_cast %parallel_loop3A_377 : i32 to index
      %parallel_loop3A_424 = arith.constant 64 : index
      %parallel_loop3A_425 = tpu.vector_load %arg19[%parallel_loop3A_423, %parallel_loop3A_424] {strides = array<i32>} : memref<80x128xf32, #tpu.memory_space<vmem>>, vector<1x16xf32>,
      %parallel_loop3A_426 = vector.shape_cast %parallel_loop3A_425 : vector<1x16xf32> to vector<16xf32>
      %parallel_loop3A_427 = vector.shape_cast %parallel_loop3A_422 : vector<16xf32> to vector<1x16xf32>
      tpu.vector_store %arg19[%parallel_loop3A_423, %parallel_loop3A_424], %parallel_loop3A_427 {strides = array<i32>} : memref<80x128xf32, #tpu.memory_space<vmem>>, vector<1x16xf32>,
      %parallel_loop3A_428 = arith.index_cast %parallel_loop3A_377 : i32 to index
      %parallel_loop3A_429 = arith.constant 80 : index
      %parallel_loop3A_430 = tpu.vector_load %arg19[%parallel_loop3A_428, %parallel_loop3A_429] {strides = array<i32>} : memref<80x128xf32, #tpu.memory_space<vmem>>, vector<1x16xf32>,
      %parallel_loop3A_431 = vector.shape_cast %parallel_loop3A_430 : vector<1x16xf32> to vector<16xf32>
      %parallel_loop3A_432 = arith.mulf %parallel_loop3A_431, %add3A_3 : vector<16xf32>
      %parallel_loop3A_433 = arith.index_cast %parallel_loop3A_377 : i32 to index
      %parallel_loop3A_434 = arith.constant 80 : index
      %parallel_loop3A_435 = tpu.vector_load %arg19[%parallel_loop3A_433, %parallel_loop3A_434] {strides = array<i32>} : memref<80x128xf32, #tpu.memory_space<vmem>>, vector<1x16xf32>,
      %parallel_loop3A_436 = vector.shape_cast %parallel_loop3A_435 : vector<1x16xf32> to vector<16xf32>
      %parallel_loop3A_437 = vector.shape_cast %parallel_loop3A_432 : vector<16xf32> to vector<1x16xf32>
      tpu.vector_store %arg19[%parallel_loop3A_433, %parallel_loop3A_434], %parallel_loop3A_437 {strides = array<i32>} : memref<80x128xf32, #tpu.memory_space<vmem>>, vector<1x16xf32>,
      %parallel_loop3A_438 = arith.index_cast %parallel_loop3A_377 : i32 to index
      %parallel_loop3A_439 = arith.constant 96 : index
      %parallel_loop3A_440 = tpu.vector_load %arg19[%parallel_loop3A_438, %parallel_loop3A_439] {strides = array<i32>} : memref<80x128xf32, #tpu.memory_space<vmem>>, vector<1x16xf32>,
      %parallel_loop3A_441 = vector.shape_cast %parallel_loop3A_440 : vector<1x16xf32> to vector<16xf32>
      %parallel_loop3A_442 = arith.mulf %parallel_loop3A_441, %add3A_3 : vector<16xf32>
      %parallel_loop3A_443 = arith.index_cast %parallel_loop3A_377 : i32 to index
      %parallel_loop3A_444 = arith.constant 96 : index
      %parallel_loop3A_445 = tpu.vector_load %arg19[%parallel_loop3A_443, %parallel_loop3A_444] {strides = array<i32>} : memref<80x128xf32, #tpu.memory_space<vmem>>, vector<1x16xf32>,
      %parallel_loop3A_446 = vector.shape_cast %parallel_loop3A_445 : vector<1x16xf32> to vector<16xf32>
      %parallel_loop3A_447 = vector.shape_cast %parallel_loop3A_442 : vector<16xf32> to vector<1x16xf32>
      tpu.vector_store %arg19[%parallel_loop3A_443, %parallel_loop3A_444], %parallel_loop3A_447 {strides = array<i32>} : memref<80x128xf32, #tpu.memory_space<vmem>>, vector<1x16xf32>,
      %parallel_loop3A_448 = arith.index_cast %parallel_loop3A_377 : i32 to index
      %parallel_loop3A_449 = arith.constant 112 : index
      %parallel_loop3A_450 = tpu.vector_load %arg19[%parallel_loop3A_448, %parallel_loop3A_449] {strides = array<i32>} : memref<80x128xf32, #tpu.memory_space<vmem>>, vector<1x16xf32>,
      %parallel_loop3A_451 = vector.shape_cast %parallel_loop3A_450 : vector<1x16xf32> to vector<16xf32>
      %parallel_loop3A_452 = arith.mulf %parallel_loop3A_451, %add3A_3 : vector<16xf32>
      %parallel_loop3A_453 = arith.index_cast %parallel_loop3A_377 : i32 to index
      %parallel_loop3A_454 = arith.constant 112 : index
      %parallel_loop3A_455 = tpu.vector_load %arg19[%parallel_loop3A_453, %parallel_loop3A_454] {strides = array<i32>} : memref<80x128xf32, #tpu.memory_space<vmem>>, vector<1x16xf32>,
      %parallel_loop3A_456 = vector.shape_cast %parallel_loop3A_455 : vector<1x16xf32> to vector<16xf32>
      %parallel_loop3A_457 = vector.shape_cast %parallel_loop3A_452 : vector<16xf32> to vector<1x16xf32>
      tpu.vector_store %arg19[%parallel_loop3A_453, %parallel_loop3A_454], %parallel_loop3A_457 {strides = array<i32>} : memref<80x128xf32, #tpu.memory_space<vmem>>, vector<1x16xf32>,
    } {sc.loop_unroll_factor = 4 : i64, sc.parallel_access}
    "tpu.region"() ({
      %run_scoped3A_377 = tpu.sem_alloc : memref<!tpu.dma_semaphore, #tpu.memory_space<semaphore_mem>>
      %dma_start3A_378 = arith.constant 0 : i32
      %dma_start3A_379 = arith.constant 0 : i32
      %dma_start3A_380 = tpu.memref_slice %arg19[%dma_start3A_378, %dma_start3A_379] : memref<80x128xf32, #tpu.memory_space<vmem>> -> memref<80x128xf32, #tpu.memory_space<vmem>>
      %dma_start3A_381 = arith.constant 0 : i32
      %dma_start3A_382 = tpu.memref_slice %arg11[%add3A_38, %dma_start3A_381] : memref<10000x128xf32, #tpu.memory_space<vmem_shared>> -> memref<80x128xf32, #tpu.memory_space<vmem_shared>>
      %dma_start3A_383 = arith.constant 0 : i32
      %dma_start3A_384 = tpu.memref_slice %arg11[%add3A_38, %dma_start3A_383] : memref<10000x128xf32, #tpu.memory_space<vmem_shared>> -> memref<80x128xf32, #tpu.memory_space<vmem_shared>>
      %dma_start3A_385 = arith.constant 0 : i32
      %dma_start3A_386 = arith.constant 0 : i32
      %dma_start3A_387 = tpu.memref_slice %arg19[%dma_start3A_385, %dma_start3A_386] : memref<80x128xf32, #tpu.memory_space<vmem>> -> memref<80x128xf32, #tpu.memory_space<vmem>>
      tpu.enqueue_dma source(%dma_start3A_387 : memref<80x128xf32, #tpu.memory_space<vmem>>) target(%dma_start3A_384 : memref<80x128xf32, #tpu.memory_space<vmem_shared>>) target_semaphore(%run_scoped3A_377 : memref<!tpu.dma_semaphore, #tpu.memory_space<semaphore_mem>>)
      %dma_wait3A_388 = arith.constant 0 : i32
      %dma_wait3A_389 = arith.constant 0 : i32
      %dma_wait3A_390 = tpu.memref_slice %arg19[%dma_wait3A_388, %dma_wait3A_389] : memref<80x128xf32, #tpu.memory_space<vmem>> -> memref<80x128xf32, #tpu.memory_space<vmem>>
      %dma_wait3A_391 = arith.constant 0 : i32
      %dma_wait3A_392 = tpu.memref_slice %arg11[%add3A_38, %dma_wait3A_391] : memref<10000x128xf32, #tpu.memory_space<vmem_shared>> -> memref<80x128xf32, #tpu.memory_space<vmem_shared>>
      %dma_wait3A_393 = arith.constant 0 : i32
      %dma_wait3A_394 = tpu.memref_slice %arg11[%add3A_38, %dma_wait3A_393] : memref<10000x128xf32, #tpu.memory_space<vmem_shared>> -> memref<80x128xf32, #tpu.memory_space<vmem_shared>>
      %dma_wait3A_395 = arith.constant 0 : i32
      %dma_wait3A_396 = arith.constant 0 : i32
      %dma_wait3A_397 = tpu.memref_slice %arg19[%dma_wait3A_395, %dma_wait3A_396] : memref<80x128xf32, #tpu.memory_space<vmem>> -> memref<80x128xf32, #tpu.memory_space<vmem>>
      tpu.wait_dma2 semaphore(%run_scoped3A_377 : memref<!tpu.dma_semaphore, #tpu.memory_space<semaphore_mem>>) src(%dma_wait3A_397 : memref<80x128xf32, #tpu.memory_space<vmem>>) dst(%dma_wait3A_394 : memref<80x128xf32, #tpu.memory_space<vmem_shared>>)
      tpu.yield
    }) : () -> ()
    %add3A_42 = arith.constant 560 : i32
    %add3A_43 = arith.addi %mul3A_7, %add3A_42 : i32
    "tpu.region"() ({
      %run_scoped3A_377 = tpu.sem_alloc : memref<!tpu.dma_semaphore, #tpu.memory_space<semaphore_mem>>
      %dma_start3A_378 = arith.constant 0 : i32
      %dma_start3A_379 = arith.constant 0 : i32
      %dma_start3A_380 = tpu.memref_slice %arg19[%dma_start3A_378, %dma_start3A_379] : memref<80x128xf32, #tpu.memory_space<vmem>> -> memref<65x128xf32, #tpu.memory_space<vmem>>
      %dma_start3A_381 = arith.constant 0 : i32
      %dma_start3A_382 = tpu.memref_slice %arg2[%add3A_43, %arg0, %dma_start3A_381] : memref<10000x2x128xf32, #tpu.memory_space<hbm>> -> memref<65x1x128xf32, #tpu.memory_space<hbm>>
      %dma_start3A_383 = tpu.memref_squeeze %dma_start3A_382 : memref<65x1x128xf32, #tpu.memory_space<hbm>> -> memref<65x128xf32, #tpu.memory_space<hbm>>
      %dma_start3A_384 = arith.constant 0 : i32
      %dma_start3A_385 = arith.constant 0 : i32
      %dma_start3A_386 = tpu.memref_slice %arg19[%dma_start3A_384, %dma_start3A_385] : memref<80x128xf32, #tpu.memory_space<vmem>> -> memref<65x128xf32, #tpu.memory_space<vmem>>
      %dma_start3A_387 = arith.constant 0 : i32
      %dma_start3A_388 = tpu.memref_slice %arg2[%add3A_43, %arg0, %dma_start3A_387] : memref<10000x2x128xf32, #tpu.memory_space<hbm>> -> memref<65x1x128xf32, #tpu.memory_space<hbm>>
      %dma_start3A_389 = tpu.memref_squeeze %dma_start3A_388 : memref<65x1x128xf32, #tpu.memory_space<hbm>> -> memref<65x128xf32, #tpu.memory_space<hbm>>
      tpu.enqueue_dma source(%dma_start3A_389 : memref<65x128xf32, #tpu.memory_space<hbm>>) target(%dma_start3A_386 : memref<65x128xf32, #tpu.memory_space<vmem>>) target_semaphore(%run_scoped3A_377 : memref<!tpu.dma_semaphore, #tpu.memory_space<semaphore_mem>>)
      %dma_wait3A_390 = arith.constant 0 : i32
      %dma_wait3A_391 = arith.constant 0 : i32
      %dma_wait3A_392 = tpu.memref_slice %arg19[%dma_wait3A_390, %dma_wait3A_391] : memref<80x128xf32, #tpu.memory_space<vmem>> -> memref<65x128xf32, #tpu.memory_space<vmem>>
      %dma_wait3A_393 = arith.constant 0 : i32
      %dma_wait3A_394 = tpu.memref_slice %arg2[%add3A_43, %arg0, %dma_wait3A_393] : memref<10000x2x128xf32, #tpu.memory_space<hbm>> -> memref<65x1x128xf32, #tpu.memory_space<hbm>>
      %dma_wait3A_395 = tpu.memref_squeeze %dma_wait3A_394 : memref<65x1x128xf32, #tpu.memory_space<hbm>> -> memref<65x128xf32, #tpu.memory_space<hbm>>
      %dma_wait3A_396 = arith.constant 0 : i32
      %dma_wait3A_397 = arith.constant 0 : i32
      %dma_wait3A_398 = tpu.memref_slice %arg19[%dma_wait3A_396, %dma_wait3A_397] : memref<80x128xf32, #tpu.memory_space<vmem>> -> memref<65x128xf32, #tpu.memory_space<vmem>>
      %dma_wait3A_399 = arith.constant 0 : i32
      %dma_wait3A_400 = tpu.memref_slice %arg2[%add3A_43, %arg0, %dma_wait3A_399] : memref<10000x2x128xf32, #tpu.memory_space<hbm>> -> memref<65x1x128xf32, #tpu.memory_space<hbm>>
      %dma_wait3A_401 = tpu.memref_squeeze %dma_wait3A_400 : memref<65x1x128xf32, #tpu.memory_space<hbm>> -> memref<65x128xf32, #tpu.memory_space<hbm>>
      tpu.wait_dma2 semaphore(%run_scoped3A_377 : memref<!tpu.dma_semaphore, #tpu.memory_space<semaphore_mem>>) src(%dma_wait3A_401 : memref<65x128xf32, #tpu.memory_space<hbm>>) dst(%dma_wait3A_398 : memref<65x128xf32, #tpu.memory_space<vmem>>)
      tpu.yield
    }) : () -> ()
    %parallel_loop3A_44 = arith.constant 0 : i32
    %parallel_loop3A_45 = arith.constant 65 : i32
    %parallel_loop3A_46 = arith.constant 1 : i32
    scf.for %parallel_loop3A_377 = %parallel_loop3A_44 to %parallel_loop3A_45 step %parallel_loop3A_46  : i32 {
      %parallel_loop3A_378 = arith.index_cast %parallel_loop3A_377 : i32 to index
      %parallel_loop3A_379 = arith.constant 0 : index
      %parallel_loop3A_380 = tpu.vector_load %arg19[%parallel_loop3A_378, %parallel_loop3A_379] {strides = array<i32>} : memref<80x128xf32, #tpu.memory_space<vmem>>, vector<1x16xf32>,
      %parallel_loop3A_381 = vector.shape_cast %parallel_loop3A_380 : vector<1x16xf32> to vector<16xf32>
      %parallel_loop3A_382 = arith.mulf %parallel_loop3A_381, %add3A_3 : vector<16xf32>
      %parallel_loop3A_383 = arith.index_cast %parallel_loop3A_377 : i32 to index
      %parallel_loop3A_384 = arith.constant 0 : index
      %parallel_loop3A_385 = tpu.vector_load %arg19[%parallel_loop3A_383, %parallel_loop3A_384] {strides = array<i32>} : memref<80x128xf32, #tpu.memory_space<vmem>>, vector<1x16xf32>,
      %parallel_loop3A_386 = vector.shape_cast %parallel_loop3A_385 : vector<1x16xf32> to vector<16xf32>
      %parallel_loop3A_387 = vector.shape_cast %parallel_loop3A_382 : vector<16xf32> to vector<1x16xf32>
      tpu.vector_store %arg19[%parallel_loop3A_383, %parallel_loop3A_384], %parallel_loop3A_387 {strides = array<i32>} : memref<80x128xf32, #tpu.memory_space<vmem>>, vector<1x16xf32>,
      %parallel_loop3A_388 = arith.index_cast %parallel_loop3A_377 : i32 to index
      %parallel_loop3A_389 = arith.constant 16 : index
      %parallel_loop3A_390 = tpu.vector_load %arg19[%parallel_loop3A_388, %parallel_loop3A_389] {strides = array<i32>} : memref<80x128xf32, #tpu.memory_space<vmem>>, vector<1x16xf32>,
      %parallel_loop3A_391 = vector.shape_cast %parallel_loop3A_390 : vector<1x16xf32> to vector<16xf32>
      %parallel_loop3A_392 = arith.mulf %parallel_loop3A_391, %add3A_3 : vector<16xf32>
      %parallel_loop3A_393 = arith.index_cast %parallel_loop3A_377 : i32 to index
      %parallel_loop3A_394 = arith.constant 16 : index
      %parallel_loop3A_395 = tpu.vector_load %arg19[%parallel_loop3A_393, %parallel_loop3A_394] {strides = array<i32>} : memref<80x128xf32, #tpu.memory_space<vmem>>, vector<1x16xf32>,
      %parallel_loop3A_396 = vector.shape_cast %parallel_loop3A_395 : vector<1x16xf32> to vector<16xf32>
      %parallel_loop3A_397 = vector.shape_cast %parallel_loop3A_392 : vector<16xf32> to vector<1x16xf32>
      tpu.vector_store %arg19[%parallel_loop3A_393, %parallel_loop3A_394], %parallel_loop3A_397 {strides = array<i32>} : memref<80x128xf32, #tpu.memory_space<vmem>>, vector<1x16xf32>,
      %parallel_loop3A_398 = arith.index_cast %parallel_loop3A_377 : i32 to index
      %parallel_loop3A_399 = arith.constant 32 : index
      %parallel_loop3A_400 = tpu.vector_load %arg19[%parallel_loop3A_398, %parallel_loop3A_399] {strides = array<i32>} : memref<80x128xf32, #tpu.memory_space<vmem>>, vector<1x16xf32>,
      %parallel_loop3A_401 = vector.shape_cast %parallel_loop3A_400 : vector<1x16xf32> to vector<16xf32>
      %parallel_loop3A_402 = arith.mulf %parallel_loop3A_401, %add3A_3 : vector<16xf32>
      %parallel_loop3A_403 = arith.index_cast %parallel_loop3A_377 : i32 to index
      %parallel_loop3A_404 = arith.constant 32 : index
      %parallel_loop3A_405 = tpu.vector_load %arg19[%parallel_loop3A_403, %parallel_loop3A_404] {strides = array<i32>} : memref<80x128xf32, #tpu.memory_space<vmem>>, vector<1x16xf32>,
      %parallel_loop3A_406 = vector.shape_cast %parallel_loop3A_405 : vector<1x16xf32> to vector<16xf32>
      %parallel_loop3A_407 = vector.shape_cast %parallel_loop3A_402 : vector<16xf32> to vector<1x16xf32>
      tpu.vector_store %arg19[%parallel_loop3A_403, %parallel_loop3A_404], %parallel_loop3A_407 {strides = array<i32>} : memref<80x128xf32, #tpu.memory_space<vmem>>, vector<1x16xf32>,
      %parallel_loop3A_408 = arith.index_cast %parallel_loop3A_377 : i32 to index
      %parallel_loop3A_409 = arith.constant 48 : index
      %parallel_loop3A_410 = tpu.vector_load %arg19[%parallel_loop3A_408, %parallel_loop3A_409] {strides = array<i32>} : memref<80x128xf32, #tpu.memory_space<vmem>>, vector<1x16xf32>,
      %parallel_loop3A_411 = vector.shape_cast %parallel_loop3A_410 : vector<1x16xf32> to vector<16xf32>
      %parallel_loop3A_412 = arith.mulf %parallel_loop3A_411, %add3A_3 : vector<16xf32>
      %parallel_loop3A_413 = arith.index_cast %parallel_loop3A_377 : i32 to index
      %parallel_loop3A_414 = arith.constant 48 : index
      %parallel_loop3A_415 = tpu.vector_load %arg19[%parallel_loop3A_413, %parallel_loop3A_414] {strides = array<i32>} : memref<80x128xf32, #tpu.memory_space<vmem>>, vector<1x16xf32>,
      %parallel_loop3A_416 = vector.shape_cast %parallel_loop3A_415 : vector<1x16xf32> to vector<16xf32>
      %parallel_loop3A_417 = vector.shape_cast %parallel_loop3A_412 : vector<16xf32> to vector<1x16xf32>
      tpu.vector_store %arg19[%parallel_loop3A_413, %parallel_loop3A_414], %parallel_loop3A_417 {strides = array<i32>} : memref<80x128xf32, #tpu.memory_space<vmem>>, vector<1x16xf32>,
      %parallel_loop3A_418 = arith.index_cast %parallel_loop3A_377 : i32 to index
      %parallel_loop3A_419 = arith.constant 64 : index
      %parallel_loop3A_420 = tpu.vector_load %arg19[%parallel_loop3A_418, %parallel_loop3A_419] {strides = array<i32>} : memref<80x128xf32, #tpu.memory_space<vmem>>, vector<1x16xf32>,
      %parallel_loop3A_421 = vector.shape_cast %parallel_loop3A_420 : vector<1x16xf32> to vector<16xf32>
      %parallel_loop3A_422 = arith.mulf %parallel_loop3A_421, %add3A_3 : vector<16xf32>
      %parallel_loop3A_423 = arith.index_cast %parallel_loop3A_377 : i32 to index
      %parallel_loop3A_424 = arith.constant 64 : index
      %parallel_loop3A_425 = tpu.vector_load %arg19[%parallel_loop3A_423, %parallel_loop3A_424] {strides = array<i32>} : memref<80x128xf32, #tpu.memory_space<vmem>>, vector<1x16xf32>,
      %parallel_loop3A_426 = vector.shape_cast %parallel_loop3A_425 : vector<1x16xf32> to vector<16xf32>
      %parallel_loop3A_427 = vector.shape_cast %parallel_loop3A_422 : vector<16xf32> to vector<1x16xf32>
      tpu.vector_store %arg19[%parallel_loop3A_423, %parallel_loop3A_424], %parallel_loop3A_427 {strides = array<i32>} : memref<80x128xf32, #tpu.memory_space<vmem>>, vector<1x16xf32>,
      %parallel_loop3A_428 = arith.index_cast %parallel_loop3A_377 : i32 to index
      %parallel_loop3A_429 = arith.constant 80 : index
      %parallel_loop3A_430 = tpu.vector_load %arg19[%parallel_loop3A_428, %parallel_loop3A_429] {strides = array<i32>} : memref<80x128xf32, #tpu.memory_space<vmem>>, vector<1x16xf32>,
      %parallel_loop3A_431 = vector.shape_cast %parallel_loop3A_430 : vector<1x16xf32> to vector<16xf32>
      %parallel_loop3A_432 = arith.mulf %parallel_loop3A_431, %add3A_3 : vector<16xf32>
      %parallel_loop3A_433 = arith.index_cast %parallel_loop3A_377 : i32 to index
      %parallel_loop3A_434 = arith.constant 80 : index
      %parallel_loop3A_435 = tpu.vector_load %arg19[%parallel_loop3A_433, %parallel_loop3A_434] {strides = array<i32>} : memref<80x128xf32, #tpu.memory_space<vmem>>, vector<1x16xf32>,
      %parallel_loop3A_436 = vector.shape_cast %parallel_loop3A_435 : vector<1x16xf32> to vector<16xf32>
      %parallel_loop3A_437 = vector.shape_cast %parallel_loop3A_432 : vector<16xf32> to vector<1x16xf32>
      tpu.vector_store %arg19[%parallel_loop3A_433, %parallel_loop3A_434], %parallel_loop3A_437 {strides = array<i32>} : memref<80x128xf32, #tpu.memory_space<vmem>>, vector<1x16xf32>,
      %parallel_loop3A_438 = arith.index_cast %parallel_loop3A_377 : i32 to index
      %parallel_loop3A_439 = arith.constant 96 : index
      %parallel_loop3A_440 = tpu.vector_load %arg19[%parallel_loop3A_438, %parallel_loop3A_439] {strides = array<i32>} : memref<80x128xf32, #tpu.memory_space<vmem>>, vector<1x16xf32>,
      %parallel_loop3A_441 = vector.shape_cast %parallel_loop3A_440 : vector<1x16xf32> to vector<16xf32>
      %parallel_loop3A_442 = arith.mulf %parallel_loop3A_441, %add3A_3 : vector<16xf32>
      %parallel_loop3A_443 = arith.index_cast %parallel_loop3A_377 : i32 to index
      %parallel_loop3A_444 = arith.constant 96 : index
      %parallel_loop3A_445 = tpu.vector_load %arg19[%parallel_loop3A_443, %parallel_loop3A_444] {strides = array<i32>} : memref<80x128xf32, #tpu.memory_space<vmem>>, vector<1x16xf32>,
      %parallel_loop3A_446 = vector.shape_cast %parallel_loop3A_445 : vector<1x16xf32> to vector<16xf32>
      %parallel_loop3A_447 = vector.shape_cast %parallel_loop3A_442 : vector<16xf32> to vector<1x16xf32>
      tpu.vector_store %arg19[%parallel_loop3A_443, %parallel_loop3A_444], %parallel_loop3A_447 {strides = array<i32>} : memref<80x128xf32, #tpu.memory_space<vmem>>, vector<1x16xf32>,
      %parallel_loop3A_448 = arith.index_cast %parallel_loop3A_377 : i32 to index
      %parallel_loop3A_449 = arith.constant 112 : index
      %parallel_loop3A_450 = tpu.vector_load %arg19[%parallel_loop3A_448, %parallel_loop3A_449] {strides = array<i32>} : memref<80x128xf32, #tpu.memory_space<vmem>>, vector<1x16xf32>,
      %parallel_loop3A_451 = vector.shape_cast %parallel_loop3A_450 : vector<1x16xf32> to vector<16xf32>
      %parallel_loop3A_452 = arith.mulf %parallel_loop3A_451, %add3A_3 : vector<16xf32>
      %parallel_loop3A_453 = arith.index_cast %parallel_loop3A_377 : i32 to index
      %parallel_loop3A_454 = arith.constant 112 : index
      %parallel_loop3A_455 = tpu.vector_load %arg19[%parallel_loop3A_453, %parallel_loop3A_454] {strides = array<i32>} : memref<80x128xf32, #tpu.memory_space<vmem>>, vector<1x16xf32>,
      %parallel_loop3A_456 = vector.shape_cast %parallel_loop3A_455 : vector<1x16xf32> to vector<16xf32>
      %parallel_loop3A_457 = vector.shape_cast %parallel_loop3A_452 : vector<16xf32> to vector<1x16xf32>
      tpu.vector_store %arg19[%parallel_loop3A_453, %parallel_loop3A_454], %parallel_loop3A_457 {strides = array<i32>} : memref<80x128xf32, #tpu.memory_space<vmem>>, vector<1x16xf32>,
    } {sc.loop_unroll_factor = 4 : i64, sc.parallel_access}
    "tpu.region"() ({
      %run_scoped3A_377 = tpu.sem_alloc : memref<!tpu.dma_semaphore, #tpu.memory_space<semaphore_mem>>
      %dma_start3A_378 = arith.constant 0 : i32
      %dma_start3A_379 = arith.constant 0 : i32
      %dma_start3A_380 = tpu.memref_slice %arg19[%dma_start3A_378, %dma_start3A_379] : memref<80x128xf32, #tpu.memory_space<vmem>> -> memref<65x128xf32, #tpu.memory_space<vmem>>
      %dma_start3A_381 = arith.constant 0 : i32
      %dma_start3A_382 = tpu.memref_slice %arg11[%add3A_43, %dma_start3A_381] : memref<10000x128xf32, #tpu.memory_space<vmem_shared>> -> memref<65x128xf32, #tpu.memory_space<vmem_shared>>
      %dma_start3A_383 = arith.constant 0 : i32
      %dma_start3A_384 = tpu.memref_slice %arg11[%add3A_43, %dma_start3A_383] : memref<10000x128xf32, #tpu.memory_space<vmem_shared>> -> memref<65x128xf32, #tpu.memory_space<vmem_shared>>
      %dma_start3A_385 = arith.constant 0 : i32
      %dma_start3A_386 = arith.constant 0 : i32
      %dma_start3A_387 = tpu.memref_slice %arg19[%dma_start3A_385, %dma_start3A_386] : memref<80x128xf32, #tpu.memory_space<vmem>> -> memref<65x128xf32, #tpu.memory_space<vmem>>
      tpu.enqueue_dma source(%dma_start3A_387 : memref<65x128xf32, #tpu.memory_space<vmem>>) target(%dma_start3A_384 : memref<65x128xf32, #tpu.memory_space<vmem_shared>>) target_semaphore(%run_scoped3A_377 : memref<!tpu.dma_semaphore, #tpu.memory_space<semaphore_mem>>)
      %dma_wait3A_388 = arith.constant 0 : i32
      %dma_wait3A_389 = arith.constant 0 : i32
      %dma_wait3A_390 = tpu.memref_slice %arg19[%dma_wait3A_388, %dma_wait3A_389] : memref<80x128xf32, #tpu.memory_space<vmem>> -> memref<65x128xf32, #tpu.memory_space<vmem>>
      %dma_wait3A_391 = arith.constant 0 : i32
      %dma_wait3A_392 = tpu.memref_slice %arg11[%add3A_43, %dma_wait3A_391] : memref<10000x128xf32, #tpu.memory_space<vmem_shared>> -> memref<65x128xf32, #tpu.memory_space<vmem_shared>>
      %dma_wait3A_393 = arith.constant 0 : i32
      %dma_wait3A_394 = tpu.memref_slice %arg11[%add3A_43, %dma_wait3A_393] : memref<10000x128xf32, #tpu.memory_space<vmem_shared>> -> memref<65x128xf32, #tpu.memory_space<vmem_shared>>
      %dma_wait3A_395 = arith.constant 0 : i32
      %dma_wait3A_396 = arith.constant 0 : i32
      %dma_wait3A_397 = tpu.memref_slice %arg19[%dma_wait3A_395, %dma_wait3A_396] : memref<80x128xf32, #tpu.memory_space<vmem>> -> memref<65x128xf32, #tpu.memory_space<vmem>>
      tpu.wait_dma2 semaphore(%run_scoped3A_377 : memref<!tpu.dma_semaphore, #tpu.memory_space<semaphore_mem>>) src(%dma_wait3A_397 : memref<65x128xf32, #tpu.memory_space<vmem>>) dst(%dma_wait3A_394 : memref<65x128xf32, #tpu.memory_space<vmem_shared>>)
      tpu.yield
    }) : () -> ()
    %barrier3A = arith.constant 0 : index
    tpu.barrier barrier_id(%barrier3A)
    %mul3A_47 = arith.constant 10000 : i32
    %mul3A_48 = arith.muli %arg1, %mul3A_47 : i32
    %run_scoped3A = arith.constant 0 : i32
    "tpu.region"() ({
      %run_scoped3A_377 = tpu.sem_alloc : memref<!tpu.dma_semaphore, #tpu.memory_space<semaphore_mem>>
      %dma_start3A_378 = arith.constant 0 : i32
      %dma_start3A_379 = tpu.memref_slice %arg13[%run_scoped3A, %dma_start3A_378] : memref<3x80xi32, #tpu.memory_space<vmem>> -> memref<1x80xi32, #tpu.memory_space<vmem>>
      %dma_start3A_380 = tpu.memref_squeeze %dma_start3A_379 : memref<1x80xi32, #tpu.memory_space<vmem>> -> memref<80xi32, #tpu.memory_space<vmem>>
      %dma_start3A_381 = tpu.memref_slice %arg4[%mul3A_48] : memref<160000xi32, #tpu.memory_space<hbm>> -> memref<80xi32, #tpu.memory_space<hbm>>
      %dma_start3A_382 = arith.constant 0 : i32
      %dma_start3A_383 = tpu.memref_slice %arg13[%run_scoped3A, %dma_start3A_382] : memref<3x80xi32, #tpu.memory_space<vmem>> -> memref<1x80xi32, #tpu.memory_space<vmem>>
      %dma_start3A_384 = tpu.memref_squeeze %dma_start3A_383 : memref<1x80xi32, #tpu.memory_space<vmem>> -> memref<80xi32, #tpu.memory_space<vmem>>
      %dma_start3A_385 = tpu.memref_slice %arg4[%mul3A_48] : memref<160000xi32, #tpu.memory_space<hbm>> -> memref<80xi32, #tpu.memory_space<hbm>>
      tpu.enqueue_dma source(%dma_start3A_385 : memref<80xi32, #tpu.memory_space<hbm>>) target(%dma_start3A_384 : memref<80xi32, #tpu.memory_space<vmem>>) target_semaphore(%run_scoped3A_377 : memref<!tpu.dma_semaphore, #tpu.memory_space<semaphore_mem>>)
      %dma_wait3A_386 = arith.constant 0 : i32
      %dma_wait3A_387 = tpu.memref_slice %arg13[%run_scoped3A, %dma_wait3A_386] : memref<3x80xi32, #tpu.memory_space<vmem>> -> memref<1x80xi32, #tpu.memory_space<vmem>>
      %dma_wait3A_388 = tpu.memref_squeeze %dma_wait3A_387 : memref<1x80xi32, #tpu.memory_space<vmem>> -> memref<80xi32, #tpu.memory_space<vmem>>
      %dma_wait3A_389 = tpu.memref_slice %arg4[%mul3A_48] : memref<160000xi32, #tpu.memory_space<hbm>> -> memref<80xi32, #tpu.memory_space<hbm>>
      %dma_wait3A_390 = arith.constant 0 : i32
      %dma_wait3A_391 = tpu.memref_slice %arg13[%run_scoped3A, %dma_wait3A_390] : memref<3x80xi32, #tpu.memory_space<vmem>> -> memref<1x80xi32, #tpu.memory_space<vmem>>
      %dma_wait3A_392 = tpu.memref_squeeze %dma_wait3A_391 : memref<1x80xi32, #tpu.memory_space<vmem>> -> memref<80xi32, #tpu.memory_space<vmem>>
      %dma_wait3A_393 = tpu.memref_slice %arg4[%mul3A_48] : memref<160000xi32, #tpu.memory_space<hbm>> -> memref<80xi32, #tpu.memory_space<hbm>>
      tpu.wait_dma2 semaphore(%run_scoped3A_377 : memref<!tpu.dma_semaphore, #tpu.memory_space<semaphore_mem>>) src(%dma_wait3A_393 : memref<80xi32, #tpu.memory_space<hbm>>) dst(%dma_wait3A_392 : memref<80xi32, #tpu.memory_space<vmem>>)
      tpu.yield
    }) : () -> ()
    %run_scoped3A_49 = arith.constant 1 : i32
    "tpu.region"() ({
      %run_scoped3A_377 = tpu.sem_alloc : memref<!tpu.dma_semaphore, #tpu.memory_space<semaphore_mem>>
      %dma_start3A_378 = arith.constant 0 : i32
      %dma_start3A_379 = tpu.memref_slice %arg13[%run_scoped3A_49, %dma_start3A_378] : memref<3x80xi32, #tpu.memory_space<vmem>> -> memref<1x80xi32, #tpu.memory_space<vmem>>
      %dma_start3A_380 = tpu.memref_squeeze %dma_start3A_379 : memref<1x80xi32, #tpu.memory_space<vmem>> -> memref<80xi32, #tpu.memory_space<vmem>>
      %dma_start3A_381 = tpu.memref_slice %arg5[%mul3A_48] : memref<160000xi32, #tpu.memory_space<hbm>> -> memref<80xi32, #tpu.memory_space<hbm>>
      %dma_start3A_382 = arith.constant 0 : i32
      %dma_start3A_383 = tpu.memref_slice %arg13[%run_scoped3A_49, %dma_start3A_382] : memref<3x80xi32, #tpu.memory_space<vmem>> -> memref<1x80xi32, #tpu.memory_space<vmem>>
      %dma_start3A_384 = tpu.memref_squeeze %dma_start3A_383 : memref<1x80xi32, #tpu.memory_space<vmem>> -> memref<80xi32, #tpu.memory_space<vmem>>
      %dma_start3A_385 = tpu.memref_slice %arg5[%mul3A_48] : memref<160000xi32, #tpu.memory_space<hbm>> -> memref<80xi32, #tpu.memory_space<hbm>>
      tpu.enqueue_dma source(%dma_start3A_385 : memref<80xi32, #tpu.memory_space<hbm>>) target(%dma_start3A_384 : memref<80xi32, #tpu.memory_space<vmem>>) target_semaphore(%run_scoped3A_377 : memref<!tpu.dma_semaphore, #tpu.memory_space<semaphore_mem>>)
      %dma_wait3A_386 = arith.constant 0 : i32
      %dma_wait3A_387 = tpu.memref_slice %arg13[%run_scoped3A_49, %dma_wait3A_386] : memref<3x80xi32, #tpu.memory_space<vmem>> -> memref<1x80xi32, #tpu.memory_space<vmem>>
      %dma_wait3A_388 = tpu.memref_squeeze %dma_wait3A_387 : memref<1x80xi32, #tpu.memory_space<vmem>> -> memref<80xi32, #tpu.memory_space<vmem>>
      %dma_wait3A_389 = tpu.memref_slice %arg5[%mul3A_48] : memref<160000xi32, #tpu.memory_space<hbm>> -> memref<80xi32, #tpu.memory_space<hbm>>
      %dma_wait3A_390 = arith.constant 0 : i32
      %dma_wait3A_391 = tpu.memref_slice %arg13[%run_scoped3A_49, %dma_wait3A_390] : memref<3x80xi32, #tpu.memory_space<vmem>> -> memref<1x80xi32, #tpu.memory_space<vmem>>
      %dma_wait3A_392 = tpu.memref_squeeze %dma_wait3A_391 : memref<1x80xi32, #tpu.memory_space<vmem>> -> memref<80xi32, #tpu.memory_space<vmem>>
      %dma_wait3A_393 = tpu.memref_slice %arg5[%mul3A_48] : memref<160000xi32, #tpu.memory_space<hbm>> -> memref<80xi32, #tpu.memory_space<hbm>>
      tpu.wait_dma2 semaphore(%run_scoped3A_377 : memref<!tpu.dma_semaphore, #tpu.memory_space<semaphore_mem>>) src(%dma_wait3A_393 : memref<80xi32, #tpu.memory_space<hbm>>) dst(%dma_wait3A_392 : memref<80xi32, #tpu.memory_space<vmem>>)
      tpu.yield
    }) : () -> ()
    %run_scoped3A_50 = arith.constant 2 : i32
    "tpu.region"() ({
      %run_scoped3A_377 = tpu.sem_alloc : memref<!tpu.dma_semaphore, #tpu.memory_space<semaphore_mem>>
      %dma_start3A_378 = arith.constant 0 : i32
      %dma_start3A_379 = tpu.memref_slice %arg13[%run_scoped3A_50, %dma_start3A_378] : memref<3x80xi32, #tpu.memory_space<vmem>> -> memref<1x80xi32, #tpu.memory_space<vmem>>
      %dma_start3A_380 = tpu.memref_squeeze %dma_start3A_379 : memref<1x80xi32, #tpu.memory_space<vmem>> -> memref<80xi32, #tpu.memory_space<vmem>>
      %dma_start3A_381 = tpu.memref_slice %arg6[%mul3A_48] : memref<160000xi32, #tpu.memory_space<hbm>> -> memref<80xi32, #tpu.memory_space<hbm>>
      %dma_start3A_382 = arith.constant 0 : i32
      %dma_start3A_383 = tpu.memref_slice %arg13[%run_scoped3A_50, %dma_start3A_382] : memref<3x80xi32, #tpu.memory_space<vmem>> -> memref<1x80xi32, #tpu.memory_space<vmem>>
      %dma_start3A_384 = tpu.memref_squeeze %dma_start3A_383 : memref<1x80xi32, #tpu.memory_space<vmem>> -> memref<80xi32, #tpu.memory_space<vmem>>
      %dma_start3A_385 = tpu.memref_slice %arg6[%mul3A_48] : memref<160000xi32, #tpu.memory_space<hbm>> -> memref<80xi32, #tpu.memory_space<hbm>>
      tpu.enqueue_dma source(%dma_start3A_385 : memref<80xi32, #tpu.memory_space<hbm>>) target(%dma_start3A_384 : memref<80xi32, #tpu.memory_space<vmem>>) target_semaphore(%run_scoped3A_377 : memref<!tpu.dma_semaphore, #tpu.memory_space<semaphore_mem>>)
      %dma_wait3A_386 = arith.constant 0 : i32
      %dma_wait3A_387 = tpu.memref_slice %arg13[%run_scoped3A_50, %dma_wait3A_386] : memref<3x80xi32, #tpu.memory_space<vmem>> -> memref<1x80xi32, #tpu.memory_space<vmem>>
      %dma_wait3A_388 = tpu.memref_squeeze %dma_wait3A_387 : memref<1x80xi32, #tpu.memory_space<vmem>> -> memref<80xi32, #tpu.memory_space<vmem>>
      %dma_wait3A_389 = tpu.memref_slice %arg6[%mul3A_48] : memref<160000xi32, #tpu.memory_space<hbm>> -> memref<80xi32, #tpu.memory_space<hbm>>
      %dma_wait3A_390 = arith.constant 0 : i32
      %dma_wait3A_391 = tpu.memref_slice %arg13[%run_scoped3A_50, %dma_wait3A_390] : memref<3x80xi32, #tpu.memory_space<vmem>> -> memref<1x80xi32, #tpu.memory_space<vmem>>
      %dma_wait3A_392 = tpu.memref_squeeze %dma_wait3A_391 : memref<1x80xi32, #tpu.memory_space<vmem>> -> memref<80xi32, #tpu.memory_space<vmem>>
      %dma_wait3A_393 = tpu.memref_slice %arg6[%mul3A_48] : memref<160000xi32, #tpu.memory_space<hbm>> -> memref<80xi32, #tpu.memory_space<hbm>>
      tpu.wait_dma2 semaphore(%run_scoped3A_377 : memref<!tpu.dma_semaphore, #tpu.memory_space<semaphore_mem>>) src(%dma_wait3A_393 : memref<80xi32, #tpu.memory_space<hbm>>) dst(%dma_wait3A_392 : memref<80xi32, #tpu.memory_space<vmem>>)
      tpu.yield
    }) : () -> ()
    %get3A_51 = arith.constant 0 : i32
    %get3A_52 = arith.index_cast %get3A_51 : i32 to index
    %get3A_53 = arith.constant 0 : index
    %get3A_54 = tpu.vector_load %arg13[%get3A_52, %get3A_53] {strides = array<i32>} : memref<3x80xi32, #tpu.memory_space<vmem>>, vector<1x16xi32>,
    %get3A_55 = vector.shape_cast %get3A_54 : vector<1x16xi32> to vector<16xi32>
    %mul3A_56 = arith.constant 2 : i32
    %mul3A_57 = vector.broadcast %mul3A_56 : i32 to vector<16xi32>
    %mul3A_58 = arith.muli %get3A_55, %mul3A_57 : vector<16xi32>
    %add3A_59 = vector.broadcast %arg0 : i32 to vector<16xi32>
    %add3A_60 = arith.addi %mul3A_58, %add3A_59 : vector<16xi32>
    %swap3A = arith.constant 0 : i32
    %swap3A_61 = arith.index_cast %swap3A : i32 to index
    %swap3A_62 = arith.constant 0 : index
    %swap3A_63 = tpu.vector_load %arg15[%swap3A_61, %swap3A_62] {strides = array<i32>} : memref<2x80xi32, #tpu.memory_space<vmem>>, vector<1x16xi32>,
    %swap3A_64 = vector.shape_cast %swap3A_63 : vector<1x16xi32> to vector<16xi32>
    %swap3A_65 = vector.shape_cast %add3A_60 : vector<16xi32> to vector<1x16xi32>
    tpu.vector_store %arg15[%swap3A_61, %swap3A_62], %swap3A_65 {strides = array<i32>} : memref<2x80xi32, #tpu.memory_space<vmem>>, vector<1x16xi32>,
    %get3A_66 = arith.constant 2 : i32
    %get3A_67 = arith.index_cast %get3A_66 : i32 to index
    %get3A_68 = arith.constant 0 : index
    %get3A_69 = tpu.vector_load %arg13[%get3A_67, %get3A_68] {strides = array<i32>} : memref<3x80xi32, #tpu.memory_space<vmem>>, vector<1x16xi32>,
    %get3A_70 = vector.shape_cast %get3A_69 : vector<1x16xi32> to vector<16xi32>
    %mul3A_71 = arith.constant 2 : i32
    %mul3A_72 = vector.broadcast %mul3A_71 : i32 to vector<16xi32>
    %mul3A_73 = arith.muli %get3A_70, %mul3A_72 : vector<16xi32>
    %add3A_74 = vector.broadcast %arg0 : i32 to vector<16xi32>
    %add3A_75 = arith.addi %mul3A_73, %add3A_74 : vector<16xi32>
    %swap3A_76 = arith.constant 1 : i32
    %swap3A_77 = arith.index_cast %swap3A_76 : i32 to index
    %swap3A_78 = arith.constant 0 : index
    %swap3A_79 = tpu.vector_load %arg15[%swap3A_77, %swap3A_78] {strides = array<i32>} : memref<2x80xi32, #tpu.memory_space<vmem>>, vector<1x16xi32>,
    %swap3A_80 = vector.shape_cast %swap3A_79 : vector<1x16xi32> to vector<16xi32>
    %swap3A_81 = vector.shape_cast %add3A_75 : vector<16xi32> to vector<1x16xi32>
    tpu.vector_store %arg15[%swap3A_77, %swap3A_78], %swap3A_81 {strides = array<i32>} : memref<2x80xi32, #tpu.memory_space<vmem>>, vector<1x16xi32>,
    %get3A_82 = arith.constant 1 : i32
    %get3A_83 = arith.index_cast %get3A_82 : i32 to index
    %get3A_84 = arith.constant 0 : index
    %get3A_85 = tpu.vector_load %arg13[%get3A_83, %get3A_84] {strides = array<i32>} : memref<3x80xi32, #tpu.memory_space<vmem>>, vector<1x16xi32>,
    %get3A_86 = vector.shape_cast %get3A_85 : vector<1x16xi32> to vector<16xi32>
    %swap3A_87 = arith.constant 0 : index
    %swap3A_88 = tpu.vector_load %arg17[%swap3A_87] {strides = array<i32>} : memref<80xi32, #tpu.memory_space<vmem>>, vector<16xi32>,
    %swap3A_89 = vector.shape_cast %swap3A_88 : vector<16xi32> to vector<16xi32>
    %swap3A_90 = vector.shape_cast %get3A_86 : vector<16xi32> to vector<16xi32>
    tpu.vector_store %arg17[%swap3A_87], %swap3A_90 {strides = array<i32>} : memref<80xi32, #tpu.memory_space<vmem>>, vector<16xi32>,
    %get3A_91 = arith.constant 0 : i32
    %get3A_92 = arith.index_cast %get3A_91 : i32 to index
    %get3A_93 = arith.constant 16 : index
    %get3A_94 = tpu.vector_load %arg13[%get3A_92, %get3A_93] {strides = array<i32>} : memref<3x80xi32, #tpu.memory_space<vmem>>, vector<1x16xi32>,
    %get3A_95 = vector.shape_cast %get3A_94 : vector<1x16xi32> to vector<16xi32>
    %mul3A_96 = arith.constant 2 : i32
    %mul3A_97 = vector.broadcast %mul3A_96 : i32 to vector<16xi32>
    %mul3A_98 = arith.muli %get3A_95, %mul3A_97 : vector<16xi32>
    %add3A_99 = vector.broadcast %arg0 : i32 to vector<16xi32>
    %add3A_100 = arith.addi %mul3A_98, %add3A_99 : vector<16xi32>
    %swap3A_101 = arith.constant 0 : i32
    %swap3A_102 = arith.index_cast %swap3A_101 : i32 to index
    %swap3A_103 = arith.constant 16 : index
    %swap3A_104 = tpu.vector_load %arg15[%swap3A_102, %swap3A_103] {strides = array<i32>} : memref<2x80xi32, #tpu.memory_space<vmem>>, vector<1x16xi32>,
    %swap3A_105 = vector.shape_cast %swap3A_104 : vector<1x16xi32> to vector<16xi32>
    %swap3A_106 = vector.shape_cast %add3A_100 : vector<16xi32> to vector<1x16xi32>
    tpu.vector_store %arg15[%swap3A_102, %swap3A_103], %swap3A_106 {strides = array<i32>} : memref<2x80xi32, #tpu.memory_space<vmem>>, vector<1x16xi32>,
    %get3A_107 = arith.constant 2 : i32
    %get3A_108 = arith.index_cast %get3A_107 : i32 to index
    %get3A_109 = arith.constant 16 : index
    %get3A_110 = tpu.vector_load %arg13[%get3A_108, %get3A_109] {strides = array<i32>} : memref<3x80xi32, #tpu.memory_space<vmem>>, vector<1x16xi32>,
    %get3A_111 = vector.shape_cast %get3A_110 : vector<1x16xi32> to vector<16xi32>
    %mul3A_112 = arith.constant 2 : i32
    %mul3A_113 = vector.broadcast %mul3A_112 : i32 to vector<16xi32>
    %mul3A_114 = arith.muli %get3A_111, %mul3A_113 : vector<16xi32>
    %add3A_115 = vector.broadcast %arg0 : i32 to vector<16xi32>
    %add3A_116 = arith.addi %mul3A_114, %add3A_115 : vector<16xi32>
    %swap3A_117 = arith.constant 1 : i32
    %swap3A_118 = arith.index_cast %swap3A_117 : i32 to index
    %swap3A_119 = arith.constant 16 : index
    %swap3A_120 = tpu.vector_load %arg15[%swap3A_118, %swap3A_119] {strides = array<i32>} : memref<2x80xi32, #tpu.memory_space<vmem>>, vector<1x16xi32>,
    %swap3A_121 = vector.shape_cast %swap3A_120 : vector<1x16xi32> to vector<16xi32>
    %swap3A_122 = vector.shape_cast %add3A_116 : vector<16xi32> to vector<1x16xi32>
    tpu.vector_store %arg15[%swap3A_118, %swap3A_119], %swap3A_122 {strides = array<i32>} : memref<2x80xi32, #tpu.memory_space<vmem>>, vector<1x16xi32>,
    %get3A_123 = arith.constant 1 : i32
    %get3A_124 = arith.index_cast %get3A_123 : i32 to index
    %get3A_125 = arith.constant 16 : index
    %get3A_126 = tpu.vector_load %arg13[%get3A_124, %get3A_125] {strides = array<i32>} : memref<3x80xi32, #tpu.memory_space<vmem>>, vector<1x16xi32>,
    %get3A_127 = vector.shape_cast %get3A_126 : vector<1x16xi32> to vector<16xi32>
    %swap3A_128 = arith.constant 16 : index
    %swap3A_129 = tpu.vector_load %arg17[%swap3A_128] {strides = array<i32>} : memref<80xi32, #tpu.memory_space<vmem>>, vector<16xi32>,
    %swap3A_130 = vector.shape_cast %swap3A_129 : vector<16xi32> to vector<16xi32>
    %swap3A_131 = vector.shape_cast %get3A_127 : vector<16xi32> to vector<16xi32>
    tpu.vector_store %arg17[%swap3A_128], %swap3A_131 {strides = array<i32>} : memref<80xi32, #tpu.memory_space<vmem>>, vector<16xi32>,
    %get3A_132 = arith.constant 0 : i32
    %get3A_133 = arith.index_cast %get3A_132 : i32 to index
    %get3A_134 = arith.constant 32 : index
    %get3A_135 = tpu.vector_load %arg13[%get3A_133, %get3A_134] {strides = array<i32>} : memref<3x80xi32, #tpu.memory_space<vmem>>, vector<1x16xi32>,
    %get3A_136 = vector.shape_cast %get3A_135 : vector<1x16xi32> to vector<16xi32>
    %mul3A_137 = arith.constant 2 : i32
    %mul3A_138 = vector.broadcast %mul3A_137 : i32 to vector<16xi32>
    %mul3A_139 = arith.muli %get3A_136, %mul3A_138 : vector<16xi32>
    %add3A_140 = vector.broadcast %arg0 : i32 to vector<16xi32>
    %add3A_141 = arith.addi %mul3A_139, %add3A_140 : vector<16xi32>
    %swap3A_142 = arith.constant 0 : i32
    %swap3A_143 = arith.index_cast %swap3A_142 : i32 to index
    %swap3A_144 = arith.constant 32 : index
    %swap3A_145 = tpu.vector_load %arg15[%swap3A_143, %swap3A_144] {strides = array<i32>} : memref<2x80xi32, #tpu.memory_space<vmem>>, vector<1x16xi32>,
    %swap3A_146 = vector.shape_cast %swap3A_145 : vector<1x16xi32> to vector<16xi32>
    %swap3A_147 = vector.shape_cast %add3A_141 : vector<16xi32> to vector<1x16xi32>
    tpu.vector_store %arg15[%swap3A_143, %swap3A_144], %swap3A_147 {strides = array<i32>} : memref<2x80xi32, #tpu.memory_space<vmem>>, vector<1x16xi32>,
    %get3A_148 = arith.constant 2 : i32
    %get3A_149 = arith.index_cast %get3A_148 : i32 to index
    %get3A_150 = arith.constant 32 : index
    %get3A_151 = tpu.vector_load %arg13[%get3A_149, %get3A_150] {strides = array<i32>} : memref<3x80xi32, #tpu.memory_space<vmem>>, vector<1x16xi32>,
    %get3A_152 = vector.shape_cast %get3A_151 : vector<1x16xi32> to vector<16xi32>
    %mul3A_153 = arith.constant 2 : i32
    %mul3A_154 = vector.broadcast %mul3A_153 : i32 to vector<16xi32>
    %mul3A_155 = arith.muli %get3A_152, %mul3A_154 : vector<16xi32>
    %add3A_156 = vector.broadcast %arg0 : i32 to vector<16xi32>
    %add3A_157 = arith.addi %mul3A_155, %add3A_156 : vector<16xi32>
    %swap3A_158 = arith.constant 1 : i32
    %swap3A_159 = arith.index_cast %swap3A_158 : i32 to index
    %swap3A_160 = arith.constant 32 : index
    %swap3A_161 = tpu.vector_load %arg15[%swap3A_159, %swap3A_160] {strides = array<i32>} : memref<2x80xi32, #tpu.memory_space<vmem>>, vector<1x16xi32>,
    %swap3A_162 = vector.shape_cast %swap3A_161 : vector<1x16xi32> to vector<16xi32>
    %swap3A_163 = vector.shape_cast %add3A_157 : vector<16xi32> to vector<1x16xi32>
    tpu.vector_store %arg15[%swap3A_159, %swap3A_160], %swap3A_163 {strides = array<i32>} : memref<2x80xi32, #tpu.memory_space<vmem>>, vector<1x16xi32>,
    %get3A_164 = arith.constant 1 : i32
    %get3A_165 = arith.index_cast %get3A_164 : i32 to index
    %get3A_166 = arith.constant 32 : index
    %get3A_167 = tpu.vector_load %arg13[%get3A_165, %get3A_166] {strides = array<i32>} : memref<3x80xi32, #tpu.memory_space<vmem>>, vector<1x16xi32>,
    %get3A_168 = vector.shape_cast %get3A_167 : vector<1x16xi32> to vector<16xi32>
    %swap3A_169 = arith.constant 32 : index
    %swap3A_170 = tpu.vector_load %arg17[%swap3A_169] {strides = array<i32>} : memref<80xi32, #tpu.memory_space<vmem>>, vector<16xi32>,
    %swap3A_171 = vector.shape_cast %swap3A_170 : vector<16xi32> to vector<16xi32>
    %swap3A_172 = vector.shape_cast %get3A_168 : vector<16xi32> to vector<16xi32>
    tpu.vector_store %arg17[%swap3A_169], %swap3A_172 {strides = array<i32>} : memref<80xi32, #tpu.memory_space<vmem>>, vector<16xi32>,
    %get3A_173 = arith.constant 0 : i32
    %get3A_174 = arith.index_cast %get3A_173 : i32 to index
    %get3A_175 = arith.constant 48 : index
    %get3A_176 = tpu.vector_load %arg13[%get3A_174, %get3A_175] {strides = array<i32>} : memref<3x80xi32, #tpu.memory_space<vmem>>, vector<1x16xi32>,
    %get3A_177 = vector.shape_cast %get3A_176 : vector<1x16xi32> to vector<16xi32>
    %mul3A_178 = arith.constant 2 : i32
    %mul3A_179 = vector.broadcast %mul3A_178 : i32 to vector<16xi32>
    %mul3A_180 = arith.muli %get3A_177, %mul3A_179 : vector<16xi32>
    %add3A_181 = vector.broadcast %arg0 : i32 to vector<16xi32>
    %add3A_182 = arith.addi %mul3A_180, %add3A_181 : vector<16xi32>
    %swap3A_183 = arith.constant 0 : i32
    %swap3A_184 = arith.index_cast %swap3A_183 : i32 to index
    %swap3A_185 = arith.constant 48 : index
    %swap3A_186 = tpu.vector_load %arg15[%swap3A_184, %swap3A_185] {strides = array<i32>} : memref<2x80xi32, #tpu.memory_space<vmem>>, vector<1x16xi32>,
    %swap3A_187 = vector.shape_cast %swap3A_186 : vector<1x16xi32> to vector<16xi32>
    %swap3A_188 = vector.shape_cast %add3A_182 : vector<16xi32> to vector<1x16xi32>
    tpu.vector_store %arg15[%swap3A_184, %swap3A_185], %swap3A_188 {strides = array<i32>} : memref<2x80xi32, #tpu.memory_space<vmem>>, vector<1x16xi32>,
    %get3A_189 = arith.constant 2 : i32
    %get3A_190 = arith.index_cast %get3A_189 : i32 to index
    %get3A_191 = arith.constant 48 : index
    %get3A_192 = tpu.vector_load %arg13[%get3A_190, %get3A_191] {strides = array<i32>} : memref<3x80xi32, #tpu.memory_space<vmem>>, vector<1x16xi32>,
    %get3A_193 = vector.shape_cast %get3A_192 : vector<1x16xi32> to vector<16xi32>
    %mul3A_194 = arith.constant 2 : i32
    %mul3A_195 = vector.broadcast %mul3A_194 : i32 to vector<16xi32>
    %mul3A_196 = arith.muli %get3A_193, %mul3A_195 : vector<16xi32>
    %add3A_197 = vector.broadcast %arg0 : i32 to vector<16xi32>
    %add3A_198 = arith.addi %mul3A_196, %add3A_197 : vector<16xi32>
    %swap3A_199 = arith.constant 1 : i32
    %swap3A_200 = arith.index_cast %swap3A_199 : i32 to index
    %swap3A_201 = arith.constant 48 : index
    %swap3A_202 = tpu.vector_load %arg15[%swap3A_200, %swap3A_201] {strides = array<i32>} : memref<2x80xi32, #tpu.memory_space<vmem>>, vector<1x16xi32>,
    %swap3A_203 = vector.shape_cast %swap3A_202 : vector<1x16xi32> to vector<16xi32>
    %swap3A_204 = vector.shape_cast %add3A_198 : vector<16xi32> to vector<1x16xi32>
    tpu.vector_store %arg15[%swap3A_200, %swap3A_201], %swap3A_204 {strides = array<i32>} : memref<2x80xi32, #tpu.memory_space<vmem>>, vector<1x16xi32>,
    %get3A_205 = arith.constant 1 : i32
    %get3A_206 = arith.index_cast %get3A_205 : i32 to index
    %get3A_207 = arith.constant 48 : index
    %get3A_208 = tpu.vector_load %arg13[%get3A_206, %get3A_207] {strides = array<i32>} : memref<3x80xi32, #tpu.memory_space<vmem>>, vector<1x16xi32>,
    %get3A_209 = vector.shape_cast %get3A_208 : vector<1x16xi32> to vector<16xi32>
    %swap3A_210 = arith.constant 48 : index
    %swap3A_211 = tpu.vector_load %arg17[%swap3A_210] {strides = array<i32>} : memref<80xi32, #tpu.memory_space<vmem>>, vector<16xi32>,
    %swap3A_212 = vector.shape_cast %swap3A_211 : vector<16xi32> to vector<16xi32>
    %swap3A_213 = vector.shape_cast %get3A_209 : vector<16xi32> to vector<16xi32>
    tpu.vector_store %arg17[%swap3A_210], %swap3A_213 {strides = array<i32>} : memref<80xi32, #tpu.memory_space<vmem>>, vector<16xi32>,
    %get3A_214 = arith.constant 0 : i32
    %get3A_215 = arith.index_cast %get3A_214 : i32 to index
    %get3A_216 = arith.constant 64 : index
    %get3A_217 = tpu.vector_load %arg13[%get3A_215, %get3A_216] {strides = array<i32>} : memref<3x80xi32, #tpu.memory_space<vmem>>, vector<1x16xi32>,
    %get3A_218 = vector.shape_cast %get3A_217 : vector<1x16xi32> to vector<16xi32>
    %mul3A_219 = arith.constant 2 : i32
    %mul3A_220 = vector.broadcast %mul3A_219 : i32 to vector<16xi32>
    %mul3A_221 = arith.muli %get3A_218, %mul3A_220 : vector<16xi32>
    %add3A_222 = vector.broadcast %arg0 : i32 to vector<16xi32>
    %add3A_223 = arith.addi %mul3A_221, %add3A_222 : vector<16xi32>
    %swap3A_224 = arith.constant 0 : i32
    %swap3A_225 = arith.index_cast %swap3A_224 : i32 to index
    %swap3A_226 = arith.constant 64 : index
    %swap3A_227 = tpu.vector_load %arg15[%swap3A_225, %swap3A_226] {strides = array<i32>} : memref<2x80xi32, #tpu.memory_space<vmem>>, vector<1x16xi32>,
    %swap3A_228 = vector.shape_cast %swap3A_227 : vector<1x16xi32> to vector<16xi32>
    %swap3A_229 = vector.shape_cast %add3A_223 : vector<16xi32> to vector<1x16xi32>
    tpu.vector_store %arg15[%swap3A_225, %swap3A_226], %swap3A_229 {strides = array<i32>} : memref<2x80xi32, #tpu.memory_space<vmem>>, vector<1x16xi32>,
    %get3A_230 = arith.constant 2 : i32
    %get3A_231 = arith.index_cast %get3A_230 : i32 to index
    %get3A_232 = arith.constant 64 : index
    %get3A_233 = tpu.vector_load %arg13[%get3A_231, %get3A_232] {strides = array<i32>} : memref<3x80xi32, #tpu.memory_space<vmem>>, vector<1x16xi32>,
    %get3A_234 = vector.shape_cast %get3A_233 : vector<1x16xi32> to vector<16xi32>
    %mul3A_235 = arith.constant 2 : i32
    %mul3A_236 = vector.broadcast %mul3A_235 : i32 to vector<16xi32>
    %mul3A_237 = arith.muli %get3A_234, %mul3A_236 : vector<16xi32>
    %add3A_238 = vector.broadcast %arg0 : i32 to vector<16xi32>
    %add3A_239 = arith.addi %mul3A_237, %add3A_238 : vector<16xi32>
    %swap3A_240 = arith.constant 1 : i32
    %swap3A_241 = arith.index_cast %swap3A_240 : i32 to index
    %swap3A_242 = arith.constant 64 : index
    %swap3A_243 = tpu.vector_load %arg15[%swap3A_241, %swap3A_242] {strides = array<i32>} : memref<2x80xi32, #tpu.memory_space<vmem>>, vector<1x16xi32>,
    %swap3A_244 = vector.shape_cast %swap3A_243 : vector<1x16xi32> to vector<16xi32>
    %swap3A_245 = vector.shape_cast %add3A_239 : vector<16xi32> to vector<1x16xi32>
    tpu.vector_store %arg15[%swap3A_241, %swap3A_242], %swap3A_245 {strides = array<i32>} : memref<2x80xi32, #tpu.memory_space<vmem>>, vector<1x16xi32>,
    %get3A_246 = arith.constant 1 : i32
    %get3A_247 = arith.index_cast %get3A_246 : i32 to index
    %get3A_248 = arith.constant 64 : index
    %get3A_249 = tpu.vector_load %arg13[%get3A_247, %get3A_248] {strides = array<i32>} : memref<3x80xi32, #tpu.memory_space<vmem>>, vector<1x16xi32>,
    %get3A_250 = vector.shape_cast %get3A_249 : vector<1x16xi32> to vector<16xi32>
    %swap3A_251 = arith.constant 64 : index
    %swap3A_252 = tpu.vector_load %arg17[%swap3A_251] {strides = array<i32>} : memref<80xi32, #tpu.memory_space<vmem>>, vector<16xi32>,
    %swap3A_253 = vector.shape_cast %swap3A_252 : vector<16xi32> to vector<16xi32>
    %swap3A_254 = vector.shape_cast %get3A_250 : vector<16xi32> to vector<16xi32>
    tpu.vector_store %arg17[%swap3A_251], %swap3A_254 {strides = array<i32>} : memref<80xi32, #tpu.memory_space<vmem>>, vector<16xi32>,
    %dma_start3A = arith.constant 0 : i32
    %dma_start3A_255 = arith.constant 0 : i32
    %dma_start3A_256 = tpu.memref_slice %arg15[%dma_start3A, %dma_start3A_255] : memref<2x80xi32, #tpu.memory_space<vmem>> -> memref<1x80xi32, #tpu.memory_space<vmem>>
    %dma_start3A_257 = tpu.memref_squeeze %dma_start3A_256 : memref<1x80xi32, #tpu.memory_space<vmem>> -> memref<80xi32, #tpu.memory_space<vmem>>
    %dma_start3A_258 = arith.constant 0 : i32
    %dma_start3A_259 = arith.constant 0 : i32
    %dma_start3A_260 = tpu.memref_slice %arg3[%dma_start3A_258, %dma_start3A_259] : memref<20000x128xf32, #tpu.memory_space<hbm>> -> memref<20000x128xf32, #tpu.memory_space<hbm>>
    tpu.enqueue_indirect_dma source(%dma_start3A_260 : memref<20000x128xf32, #tpu.memory_space<hbm>>) target(%arg19 : memref<80x128xf32, #tpu.memory_space<vmem>>) offsets(%dma_start3A_257 : memref<80xi32, #tpu.memory_space<vmem>>) semaphore(%arg26 : memref<!tpu.dma_semaphore, #tpu.memory_space<semaphore_mem>>)
    %add3A_261 = arith.constant 0 : i32
    %add3A_262 = arith.addi %mul3A_48, %add3A_261 : i32
    %dma_start3A_263 = arith.constant 0 : i32
    %dma_start3A_264 = tpu.memref_slice %arg7[%add3A_262, %dma_start3A_263] : memref<160000x16xf32, #tpu.memory_space<hbm>> -> memref<80x16xf32, #tpu.memory_space<hbm>>
    %dma_start3A_265 = arith.constant 0 : i32
    %dma_start3A_266 = tpu.memref_slice %arg7[%add3A_262, %dma_start3A_265] : memref<160000x16xf32, #tpu.memory_space<hbm>> -> memref<80x16xf32, #tpu.memory_space<hbm>>
    tpu.enqueue_dma source(%dma_start3A_266 : memref<80x16xf32, #tpu.memory_space<hbm>>) target(%arg21 : memref<80x16xf32, #tpu.memory_space<vmem>>) target_semaphore(%arg30 : memref<!tpu.dma_semaphore, #tpu.memory_space<semaphore_mem>>)
    %min3A = arith.constant 1 : i32
    %min3A_267 = arith.constant 124 : i32
    %min3A_268 = arith.minsi %min3A, %min3A_267 : i32
    %mul3A_269 = arith.constant 80 : i32
    %mul3A_270 = arith.muli %min3A_268, %mul3A_269 : i32
    %add3A_271 = arith.addi %mul3A_48, %mul3A_270 : i32
    %dma_start3A_272 = arith.constant 0 : i32
    %dma_start3A_273 = arith.constant 0 : i32
    %dma_start3A_274 = tpu.memref_slice %arg14[%dma_start3A_272, %dma_start3A_273] : memref<3x80xi32, #tpu.memory_space<vmem>> -> memref<1x80xi32, #tpu.memory_space<vmem>>
    %dma_start3A_275 = tpu.memref_squeeze %dma_start3A_274 : memref<1x80xi32, #tpu.memory_space<vmem>> -> memref<80xi32, #tpu.memory_space<vmem>>
    %dma_start3A_276 = tpu.memref_slice %arg4[%add3A_271] : memref<160000xi32, #tpu.memory_space<hbm>> -> memref<80xi32, #tpu.memory_space<hbm>>
    %dma_start3A_277 = arith.constant 0 : i32
    %dma_start3A_278 = tpu.memref_slice %arg14[%dma_start3A_272, %dma_start3A_277] : memref<3x80xi32, #tpu.memory_space<vmem>> -> memref<1x80xi32, #tpu.memory_space<vmem>>
    %dma_start3A_279 = tpu.memref_squeeze %dma_start3A_278 : memref<1x80xi32, #tpu.memory_space<vmem>> -> memref<80xi32, #tpu.memory_space<vmem>>
    %dma_start3A_280 = tpu.memref_slice %arg4[%add3A_271] : memref<160000xi32, #tpu.memory_space<hbm>> -> memref<80xi32, #tpu.memory_space<hbm>>
    tpu.enqueue_dma source(%dma_start3A_280 : memref<80xi32, #tpu.memory_space<hbm>>) target(%dma_start3A_279 : memref<80xi32, #tpu.memory_space<vmem>>) target_semaphore(%arg25 : memref<!tpu.dma_semaphore, #tpu.memory_space<semaphore_mem>>)
    %dma_start3A_281 = arith.constant 1 : i32
    %dma_start3A_282 = arith.constant 0 : i32
    %dma_start3A_283 = tpu.memref_slice %arg14[%dma_start3A_281, %dma_start3A_282] : memref<3x80xi32, #tpu.memory_space<vmem>> -> memref<1x80xi32, #tpu.memory_space<vmem>>
    %dma_start3A_284 = tpu.memref_squeeze %dma_start3A_283 : memref<1x80xi32, #tpu.memory_space<vmem>> -> memref<80xi32, #tpu.memory_space<vmem>>
    %dma_start3A_285 = tpu.memref_slice %arg5[%add3A_271] : memref<160000xi32, #tpu.memory_space<hbm>> -> memref<80xi32, #tpu.memory_space<hbm>>
    %dma_start3A_286 = arith.constant 0 : i32
    %dma_start3A_287 = tpu.memref_slice %arg14[%dma_start3A_281, %dma_start3A_286] : memref<3x80xi32, #tpu.memory_space<vmem>> -> memref<1x80xi32, #tpu.memory_space<vmem>>
    %dma_start3A_288 = tpu.memref_squeeze %dma_start3A_287 : memref<1x80xi32, #tpu.memory_space<vmem>> -> memref<80xi32, #tpu.memory_space<vmem>>
    %dma_start3A_289 = tpu.memref_slice %arg5[%add3A_271] : memref<160000xi32, #tpu.memory_space<hbm>> -> memref<80xi32, #tpu.memory_space<hbm>>
    tpu.enqueue_dma source(%dma_start3A_289 : memref<80xi32, #tpu.memory_space<hbm>>) target(%dma_start3A_288 : memref<80xi32, #tpu.memory_space<vmem>>) target_semaphore(%arg25 : memref<!tpu.dma_semaphore, #tpu.memory_space<semaphore_mem>>)
    %dma_start3A_290 = arith.constant 2 : i32
    %dma_start3A_291 = arith.constant 0 : i32
    %dma_start3A_292 = tpu.memref_slice %arg14[%dma_start3A_290, %dma_start3A_291] : memref<3x80xi32, #tpu.memory_space<vmem>> -> memref<1x80xi32, #tpu.memory_space<vmem>>
    %dma_start3A_293 = tpu.memref_squeeze %dma_start3A_292 : memref<1x80xi32, #tpu.memory_space<vmem>> -> memref<80xi32, #tpu.memory_space<vmem>>
    %dma_start3A_294 = tpu.memref_slice %arg6[%add3A_271] : memref<160000xi32, #tpu.memory_space<hbm>> -> memref<80xi32, #tpu.memory_space<hbm>>
    %dma_start3A_295 = arith.constant 0 : i32
    %dma_start3A_296 = tpu.memref_slice %arg14[%dma_start3A_290, %dma_start3A_295] : memref<3x80xi32, #tpu.memory_space<vmem>> -> memref<1x80xi32, #tpu.memory_space<vmem>>
    %dma_start3A_297 = tpu.memref_squeeze %dma_start3A_296 : memref<1x80xi32, #tpu.memory_space<vmem>> -> memref<80xi32, #tpu.memory_space<vmem>>
    %dma_start3A_298 = tpu.memref_slice %arg6[%add3A_271] : memref<160000xi32, #tpu.memory_space<hbm>> -> memref<80xi32, #tpu.memory_space<hbm>>
    tpu.enqueue_dma source(%dma_start3A_298 : memref<80xi32, #tpu.memory_space<hbm>>) target(%dma_start3A_297 : memref<80xi32, #tpu.memory_space<vmem>>) target_semaphore(%arg25 : memref<!tpu.dma_semaphore, #tpu.memory_space<semaphore_mem>>)
    %dma_wait3A = arith.constant 0 : i32
    %dma_wait3A_299 = arith.constant 0 : i32
    %dma_wait3A_300 = tpu.memref_slice %arg15[%dma_wait3A, %dma_wait3A_299] : memref<2x80xi32, #tpu.memory_space<vmem>> -> memref<1x80xi32, #tpu.memory_space<vmem>>
    %dma_wait3A_301 = tpu.memref_squeeze %dma_wait3A_300 : memref<1x80xi32, #tpu.memory_space<vmem>> -> memref<80xi32, #tpu.memory_space<vmem>>
    %dma_wait3A_302 = arith.constant 0 : i32
    %dma_wait3A_303 = arith.constant 0 : i32
    %dma_wait3A_304 = tpu.memref_slice %arg3[%dma_wait3A_302, %dma_wait3A_303] : memref<20000x128xf32, #tpu.memory_space<hbm>> -> memref<20000x128xf32, #tpu.memory_space<hbm>>
    tpu.wait_indirect_dma semaphore(%arg26 : memref<!tpu.dma_semaphore, #tpu.memory_space<semaphore_mem>>) src(%dma_wait3A_304 : memref<20000x128xf32, #tpu.memory_space<hbm>>) dst(%arg19 : memref<80x128xf32, #tpu.memory_space<vmem>>)
    %dma_start3A_305 = arith.constant 1 : i32
    %dma_start3A_306 = arith.constant 0 : i32
    %dma_start3A_307 = tpu.memref_slice %arg15[%dma_start3A_305, %dma_start3A_306] : memref<2x80xi32, #tpu.memory_space<vmem>> -> memref<1x80xi32, #tpu.memory_space<vmem>>
    %dma_start3A_308 = tpu.memref_squeeze %dma_start3A_307 : memref<1x80xi32, #tpu.memory_space<vmem>> -> memref<80xi32, #tpu.memory_space<vmem>>
    %dma_start3A_309 = arith.constant 0 : i32
    %dma_start3A_310 = arith.constant 0 : i32
    %dma_start3A_311 = tpu.memref_slice %arg12[%dma_start3A_309, %dma_start3A_310] : memref<120x128xf32, #tpu.memory_space<vmem_shared>> -> memref<120x128xf32, #tpu.memory_space<vmem_shared>>
    tpu.enqueue_indirect_dma source(%dma_start3A_311 : memref<120x128xf32, #tpu.memory_space<vmem_shared>>) target(%arg19 : memref<80x128xf32, #tpu.memory_space<vmem>>) offsets(%dma_start3A_308 : memref<80xi32, #tpu.memory_space<vmem>>) semaphore(%arg28 : memref<!tpu.dma_semaphore, #tpu.memory_space<semaphore_mem>>) {add = true}
    %scan3A = arith.constant 0 : i32
    %scan3A_312 = arith.constant 0 : i32
    %scan3A_313 = arith.constant 62 : i32
    %scan3A_314 = arith.addi %scan3A_312, %scan3A_313 : i32
    %scan3A_315 = arith.constant 1 : i32
    %scan3A_316 = scf.for %scan3A_377 = %scan3A_312 to %scan3A_314 step %scan3A_315 iter_args(%scan3A_378 = %scan3A) -> (i32)  : i32 {
      %mul3A_379 = arith.constant 2 : i32
      %mul3A_380 = arith.muli %scan3A_377, %mul3A_379 : i32
      %gt3A = arith.constant 0 : i32
      %gt3A_381 = arith.cmpi sgt, %scan3A_377, %gt3A : i32
      %dma_wait3A_382 = arith.constant 0 : i32
      %dma_wait3A_383 = arith.constant 0 : i32
      %dma_wait3A_384 = tpu.memref_slice %arg14[%dma_wait3A_382, %dma_wait3A_383] : memref<3x80xi32, #tpu.memory_space<vmem>> -> memref<1x80xi32, #tpu.memory_space<vmem>>
      %dma_wait3A_385 = tpu.memref_squeeze %dma_wait3A_384 : memref<1x80xi32, #tpu.memory_space<vmem>> -> memref<80xi32, #tpu.memory_space<vmem>>
      %dma_wait3A_386 = arith.constant 0 : i32
      %dma_wait3A_387 = tpu.memref_slice %arg4[%dma_wait3A_386] : memref<160000xi32, #tpu.memory_space<hbm>> -> memref<80xi32, #tpu.memory_space<hbm>>
      %dma_wait3A_388 = arith.constant 0 : i32
      %dma_wait3A_389 = tpu.memref_slice %arg14[%dma_wait3A_382, %dma_wait3A_388] : memref<3x80xi32, #tpu.memory_space<vmem>> -> memref<1x80xi32, #tpu.memory_space<vmem>>
      %dma_wait3A_390 = tpu.memref_squeeze %dma_wait3A_389 : memref<1x80xi32, #tpu.memory_space<vmem>> -> memref<80xi32, #tpu.memory_space<vmem>>
      %dma_wait3A_391 = arith.constant 0 : i32
      %dma_wait3A_392 = tpu.memref_slice %arg4[%dma_wait3A_391] : memref<160000xi32, #tpu.memory_space<hbm>> -> memref<80xi32, #tpu.memory_space<hbm>>
      tpu.wait_dma2 semaphore(%arg25 : memref<!tpu.dma_semaphore, #tpu.memory_space<semaphore_mem>>) src(%dma_wait3A_392 : memref<80xi32, #tpu.memory_space<hbm>>) dst(%dma_wait3A_390 : memref<80xi32, #tpu.memory_space<vmem>>)
      %dma_wait3A_393 = arith.constant 1 : i32
      %dma_wait3A_394 = arith.constant 0 : i32
      %dma_wait3A_395 = tpu.memref_slice %arg14[%dma_wait3A_393, %dma_wait3A_394] : memref<3x80xi32, #tpu.memory_space<vmem>> -> memref<1x80xi32, #tpu.memory_space<vmem>>
      %dma_wait3A_396 = tpu.memref_squeeze %dma_wait3A_395 : memref<1x80xi32, #tpu.memory_space<vmem>> -> memref<80xi32, #tpu.memory_space<vmem>>
      %dma_wait3A_397 = arith.constant 0 : i32
      %dma_wait3A_398 = tpu.memref_slice %arg4[%dma_wait3A_397] : memref<160000xi32, #tpu.memory_space<hbm>> -> memref<80xi32, #tpu.memory_space<hbm>>
      %dma_wait3A_399 = arith.constant 0 : i32
      %dma_wait3A_400 = tpu.memref_slice %arg14[%dma_wait3A_393, %dma_wait3A_399] : memref<3x80xi32, #tpu.memory_space<vmem>> -> memref<1x80xi32, #tpu.memory_space<vmem>>
      %dma_wait3A_401 = tpu.memref_squeeze %dma_wait3A_400 : memref<1x80xi32, #tpu.memory_space<vmem>> -> memref<80xi32, #tpu.memory_space<vmem>>
      %dma_wait3A_402 = arith.constant 0 : i32
      %dma_wait3A_403 = tpu.memref_slice %arg4[%dma_wait3A_402] : memref<160000xi32, #tpu.memory_space<hbm>> -> memref<80xi32, #tpu.memory_space<hbm>>
      tpu.wait_dma2 semaphore(%arg25 : memref<!tpu.dma_semaphore, #tpu.memory_space<semaphore_mem>>) src(%dma_wait3A_403 : memref<80xi32, #tpu.memory_space<hbm>>) dst(%dma_wait3A_401 : memref<80xi32, #tpu.memory_space<vmem>>)
      %dma_wait3A_404 = arith.constant 2 : i32
      %dma_wait3A_405 = arith.constant 0 : i32
      %dma_wait3A_406 = tpu.memref_slice %arg14[%dma_wait3A_404, %dma_wait3A_405] : memref<3x80xi32, #tpu.memory_space<vmem>> -> memref<1x80xi32, #tpu.memory_space<vmem>>
      %dma_wait3A_407 = tpu.memref_squeeze %dma_wait3A_406 : memref<1x80xi32, #tpu.memory_space<vmem>> -> memref<80xi32, #tpu.memory_space<vmem>>
      %dma_wait3A_408 = arith.constant 0 : i32
      %dma_wait3A_409 = tpu.memref_slice %arg4[%dma_wait3A_408] : memref<160000xi32, #tpu.memory_space<hbm>> -> memref<80xi32, #tpu.memory_space<hbm>>
      %dma_wait3A_410 = arith.constant 0 : i32
      %dma_wait3A_411 = tpu.memref_slice %arg14[%dma_wait3A_404, %dma_wait3A_410] : memref<3x80xi32, #tpu.memory_space<vmem>> -> memref<1x80xi32, #tpu.memory_space<vmem>>
      %dma_wait3A_412 = tpu.memref_squeeze %dma_wait3A_411 : memref<1x80xi32, #tpu.memory_space<vmem>> -> memref<80xi32, #tpu.memory_space<vmem>>
      %dma_wait3A_413 = arith.constant 0 : i32
      %dma_wait3A_414 = tpu.memref_slice %arg4[%dma_wait3A_413] : memref<160000xi32, #tpu.memory_space<hbm>> -> memref<80xi32, #tpu.memory_space<hbm>>
      tpu.wait_dma2 semaphore(%arg25 : memref<!tpu.dma_semaphore, #tpu.memory_space<semaphore_mem>>) src(%dma_wait3A_414 : memref<80xi32, #tpu.memory_space<hbm>>) dst(%dma_wait3A_412 : memref<80xi32, #tpu.memory_space<vmem>>)
      %convert_element_type3A_415 = arith.extui %gt3A_381 : i1 to i32
      %cond3A_416 = arith.constant 0 : i32
      %cond3A_417 = arith.cmpi ne, %convert_element_type3A_415, %cond3A_416 : i32
      scf.if %cond3A_417 {
        %dma_wait3A_1033 = arith.constant 0 : i32
        %dma_wait3A_1034 = arith.constant 0 : i32
        %dma_wait3A_1035 = tpu.memref_slice %arg11[%dma_wait3A_1033, %dma_wait3A_1034] : memref<10000x128xf32, #tpu.memory_space<vmem_shared>> -> memref<10000x128xf32, #tpu.memory_space<vmem_shared>>
        tpu.wait_indirect_dma semaphore(%arg33 : memref<!tpu.dma_semaphore, #tpu.memory_space<semaphore_mem>>) src(%arg20 : memref<80x128xf32, #tpu.memory_space<vmem>>) dst(%dma_wait3A_1035 : memref<10000x128xf32, #tpu.memory_space<vmem_shared>>)
      } else {
      }
      %get3A_418 = arith.constant 0 : i32
      %get3A_419 = arith.index_cast %get3A_418 : i32 to index
      %get3A_420 = arith.constant 0 : index
      %get3A_421 = tpu.vector_load %arg14[%get3A_419, %get3A_420] {strides = array<i32>} : memref<3x80xi32, #tpu.memory_space<vmem>>, vector<1x16xi32>,
      %get3A_422 = vector.shape_cast %get3A_421 : vector<1x16xi32> to vector<16xi32>
      %mul3A_423 = arith.constant 2 : i32
      %mul3A_424 = vector.broadcast %mul3A_423 : i32 to vector<16xi32>
      %mul3A_425 = arith.muli %get3A_422, %mul3A_424 : vector<16xi32>
      %add3A_426 = vector.broadcast %arg0 : i32 to vector<16xi32>
      %add3A_427 = arith.addi %mul3A_425, %add3A_426 : vector<16xi32>
      %swap3A_428 = arith.constant 0 : i32
      %swap3A_429 = arith.index_cast %swap3A_428 : i32 to index
      %swap3A_430 = arith.constant 0 : index
      %swap3A_431 = tpu.vector_load %arg16[%swap3A_429, %swap3A_430] {strides = array<i32>} : memref<2x80xi32, #tpu.memory_space<vmem>>, vector<1x16xi32>,
      %swap3A_432 = vector.shape_cast %swap3A_431 : vector<1x16xi32> to vector<16xi32>
      %swap3A_433 = vector.shape_cast %add3A_427 : vector<16xi32> to vector<1x16xi32>
      tpu.vector_store %arg16[%swap3A_429, %swap3A_430], %swap3A_433 {strides = array<i32>} : memref<2x80xi32, #tpu.memory_space<vmem>>, vector<1x16xi32>,
      %get3A_434 = arith.constant 2 : i32
      %get3A_435 = arith.index_cast %get3A_434 : i32 to index
      %get3A_436 = arith.constant 0 : index
      %get3A_437 = tpu.vector_load %arg14[%get3A_435, %get3A_436] {strides = array<i32>} : memref<3x80xi32, #tpu.memory_space<vmem>>, vector<1x16xi32>,
      %get3A_438 = vector.shape_cast %get3A_437 : vector<1x16xi32> to vector<16xi32>
      %mul3A_439 = arith.constant 2 : i32
      %mul3A_440 = vector.broadcast %mul3A_439 : i32 to vector<16xi32>
      %mul3A_441 = arith.muli %get3A_438, %mul3A_440 : vector<16xi32>
      %add3A_442 = vector.broadcast %arg0 : i32 to vector<16xi32>
      %add3A_443 = arith.addi %mul3A_441, %add3A_442 : vector<16xi32>
      %swap3A_444 = arith.constant 1 : i32
      %swap3A_445 = arith.index_cast %swap3A_444 : i32 to index
      %swap3A_446 = arith.constant 0 : index
      %swap3A_447 = tpu.vector_load %arg16[%swap3A_445, %swap3A_446] {strides = array<i32>} : memref<2x80xi32, #tpu.memory_space<vmem>>, vector<1x16xi32>,
      %swap3A_448 = vector.shape_cast %swap3A_447 : vector<1x16xi32> to vector<16xi32>
      %swap3A_449 = vector.shape_cast %add3A_443 : vector<16xi32> to vector<1x16xi32>
      tpu.vector_store %arg16[%swap3A_445, %swap3A_446], %swap3A_449 {strides = array<i32>} : memref<2x80xi32, #tpu.memory_space<vmem>>, vector<1x16xi32>,
      %get3A_450 = arith.constant 1 : i32
      %get3A_451 = arith.index_cast %get3A_450 : i32 to index
      %get3A_452 = arith.constant 0 : index
      %get3A_453 = tpu.vector_load %arg14[%get3A_451, %get3A_452] {strides = array<i32>} : memref<3x80xi32, #tpu.memory_space<vmem>>, vector<1x16xi32>,
      %get3A_454 = vector.shape_cast %get3A_453 : vector<1x16xi32> to vector<16xi32>
      %swap3A_455 = arith.constant 0 : index
      %swap3A_456 = tpu.vector_load %arg18[%swap3A_455] {strides = array<i32>} : memref<80xi32, #tpu.memory_space<vmem>>, vector<16xi32>,
      %swap3A_457 = vector.shape_cast %swap3A_456 : vector<16xi32> to vector<16xi32>
      %swap3A_458 = vector.shape_cast %get3A_454 : vector<16xi32> to vector<16xi32>
      tpu.vector_store %arg18[%swap3A_455], %swap3A_458 {strides = array<i32>} : memref<80xi32, #tpu.memory_space<vmem>>, vector<16xi32>,
      %get3A_459 = arith.constant 0 : i32
      %get3A_460 = arith.index_cast %get3A_459 : i32 to index
      %get3A_461 = arith.constant 16 : index
      %get3A_462 = tpu.vector_load %arg14[%get3A_460, %get3A_461] {strides = array<i32>} : memref<3x80xi32, #tpu.memory_space<vmem>>, vector<1x16xi32>,
      %get3A_463 = vector.shape_cast %get3A_462 : vector<1x16xi32> to vector<16xi32>
      %mul3A_464 = arith.constant 2 : i32
      %mul3A_465 = vector.broadcast %mul3A_464 : i32 to vector<16xi32>
      %mul3A_466 = arith.muli %get3A_463, %mul3A_465 : vector<16xi32>
      %add3A_467 = vector.broadcast %arg0 : i32 to vector<16xi32>
      %add3A_468 = arith.addi %mul3A_466, %add3A_467 : vector<16xi32>
      %swap3A_469 = arith.constant 0 : i32
      %swap3A_470 = arith.index_cast %swap3A_469 : i32 to index
      %swap3A_471 = arith.constant 16 : index
      %swap3A_472 = tpu.vector_load %arg16[%swap3A_470, %swap3A_471] {strides = array<i32>} : memref<2x80xi32, #tpu.memory_space<vmem>>, vector<1x16xi32>,
      %swap3A_473 = vector.shape_cast %swap3A_472 : vector<1x16xi32> to vector<16xi32>
      %swap3A_474 = vector.shape_cast %add3A_468 : vector<16xi32> to vector<1x16xi32>
      tpu.vector_store %arg16[%swap3A_470, %swap3A_471], %swap3A_474 {strides = array<i32>} : memref<2x80xi32, #tpu.memory_space<vmem>>, vector<1x16xi32>,
      %get3A_475 = arith.constant 2 : i32
      %get3A_476 = arith.index_cast %get3A_475 : i32 to index
      %get3A_477 = arith.constant 16 : index
      %get3A_478 = tpu.vector_load %arg14[%get3A_476, %get3A_477] {strides = array<i32>} : memref<3x80xi32, #tpu.memory_space<vmem>>, vector<1x16xi32>,
      %get3A_479 = vector.shape_cast %get3A_478 : vector<1x16xi32> to vector<16xi32>
      %mul3A_480 = arith.constant 2 : i32
      %mul3A_481 = vector.broadcast %mul3A_480 : i32 to vector<16xi32>
      %mul3A_482 = arith.muli %get3A_479, %mul3A_481 : vector<16xi32>
      %add3A_483 = vector.broadcast %arg0 : i32 to vector<16xi32>
      %add3A_484 = arith.addi %mul3A_482, %add3A_483 : vector<16xi32>
      %swap3A_485 = arith.constant 1 : i32
      %swap3A_486 = arith.index_cast %swap3A_485 : i32 to index
      %swap3A_487 = arith.constant 16 : index
      %swap3A_488 = tpu.vector_load %arg16[%swap3A_486, %swap3A_487] {strides = array<i32>} : memref<2x80xi32, #tpu.memory_space<vmem>>, vector<1x16xi32>,
      %swap3A_489 = vector.shape_cast %swap3A_488 : vector<1x16xi32> to vector<16xi32>
      %swap3A_490 = vector.shape_cast %add3A_484 : vector<16xi32> to vector<1x16xi32>
      tpu.vector_store %arg16[%swap3A_486, %swap3A_487], %swap3A_490 {strides = array<i32>} : memref<2x80xi32, #tpu.memory_space<vmem>>, vector<1x16xi32>,
      %get3A_491 = arith.constant 1 : i32
      %get3A_492 = arith.index_cast %get3A_491 : i32 to index
      %get3A_493 = arith.constant 16 : index
      %get3A_494 = tpu.vector_load %arg14[%get3A_492, %get3A_493] {strides = array<i32>} : memref<3x80xi32, #tpu.memory_space<vmem>>, vector<1x16xi32>,
      %get3A_495 = vector.shape_cast %get3A_494 : vector<1x16xi32> to vector<16xi32>
      %swap3A_496 = arith.constant 16 : index
      %swap3A_497 = tpu.vector_load %arg18[%swap3A_496] {strides = array<i32>} : memref<80xi32, #tpu.memory_space<vmem>>, vector<16xi32>,
      %swap3A_498 = vector.shape_cast %swap3A_497 : vector<16xi32> to vector<16xi32>
      %swap3A_499 = vector.shape_cast %get3A_495 : vector<16xi32> to vector<16xi32>
      tpu.vector_store %arg18[%swap3A_496], %swap3A_499 {strides = array<i32>} : memref<80xi32, #tpu.memory_space<vmem>>, vector<16xi32>,
      %get3A_500 = arith.constant 0 : i32
      %get3A_501 = arith.index_cast %get3A_500 : i32 to index
      %get3A_502 = arith.constant 32 : index
      %get3A_503 = tpu.vector_load %arg14[%get3A_501, %get3A_502] {strides = array<i32>} : memref<3x80xi32, #tpu.memory_space<vmem>>, vector<1x16xi32>,
      %get3A_504 = vector.shape_cast %get3A_503 : vector<1x16xi32> to vector<16xi32>
      %mul3A_505 = arith.constant 2 : i32
      %mul3A_506 = vector.broadcast %mul3A_505 : i32 to vector<16xi32>
      %mul3A_507 = arith.muli %get3A_504, %mul3A_506 : vector<16xi32>
      %add3A_508 = vector.broadcast %arg0 : i32 to vector<16xi32>
      %add3A_509 = arith.addi %mul3A_507, %add3A_508 : vector<16xi32>
      %swap3A_510 = arith.constant 0 : i32
      %swap3A_511 = arith.index_cast %swap3A_510 : i32 to index
      %swap3A_512 = arith.constant 32 : index
      %swap3A_513 = tpu.vector_load %arg16[%swap3A_511, %swap3A_512] {strides = array<i32>} : memref<2x80xi32, #tpu.memory_space<vmem>>, vector<1x16xi32>,
      %swap3A_514 = vector.shape_cast %swap3A_513 : vector<1x16xi32> to vector<16xi32>
      %swap3A_515 = vector.shape_cast %add3A_509 : vector<16xi32> to vector<1x16xi32>
      tpu.vector_store %arg16[%swap3A_511, %swap3A_512], %swap3A_515 {strides = array<i32>} : memref<2x80xi32, #tpu.memory_space<vmem>>, vector<1x16xi32>,
      %get3A_516 = arith.constant 2 : i32
      %get3A_517 = arith.index_cast %get3A_516 : i32 to index
      %get3A_518 = arith.constant 32 : index
      %get3A_519 = tpu.vector_load %arg14[%get3A_517, %get3A_518] {strides = array<i32>} : memref<3x80xi32, #tpu.memory_space<vmem>>, vector<1x16xi32>,
      %get3A_520 = vector.shape_cast %get3A_519 : vector<1x16xi32> to vector<16xi32>
      %mul3A_521 = arith.constant 2 : i32
      %mul3A_522 = vector.broadcast %mul3A_521 : i32 to vector<16xi32>
      %mul3A_523 = arith.muli %get3A_520, %mul3A_522 : vector<16xi32>
      %add3A_524 = vector.broadcast %arg0 : i32 to vector<16xi32>
      %add3A_525 = arith.addi %mul3A_523, %add3A_524 : vector<16xi32>
      %swap3A_526 = arith.constant 1 : i32
      %swap3A_527 = arith.index_cast %swap3A_526 : i32 to index
      %swap3A_528 = arith.constant 32 : index
      %swap3A_529 = tpu.vector_load %arg16[%swap3A_527, %swap3A_528] {strides = array<i32>} : memref<2x80xi32, #tpu.memory_space<vmem>>, vector<1x16xi32>,
      %swap3A_530 = vector.shape_cast %swap3A_529 : vector<1x16xi32> to vector<16xi32>
      %swap3A_531 = vector.shape_cast %add3A_525 : vector<16xi32> to vector<1x16xi32>
      tpu.vector_store %arg16[%swap3A_527, %swap3A_528], %swap3A_531 {strides = array<i32>} : memref<2x80xi32, #tpu.memory_space<vmem>>, vector<1x16xi32>,
      %get3A_532 = arith.constant 1 : i32
      %get3A_533 = arith.index_cast %get3A_532 : i32 to index
      %get3A_534 = arith.constant 32 : index
      %get3A_535 = tpu.vector_load %arg14[%get3A_533, %get3A_534] {strides = array<i32>} : memref<3x80xi32, #tpu.memory_space<vmem>>, vector<1x16xi32>,
      %get3A_536 = vector.shape_cast %get3A_535 : vector<1x16xi32> to vector<16xi32>
      %swap3A_537 = arith.constant 32 : index
      %swap3A_538 = tpu.vector_load %arg18[%swap3A_537] {strides = array<i32>} : memref<80xi32, #tpu.memory_space<vmem>>, vector<16xi32>,
      %swap3A_539 = vector.shape_cast %swap3A_538 : vector<16xi32> to vector<16xi32>
      %swap3A_540 = vector.shape_cast %get3A_536 : vector<16xi32> to vector<16xi32>
      tpu.vector_store %arg18[%swap3A_537], %swap3A_540 {strides = array<i32>} : memref<80xi32, #tpu.memory_space<vmem>>, vector<16xi32>,
      %get3A_541 = arith.constant 0 : i32
      %get3A_542 = arith.index_cast %get3A_541 : i32 to index
      %get3A_543 = arith.constant 48 : index
      %get3A_544 = tpu.vector_load %arg14[%get3A_542, %get3A_543] {strides = array<i32>} : memref<3x80xi32, #tpu.memory_space<vmem>>, vector<1x16xi32>,
      %get3A_545 = vector.shape_cast %get3A_544 : vector<1x16xi32> to vector<16xi32>
      %mul3A_546 = arith.constant 2 : i32
      %mul3A_547 = vector.broadcast %mul3A_546 : i32 to vector<16xi32>
      %mul3A_548 = arith.muli %get3A_545, %mul3A_547 : vector<16xi32>
      %add3A_549 = vector.broadcast %arg0 : i32 to vector<16xi32>
      %add3A_550 = arith.addi %mul3A_548, %add3A_549 : vector<16xi32>
      %swap3A_551 = arith.constant 0 : i32
      %swap3A_552 = arith.index_cast %swap3A_551 : i32 to index
      %swap3A_553 = arith.constant 48 : index
      %swap3A_554 = tpu.vector_load %arg16[%swap3A_552, %swap3A_553] {strides = array<i32>} : memref<2x80xi32, #tpu.memory_space<vmem>>, vector<1x16xi32>,
      %swap3A_555 = vector.shape_cast %swap3A_554 : vector<1x16xi32> to vector<16xi32>
      %swap3A_556 = vector.shape_cast %add3A_550 : vector<16xi32> to vector<1x16xi32>
      tpu.vector_store %arg16[%swap3A_552, %swap3A_553], %swap3A_556 {strides = array<i32>} : memref<2x80xi32, #tpu.memory_space<vmem>>, vector<1x16xi32>,
      %get3A_557 = arith.constant 2 : i32
      %get3A_558 = arith.index_cast %get3A_557 : i32 to index
      %get3A_559 = arith.constant 48 : index
      %get3A_560 = tpu.vector_load %arg14[%get3A_558, %get3A_559] {strides = array<i32>} : memref<3x80xi32, #tpu.memory_space<vmem>>, vector<1x16xi32>,
      %get3A_561 = vector.shape_cast %get3A_560 : vector<1x16xi32> to vector<16xi32>
      %mul3A_562 = arith.constant 2 : i32
      %mul3A_563 = vector.broadcast %mul3A_562 : i32 to vector<16xi32>
      %mul3A_564 = arith.muli %get3A_561, %mul3A_563 : vector<16xi32>
      %add3A_565 = vector.broadcast %arg0 : i32 to vector<16xi32>
      %add3A_566 = arith.addi %mul3A_564, %add3A_565 : vector<16xi32>
      %swap3A_567 = arith.constant 1 : i32
      %swap3A_568 = arith.index_cast %swap3A_567 : i32 to index
      %swap3A_569 = arith.constant 48 : index
      %swap3A_570 = tpu.vector_load %arg16[%swap3A_568, %swap3A_569] {strides = array<i32>} : memref<2x80xi32, #tpu.memory_space<vmem>>, vector<1x16xi32>,
      %swap3A_571 = vector.shape_cast %swap3A_570 : vector<1x16xi32> to vector<16xi32>
      %swap3A_572 = vector.shape_cast %add3A_566 : vector<16xi32> to vector<1x16xi32>
      tpu.vector_store %arg16[%swap3A_568, %swap3A_569], %swap3A_572 {strides = array<i32>} : memref<2x80xi32, #tpu.memory_space<vmem>>, vector<1x16xi32>,
      %get3A_573 = arith.constant 1 : i32
      %get3A_574 = arith.index_cast %get3A_573 : i32 to index
      %get3A_575 = arith.constant 48 : index
      %get3A_576 = tpu.vector_load %arg14[%get3A_574, %get3A_575] {strides = array<i32>} : memref<3x80xi32, #tpu.memory_space<vmem>>, vector<1x16xi32>,
      %get3A_577 = vector.shape_cast %get3A_576 : vector<1x16xi32> to vector<16xi32>
      %swap3A_578 = arith.constant 48 : index
      %swap3A_579 = tpu.vector_load %arg18[%swap3A_578] {strides = array<i32>} : memref<80xi32, #tpu.memory_space<vmem>>, vector<16xi32>,
      %swap3A_580 = vector.shape_cast %swap3A_579 : vector<16xi32> to vector<16xi32>
      %swap3A_581 = vector.shape_cast %get3A_577 : vector<16xi32> to vector<16xi32>
      tpu.vector_store %arg18[%swap3A_578], %swap3A_581 {strides = array<i32>} : memref<80xi32, #tpu.memory_space<vmem>>, vector<16xi32>,
      %get3A_582 = arith.constant 0 : i32
      %get3A_583 = arith.index_cast %get3A_582 : i32 to index
      %get3A_584 = arith.constant 64 : index
      %get3A_585 = tpu.vector_load %arg14[%get3A_583, %get3A_584] {strides = array<i32>} : memref<3x80xi32, #tpu.memory_space<vmem>>, vector<1x16xi32>,
      %get3A_586 = vector.shape_cast %get3A_585 : vector<1x16xi32> to vector<16xi32>
      %mul3A_587 = arith.constant 2 : i32
      %mul3A_588 = vector.broadcast %mul3A_587 : i32 to vector<16xi32>
      %mul3A_589 = arith.muli %get3A_586, %mul3A_588 : vector<16xi32>
      %add3A_590 = vector.broadcast %arg0 : i32 to vector<16xi32>
      %add3A_591 = arith.addi %mul3A_589, %add3A_590 : vector<16xi32>
      %swap3A_592 = arith.constant 0 : i32
      %swap3A_593 = arith.index_cast %swap3A_592 : i32 to index
      %swap3A_594 = arith.constant 64 : index
      %swap3A_595 = tpu.vector_load %arg16[%swap3A_593, %swap3A_594] {strides = array<i32>} : memref<2x80xi32, #tpu.memory_space<vmem>>, vector<1x16xi32>,
      %swap3A_596 = vector.shape_cast %swap3A_595 : vector<1x16xi32> to vector<16xi32>
      %swap3A_597 = vector.shape_cast %add3A_591 : vector<16xi32> to vector<1x16xi32>
      tpu.vector_store %arg16[%swap3A_593, %swap3A_594], %swap3A_597 {strides = array<i32>} : memref<2x80xi32, #tpu.memory_space<vmem>>, vector<1x16xi32>,
      %get3A_598 = arith.constant 2 : i32
      %get3A_599 = arith.index_cast %get3A_598 : i32 to index
      %get3A_600 = arith.constant 64 : index
      %get3A_601 = tpu.vector_load %arg14[%get3A_599, %get3A_600] {strides = array<i32>} : memref<3x80xi32, #tpu.memory_space<vmem>>, vector<1x16xi32>,
      %get3A_602 = vector.shape_cast %get3A_601 : vector<1x16xi32> to vector<16xi32>
      %mul3A_603 = arith.constant 2 : i32
      %mul3A_604 = vector.broadcast %mul3A_603 : i32 to vector<16xi32>
      %mul3A_605 = arith.muli %get3A_602, %mul3A_604 : vector<16xi32>
      %add3A_606 = vector.broadcast %arg0 : i32 to vector<16xi32>
      %add3A_607 = arith.addi %mul3A_605, %add3A_606 : vector<16xi32>
      %swap3A_608 = arith.constant 1 : i32
      %swap3A_609 = arith.index_cast %swap3A_608 : i32 to index
      %swap3A_610 = arith.constant 64 : index
      %swap3A_611 = tpu.vector_load %arg16[%swap3A_609, %swap3A_610] {strides = array<i32>} : memref<2x80xi32, #tpu.memory_space<vmem>>, vector<1x16xi32>,
      %swap3A_612 = vector.shape_cast %swap3A_611 : vector<1x16xi32> to vector<16xi32>
      %swap3A_613 = vector.shape_cast %add3A_607 : vector<16xi32> to vector<1x16xi32>
      tpu.vector_store %arg16[%swap3A_609, %swap3A_610], %swap3A_613 {strides = array<i32>} : memref<2x80xi32, #tpu.memory_space<vmem>>, vector<1x16xi32>,
      %get3A_614 = arith.constant 1 : i32
      %get3A_615 = arith.index_cast %get3A_614 : i32 to index
      %get3A_616 = arith.constant 64 : index
      %get3A_617 = tpu.vector_load %arg14[%get3A_615, %get3A_616] {strides = array<i32>} : memref<3x80xi32, #tpu.memory_space<vmem>>, vector<1x16xi32>,
      %get3A_618 = vector.shape_cast %get3A_617 : vector<1x16xi32> to vector<16xi32>
      %swap3A_619 = arith.constant 64 : index
      %swap3A_620 = tpu.vector_load %arg18[%swap3A_619] {strides = array<i32>} : memref<80xi32, #tpu.memory_space<vmem>>, vector<16xi32>,
      %swap3A_621 = vector.shape_cast %swap3A_620 : vector<16xi32> to vector<16xi32>
      %swap3A_622 = vector.shape_cast %get3A_618 : vector<16xi32> to vector<16xi32>
      tpu.vector_store %arg18[%swap3A_619], %swap3A_622 {strides = array<i32>} : memref<80xi32, #tpu.memory_space<vmem>>, vector<16xi32>,
      %add3A_623 = arith.constant 1 : i32
      %add3A_624 = arith.addi %mul3A_380, %add3A_623 : i32
      %dma_start3A_625 = arith.constant 0 : i32
      %dma_start3A_626 = arith.constant 0 : i32
      %dma_start3A_627 = tpu.memref_slice %arg16[%dma_start3A_625, %dma_start3A_626] : memref<2x80xi32, #tpu.memory_space<vmem>> -> memref<1x80xi32, #tpu.memory_space<vmem>>
      %dma_start3A_628 = tpu.memref_squeeze %dma_start3A_627 : memref<1x80xi32, #tpu.memory_space<vmem>> -> memref<80xi32, #tpu.memory_space<vmem>>
      %dma_start3A_629 = arith.constant 0 : i32
      %dma_start3A_630 = arith.constant 0 : i32
      %dma_start3A_631 = tpu.memref_slice %arg3[%dma_start3A_629, %dma_start3A_630] : memref<20000x128xf32, #tpu.memory_space<hbm>> -> memref<20000x128xf32, #tpu.memory_space<hbm>>
      tpu.enqueue_indirect_dma source(%dma_start3A_631 : memref<20000x128xf32, #tpu.memory_space<hbm>>) target(%arg20 : memref<80x128xf32, #tpu.memory_space<vmem>>) offsets(%dma_start3A_628 : memref<80xi32, #tpu.memory_space<vmem>>) semaphore(%arg27 : memref<!tpu.dma_semaphore, #tpu.memory_space<semaphore_mem>>)
      %mul3A_632 = arith.constant 80 : i32
      %mul3A_633 = arith.muli %add3A_624, %mul3A_632 : i32
      %add3A_634 = arith.addi %mul3A_48, %mul3A_633 : i32
      %dma_start3A_635 = arith.constant 0 : i32
      %dma_start3A_636 = tpu.memref_slice %arg7[%add3A_634, %dma_start3A_635] : memref<160000x16xf32, #tpu.memory_space<hbm>> -> memref<80x16xf32, #tpu.memory_space<hbm>>
      %dma_start3A_637 = arith.constant 0 : i32
      %dma_start3A_638 = tpu.memref_slice %arg7[%add3A_634, %dma_start3A_637] : memref<160000x16xf32, #tpu.memory_space<hbm>> -> memref<80x16xf32, #tpu.memory_space<hbm>>
      tpu.enqueue_dma source(%dma_start3A_638 : memref<80x16xf32, #tpu.memory_space<hbm>>) target(%arg22 : memref<80x16xf32, #tpu.memory_space<vmem>>) target_semaphore(%arg31 : memref<!tpu.dma_semaphore, #tpu.memory_space<semaphore_mem>>)
      %add3A_639 = arith.constant 2 : i32
      %add3A_640 = arith.addi %mul3A_380, %add3A_639 : i32
      %min3A_641 = arith.constant 124 : i32
      %min3A_642 = arith.minsi %add3A_640, %min3A_641 : i32
      %mul3A_643 = arith.constant 80 : i32
      %mul3A_644 = arith.muli %min3A_642, %mul3A_643 : i32
      %add3A_645 = arith.addi %mul3A_48, %mul3A_644 : i32
      %dma_start3A_646 = arith.constant 0 : i32
      %dma_start3A_647 = arith.constant 0 : i32
      %dma_start3A_648 = tpu.memref_slice %arg13[%dma_start3A_646, %dma_start3A_647] : memref<3x80xi32, #tpu.memory_space<vmem>> -> memref<1x80xi32, #tpu.memory_space<vmem>>
      %dma_start3A_649 = tpu.memref_squeeze %dma_start3A_648 : memref<1x80xi32, #tpu.memory_space<vmem>> -> memref<80xi32, #tpu.memory_space<vmem>>
      %dma_start3A_650 = tpu.memref_slice %arg4[%add3A_645] : memref<160000xi32, #tpu.memory_space<hbm>> -> memref<80xi32, #tpu.memory_space<hbm>>
      %dma_start3A_651 = arith.constant 0 : i32
      %dma_start3A_652 = tpu.memref_slice %arg13[%dma_start3A_646, %dma_start3A_651] : memref<3x80xi32, #tpu.memory_space<vmem>> -> memref<1x80xi32, #tpu.memory_space<vmem>>
      %dma_start3A_653 = tpu.memref_squeeze %dma_start3A_652 : memref<1x80xi32, #tpu.memory_space<vmem>> -> memref<80xi32, #tpu.memory_space<vmem>>
      %dma_start3A_654 = tpu.memref_slice %arg4[%add3A_645] : memref<160000xi32, #tpu.memory_space<hbm>> -> memref<80xi32, #tpu.memory_space<hbm>>
      tpu.enqueue_dma source(%dma_start3A_654 : memref<80xi32, #tpu.memory_space<hbm>>) target(%dma_start3A_653 : memref<80xi32, #tpu.memory_space<vmem>>) target_semaphore(%arg24 : memref<!tpu.dma_semaphore, #tpu.memory_space<semaphore_mem>>)
      %dma_start3A_655 = arith.constant 1 : i32
      %dma_start3A_656 = arith.constant 0 : i32
      %dma_start3A_657 = tpu.memref_slice %arg13[%dma_start3A_655, %dma_start3A_656] : memref<3x80xi32, #tpu.memory_space<vmem>> -> memref<1x80xi32, #tpu.memory_space<vmem>>
      %dma_start3A_658 = tpu.memref_squeeze %dma_start3A_657 : memref<1x80xi32, #tpu.memory_space<vmem>> -> memref<80xi32, #tpu.memory_space<vmem>>
      %dma_start3A_659 = tpu.memref_slice %arg5[%add3A_645] : memref<160000xi32, #tpu.memory_space<hbm>> -> memref<80xi32, #tpu.memory_space<hbm>>
      %dma_start3A_660 = arith.constant 0 : i32
      %dma_start3A_661 = tpu.memref_slice %arg13[%dma_start3A_655, %dma_start3A_660] : memref<3x80xi32, #tpu.memory_space<vmem>> -> memref<1x80xi32, #tpu.memory_space<vmem>>
      %dma_start3A_662 = tpu.memref_squeeze %dma_start3A_661 : memref<1x80xi32, #tpu.memory_space<vmem>> -> memref<80xi32, #tpu.memory_space<vmem>>
      %dma_start3A_663 = tpu.memref_slice %arg5[%add3A_645] : memref<160000xi32, #tpu.memory_space<hbm>> -> memref<80xi32, #tpu.memory_space<hbm>>
      tpu.enqueue_dma source(%dma_start3A_663 : memref<80xi32, #tpu.memory_space<hbm>>) target(%dma_start3A_662 : memref<80xi32, #tpu.memory_space<vmem>>) target_semaphore(%arg24 : memref<!tpu.dma_semaphore, #tpu.memory_space<semaphore_mem>>)
      %dma_start3A_664 = arith.constant 2 : i32
      %dma_start3A_665 = arith.constant 0 : i32
      %dma_start3A_666 = tpu.memref_slice %arg13[%dma_start3A_664, %dma_start3A_665] : memref<3x80xi32, #tpu.memory_space<vmem>> -> memref<1x80xi32, #tpu.memory_space<vmem>>
      %dma_start3A_667 = tpu.memref_squeeze %dma_start3A_666 : memref<1x80xi32, #tpu.memory_space<vmem>> -> memref<80xi32, #tpu.memory_space<vmem>>
      %dma_start3A_668 = tpu.memref_slice %arg6[%add3A_645] : memref<160000xi32, #tpu.memory_space<hbm>> -> memref<80xi32, #tpu.memory_space<hbm>>
      %dma_start3A_669 = arith.constant 0 : i32
      %dma_start3A_670 = tpu.memref_slice %arg13[%dma_start3A_664, %dma_start3A_669] : memref<3x80xi32, #tpu.memory_space<vmem>> -> memref<1x80xi32, #tpu.memory_space<vmem>>
      %dma_start3A_671 = tpu.memref_squeeze %dma_start3A_670 : memref<1x80xi32, #tpu.memory_space<vmem>> -> memref<80xi32, #tpu.memory_space<vmem>>
      %dma_start3A_672 = tpu.memref_slice %arg6[%add3A_645] : memref<160000xi32, #tpu.memory_space<hbm>> -> memref<80xi32, #tpu.memory_space<hbm>>
      tpu.enqueue_dma source(%dma_start3A_672 : memref<80xi32, #tpu.memory_space<hbm>>) target(%dma_start3A_671 : memref<80xi32, #tpu.memory_space<vmem>>) target_semaphore(%arg24 : memref<!tpu.dma_semaphore, #tpu.memory_space<semaphore_mem>>)
      %dma_wait3A_673 = arith.constant 1 : i32
      %dma_wait3A_674 = arith.constant 0 : i32
      %dma_wait3A_675 = tpu.memref_slice %arg15[%dma_wait3A_673, %dma_wait3A_674] : memref<2x80xi32, #tpu.memory_space<vmem>> -> memref<1x80xi32, #tpu.memory_space<vmem>>
      %dma_wait3A_676 = tpu.memref_squeeze %dma_wait3A_675 : memref<1x80xi32, #tpu.memory_space<vmem>> -> memref<80xi32, #tpu.memory_space<vmem>>
      %dma_wait3A_677 = arith.constant 0 : i32
      %dma_wait3A_678 = arith.constant 0 : i32
      %dma_wait3A_679 = tpu.memref_slice %arg12[%dma_wait3A_677, %dma_wait3A_678] : memref<120x128xf32, #tpu.memory_space<vmem_shared>> -> memref<120x128xf32, #tpu.memory_space<vmem_shared>>
      tpu.wait_indirect_dma semaphore(%arg28 : memref<!tpu.dma_semaphore, #tpu.memory_space<semaphore_mem>>) src(%dma_wait3A_679 : memref<120x128xf32, #tpu.memory_space<vmem_shared>>) dst(%arg19 : memref<80x128xf32, #tpu.memory_space<vmem>>)
      %dma_wait3A_680 = arith.constant 0 : i32
      %dma_wait3A_681 = arith.constant 0 : i32
      %dma_wait3A_682 = tpu.memref_slice %arg7[%dma_wait3A_680, %dma_wait3A_681] : memref<160000x16xf32, #tpu.memory_space<hbm>> -> memref<80x16xf32, #tpu.memory_space<hbm>>
      %dma_wait3A_683 = arith.constant 0 : i32
      %dma_wait3A_684 = arith.constant 0 : i32
      %dma_wait3A_685 = tpu.memref_slice %arg7[%dma_wait3A_683, %dma_wait3A_684] : memref<160000x16xf32, #tpu.memory_space<hbm>> -> memref<80x16xf32, #tpu.memory_space<hbm>>
      tpu.wait_dma2 semaphore(%arg30 : memref<!tpu.dma_semaphore, #tpu.memory_space<semaphore_mem>>) src(%dma_wait3A_685 : memref<80x16xf32, #tpu.memory_space<hbm>>) dst(%arg21 : memref<80x16xf32, #tpu.memory_space<vmem>>)
      %parallel_loop3A_686 = arith.constant 0 : i32
      %parallel_loop3A_687 = arith.constant 80 : i32
      %parallel_loop3A_688 = arith.constant 1 : i32
      scf.for %parallel_loop3A_1033 = %parallel_loop3A_686 to %parallel_loop3A_687 step %parallel_loop3A_688  : i32 {
        %parallel_loop3A_1034 = arith.index_cast %parallel_loop3A_1033 : i32 to index
        %parallel_loop3A_1035 = arith.constant 0 : index
        %parallel_loop3A_1036 = tpu.vector_load %arg19[%parallel_loop3A_1034, %parallel_loop3A_1035] {strides = array<i32>} : memref<80x128xf32, #tpu.memory_space<vmem>>, vector<1x16xf32>,
        %parallel_loop3A_1037 = vector.shape_cast %parallel_loop3A_1036 : vector<1x16xf32> to vector<16xf32>
        %parallel_loop3A_1038 = arith.constant 0.000000e+00 : f32
        %parallel_loop3A_1039 = vector.broadcast %parallel_loop3A_1038 : f32 to vector<16xf32>
        %parallel_loop3A_1040 = arith.maximumf %parallel_loop3A_1037, %parallel_loop3A_1039 : vector<16xf32>
        %parallel_loop3A_1041 = arith.index_cast %parallel_loop3A_1033 : i32 to index
        %parallel_loop3A_1042 = arith.constant 0 : index
        %parallel_loop3A_1043 = tpu.vector_load %arg19[%parallel_loop3A_1041, %parallel_loop3A_1042] {strides = array<i32>} : memref<80x128xf32, #tpu.memory_space<vmem>>, vector<1x16xf32>,
        %parallel_loop3A_1044 = vector.shape_cast %parallel_loop3A_1043 : vector<1x16xf32> to vector<16xf32>
        %parallel_loop3A_1045 = vector.shape_cast %parallel_loop3A_1040 : vector<16xf32> to vector<1x16xf32>
        tpu.vector_store %arg19[%parallel_loop3A_1041, %parallel_loop3A_1042], %parallel_loop3A_1045 {strides = array<i32>} : memref<80x128xf32, #tpu.memory_space<vmem>>, vector<1x16xf32>,
        %parallel_loop3A_1046 = arith.index_cast %parallel_loop3A_1033 : i32 to index
        %parallel_loop3A_1047 = arith.constant 16 : index
        %parallel_loop3A_1048 = tpu.vector_load %arg19[%parallel_loop3A_1046, %parallel_loop3A_1047] {strides = array<i32>} : memref<80x128xf32, #tpu.memory_space<vmem>>, vector<1x16xf32>,
        %parallel_loop3A_1049 = vector.shape_cast %parallel_loop3A_1048 : vector<1x16xf32> to vector<16xf32>
        %parallel_loop3A_1050 = arith.constant 0.000000e+00 : f32
        %parallel_loop3A_1051 = vector.broadcast %parallel_loop3A_1050 : f32 to vector<16xf32>
        %parallel_loop3A_1052 = arith.maximumf %parallel_loop3A_1049, %parallel_loop3A_1051 : vector<16xf32>
        %parallel_loop3A_1053 = arith.index_cast %parallel_loop3A_1033 : i32 to index
        %parallel_loop3A_1054 = arith.constant 16 : index
        %parallel_loop3A_1055 = tpu.vector_load %arg19[%parallel_loop3A_1053, %parallel_loop3A_1054] {strides = array<i32>} : memref<80x128xf32, #tpu.memory_space<vmem>>, vector<1x16xf32>,
        %parallel_loop3A_1056 = vector.shape_cast %parallel_loop3A_1055 : vector<1x16xf32> to vector<16xf32>
        %parallel_loop3A_1057 = vector.shape_cast %parallel_loop3A_1052 : vector<16xf32> to vector<1x16xf32>
        tpu.vector_store %arg19[%parallel_loop3A_1053, %parallel_loop3A_1054], %parallel_loop3A_1057 {strides = array<i32>} : memref<80x128xf32, #tpu.memory_space<vmem>>, vector<1x16xf32>,
        %parallel_loop3A_1058 = arith.index_cast %parallel_loop3A_1033 : i32 to index
        %parallel_loop3A_1059 = arith.constant 32 : index
        %parallel_loop3A_1060 = tpu.vector_load %arg19[%parallel_loop3A_1058, %parallel_loop3A_1059] {strides = array<i32>} : memref<80x128xf32, #tpu.memory_space<vmem>>, vector<1x16xf32>,
        %parallel_loop3A_1061 = vector.shape_cast %parallel_loop3A_1060 : vector<1x16xf32> to vector<16xf32>
        %parallel_loop3A_1062 = arith.constant 0.000000e+00 : f32
        %parallel_loop3A_1063 = vector.broadcast %parallel_loop3A_1062 : f32 to vector<16xf32>
        %parallel_loop3A_1064 = arith.maximumf %parallel_loop3A_1061, %parallel_loop3A_1063 : vector<16xf32>
        %parallel_loop3A_1065 = arith.index_cast %parallel_loop3A_1033 : i32 to index
        %parallel_loop3A_1066 = arith.constant 32 : index
        %parallel_loop3A_1067 = tpu.vector_load %arg19[%parallel_loop3A_1065, %parallel_loop3A_1066] {strides = array<i32>} : memref<80x128xf32, #tpu.memory_space<vmem>>, vector<1x16xf32>,
        %parallel_loop3A_1068 = vector.shape_cast %parallel_loop3A_1067 : vector<1x16xf32> to vector<16xf32>
        %parallel_loop3A_1069 = vector.shape_cast %parallel_loop3A_1064 : vector<16xf32> to vector<1x16xf32>
        tpu.vector_store %arg19[%parallel_loop3A_1065, %parallel_loop3A_1066], %parallel_loop3A_1069 {strides = array<i32>} : memref<80x128xf32, #tpu.memory_space<vmem>>, vector<1x16xf32>,
        %parallel_loop3A_1070 = arith.index_cast %parallel_loop3A_1033 : i32 to index
        %parallel_loop3A_1071 = arith.constant 48 : index
        %parallel_loop3A_1072 = tpu.vector_load %arg19[%parallel_loop3A_1070, %parallel_loop3A_1071] {strides = array<i32>} : memref<80x128xf32, #tpu.memory_space<vmem>>, vector<1x16xf32>,
        %parallel_loop3A_1073 = vector.shape_cast %parallel_loop3A_1072 : vector<1x16xf32> to vector<16xf32>
        %parallel_loop3A_1074 = arith.constant 0.000000e+00 : f32
        %parallel_loop3A_1075 = vector.broadcast %parallel_loop3A_1074 : f32 to vector<16xf32>
        %parallel_loop3A_1076 = arith.maximumf %parallel_loop3A_1073, %parallel_loop3A_1075 : vector<16xf32>
        %parallel_loop3A_1077 = arith.index_cast %parallel_loop3A_1033 : i32 to index
        %parallel_loop3A_1078 = arith.constant 48 : index
        %parallel_loop3A_1079 = tpu.vector_load %arg19[%parallel_loop3A_1077, %parallel_loop3A_1078] {strides = array<i32>} : memref<80x128xf32, #tpu.memory_space<vmem>>, vector<1x16xf32>,
        %parallel_loop3A_1080 = vector.shape_cast %parallel_loop3A_1079 : vector<1x16xf32> to vector<16xf32>
        %parallel_loop3A_1081 = vector.shape_cast %parallel_loop3A_1076 : vector<16xf32> to vector<1x16xf32>
        tpu.vector_store %arg19[%parallel_loop3A_1077, %parallel_loop3A_1078], %parallel_loop3A_1081 {strides = array<i32>} : memref<80x128xf32, #tpu.memory_space<vmem>>, vector<1x16xf32>,
        %parallel_loop3A_1082 = arith.index_cast %parallel_loop3A_1033 : i32 to index
        %parallel_loop3A_1083 = arith.constant 64 : index
        %parallel_loop3A_1084 = tpu.vector_load %arg19[%parallel_loop3A_1082, %parallel_loop3A_1083] {strides = array<i32>} : memref<80x128xf32, #tpu.memory_space<vmem>>, vector<1x16xf32>,
        %parallel_loop3A_1085 = vector.shape_cast %parallel_loop3A_1084 : vector<1x16xf32> to vector<16xf32>
        %parallel_loop3A_1086 = arith.constant 0.000000e+00 : f32
        %parallel_loop3A_1087 = vector.broadcast %parallel_loop3A_1086 : f32 to vector<16xf32>
        %parallel_loop3A_1088 = arith.maximumf %parallel_loop3A_1085, %parallel_loop3A_1087 : vector<16xf32>
        %parallel_loop3A_1089 = arith.index_cast %parallel_loop3A_1033 : i32 to index
        %parallel_loop3A_1090 = arith.constant 64 : index
        %parallel_loop3A_1091 = tpu.vector_load %arg19[%parallel_loop3A_1089, %parallel_loop3A_1090] {strides = array<i32>} : memref<80x128xf32, #tpu.memory_space<vmem>>, vector<1x16xf32>,
        %parallel_loop3A_1092 = vector.shape_cast %parallel_loop3A_1091 : vector<1x16xf32> to vector<16xf32>
        %parallel_loop3A_1093 = vector.shape_cast %parallel_loop3A_1088 : vector<16xf32> to vector<1x16xf32>
        tpu.vector_store %arg19[%parallel_loop3A_1089, %parallel_loop3A_1090], %parallel_loop3A_1093 {strides = array<i32>} : memref<80x128xf32, #tpu.memory_space<vmem>>, vector<1x16xf32>,
        %parallel_loop3A_1094 = arith.index_cast %parallel_loop3A_1033 : i32 to index
        %parallel_loop3A_1095 = arith.constant 80 : index
        %parallel_loop3A_1096 = tpu.vector_load %arg19[%parallel_loop3A_1094, %parallel_loop3A_1095] {strides = array<i32>} : memref<80x128xf32, #tpu.memory_space<vmem>>, vector<1x16xf32>,
        %parallel_loop3A_1097 = vector.shape_cast %parallel_loop3A_1096 : vector<1x16xf32> to vector<16xf32>
        %parallel_loop3A_1098 = arith.constant 0.000000e+00 : f32
        %parallel_loop3A_1099 = vector.broadcast %parallel_loop3A_1098 : f32 to vector<16xf32>
        %parallel_loop3A_1100 = arith.maximumf %parallel_loop3A_1097, %parallel_loop3A_1099 : vector<16xf32>
        %parallel_loop3A_1101 = arith.index_cast %parallel_loop3A_1033 : i32 to index
        %parallel_loop3A_1102 = arith.constant 80 : index
        %parallel_loop3A_1103 = tpu.vector_load %arg19[%parallel_loop3A_1101, %parallel_loop3A_1102] {strides = array<i32>} : memref<80x128xf32, #tpu.memory_space<vmem>>, vector<1x16xf32>,
        %parallel_loop3A_1104 = vector.shape_cast %parallel_loop3A_1103 : vector<1x16xf32> to vector<16xf32>
        %parallel_loop3A_1105 = vector.shape_cast %parallel_loop3A_1100 : vector<16xf32> to vector<1x16xf32>
        tpu.vector_store %arg19[%parallel_loop3A_1101, %parallel_loop3A_1102], %parallel_loop3A_1105 {strides = array<i32>} : memref<80x128xf32, #tpu.memory_space<vmem>>, vector<1x16xf32>,
        %parallel_loop3A_1106 = arith.index_cast %parallel_loop3A_1033 : i32 to index
        %parallel_loop3A_1107 = arith.constant 96 : index
        %parallel_loop3A_1108 = tpu.vector_load %arg19[%parallel_loop3A_1106, %parallel_loop3A_1107] {strides = array<i32>} : memref<80x128xf32, #tpu.memory_space<vmem>>, vector<1x16xf32>,
        %parallel_loop3A_1109 = vector.shape_cast %parallel_loop3A_1108 : vector<1x16xf32> to vector<16xf32>
        %parallel_loop3A_1110 = arith.constant 0.000000e+00 : f32
        %parallel_loop3A_1111 = vector.broadcast %parallel_loop3A_1110 : f32 to vector<16xf32>
        %parallel_loop3A_1112 = arith.maximumf %parallel_loop3A_1109, %parallel_loop3A_1111 : vector<16xf32>
        %parallel_loop3A_1113 = arith.index_cast %parallel_loop3A_1033 : i32 to index
        %parallel_loop3A_1114 = arith.constant 96 : index
        %parallel_loop3A_1115 = tpu.vector_load %arg19[%parallel_loop3A_1113, %parallel_loop3A_1114] {strides = array<i32>} : memref<80x128xf32, #tpu.memory_space<vmem>>, vector<1x16xf32>,
        %parallel_loop3A_1116 = vector.shape_cast %parallel_loop3A_1115 : vector<1x16xf32> to vector<16xf32>
        %parallel_loop3A_1117 = vector.shape_cast %parallel_loop3A_1112 : vector<16xf32> to vector<1x16xf32>
        tpu.vector_store %arg19[%parallel_loop3A_1113, %parallel_loop3A_1114], %parallel_loop3A_1117 {strides = array<i32>} : memref<80x128xf32, #tpu.memory_space<vmem>>, vector<1x16xf32>,
        %parallel_loop3A_1118 = arith.index_cast %parallel_loop3A_1033 : i32 to index
        %parallel_loop3A_1119 = arith.constant 112 : index
        %parallel_loop3A_1120 = tpu.vector_load %arg19[%parallel_loop3A_1118, %parallel_loop3A_1119] {strides = array<i32>} : memref<80x128xf32, #tpu.memory_space<vmem>>, vector<1x16xf32>,
        %parallel_loop3A_1121 = vector.shape_cast %parallel_loop3A_1120 : vector<1x16xf32> to vector<16xf32>
        %parallel_loop3A_1122 = arith.index_cast %parallel_loop3A_1033 : i32 to index
        %parallel_loop3A_1123 = arith.constant 0 : index
        %parallel_loop3A_1124 = tpu.vector_load %arg21[%parallel_loop3A_1122, %parallel_loop3A_1123] {strides = array<i32>} : memref<80x16xf32, #tpu.memory_space<vmem>>, vector<1x16xf32>,
        %parallel_loop3A_1125 = vector.shape_cast %parallel_loop3A_1124 : vector<1x16xf32> to vector<16xf32>
        %parallel_loop3A_1126 = vector.broadcast %convert_element_type3A : f32 to vector<16xf32>
        %parallel_loop3A_1127 = arith.mulf %parallel_loop3A_1125, %parallel_loop3A_1126 : vector<16xf32>
        %parallel_loop3A_1128 = arith.addf %parallel_loop3A_1121, %parallel_loop3A_1127 : vector<16xf32>
        %parallel_loop3A_1129 = arith.constant 0.000000e+00 : f32
        %parallel_loop3A_1130 = vector.broadcast %parallel_loop3A_1129 : f32 to vector<16xf32>
        %parallel_loop3A_1131 = arith.maximumf %parallel_loop3A_1128, %parallel_loop3A_1130 : vector<16xf32>
        %parallel_loop3A_1132 = arith.index_cast %parallel_loop3A_1033 : i32 to index
        %parallel_loop3A_1133 = arith.constant 112 : index
        %parallel_loop3A_1134 = tpu.vector_load %arg19[%parallel_loop3A_1132, %parallel_loop3A_1133] {strides = array<i32>} : memref<80x128xf32, #tpu.memory_space<vmem>>, vector<1x16xf32>,
        %parallel_loop3A_1135 = vector.shape_cast %parallel_loop3A_1134 : vector<1x16xf32> to vector<16xf32>
        %parallel_loop3A_1136 = vector.shape_cast %parallel_loop3A_1131 : vector<16xf32> to vector<1x16xf32>
        tpu.vector_store %arg19[%parallel_loop3A_1132, %parallel_loop3A_1133], %parallel_loop3A_1136 {strides = array<i32>} : memref<80x128xf32, #tpu.memory_space<vmem>>, vector<1x16xf32>,
      } {sc.loop_unroll_factor = 4 : i64, sc.parallel_access}
      %dma_start3A_689 = arith.constant 0 : i32
      %dma_start3A_690 = arith.constant 0 : i32
      %dma_start3A_691 = tpu.memref_slice %arg11[%dma_start3A_689, %dma_start3A_690] : memref<10000x128xf32, #tpu.memory_space<vmem_shared>> -> memref<10000x128xf32, #tpu.memory_space<vmem_shared>>
      tpu.enqueue_indirect_dma source(%arg19 : memref<80x128xf32, #tpu.memory_space<vmem>>) target(%dma_start3A_691 : memref<10000x128xf32, #tpu.memory_space<vmem_shared>>) offsets(%arg17 : memref<80xi32, #tpu.memory_space<vmem>>) semaphore(%arg32 : memref<!tpu.dma_semaphore, #tpu.memory_space<semaphore_mem>>) {add = true}
      %dma_wait3A_692 = arith.constant 0 : i32
      %dma_wait3A_693 = arith.constant 0 : i32
      %dma_wait3A_694 = tpu.memref_slice %arg16[%dma_wait3A_692, %dma_wait3A_693] : memref<2x80xi32, #tpu.memory_space<vmem>> -> memref<1x80xi32, #tpu.memory_space<vmem>>
      %dma_wait3A_695 = tpu.memref_squeeze %dma_wait3A_694 : memref<1x80xi32, #tpu.memory_space<vmem>> -> memref<80xi32, #tpu.memory_space<vmem>>
      %dma_wait3A_696 = arith.constant 0 : i32
      %dma_wait3A_697 = arith.constant 0 : i32
      %dma_wait3A_698 = tpu.memref_slice %arg3[%dma_wait3A_696, %dma_wait3A_697] : memref<20000x128xf32, #tpu.memory_space<hbm>> -> memref<20000x128xf32, #tpu.memory_space<hbm>>
      tpu.wait_indirect_dma semaphore(%arg27 : memref<!tpu.dma_semaphore, #tpu.memory_space<semaphore_mem>>) src(%dma_wait3A_698 : memref<20000x128xf32, #tpu.memory_space<hbm>>) dst(%arg20 : memref<80x128xf32, #tpu.memory_space<vmem>>)
      %dma_start3A_699 = arith.constant 1 : i32
      %dma_start3A_700 = arith.constant 0 : i32
      %dma_start3A_701 = tpu.memref_slice %arg16[%dma_start3A_699, %dma_start3A_700] : memref<2x80xi32, #tpu.memory_space<vmem>> -> memref<1x80xi32, #tpu.memory_space<vmem>>
      %dma_start3A_702 = tpu.memref_squeeze %dma_start3A_701 : memref<1x80xi32, #tpu.memory_space<vmem>> -> memref<80xi32, #tpu.memory_space<vmem>>
      %dma_start3A_703 = arith.constant 0 : i32
      %dma_start3A_704 = arith.constant 0 : i32
      %dma_start3A_705 = tpu.memref_slice %arg12[%dma_start3A_703, %dma_start3A_704] : memref<120x128xf32, #tpu.memory_space<vmem_shared>> -> memref<120x128xf32, #tpu.memory_space<vmem_shared>>
      tpu.enqueue_indirect_dma source(%dma_start3A_705 : memref<120x128xf32, #tpu.memory_space<vmem_shared>>) target(%arg20 : memref<80x128xf32, #tpu.memory_space<vmem>>) offsets(%dma_start3A_702 : memref<80xi32, #tpu.memory_space<vmem>>) semaphore(%arg29 : memref<!tpu.dma_semaphore, #tpu.memory_space<semaphore_mem>>) {add = true}
      %add3A_706 = arith.constant 1 : i32
      %add3A_707 = arith.addi %mul3A_380, %add3A_706 : i32
      %dma_wait3A_708 = arith.constant 0 : i32
      %dma_wait3A_709 = arith.constant 0 : i32
      %dma_wait3A_710 = tpu.memref_slice %arg13[%dma_wait3A_708, %dma_wait3A_709] : memref<3x80xi32, #tpu.memory_space<vmem>> -> memref<1x80xi32, #tpu.memory_space<vmem>>
      %dma_wait3A_711 = tpu.memref_squeeze %dma_wait3A_710 : memref<1x80xi32, #tpu.memory_space<vmem>> -> memref<80xi32, #tpu.memory_space<vmem>>
      %dma_wait3A_712 = arith.constant 0 : i32
      %dma_wait3A_713 = tpu.memref_slice %arg4[%dma_wait3A_712] : memref<160000xi32, #tpu.memory_space<hbm>> -> memref<80xi32, #tpu.memory_space<hbm>>
      %dma_wait3A_714 = arith.constant 0 : i32
      %dma_wait3A_715 = tpu.memref_slice %arg13[%dma_wait3A_708, %dma_wait3A_714] : memref<3x80xi32, #tpu.memory_space<vmem>> -> memref<1x80xi32, #tpu.memory_space<vmem>>
      %dma_wait3A_716 = tpu.memref_squeeze %dma_wait3A_715 : memref<1x80xi32, #tpu.memory_space<vmem>> -> memref<80xi32, #tpu.memory_space<vmem>>
      %dma_wait3A_717 = arith.constant 0 : i32
      %dma_wait3A_718 = tpu.memref_slice %arg4[%dma_wait3A_717] : memref<160000xi32, #tpu.memory_space<hbm>> -> memref<80xi32, #tpu.memory_space<hbm>>
      tpu.wait_dma2 semaphore(%arg24 : memref<!tpu.dma_semaphore, #tpu.memory_space<semaphore_mem>>) src(%dma_wait3A_718 : memref<80xi32, #tpu.memory_space<hbm>>) dst(%dma_wait3A_716 : memref<80xi32, #tpu.memory_space<vmem>>)
      %dma_wait3A_719 = arith.constant 1 : i32
      %dma_wait3A_720 = arith.constant 0 : i32
      %dma_wait3A_721 = tpu.memref_slice %arg13[%dma_wait3A_719, %dma_wait3A_720] : memref<3x80xi32, #tpu.memory_space<vmem>> -> memref<1x80xi32, #tpu.memory_space<vmem>>
      %dma_wait3A_722 = tpu.memref_squeeze %dma_wait3A_721 : memref<1x80xi32, #tpu.memory_space<vmem>> -> memref<80xi32, #tpu.memory_space<vmem>>
      %dma_wait3A_723 = arith.constant 0 : i32
      %dma_wait3A_724 = tpu.memref_slice %arg4[%dma_wait3A_723] : memref<160000xi32, #tpu.memory_space<hbm>> -> memref<80xi32, #tpu.memory_space<hbm>>
      %dma_wait3A_725 = arith.constant 0 : i32
      %dma_wait3A_726 = tpu.memref_slice %arg13[%dma_wait3A_719, %dma_wait3A_725] : memref<3x80xi32, #tpu.memory_space<vmem>> -> memref<1x80xi32, #tpu.memory_space<vmem>>
      %dma_wait3A_727 = tpu.memref_squeeze %dma_wait3A_726 : memref<1x80xi32, #tpu.memory_space<vmem>> -> memref<80xi32, #tpu.memory_space<vmem>>
      %dma_wait3A_728 = arith.constant 0 : i32
      %dma_wait3A_729 = tpu.memref_slice %arg4[%dma_wait3A_728] : memref<160000xi32, #tpu.memory_space<hbm>> -> memref<80xi32, #tpu.memory_space<hbm>>
      tpu.wait_dma2 semaphore(%arg24 : memref<!tpu.dma_semaphore, #tpu.memory_space<semaphore_mem>>) src(%dma_wait3A_729 : memref<80xi32, #tpu.memory_space<hbm>>) dst(%dma_wait3A_727 : memref<80xi32, #tpu.memory_space<vmem>>)
      %dma_wait3A_730 = arith.constant 2 : i32
      %dma_wait3A_731 = arith.constant 0 : i32
      %dma_wait3A_732 = tpu.memref_slice %arg13[%dma_wait3A_730, %dma_wait3A_731] : memref<3x80xi32, #tpu.memory_space<vmem>> -> memref<1x80xi32, #tpu.memory_space<vmem>>
      %dma_wait3A_733 = tpu.memref_squeeze %dma_wait3A_732 : memref<1x80xi32, #tpu.memory_space<vmem>> -> memref<80xi32, #tpu.memory_space<vmem>>
      %dma_wait3A_734 = arith.constant 0 : i32
      %dma_wait3A_735 = tpu.memref_slice %arg4[%dma_wait3A_734] : memref<160000xi32, #tpu.memory_space<hbm>> -> memref<80xi32, #tpu.memory_space<hbm>>
      %dma_wait3A_736 = arith.constant 0 : i32
      %dma_wait3A_737 = tpu.memref_slice %arg13[%dma_wait3A_730, %dma_wait3A_736] : memref<3x80xi32, #tpu.memory_space<vmem>> -> memref<1x80xi32, #tpu.memory_space<vmem>>
      %dma_wait3A_738 = tpu.memref_squeeze %dma_wait3A_737 : memref<1x80xi32, #tpu.memory_space<vmem>> -> memref<80xi32, #tpu.memory_space<vmem>>
      %dma_wait3A_739 = arith.constant 0 : i32
      %dma_wait3A_740 = tpu.memref_slice %arg4[%dma_wait3A_739] : memref<160000xi32, #tpu.memory_space<hbm>> -> memref<80xi32, #tpu.memory_space<hbm>>
      tpu.wait_dma2 semaphore(%arg24 : memref<!tpu.dma_semaphore, #tpu.memory_space<semaphore_mem>>) src(%dma_wait3A_740 : memref<80xi32, #tpu.memory_space<hbm>>) dst(%dma_wait3A_738 : memref<80xi32, #tpu.memory_space<vmem>>)
      %dma_wait3A_741 = arith.constant 0 : i32
      %dma_wait3A_742 = arith.constant 0 : i32
      %dma_wait3A_743 = tpu.memref_slice %arg11[%dma_wait3A_741, %dma_wait3A_742] : memref<10000x128xf32, #tpu.memory_space<vmem_shared>> -> memref<10000x128xf32, #tpu.memory_space<vmem_shared>>
      tpu.wait_indirect_dma semaphore(%arg32 : memref<!tpu.dma_semaphore, #tpu.memory_space<semaphore_mem>>) src(%arg19 : memref<80x128xf32, #tpu.memory_space<vmem>>) dst(%dma_wait3A_743 : memref<10000x128xf32, #tpu.memory_space<vmem_shared>>)
      %get3A_744 = arith.constant 0 : i32
      %get3A_745 = arith.index_cast %get3A_744 : i32 to index
      %get3A_746 = arith.constant 0 : index
      %get3A_747 = tpu.vector_load %arg13[%get3A_745, %get3A_746] {strides = array<i32>} : memref<3x80xi32, #tpu.memory_space<vmem>>, vector<1x16xi32>,
      %get3A_748 = vector.shape_cast %get3A_747 : vector<1x16xi32> to vector<16xi32>
      %mul3A_749 = arith.constant 2 : i32
      %mul3A_750 = vector.broadcast %mul3A_749 : i32 to vector<16xi32>
      %mul3A_751 = arith.muli %get3A_748, %mul3A_750 : vector<16xi32>
      %add3A_752 = vector.broadcast %arg0 : i32 to vector<16xi32>
      %add3A_753 = arith.addi %mul3A_751, %add3A_752 : vector<16xi32>
      %swap3A_754 = arith.constant 0 : i32
      %swap3A_755 = arith.index_cast %swap3A_754 : i32 to index
      %swap3A_756 = arith.constant 0 : index
      %swap3A_757 = tpu.vector_load %arg15[%swap3A_755, %swap3A_756] {strides = array<i32>} : memref<2x80xi32, #tpu.memory_space<vmem>>, vector<1x16xi32>,
      %swap3A_758 = vector.shape_cast %swap3A_757 : vector<1x16xi32> to vector<16xi32>
      %swap3A_759 = vector.shape_cast %add3A_753 : vector<16xi32> to vector<1x16xi32>
      tpu.vector_store %arg15[%swap3A_755, %swap3A_756], %swap3A_759 {strides = array<i32>} : memref<2x80xi32, #tpu.memory_space<vmem>>, vector<1x16xi32>,
      %get3A_760 = arith.constant 2 : i32
      %get3A_761 = arith.index_cast %get3A_760 : i32 to index
      %get3A_762 = arith.constant 0 : index
      %get3A_763 = tpu.vector_load %arg13[%get3A_761, %get3A_762] {strides = array<i32>} : memref<3x80xi32, #tpu.memory_space<vmem>>, vector<1x16xi32>,
      %get3A_764 = vector.shape_cast %get3A_763 : vector<1x16xi32> to vector<16xi32>
      %mul3A_765 = arith.constant 2 : i32
      %mul3A_766 = vector.broadcast %mul3A_765 : i32 to vector<16xi32>
      %mul3A_767 = arith.muli %get3A_764, %mul3A_766 : vector<16xi32>
      %add3A_768 = vector.broadcast %arg0 : i32 to vector<16xi32>
      %add3A_769 = arith.addi %mul3A_767, %add3A_768 : vector<16xi32>
      %swap3A_770 = arith.constant 1 : i32
      %swap3A_771 = arith.index_cast %swap3A_770 : i32 to index
      %swap3A_772 = arith.constant 0 : index
      %swap3A_773 = tpu.vector_load %arg15[%swap3A_771, %swap3A_772] {strides = array<i32>} : memref<2x80xi32, #tpu.memory_space<vmem>>, vector<1x16xi32>,
      %swap3A_774 = vector.shape_cast %swap3A_773 : vector<1x16xi32> to vector<16xi32>
      %swap3A_775 = vector.shape_cast %add3A_769 : vector<16xi32> to vector<1x16xi32>
      tpu.vector_store %arg15[%swap3A_771, %swap3A_772], %swap3A_775 {strides = array<i32>} : memref<2x80xi32, #tpu.memory_space<vmem>>, vector<1x16xi32>,
      %get3A_776 = arith.constant 1 : i32
      %get3A_777 = arith.index_cast %get3A_776 : i32 to index
      %get3A_778 = arith.constant 0 : index
      %get3A_779 = tpu.vector_load %arg13[%get3A_777, %get3A_778] {strides = array<i32>} : memref<3x80xi32, #tpu.memory_space<vmem>>, vector<1x16xi32>,
      %get3A_780 = vector.shape_cast %get3A_779 : vector<1x16xi32> to vector<16xi32>
      %swap3A_781 = arith.constant 0 : index
      %swap3A_782 = tpu.vector_load %arg17[%swap3A_781] {strides = array<i32>} : memref<80xi32, #tpu.memory_space<vmem>>, vector<16xi32>,
      %swap3A_783 = vector.shape_cast %swap3A_782 : vector<16xi32> to vector<16xi32>
      %swap3A_784 = vector.shape_cast %get3A_780 : vector<16xi32> to vector<16xi32>
      tpu.vector_store %arg17[%swap3A_781], %swap3A_784 {strides = array<i32>} : memref<80xi32, #tpu.memory_space<vmem>>, vector<16xi32>,
      %get3A_785 = arith.constant 0 : i32
      %get3A_786 = arith.index_cast %get3A_785 : i32 to index
      %get3A_787 = arith.constant 16 : index
      %get3A_788 = tpu.vector_load %arg13[%get3A_786, %get3A_787] {strides = array<i32>} : memref<3x80xi32, #tpu.memory_space<vmem>>, vector<1x16xi32>,
      %get3A_789 = vector.shape_cast %get3A_788 : vector<1x16xi32> to vector<16xi32>
      %mul3A_790 = arith.constant 2 : i32
      %mul3A_791 = vector.broadcast %mul3A_790 : i32 to vector<16xi32>
      %mul3A_792 = arith.muli %get3A_789, %mul3A_791 : vector<16xi32>
      %add3A_793 = vector.broadcast %arg0 : i32 to vector<16xi32>
      %add3A_794 = arith.addi %mul3A_792, %add3A_793 : vector<16xi32>
      %swap3A_795 = arith.constant 0 : i32
      %swap3A_796 = arith.index_cast %swap3A_795 : i32 to index
      %swap3A_797 = arith.constant 16 : index
      %swap3A_798 = tpu.vector_load %arg15[%swap3A_796, %swap3A_797] {strides = array<i32>} : memref<2x80xi32, #tpu.memory_space<vmem>>, vector<1x16xi32>,
      %swap3A_799 = vector.shape_cast %swap3A_798 : vector<1x16xi32> to vector<16xi32>
      %swap3A_800 = vector.shape_cast %add3A_794 : vector<16xi32> to vector<1x16xi32>
      tpu.vector_store %arg15[%swap3A_796, %swap3A_797], %swap3A_800 {strides = array<i32>} : memref<2x80xi32, #tpu.memory_space<vmem>>, vector<1x16xi32>,
      %get3A_801 = arith.constant 2 : i32
      %get3A_802 = arith.index_cast %get3A_801 : i32 to index
      %get3A_803 = arith.constant 16 : index
      %get3A_804 = tpu.vector_load %arg13[%get3A_802, %get3A_803] {strides = array<i32>} : memref<3x80xi32, #tpu.memory_space<vmem>>, vector<1x16xi32>,
      %get3A_805 = vector.shape_cast %get3A_804 : vector<1x16xi32> to vector<16xi32>
      %mul3A_806 = arith.constant 2 : i32
      %mul3A_807 = vector.broadcast %mul3A_806 : i32 to vector<16xi32>
      %mul3A_808 = arith.muli %get3A_805, %mul3A_807 : vector<16xi32>
      %add3A_809 = vector.broadcast %arg0 : i32 to vector<16xi32>
      %add3A_810 = arith.addi %mul3A_808, %add3A_809 : vector<16xi32>
      %swap3A_811 = arith.constant 1 : i32
      %swap3A_812 = arith.index_cast %swap3A_811 : i32 to index
      %swap3A_813 = arith.constant 16 : index
      %swap3A_814 = tpu.vector_load %arg15[%swap3A_812, %swap3A_813] {strides = array<i32>} : memref<2x80xi32, #tpu.memory_space<vmem>>, vector<1x16xi32>,
      %swap3A_815 = vector.shape_cast %swap3A_814 : vector<1x16xi32> to vector<16xi32>
      %swap3A_816 = vector.shape_cast %add3A_810 : vector<16xi32> to vector<1x16xi32>
      tpu.vector_store %arg15[%swap3A_812, %swap3A_813], %swap3A_816 {strides = array<i32>} : memref<2x80xi32, #tpu.memory_space<vmem>>, vector<1x16xi32>,
      %get3A_817 = arith.constant 1 : i32
      %get3A_818 = arith.index_cast %get3A_817 : i32 to index
      %get3A_819 = arith.constant 16 : index
      %get3A_820 = tpu.vector_load %arg13[%get3A_818, %get3A_819] {strides = array<i32>} : memref<3x80xi32, #tpu.memory_space<vmem>>, vector<1x16xi32>,
      %get3A_821 = vector.shape_cast %get3A_820 : vector<1x16xi32> to vector<16xi32>
      %swap3A_822 = arith.constant 16 : index
      %swap3A_823 = tpu.vector_load %arg17[%swap3A_822] {strides = array<i32>} : memref<80xi32, #tpu.memory_space<vmem>>, vector<16xi32>,
      %swap3A_824 = vector.shape_cast %swap3A_823 : vector<16xi32> to vector<16xi32>
      %swap3A_825 = vector.shape_cast %get3A_821 : vector<16xi32> to vector<16xi32>
      tpu.vector_store %arg17[%swap3A_822], %swap3A_825 {strides = array<i32>} : memref<80xi32, #tpu.memory_space<vmem>>, vector<16xi32>,
      %get3A_826 = arith.constant 0 : i32
      %get3A_827 = arith.index_cast %get3A_826 : i32 to index
      %get3A_828 = arith.constant 32 : index
      %get3A_829 = tpu.vector_load %arg13[%get3A_827, %get3A_828] {strides = array<i32>} : memref<3x80xi32, #tpu.memory_space<vmem>>, vector<1x16xi32>,
      %get3A_830 = vector.shape_cast %get3A_829 : vector<1x16xi32> to vector<16xi32>
      %mul3A_831 = arith.constant 2 : i32
      %mul3A_832 = vector.broadcast %mul3A_831 : i32 to vector<16xi32>
      %mul3A_833 = arith.muli %get3A_830, %mul3A_832 : vector<16xi32>
      %add3A_834 = vector.broadcast %arg0 : i32 to vector<16xi32>
      %add3A_835 = arith.addi %mul3A_833, %add3A_834 : vector<16xi32>
      %swap3A_836 = arith.constant 0 : i32
      %swap3A_837 = arith.index_cast %swap3A_836 : i32 to index
      %swap3A_838 = arith.constant 32 : index
      %swap3A_839 = tpu.vector_load %arg15[%swap3A_837, %swap3A_838] {strides = array<i32>} : memref<2x80xi32, #tpu.memory_space<vmem>>, vector<1x16xi32>,
      %swap3A_840 = vector.shape_cast %swap3A_839 : vector<1x16xi32> to vector<16xi32>
      %swap3A_841 = vector.shape_cast %add3A_835 : vector<16xi32> to vector<1x16xi32>
      tpu.vector_store %arg15[%swap3A_837, %swap3A_838], %swap3A_841 {strides = array<i32>} : memref<2x80xi32, #tpu.memory_space<vmem>>, vector<1x16xi32>,
      %get3A_842 = arith.constant 2 : i32
      %get3A_843 = arith.index_cast %get3A_842 : i32 to index
      %get3A_844 = arith.constant 32 : index
      %get3A_845 = tpu.vector_load %arg13[%get3A_843, %get3A_844] {strides = array<i32>} : memref<3x80xi32, #tpu.memory_space<vmem>>, vector<1x16xi32>,
      %get3A_846 = vector.shape_cast %get3A_845 : vector<1x16xi32> to vector<16xi32>
      %mul3A_847 = arith.constant 2 : i32
      %mul3A_848 = vector.broadcast %mul3A_847 : i32 to vector<16xi32>
      %mul3A_849 = arith.muli %get3A_846, %mul3A_848 : vector<16xi32>
      %add3A_850 = vector.broadcast %arg0 : i32 to vector<16xi32>
      %add3A_851 = arith.addi %mul3A_849, %add3A_850 : vector<16xi32>
      %swap3A_852 = arith.constant 1 : i32
      %swap3A_853 = arith.index_cast %swap3A_852 : i32 to index
      %swap3A_854 = arith.constant 32 : index
      %swap3A_855 = tpu.vector_load %arg15[%swap3A_853, %swap3A_854] {strides = array<i32>} : memref<2x80xi32, #tpu.memory_space<vmem>>, vector<1x16xi32>,
      %swap3A_856 = vector.shape_cast %swap3A_855 : vector<1x16xi32> to vector<16xi32>
      %swap3A_857 = vector.shape_cast %add3A_851 : vector<16xi32> to vector<1x16xi32>
      tpu.vector_store %arg15[%swap3A_853, %swap3A_854], %swap3A_857 {strides = array<i32>} : memref<2x80xi32, #tpu.memory_space<vmem>>, vector<1x16xi32>,
      %get3A_858 = arith.constant 1 : i32
      %get3A_859 = arith.index_cast %get3A_858 : i32 to index
      %get3A_860 = arith.constant 32 : index
      %get3A_861 = tpu.vector_load %arg13[%get3A_859, %get3A_860] {strides = array<i32>} : memref<3x80xi32, #tpu.memory_space<vmem>>, vector<1x16xi32>,
      %get3A_862 = vector.shape_cast %get3A_861 : vector<1x16xi32> to vector<16xi32>
      %swap3A_863 = arith.constant 32 : index
      %swap3A_864 = tpu.vector_load %arg17[%swap3A_863] {strides = array<i32>} : memref<80xi32, #tpu.memory_space<vmem>>, vector<16xi32>,
      %swap3A_865 = vector.shape_cast %swap3A_864 : vector<16xi32> to vector<16xi32>
      %swap3A_866 = vector.shape_cast %get3A_862 : vector<16xi32> to vector<16xi32>
      tpu.vector_store %arg17[%swap3A_863], %swap3A_866 {strides = array<i32>} : memref<80xi32, #tpu.memory_space<vmem>>, vector<16xi32>,
      %get3A_867 = arith.constant 0 : i32
      %get3A_868 = arith.index_cast %get3A_867 : i32 to index
      %get3A_869 = arith.constant 48 : index
      %get3A_870 = tpu.vector_load %arg13[%get3A_868, %get3A_869] {strides = array<i32>} : memref<3x80xi32, #tpu.memory_space<vmem>>, vector<1x16xi32>,
      %get3A_871 = vector.shape_cast %get3A_870 : vector<1x16xi32> to vector<16xi32>
      %mul3A_872 = arith.constant 2 : i32
      %mul3A_873 = vector.broadcast %mul3A_872 : i32 to vector<16xi32>
      %mul3A_874 = arith.muli %get3A_871, %mul3A_873 : vector<16xi32>
      %add3A_875 = vector.broadcast %arg0 : i32 to vector<16xi32>
      %add3A_876 = arith.addi %mul3A_874, %add3A_875 : vector<16xi32>
      %swap3A_877 = arith.constant 0 : i32
      %swap3A_878 = arith.index_cast %swap3A_877 : i32 to index
      %swap3A_879 = arith.constant 48 : index
      %swap3A_880 = tpu.vector_load %arg15[%swap3A_878, %swap3A_879] {strides = array<i32>} : memref<2x80xi32, #tpu.memory_space<vmem>>, vector<1x16xi32>,
      %swap3A_881 = vector.shape_cast %swap3A_880 : vector<1x16xi32> to vector<16xi32>
      %swap3A_882 = vector.shape_cast %add3A_876 : vector<16xi32> to vector<1x16xi32>
      tpu.vector_store %arg15[%swap3A_878, %swap3A_879], %swap3A_882 {strides = array<i32>} : memref<2x80xi32, #tpu.memory_space<vmem>>, vector<1x16xi32>,
      %get3A_883 = arith.constant 2 : i32
      %get3A_884 = arith.index_cast %get3A_883 : i32 to index
      %get3A_885 = arith.constant 48 : index
      %get3A_886 = tpu.vector_load %arg13[%get3A_884, %get3A_885] {strides = array<i32>} : memref<3x80xi32, #tpu.memory_space<vmem>>, vector<1x16xi32>,
      %get3A_887 = vector.shape_cast %get3A_886 : vector<1x16xi32> to vector<16xi32>
      %mul3A_888 = arith.constant 2 : i32
      %mul3A_889 = vector.broadcast %mul3A_888 : i32 to vector<16xi32>
      %mul3A_890 = arith.muli %get3A_887, %mul3A_889 : vector<16xi32>
      %add3A_891 = vector.broadcast %arg0 : i32 to vector<16xi32>
      %add3A_892 = arith.addi %mul3A_890, %add3A_891 : vector<16xi32>
      %swap3A_893 = arith.constant 1 : i32
      %swap3A_894 = arith.index_cast %swap3A_893 : i32 to index
      %swap3A_895 = arith.constant 48 : index
      %swap3A_896 = tpu.vector_load %arg15[%swap3A_894, %swap3A_895] {strides = array<i32>} : memref<2x80xi32, #tpu.memory_space<vmem>>, vector<1x16xi32>,
      %swap3A_897 = vector.shape_cast %swap3A_896 : vector<1x16xi32> to vector<16xi32>
      %swap3A_898 = vector.shape_cast %add3A_892 : vector<16xi32> to vector<1x16xi32>
      tpu.vector_store %arg15[%swap3A_894, %swap3A_895], %swap3A_898 {strides = array<i32>} : memref<2x80xi32, #tpu.memory_space<vmem>>, vector<1x16xi32>,
      %get3A_899 = arith.constant 1 : i32
      %get3A_900 = arith.index_cast %get3A_899 : i32 to index
      %get3A_901 = arith.constant 48 : index
      %get3A_902 = tpu.vector_load %arg13[%get3A_900, %get3A_901] {strides = array<i32>} : memref<3x80xi32, #tpu.memory_space<vmem>>, vector<1x16xi32>,
      %get3A_903 = vector.shape_cast %get3A_902 : vector<1x16xi32> to vector<16xi32>
      %swap3A_904 = arith.constant 48 : index
      %swap3A_905 = tpu.vector_load %arg17[%swap3A_904] {strides = array<i32>} : memref<80xi32, #tpu.memory_space<vmem>>, vector<16xi32>,
      %swap3A_906 = vector.shape_cast %swap3A_905 : vector<16xi32> to vector<16xi32>
      %swap3A_907 = vector.shape_cast %get3A_903 : vector<16xi32> to vector<16xi32>
      tpu.vector_store %arg17[%swap3A_904], %swap3A_907 {strides = array<i32>} : memref<80xi32, #tpu.memory_space<vmem>>, vector<16xi32>,
      %get3A_908 = arith.constant 0 : i32
      %get3A_909 = arith.index_cast %get3A_908 : i32 to index
      %get3A_910 = arith.constant 64 : index
      %get3A_911 = tpu.vector_load %arg13[%get3A_909, %get3A_910] {strides = array<i32>} : memref<3x80xi32, #tpu.memory_space<vmem>>, vector<1x16xi32>,
      %get3A_912 = vector.shape_cast %get3A_911 : vector<1x16xi32> to vector<16xi32>
      %mul3A_913 = arith.constant 2 : i32
      %mul3A_914 = vector.broadcast %mul3A_913 : i32 to vector<16xi32>
      %mul3A_915 = arith.muli %get3A_912, %mul3A_914 : vector<16xi32>
      %add3A_916 = vector.broadcast %arg0 : i32 to vector<16xi32>
      %add3A_917 = arith.addi %mul3A_915, %add3A_916 : vector<16xi32>
      %swap3A_918 = arith.constant 0 : i32
      %swap3A_919 = arith.index_cast %swap3A_918 : i32 to index
      %swap3A_920 = arith.constant 64 : index
      %swap3A_921 = tpu.vector_load %arg15[%swap3A_919, %swap3A_920] {strides = array<i32>} : memref<2x80xi32, #tpu.memory_space<vmem>>, vector<1x16xi32>,
      %swap3A_922 = vector.shape_cast %swap3A_921 : vector<1x16xi32> to vector<16xi32>
      %swap3A_923 = vector.shape_cast %add3A_917 : vector<16xi32> to vector<1x16xi32>
      tpu.vector_store %arg15[%swap3A_919, %swap3A_920], %swap3A_923 {strides = array<i32>} : memref<2x80xi32, #tpu.memory_space<vmem>>, vector<1x16xi32>,
      %get3A_924 = arith.constant 2 : i32
      %get3A_925 = arith.index_cast %get3A_924 : i32 to index
      %get3A_926 = arith.constant 64 : index
      %get3A_927 = tpu.vector_load %arg13[%get3A_925, %get3A_926] {strides = array<i32>} : memref<3x80xi32, #tpu.memory_space<vmem>>, vector<1x16xi32>,
      %get3A_928 = vector.shape_cast %get3A_927 : vector<1x16xi32> to vector<16xi32>
      %mul3A_929 = arith.constant 2 : i32
      %mul3A_930 = vector.broadcast %mul3A_929 : i32 to vector<16xi32>
      %mul3A_931 = arith.muli %get3A_928, %mul3A_930 : vector<16xi32>
      %add3A_932 = vector.broadcast %arg0 : i32 to vector<16xi32>
      %add3A_933 = arith.addi %mul3A_931, %add3A_932 : vector<16xi32>
      %swap3A_934 = arith.constant 1 : i32
      %swap3A_935 = arith.index_cast %swap3A_934 : i32 to index
      %swap3A_936 = arith.constant 64 : index
      %swap3A_937 = tpu.vector_load %arg15[%swap3A_935, %swap3A_936] {strides = array<i32>} : memref<2x80xi32, #tpu.memory_space<vmem>>, vector<1x16xi32>,
      %swap3A_938 = vector.shape_cast %swap3A_937 : vector<1x16xi32> to vector<16xi32>
      %swap3A_939 = vector.shape_cast %add3A_933 : vector<16xi32> to vector<1x16xi32>
      tpu.vector_store %arg15[%swap3A_935, %swap3A_936], %swap3A_939 {strides = array<i32>} : memref<2x80xi32, #tpu.memory_space<vmem>>, vector<1x16xi32>,
      %get3A_940 = arith.constant 1 : i32
      %get3A_941 = arith.index_cast %get3A_940 : i32 to index
      %get3A_942 = arith.constant 64 : index
      %get3A_943 = tpu.vector_load %arg13[%get3A_941, %get3A_942] {strides = array<i32>} : memref<3x80xi32, #tpu.memory_space<vmem>>, vector<1x16xi32>,
      %get3A_944 = vector.shape_cast %get3A_943 : vector<1x16xi32> to vector<16xi32>
      %swap3A_945 = arith.constant 64 : index
      %swap3A_946 = tpu.vector_load %arg17[%swap3A_945] {strides = array<i32>} : memref<80xi32, #tpu.memory_space<vmem>>, vector<16xi32>,
      %swap3A_947 = vector.shape_cast %swap3A_946 : vector<16xi32> to vector<16xi32>
      %swap3A_948 = vector.shape_cast %get3A_944 : vector<16xi32> to vector<16xi32>
      tpu.vector_store %arg17[%swap3A_945], %swap3A_948 {strides = array<i32>} : memref<80xi32, #tpu.memory_space<vmem>>, vector<16xi32>,
      %add3A_949 = arith.constant 1 : i32
      %add3A_950 = arith.addi %add3A_707, %add3A_949 : i32
      %dma_start3A_951 = arith.constant 0 : i32
      %dma_start3A_952 = arith.constant 0 : i32
      %dma_start3A_953 = tpu.memref_slice %arg15[%dma_start3A_951, %dma_start3A_952] : memref<2x80xi32, #tpu.memory_space<vmem>> -> memref<1x80xi32, #tpu.memory_space<vmem>>
      %dma_start3A_954 = tpu.memref_squeeze %dma_start3A_953 : memref<1x80xi32, #tpu.memory_space<vmem>> -> memref<80xi32, #tpu.memory_space<vmem>>
      %dma_start3A_955 = arith.constant 0 : i32
      %dma_start3A_956 = arith.constant 0 : i32
      %dma_start3A_957 = tpu.memref_slice %arg3[%dma_start3A_955, %dma_start3A_956] : memref<20000x128xf32, #tpu.memory_space<hbm>> -> memref<20000x128xf32, #tpu.memory_space<hbm>>
      tpu.enqueue_indirect_dma source(%dma_start3A_957 : memref<20000x128xf32, #tpu.memory_space<hbm>>) target(%arg19 : memref<80x128xf32, #tpu.memory_space<vmem>>) offsets(%dma_start3A_954 : memref<80xi32, #tpu.memory_space<vmem>>) semaphore(%arg26 : memref<!tpu.dma_semaphore, #tpu.memory_space<semaphore_mem>>)
      %mul3A_958 = arith.constant 80 : i32
      %mul3A_959 = arith.muli %add3A_950, %mul3A_958 : i32
      %add3A_960 = arith.addi %mul3A_48, %mul3A_959 : i32
      %dma_start3A_961 = arith.constant 0 : i32
      %dma_start3A_962 = tpu.memref_slice %arg7[%add3A_960, %dma_start3A_961] : memref<160000x16xf32, #tpu.memory_space<hbm>> -> memref<80x16xf32, #tpu.memory_space<hbm>>
      %dma_start3A_963 = arith.constant 0 : i32
      %dma_start3A_964 = tpu.memref_slice %arg7[%add3A_960, %dma_start3A_963] : memref<160000x16xf32, #tpu.memory_space<hbm>> -> memref<80x16xf32, #tpu.memory_space<hbm>>
      tpu.enqueue_dma source(%dma_start3A_964 : memref<80x16xf32, #tpu.memory_space<hbm>>) target(%arg21 : memref<80x16xf32, #tpu.memory_space<vmem>>) target_semaphore(%arg30 : memref<!tpu.dma_semaphore, #tpu.memory_space<semaphore_mem>>)
      %add3A_965 = arith.constant 2 : i32
      %add3A_966 = arith.addi %add3A_707, %add3A_965 : i32
      %min3A_967 = arith.constant 124 : i32
      %min3A_968 = arith.minsi %add3A_966, %min3A_967 : i32
      %mul3A_969 = arith.constant 80 : i32
      %mul3A_970 = arith.muli %min3A_968, %mul3A_969 : i32
      %add3A_971 = arith.addi %mul3A_48, %mul3A_970 : i32
      %dma_start3A_972 = arith.constant 0 : i32
      %dma_start3A_973 = arith.constant 0 : i32
      %dma_start3A_974 = tpu.memref_slice %arg14[%dma_start3A_972, %dma_start3A_973] : memref<3x80xi32, #tpu.memory_space<vmem>> -> memref<1x80xi32, #tpu.memory_space<vmem>>
      %dma_start3A_975 = tpu.memref_squeeze %dma_start3A_974 : memref<1x80xi32, #tpu.memory_space<vmem>> -> memref<80xi32, #tpu.memory_space<vmem>>
      %dma_start3A_976 = tpu.memref_slice %arg4[%add3A_971] : memref<160000xi32, #tpu.memory_space<hbm>> -> memref<80xi32, #tpu.memory_space<hbm>>
      %dma_start3A_977 = arith.constant 0 : i32
      %dma_start3A_978 = tpu.memref_slice %arg14[%dma_start3A_972, %dma_start3A_977] : memref<3x80xi32, #tpu.memory_space<vmem>> -> memref<1x80xi32, #tpu.memory_space<vmem>>
      %dma_start3A_979 = tpu.memref_squeeze %dma_start3A_978 : memref<1x80xi32, #tpu.memory_space<vmem>> -> memref<80xi32, #tpu.memory_space<vmem>>
      %dma_start3A_980 = tpu.memref_slice %arg4[%add3A_971] : memref<160000xi32, #tpu.memory_space<hbm>> -> memref<80xi32, #tpu.memory_space<hbm>>
      tpu.enqueue_dma source(%dma_start3A_980 : memref<80xi32, #tpu.memory_space<hbm>>) target(%dma_start3A_979 : memref<80xi32, #tpu.memory_space<vmem>>) target_semaphore(%arg25 : memref<!tpu.dma_semaphore, #tpu.memory_space<semaphore_mem>>)
      %dma_start3A_981 = arith.constant 1 : i32
      %dma_start3A_982 = arith.constant 0 : i32
      %dma_start3A_983 = tpu.memref_slice %arg14[%dma_start3A_981, %dma_start3A_982] : memref<3x80xi32, #tpu.memory_space<vmem>> -> memref<1x80xi32, #tpu.memory_space<vmem>>
      %dma_start3A_984 = tpu.memref_squeeze %dma_start3A_983 : memref<1x80xi32, #tpu.memory_space<vmem>> -> memref<80xi32, #tpu.memory_space<vmem>>
      %dma_start3A_985 = tpu.memref_slice %arg5[%add3A_971] : memref<160000xi32, #tpu.memory_space<hbm>> -> memref<80xi32, #tpu.memory_space<hbm>>
      %dma_start3A_986 = arith.constant 0 : i32
      %dma_start3A_987 = tpu.memref_slice %arg14[%dma_start3A_981, %dma_start3A_986] : memref<3x80xi32, #tpu.memory_space<vmem>> -> memref<1x80xi32, #tpu.memory_space<vmem>>
      %dma_start3A_988 = tpu.memref_squeeze %dma_start3A_987 : memref<1x80xi32, #tpu.memory_space<vmem>> -> memref<80xi32, #tpu.memory_space<vmem>>
      %dma_start3A_989 = tpu.memref_slice %arg5[%add3A_971] : memref<160000xi32, #tpu.memory_space<hbm>> -> memref<80xi32, #tpu.memory_space<hbm>>
      tpu.enqueue_dma source(%dma_start3A_989 : memref<80xi32, #tpu.memory_space<hbm>>) target(%dma_start3A_988 : memref<80xi32, #tpu.memory_space<vmem>>) target_semaphore(%arg25 : memref<!tpu.dma_semaphore, #tpu.memory_space<semaphore_mem>>)
      %dma_start3A_990 = arith.constant 2 : i32
      %dma_start3A_991 = arith.constant 0 : i32
      %dma_start3A_992 = tpu.memref_slice %arg14[%dma_start3A_990, %dma_start3A_991] : memref<3x80xi32, #tpu.memory_space<vmem>> -> memref<1x80xi32, #tpu.memory_space<vmem>>
      %dma_start3A_993 = tpu.memref_squeeze %dma_start3A_992 : memref<1x80xi32, #tpu.memory_space<vmem>> -> memref<80xi32, #tpu.memory_space<vmem>>
      %dma_start3A_994 = tpu.memref_slice %arg6[%add3A_971] : memref<160000xi32, #tpu.memory_space<hbm>> -> memref<80xi32, #tpu.memory_space<hbm>>
      %dma_start3A_995 = arith.constant 0 : i32
      %dma_start3A_996 = tpu.memref_slice %arg14[%dma_start3A_990, %dma_start3A_995] : memref<3x80xi32, #tpu.memory_space<vmem>> -> memref<1x80xi32, #tpu.memory_space<vmem>>
      %dma_start3A_997 = tpu.memref_squeeze %dma_start3A_996 : memref<1x80xi32, #tpu.memory_space<vmem>> -> memref<80xi32, #tpu.memory_space<vmem>>
      %dma_start3A_998 = tpu.memref_slice %arg6[%add3A_971] : memref<160000xi32, #tpu.memory_space<hbm>> -> memref<80xi32, #tpu.memory_space<hbm>>
      tpu.enqueue_dma source(%dma_start3A_998 : memref<80xi32, #tpu.memory_space<hbm>>) target(%dma_start3A_997 : memref<80xi32, #tpu.memory_space<vmem>>) target_semaphore(%arg25 : memref<!tpu.dma_semaphore, #tpu.memory_space<semaphore_mem>>)
      %dma_wait3A_999 = arith.constant 1 : i32
      %dma_wait3A_1000 = arith.constant 0 : i32
      %dma_wait3A_1001 = tpu.memref_slice %arg16[%dma_wait3A_999, %dma_wait3A_1000] : memref<2x80xi32, #tpu.memory_space<vmem>> -> memref<1x80xi32, #tpu.memory_space<vmem>>
      %dma_wait3A_1002 = tpu.memref_squeeze %dma_wait3A_1001 : memref<1x80xi32, #tpu.memory_space<vmem>> -> memref<80xi32, #tpu.memory_space<vmem>>
      %dma_wait3A_1003 = arith.constant 0 : i32
      %dma_wait3A_1004 = arith.constant 0 : i32
      %dma_wait3A_1005 = tpu.memref_slice %arg12[%dma_wait3A_1003, %dma_wait3A_1004] : memref<120x128xf32, #tpu.memory_space<vmem_shared>> -> memref<120x128xf32, #tpu.memory_space<vmem_shared>>
      tpu.wait_indirect_dma semaphore(%arg29 : memref<!tpu.dma_semaphore, #tpu.memory_space<semaphore_mem>>) src(%dma_wait3A_1005 : memref<120x128xf32, #tpu.memory_space<vmem_shared>>) dst(%arg20 : memref<80x128xf32, #tpu.memory_space<vmem>>)
      %dma_wait3A_1006 = arith.constant 0 : i32
      %dma_wait3A_1007 = arith.constant 0 : i32
      %dma_wait3A_1008 = tpu.memref_slice %arg7[%dma_wait3A_1006, %dma_wait3A_1007] : memref<160000x16xf32, #tpu.memory_space<hbm>> -> memref<80x16xf32, #tpu.memory_space<hbm>>
      %dma_wait3A_1009 = arith.constant 0 : i32
      %dma_wait3A_1010 = arith.constant 0 : i32
      %dma_wait3A_1011 = tpu.memref_slice %arg7[%dma_wait3A_1009, %dma_wait3A_1010] : memref<160000x16xf32, #tpu.memory_space<hbm>> -> memref<80x16xf32, #tpu.memory_space<hbm>>
      tpu.wait_dma2 semaphore(%arg31 : memref<!tpu.dma_semaphore, #tpu.memory_space<semaphore_mem>>) src(%dma_wait3A_1011 : memref<80x16xf32, #tpu.memory_space<hbm>>) dst(%arg22 : memref<80x16xf32, #tpu.memory_space<vmem>>)
      %parallel_loop3A_1012 = arith.constant 0 : i32
      %parallel_loop3A_1013 = arith.constant 80 : i32
      %parallel_loop3A_1014 = arith.constant 1 : i32
      scf.for %parallel_loop3A_1033 = %parallel_loop3A_1012 to %parallel_loop3A_1013 step %parallel_loop3A_1014  : i32 {
        %parallel_loop3A_1034 = arith.index_cast %parallel_loop3A_1033 : i32 to index
        %parallel_loop3A_1035 = arith.constant 0 : index
        %parallel_loop3A_1036 = tpu.vector_load %arg20[%parallel_loop3A_1034, %parallel_loop3A_1035] {strides = array<i32>} : memref<80x128xf32, #tpu.memory_space<vmem>>, vector<1x16xf32>,
        %parallel_loop3A_1037 = vector.shape_cast %parallel_loop3A_1036 : vector<1x16xf32> to vector<16xf32>
        %parallel_loop3A_1038 = arith.constant 0.000000e+00 : f32
        %parallel_loop3A_1039 = vector.broadcast %parallel_loop3A_1038 : f32 to vector<16xf32>
        %parallel_loop3A_1040 = arith.maximumf %parallel_loop3A_1037, %parallel_loop3A_1039 : vector<16xf32>
        %parallel_loop3A_1041 = arith.index_cast %parallel_loop3A_1033 : i32 to index
        %parallel_loop3A_1042 = arith.constant 0 : index
        %parallel_loop3A_1043 = tpu.vector_load %arg20[%parallel_loop3A_1041, %parallel_loop3A_1042] {strides = array<i32>} : memref<80x128xf32, #tpu.memory_space<vmem>>, vector<1x16xf32>,
        %parallel_loop3A_1044 = vector.shape_cast %parallel_loop3A_1043 : vector<1x16xf32> to vector<16xf32>
        %parallel_loop3A_1045 = vector.shape_cast %parallel_loop3A_1040 : vector<16xf32> to vector<1x16xf32>
        tpu.vector_store %arg20[%parallel_loop3A_1041, %parallel_loop3A_1042], %parallel_loop3A_1045 {strides = array<i32>} : memref<80x128xf32, #tpu.memory_space<vmem>>, vector<1x16xf32>,
        %parallel_loop3A_1046 = arith.index_cast %parallel_loop3A_1033 : i32 to index
        %parallel_loop3A_1047 = arith.constant 16 : index
        %parallel_loop3A_1048 = tpu.vector_load %arg20[%parallel_loop3A_1046, %parallel_loop3A_1047] {strides = array<i32>} : memref<80x128xf32, #tpu.memory_space<vmem>>, vector<1x16xf32>,
        %parallel_loop3A_1049 = vector.shape_cast %parallel_loop3A_1048 : vector<1x16xf32> to vector<16xf32>
        %parallel_loop3A_1050 = arith.constant 0.000000e+00 : f32
        %parallel_loop3A_1051 = vector.broadcast %parallel_loop3A_1050 : f32 to vector<16xf32>
        %parallel_loop3A_1052 = arith.maximumf %parallel_loop3A_1049, %parallel_loop3A_1051 : vector<16xf32>
        %parallel_loop3A_1053 = arith.index_cast %parallel_loop3A_1033 : i32 to index
        %parallel_loop3A_1054 = arith.constant 16 : index
        %parallel_loop3A_1055 = tpu.vector_load %arg20[%parallel_loop3A_1053, %parallel_loop3A_1054] {strides = array<i32>} : memref<80x128xf32, #tpu.memory_space<vmem>>, vector<1x16xf32>,
        %parallel_loop3A_1056 = vector.shape_cast %parallel_loop3A_1055 : vector<1x16xf32> to vector<16xf32>
        %parallel_loop3A_1057 = vector.shape_cast %parallel_loop3A_1052 : vector<16xf32> to vector<1x16xf32>
        tpu.vector_store %arg20[%parallel_loop3A_1053, %parallel_loop3A_1054], %parallel_loop3A_1057 {strides = array<i32>} : memref<80x128xf32, #tpu.memory_space<vmem>>, vector<1x16xf32>,
        %parallel_loop3A_1058 = arith.index_cast %parallel_loop3A_1033 : i32 to index
        %parallel_loop3A_1059 = arith.constant 32 : index
        %parallel_loop3A_1060 = tpu.vector_load %arg20[%parallel_loop3A_1058, %parallel_loop3A_1059] {strides = array<i32>} : memref<80x128xf32, #tpu.memory_space<vmem>>, vector<1x16xf32>,
        %parallel_loop3A_1061 = vector.shape_cast %parallel_loop3A_1060 : vector<1x16xf32> to vector<16xf32>
        %parallel_loop3A_1062 = arith.constant 0.000000e+00 : f32
        %parallel_loop3A_1063 = vector.broadcast %parallel_loop3A_1062 : f32 to vector<16xf32>
        %parallel_loop3A_1064 = arith.maximumf %parallel_loop3A_1061, %parallel_loop3A_1063 : vector<16xf32>
        %parallel_loop3A_1065 = arith.index_cast %parallel_loop3A_1033 : i32 to index
        %parallel_loop3A_1066 = arith.constant 32 : index
        %parallel_loop3A_1067 = tpu.vector_load %arg20[%parallel_loop3A_1065, %parallel_loop3A_1066] {strides = array<i32>} : memref<80x128xf32, #tpu.memory_space<vmem>>, vector<1x16xf32>,
        %parallel_loop3A_1068 = vector.shape_cast %parallel_loop3A_1067 : vector<1x16xf32> to vector<16xf32>
        %parallel_loop3A_1069 = vector.shape_cast %parallel_loop3A_1064 : vector<16xf32> to vector<1x16xf32>
        tpu.vector_store %arg20[%parallel_loop3A_1065, %parallel_loop3A_1066], %parallel_loop3A_1069 {strides = array<i32>} : memref<80x128xf32, #tpu.memory_space<vmem>>, vector<1x16xf32>,
        %parallel_loop3A_1070 = arith.index_cast %parallel_loop3A_1033 : i32 to index
        %parallel_loop3A_1071 = arith.constant 48 : index
        %parallel_loop3A_1072 = tpu.vector_load %arg20[%parallel_loop3A_1070, %parallel_loop3A_1071] {strides = array<i32>} : memref<80x128xf32, #tpu.memory_space<vmem>>, vector<1x16xf32>,
        %parallel_loop3A_1073 = vector.shape_cast %parallel_loop3A_1072 : vector<1x16xf32> to vector<16xf32>
        %parallel_loop3A_1074 = arith.constant 0.000000e+00 : f32
        %parallel_loop3A_1075 = vector.broadcast %parallel_loop3A_1074 : f32 to vector<16xf32>
        %parallel_loop3A_1076 = arith.maximumf %parallel_loop3A_1073, %parallel_loop3A_1075 : vector<16xf32>
        %parallel_loop3A_1077 = arith.index_cast %parallel_loop3A_1033 : i32 to index
        %parallel_loop3A_1078 = arith.constant 48 : index
        %parallel_loop3A_1079 = tpu.vector_load %arg20[%parallel_loop3A_1077, %parallel_loop3A_1078] {strides = array<i32>} : memref<80x128xf32, #tpu.memory_space<vmem>>, vector<1x16xf32>,
        %parallel_loop3A_1080 = vector.shape_cast %parallel_loop3A_1079 : vector<1x16xf32> to vector<16xf32>
        %parallel_loop3A_1081 = vector.shape_cast %parallel_loop3A_1076 : vector<16xf32> to vector<1x16xf32>
        tpu.vector_store %arg20[%parallel_loop3A_1077, %parallel_loop3A_1078], %parallel_loop3A_1081 {strides = array<i32>} : memref<80x128xf32, #tpu.memory_space<vmem>>, vector<1x16xf32>,
        %parallel_loop3A_1082 = arith.index_cast %parallel_loop3A_1033 : i32 to index
        %parallel_loop3A_1083 = arith.constant 64 : index
        %parallel_loop3A_1084 = tpu.vector_load %arg20[%parallel_loop3A_1082, %parallel_loop3A_1083] {strides = array<i32>} : memref<80x128xf32, #tpu.memory_space<vmem>>, vector<1x16xf32>,
        %parallel_loop3A_1085 = vector.shape_cast %parallel_loop3A_1084 : vector<1x16xf32> to vector<16xf32>
        %parallel_loop3A_1086 = arith.constant 0.000000e+00 : f32
        %parallel_loop3A_1087 = vector.broadcast %parallel_loop3A_1086 : f32 to vector<16xf32>
        %parallel_loop3A_1088 = arith.maximumf %parallel_loop3A_1085, %parallel_loop3A_1087 : vector<16xf32>
        %parallel_loop3A_1089 = arith.index_cast %parallel_loop3A_1033 : i32 to index
        %parallel_loop3A_1090 = arith.constant 64 : index
        %parallel_loop3A_1091 = tpu.vector_load %arg20[%parallel_loop3A_1089, %parallel_loop3A_1090] {strides = array<i32>} : memref<80x128xf32, #tpu.memory_space<vmem>>, vector<1x16xf32>,
        %parallel_loop3A_1092 = vector.shape_cast %parallel_loop3A_1091 : vector<1x16xf32> to vector<16xf32>
        %parallel_loop3A_1093 = vector.shape_cast %parallel_loop3A_1088 : vector<16xf32> to vector<1x16xf32>
        tpu.vector_store %arg20[%parallel_loop3A_1089, %parallel_loop3A_1090], %parallel_loop3A_1093 {strides = array<i32>} : memref<80x128xf32, #tpu.memory_space<vmem>>, vector<1x16xf32>,
        %parallel_loop3A_1094 = arith.index_cast %parallel_loop3A_1033 : i32 to index
        %parallel_loop3A_1095 = arith.constant 80 : index
        %parallel_loop3A_1096 = tpu.vector_load %arg20[%parallel_loop3A_1094, %parallel_loop3A_1095] {strides = array<i32>} : memref<80x128xf32, #tpu.memory_space<vmem>>, vector<1x16xf32>,
        %parallel_loop3A_1097 = vector.shape_cast %parallel_loop3A_1096 : vector<1x16xf32> to vector<16xf32>
        %parallel_loop3A_1098 = arith.constant 0.000000e+00 : f32
        %parallel_loop3A_1099 = vector.broadcast %parallel_loop3A_1098 : f32 to vector<16xf32>
        %parallel_loop3A_1100 = arith.maximumf %parallel_loop3A_1097, %parallel_loop3A_1099 : vector<16xf32>
        %parallel_loop3A_1101 = arith.index_cast %parallel_loop3A_1033 : i32 to index
        %parallel_loop3A_1102 = arith.constant 80 : index
        %parallel_loop3A_1103 = tpu.vector_load %arg20[%parallel_loop3A_1101, %parallel_loop3A_1102] {strides = array<i32>} : memref<80x128xf32, #tpu.memory_space<vmem>>, vector<1x16xf32>,
        %parallel_loop3A_1104 = vector.shape_cast %parallel_loop3A_1103 : vector<1x16xf32> to vector<16xf32>
        %parallel_loop3A_1105 = vector.shape_cast %parallel_loop3A_1100 : vector<16xf32> to vector<1x16xf32>
        tpu.vector_store %arg20[%parallel_loop3A_1101, %parallel_loop3A_1102], %parallel_loop3A_1105 {strides = array<i32>} : memref<80x128xf32, #tpu.memory_space<vmem>>, vector<1x16xf32>,
        %parallel_loop3A_1106 = arith.index_cast %parallel_loop3A_1033 : i32 to index
        %parallel_loop3A_1107 = arith.constant 96 : index
        %parallel_loop3A_1108 = tpu.vector_load %arg20[%parallel_loop3A_1106, %parallel_loop3A_1107] {strides = array<i32>} : memref<80x128xf32, #tpu.memory_space<vmem>>, vector<1x16xf32>,
        %parallel_loop3A_1109 = vector.shape_cast %parallel_loop3A_1108 : vector<1x16xf32> to vector<16xf32>
        %parallel_loop3A_1110 = arith.constant 0.000000e+00 : f32
        %parallel_loop3A_1111 = vector.broadcast %parallel_loop3A_1110 : f32 to vector<16xf32>
        %parallel_loop3A_1112 = arith.maximumf %parallel_loop3A_1109, %parallel_loop3A_1111 : vector<16xf32>
        %parallel_loop3A_1113 = arith.index_cast %parallel_loop3A_1033 : i32 to index
        %parallel_loop3A_1114 = arith.constant 96 : index
        %parallel_loop3A_1115 = tpu.vector_load %arg20[%parallel_loop3A_1113, %parallel_loop3A_1114] {strides = array<i32>} : memref<80x128xf32, #tpu.memory_space<vmem>>, vector<1x16xf32>,
        %parallel_loop3A_1116 = vector.shape_cast %parallel_loop3A_1115 : vector<1x16xf32> to vector<16xf32>
        %parallel_loop3A_1117 = vector.shape_cast %parallel_loop3A_1112 : vector<16xf32> to vector<1x16xf32>
        tpu.vector_store %arg20[%parallel_loop3A_1113, %parallel_loop3A_1114], %parallel_loop3A_1117 {strides = array<i32>} : memref<80x128xf32, #tpu.memory_space<vmem>>, vector<1x16xf32>,
        %parallel_loop3A_1118 = arith.index_cast %parallel_loop3A_1033 : i32 to index
        %parallel_loop3A_1119 = arith.constant 112 : index
        %parallel_loop3A_1120 = tpu.vector_load %arg20[%parallel_loop3A_1118, %parallel_loop3A_1119] {strides = array<i32>} : memref<80x128xf32, #tpu.memory_space<vmem>>, vector<1x16xf32>,
        %parallel_loop3A_1121 = vector.shape_cast %parallel_loop3A_1120 : vector<1x16xf32> to vector<16xf32>
        %parallel_loop3A_1122 = arith.index_cast %parallel_loop3A_1033 : i32 to index
        %parallel_loop3A_1123 = arith.constant 0 : index
        %parallel_loop3A_1124 = tpu.vector_load %arg22[%parallel_loop3A_1122, %parallel_loop3A_1123] {strides = array<i32>} : memref<80x16xf32, #tpu.memory_space<vmem>>, vector<1x16xf32>,
        %parallel_loop3A_1125 = vector.shape_cast %parallel_loop3A_1124 : vector<1x16xf32> to vector<16xf32>
        %parallel_loop3A_1126 = vector.broadcast %convert_element_type3A : f32 to vector<16xf32>
        %parallel_loop3A_1127 = arith.mulf %parallel_loop3A_1125, %parallel_loop3A_1126 : vector<16xf32>
        %parallel_loop3A_1128 = arith.addf %parallel_loop3A_1121, %parallel_loop3A_1127 : vector<16xf32>
        %parallel_loop3A_1129 = arith.constant 0.000000e+00 : f32
        %parallel_loop3A_1130 = vector.broadcast %parallel_loop3A_1129 : f32 to vector<16xf32>
        %parallel_loop3A_1131 = arith.maximumf %parallel_loop3A_1128, %parallel_loop3A_1130 : vector<16xf32>
        %parallel_loop3A_1132 = arith.index_cast %parallel_loop3A_1033 : i32 to index
        %parallel_loop3A_1133 = arith.constant 112 : index
        %parallel_loop3A_1134 = tpu.vector_load %arg20[%parallel_loop3A_1132, %parallel_loop3A_1133] {strides = array<i32>} : memref<80x128xf32, #tpu.memory_space<vmem>>, vector<1x16xf32>,
        %parallel_loop3A_1135 = vector.shape_cast %parallel_loop3A_1134 : vector<1x16xf32> to vector<16xf32>
        %parallel_loop3A_1136 = vector.shape_cast %parallel_loop3A_1131 : vector<16xf32> to vector<1x16xf32>
        tpu.vector_store %arg20[%parallel_loop3A_1132, %parallel_loop3A_1133], %parallel_loop3A_1136 {strides = array<i32>} : memref<80x128xf32, #tpu.memory_space<vmem>>, vector<1x16xf32>,
      } {sc.loop_unroll_factor = 4 : i64, sc.parallel_access}
      %dma_start3A_1015 = arith.constant 0 : i32
      %dma_start3A_1016 = arith.constant 0 : i32
      %dma_start3A_1017 = tpu.memref_slice %arg11[%dma_start3A_1015, %dma_start3A_1016] : memref<10000x128xf32, #tpu.memory_space<vmem_shared>> -> memref<10000x128xf32, #tpu.memory_space<vmem_shared>>
      tpu.enqueue_indirect_dma source(%arg20 : memref<80x128xf32, #tpu.memory_space<vmem>>) target(%dma_start3A_1017 : memref<10000x128xf32, #tpu.memory_space<vmem_shared>>) offsets(%arg18 : memref<80xi32, #tpu.memory_space<vmem>>) semaphore(%arg33 : memref<!tpu.dma_semaphore, #tpu.memory_space<semaphore_mem>>) {add = true}
      %dma_wait3A_1018 = arith.constant 0 : i32
      %dma_wait3A_1019 = arith.constant 0 : i32
      %dma_wait3A_1020 = tpu.memref_slice %arg15[%dma_wait3A_1018, %dma_wait3A_1019] : memref<2x80xi32, #tpu.memory_space<vmem>> -> memref<1x80xi32, #tpu.memory_space<vmem>>
      %dma_wait3A_1021 = tpu.memref_squeeze %dma_wait3A_1020 : memref<1x80xi32, #tpu.memory_space<vmem>> -> memref<80xi32, #tpu.memory_space<vmem>>
      %dma_wait3A_1022 = arith.constant 0 : i32
      %dma_wait3A_1023 = arith.constant 0 : i32
      %dma_wait3A_1024 = tpu.memref_slice %arg3[%dma_wait3A_1022, %dma_wait3A_1023] : memref<20000x128xf32, #tpu.memory_space<hbm>> -> memref<20000x128xf32, #tpu.memory_space<hbm>>
      tpu.wait_indirect_dma semaphore(%arg26 : memref<!tpu.dma_semaphore, #tpu.memory_space<semaphore_mem>>) src(%dma_wait3A_1024 : memref<20000x128xf32, #tpu.memory_space<hbm>>) dst(%arg19 : memref<80x128xf32, #tpu.memory_space<vmem>>)
      %dma_start3A_1025 = arith.constant 1 : i32
      %dma_start3A_1026 = arith.constant 0 : i32
      %dma_start3A_1027 = tpu.memref_slice %arg15[%dma_start3A_1025, %dma_start3A_1026] : memref<2x80xi32, #tpu.memory_space<vmem>> -> memref<1x80xi32, #tpu.memory_space<vmem>>
      %dma_start3A_1028 = tpu.memref_squeeze %dma_start3A_1027 : memref<1x80xi32, #tpu.memory_space<vmem>> -> memref<80xi32, #tpu.memory_space<vmem>>
      %dma_start3A_1029 = arith.constant 0 : i32
      %dma_start3A_1030 = arith.constant 0 : i32
      %dma_start3A_1031 = tpu.memref_slice %arg12[%dma_start3A_1029, %dma_start3A_1030] : memref<120x128xf32, #tpu.memory_space<vmem_shared>> -> memref<120x128xf32, #tpu.memory_space<vmem_shared>>
      tpu.enqueue_indirect_dma source(%dma_start3A_1031 : memref<120x128xf32, #tpu.memory_space<vmem_shared>>) target(%arg19 : memref<80x128xf32, #tpu.memory_space<vmem>>) offsets(%dma_start3A_1028 : memref<80xi32, #tpu.memory_space<vmem>>) semaphore(%arg28 : memref<!tpu.dma_semaphore, #tpu.memory_space<semaphore_mem>>) {add = true}
      %scan3A_1032 = arith.constant 0 : i32
      scf.yield %scan3A_1032 : i32
    }
    %scan3A_317 = arith.constant 62 : i32
    %dma_wait3A_318 = arith.constant 1 : i32
    %dma_wait3A_319 = arith.constant 0 : i32
    %dma_wait3A_320 = tpu.memref_slice %arg15[%dma_wait3A_318, %dma_wait3A_319] : memref<2x80xi32, #tpu.memory_space<vmem>> -> memref<1x80xi32, #tpu.memory_space<vmem>>
    %dma_wait3A_321 = tpu.memref_squeeze %dma_wait3A_320 : memref<1x80xi32, #tpu.memory_space<vmem>> -> memref<80xi32, #tpu.memory_space<vmem>>
    %dma_wait3A_322 = arith.constant 0 : i32
    %dma_wait3A_323 = arith.constant 0 : i32
    %dma_wait3A_324 = tpu.memref_slice %arg12[%dma_wait3A_322, %dma_wait3A_323] : memref<120x128xf32, #tpu.memory_space<vmem_shared>> -> memref<120x128xf32, #tpu.memory_space<vmem_shared>>
    tpu.wait_indirect_dma semaphore(%arg28 : memref<!tpu.dma_semaphore, #tpu.memory_space<semaphore_mem>>) src(%dma_wait3A_324 : memref<120x128xf32, #tpu.memory_space<vmem_shared>>) dst(%arg19 : memref<80x128xf32, #tpu.memory_space<vmem>>)
    %dma_wait3A_325 = arith.constant 0 : i32
    %dma_wait3A_326 = arith.constant 0 : i32
    %dma_wait3A_327 = tpu.memref_slice %arg7[%dma_wait3A_325, %dma_wait3A_326] : memref<160000x16xf32, #tpu.memory_space<hbm>> -> memref<80x16xf32, #tpu.memory_space<hbm>>
    %dma_wait3A_328 = arith.constant 0 : i32
    %dma_wait3A_329 = arith.constant 0 : i32
    %dma_wait3A_330 = tpu.memref_slice %arg7[%dma_wait3A_328, %dma_wait3A_329] : memref<160000x16xf32, #tpu.memory_space<hbm>> -> memref<80x16xf32, #tpu.memory_space<hbm>>
    tpu.wait_dma2 semaphore(%arg30 : memref<!tpu.dma_semaphore, #tpu.memory_space<semaphore_mem>>) src(%dma_wait3A_330 : memref<80x16xf32, #tpu.memory_space<hbm>>) dst(%arg21 : memref<80x16xf32, #tpu.memory_space<vmem>>)
    %parallel_loop3A_331 = arith.constant 0 : i32
    %parallel_loop3A_332 = arith.constant 80 : i32
    %parallel_loop3A_333 = arith.constant 1 : i32
    scf.for %parallel_loop3A_377 = %parallel_loop3A_331 to %parallel_loop3A_332 step %parallel_loop3A_333  : i32 {
      %parallel_loop3A_378 = arith.index_cast %parallel_loop3A_377 : i32 to index
      %parallel_loop3A_379 = arith.constant 0 : index
      %parallel_loop3A_380 = tpu.vector_load %arg19[%parallel_loop3A_378, %parallel_loop3A_379] {strides = array<i32>} : memref<80x128xf32, #tpu.memory_space<vmem>>, vector<1x16xf32>,
      %parallel_loop3A_381 = vector.shape_cast %parallel_loop3A_380 : vector<1x16xf32> to vector<16xf32>
      %parallel_loop3A_382 = arith.constant 0.000000e+00 : f32
      %parallel_loop3A_383 = vector.broadcast %parallel_loop3A_382 : f32 to vector<16xf32>
      %parallel_loop3A_384 = arith.maximumf %parallel_loop3A_381, %parallel_loop3A_383 : vector<16xf32>
      %parallel_loop3A_385 = arith.index_cast %parallel_loop3A_377 : i32 to index
      %parallel_loop3A_386 = arith.constant 0 : index
      %parallel_loop3A_387 = tpu.vector_load %arg19[%parallel_loop3A_385, %parallel_loop3A_386] {strides = array<i32>} : memref<80x128xf32, #tpu.memory_space<vmem>>, vector<1x16xf32>,
      %parallel_loop3A_388 = vector.shape_cast %parallel_loop3A_387 : vector<1x16xf32> to vector<16xf32>
      %parallel_loop3A_389 = vector.shape_cast %parallel_loop3A_384 : vector<16xf32> to vector<1x16xf32>
      tpu.vector_store %arg19[%parallel_loop3A_385, %parallel_loop3A_386], %parallel_loop3A_389 {strides = array<i32>} : memref<80x128xf32, #tpu.memory_space<vmem>>, vector<1x16xf32>,
      %parallel_loop3A_390 = arith.index_cast %parallel_loop3A_377 : i32 to index
      %parallel_loop3A_391 = arith.constant 16 : index
      %parallel_loop3A_392 = tpu.vector_load %arg19[%parallel_loop3A_390, %parallel_loop3A_391] {strides = array<i32>} : memref<80x128xf32, #tpu.memory_space<vmem>>, vector<1x16xf32>,
      %parallel_loop3A_393 = vector.shape_cast %parallel_loop3A_392 : vector<1x16xf32> to vector<16xf32>
      %parallel_loop3A_394 = arith.constant 0.000000e+00 : f32
      %parallel_loop3A_395 = vector.broadcast %parallel_loop3A_394 : f32 to vector<16xf32>
      %parallel_loop3A_396 = arith.maximumf %parallel_loop3A_393, %parallel_loop3A_395 : vector<16xf32>
      %parallel_loop3A_397 = arith.index_cast %parallel_loop3A_377 : i32 to index
      %parallel_loop3A_398 = arith.constant 16 : index
      %parallel_loop3A_399 = tpu.vector_load %arg19[%parallel_loop3A_397, %parallel_loop3A_398] {strides = array<i32>} : memref<80x128xf32, #tpu.memory_space<vmem>>, vector<1x16xf32>,
      %parallel_loop3A_400 = vector.shape_cast %parallel_loop3A_399 : vector<1x16xf32> to vector<16xf32>
      %parallel_loop3A_401 = vector.shape_cast %parallel_loop3A_396 : vector<16xf32> to vector<1x16xf32>
      tpu.vector_store %arg19[%parallel_loop3A_397, %parallel_loop3A_398], %parallel_loop3A_401 {strides = array<i32>} : memref<80x128xf32, #tpu.memory_space<vmem>>, vector<1x16xf32>,
      %parallel_loop3A_402 = arith.index_cast %parallel_loop3A_377 : i32 to index
      %parallel_loop3A_403 = arith.constant 32 : index
      %parallel_loop3A_404 = tpu.vector_load %arg19[%parallel_loop3A_402, %parallel_loop3A_403] {strides = array<i32>} : memref<80x128xf32, #tpu.memory_space<vmem>>, vector<1x16xf32>,
      %parallel_loop3A_405 = vector.shape_cast %parallel_loop3A_404 : vector<1x16xf32> to vector<16xf32>
      %parallel_loop3A_406 = arith.constant 0.000000e+00 : f32
      %parallel_loop3A_407 = vector.broadcast %parallel_loop3A_406 : f32 to vector<16xf32>
      %parallel_loop3A_408 = arith.maximumf %parallel_loop3A_405, %parallel_loop3A_407 : vector<16xf32>
      %parallel_loop3A_409 = arith.index_cast %parallel_loop3A_377 : i32 to index
      %parallel_loop3A_410 = arith.constant 32 : index
      %parallel_loop3A_411 = tpu.vector_load %arg19[%parallel_loop3A_409, %parallel_loop3A_410] {strides = array<i32>} : memref<80x128xf32, #tpu.memory_space<vmem>>, vector<1x16xf32>,
      %parallel_loop3A_412 = vector.shape_cast %parallel_loop3A_411 : vector<1x16xf32> to vector<16xf32>
      %parallel_loop3A_413 = vector.shape_cast %parallel_loop3A_408 : vector<16xf32> to vector<1x16xf32>
      tpu.vector_store %arg19[%parallel_loop3A_409, %parallel_loop3A_410], %parallel_loop3A_413 {strides = array<i32>} : memref<80x128xf32, #tpu.memory_space<vmem>>, vector<1x16xf32>,
      %parallel_loop3A_414 = arith.index_cast %parallel_loop3A_377 : i32 to index
      %parallel_loop3A_415 = arith.constant 48 : index
      %parallel_loop3A_416 = tpu.vector_load %arg19[%parallel_loop3A_414, %parallel_loop3A_415] {strides = array<i32>} : memref<80x128xf32, #tpu.memory_space<vmem>>, vector<1x16xf32>,
      %parallel_loop3A_417 = vector.shape_cast %parallel_loop3A_416 : vector<1x16xf32> to vector<16xf32>
      %parallel_loop3A_418 = arith.constant 0.000000e+00 : f32
      %parallel_loop3A_419 = vector.broadcast %parallel_loop3A_418 : f32 to vector<16xf32>
      %parallel_loop3A_420 = arith.maximumf %parallel_loop3A_417, %parallel_loop3A_419 : vector<16xf32>
      %parallel_loop3A_421 = arith.index_cast %parallel_loop3A_377 : i32 to index
      %parallel_loop3A_422 = arith.constant 48 : index
      %parallel_loop3A_423 = tpu.vector_load %arg19[%parallel_loop3A_421, %parallel_loop3A_422] {strides = array<i32>} : memref<80x128xf32, #tpu.memory_space<vmem>>, vector<1x16xf32>,
      %parallel_loop3A_424 = vector.shape_cast %parallel_loop3A_423 : vector<1x16xf32> to vector<16xf32>
      %parallel_loop3A_425 = vector.shape_cast %parallel_loop3A_420 : vector<16xf32> to vector<1x16xf32>
      tpu.vector_store %arg19[%parallel_loop3A_421, %parallel_loop3A_422], %parallel_loop3A_425 {strides = array<i32>} : memref<80x128xf32, #tpu.memory_space<vmem>>, vector<1x16xf32>,
      %parallel_loop3A_426 = arith.index_cast %parallel_loop3A_377 : i32 to index
      %parallel_loop3A_427 = arith.constant 64 : index
      %parallel_loop3A_428 = tpu.vector_load %arg19[%parallel_loop3A_426, %parallel_loop3A_427] {strides = array<i32>} : memref<80x128xf32, #tpu.memory_space<vmem>>, vector<1x16xf32>,
      %parallel_loop3A_429 = vector.shape_cast %parallel_loop3A_428 : vector<1x16xf32> to vector<16xf32>
      %parallel_loop3A_430 = arith.constant 0.000000e+00 : f32
      %parallel_loop3A_431 = vector.broadcast %parallel_loop3A_430 : f32 to vector<16xf32>
      %parallel_loop3A_432 = arith.maximumf %parallel_loop3A_429, %parallel_loop3A_431 : vector<16xf32>
      %parallel_loop3A_433 = arith.index_cast %parallel_loop3A_377 : i32 to index
      %parallel_loop3A_434 = arith.constant 64 : index
      %parallel_loop3A_435 = tpu.vector_load %arg19[%parallel_loop3A_433, %parallel_loop3A_434] {strides = array<i32>} : memref<80x128xf32, #tpu.memory_space<vmem>>, vector<1x16xf32>,
      %parallel_loop3A_436 = vector.shape_cast %parallel_loop3A_435 : vector<1x16xf32> to vector<16xf32>
      %parallel_loop3A_437 = vector.shape_cast %parallel_loop3A_432 : vector<16xf32> to vector<1x16xf32>
      tpu.vector_store %arg19[%parallel_loop3A_433, %parallel_loop3A_434], %parallel_loop3A_437 {strides = array<i32>} : memref<80x128xf32, #tpu.memory_space<vmem>>, vector<1x16xf32>,
      %parallel_loop3A_438 = arith.index_cast %parallel_loop3A_377 : i32 to index
      %parallel_loop3A_439 = arith.constant 80 : index
      %parallel_loop3A_440 = tpu.vector_load %arg19[%parallel_loop3A_438, %parallel_loop3A_439] {strides = array<i32>} : memref<80x128xf32, #tpu.memory_space<vmem>>, vector<1x16xf32>,
      %parallel_loop3A_441 = vector.shape_cast %parallel_loop3A_440 : vector<1x16xf32> to vector<16xf32>
      %parallel_loop3A_442 = arith.constant 0.000000e+00 : f32
      %parallel_loop3A_443 = vector.broadcast %parallel_loop3A_442 : f32 to vector<16xf32>
      %parallel_loop3A_444 = arith.maximumf %parallel_loop3A_441, %parallel_loop3A_443 : vector<16xf32>
      %parallel_loop3A_445 = arith.index_cast %parallel_loop3A_377 : i32 to index
      %parallel_loop3A_446 = arith.constant 80 : index
      %parallel_loop3A_447 = tpu.vector_load %arg19[%parallel_loop3A_445, %parallel_loop3A_446] {strides = array<i32>} : memref<80x128xf32, #tpu.memory_space<vmem>>, vector<1x16xf32>,
      %parallel_loop3A_448 = vector.shape_cast %parallel_loop3A_447 : vector<1x16xf32> to vector<16xf32>
      %parallel_loop3A_449 = vector.shape_cast %parallel_loop3A_444 : vector<16xf32> to vector<1x16xf32>
      tpu.vector_store %arg19[%parallel_loop3A_445, %parallel_loop3A_446], %parallel_loop3A_449 {strides = array<i32>} : memref<80x128xf32, #tpu.memory_space<vmem>>, vector<1x16xf32>,
      %parallel_loop3A_450 = arith.index_cast %parallel_loop3A_377 : i32 to index
      %parallel_loop3A_451 = arith.constant 96 : index
      %parallel_loop3A_452 = tpu.vector_load %arg19[%parallel_loop3A_450, %parallel_loop3A_451] {strides = array<i32>} : memref<80x128xf32, #tpu.memory_space<vmem>>, vector<1x16xf32>,
      %parallel_loop3A_453 = vector.shape_cast %parallel_loop3A_452 : vector<1x16xf32> to vector<16xf32>
      %parallel_loop3A_454 = arith.constant 0.000000e+00 : f32
      %parallel_loop3A_455 = vector.broadcast %parallel_loop3A_454 : f32 to vector<16xf32>
      %parallel_loop3A_456 = arith.maximumf %parallel_loop3A_453, %parallel_loop3A_455 : vector<16xf32>
      %parallel_loop3A_457 = arith.index_cast %parallel_loop3A_377 : i32 to index
      %parallel_loop3A_458 = arith.constant 96 : index
      %parallel_loop3A_459 = tpu.vector_load %arg19[%parallel_loop3A_457, %parallel_loop3A_458] {strides = array<i32>} : memref<80x128xf32, #tpu.memory_space<vmem>>, vector<1x16xf32>,
      %parallel_loop3A_460 = vector.shape_cast %parallel_loop3A_459 : vector<1x16xf32> to vector<16xf32>
      %parallel_loop3A_461 = vector.shape_cast %parallel_loop3A_456 : vector<16xf32> to vector<1x16xf32>
      tpu.vector_store %arg19[%parallel_loop3A_457, %parallel_loop3A_458], %parallel_loop3A_461 {strides = array<i32>} : memref<80x128xf32, #tpu.memory_space<vmem>>, vector<1x16xf32>,
      %parallel_loop3A_462 = arith.index_cast %parallel_loop3A_377 : i32 to index
      %parallel_loop3A_463 = arith.constant 112 : index
      %parallel_loop3A_464 = tpu.vector_load %arg19[%parallel_loop3A_462, %parallel_loop3A_463] {strides = array<i32>} : memref<80x128xf32, #tpu.memory_space<vmem>>, vector<1x16xf32>,
      %parallel_loop3A_465 = vector.shape_cast %parallel_loop3A_464 : vector<1x16xf32> to vector<16xf32>
      %parallel_loop3A_466 = arith.index_cast %parallel_loop3A_377 : i32 to index
      %parallel_loop3A_467 = arith.constant 0 : index
      %parallel_loop3A_468 = tpu.vector_load %arg21[%parallel_loop3A_466, %parallel_loop3A_467] {strides = array<i32>} : memref<80x16xf32, #tpu.memory_space<vmem>>, vector<1x16xf32>,
      %parallel_loop3A_469 = vector.shape_cast %parallel_loop3A_468 : vector<1x16xf32> to vector<16xf32>
      %parallel_loop3A_470 = vector.broadcast %convert_element_type3A : f32 to vector<16xf32>
      %parallel_loop3A_471 = arith.mulf %parallel_loop3A_469, %parallel_loop3A_470 : vector<16xf32>
      %parallel_loop3A_472 = arith.addf %parallel_loop3A_465, %parallel_loop3A_471 : vector<16xf32>
      %parallel_loop3A_473 = arith.constant 0.000000e+00 : f32
      %parallel_loop3A_474 = vector.broadcast %parallel_loop3A_473 : f32 to vector<16xf32>
      %parallel_loop3A_475 = arith.maximumf %parallel_loop3A_472, %parallel_loop3A_474 : vector<16xf32>
      %parallel_loop3A_476 = arith.index_cast %parallel_loop3A_377 : i32 to index
      %parallel_loop3A_477 = arith.constant 112 : index
      %parallel_loop3A_478 = tpu.vector_load %arg19[%parallel_loop3A_476, %parallel_loop3A_477] {strides = array<i32>} : memref<80x128xf32, #tpu.memory_space<vmem>>, vector<1x16xf32>,
      %parallel_loop3A_479 = vector.shape_cast %parallel_loop3A_478 : vector<1x16xf32> to vector<16xf32>
      %parallel_loop3A_480 = vector.shape_cast %parallel_loop3A_475 : vector<16xf32> to vector<1x16xf32>
      tpu.vector_store %arg19[%parallel_loop3A_476, %parallel_loop3A_477], %parallel_loop3A_480 {strides = array<i32>} : memref<80x128xf32, #tpu.memory_space<vmem>>, vector<1x16xf32>,
    } {sc.loop_unroll_factor = 4 : i64, sc.parallel_access}
    %dma_start3A_334 = arith.constant 0 : i32
    %dma_start3A_335 = arith.constant 0 : i32
    %dma_start3A_336 = tpu.memref_slice %arg11[%dma_start3A_334, %dma_start3A_335] : memref<10000x128xf32, #tpu.memory_space<vmem_shared>> -> memref<10000x128xf32, #tpu.memory_space<vmem_shared>>
    tpu.enqueue_indirect_dma source(%arg19 : memref<80x128xf32, #tpu.memory_space<vmem>>) target(%dma_start3A_336 : memref<10000x128xf32, #tpu.memory_space<vmem_shared>>) offsets(%arg17 : memref<80xi32, #tpu.memory_space<vmem>>) semaphore(%arg32 : memref<!tpu.dma_semaphore, #tpu.memory_space<semaphore_mem>>) {add = true}
    %dma_wait3A_337 = arith.constant 0 : i32
    %dma_wait3A_338 = arith.constant 0 : i32
    %dma_wait3A_339 = tpu.memref_slice %arg11[%dma_wait3A_337, %dma_wait3A_338] : memref<10000x128xf32, #tpu.memory_space<vmem_shared>> -> memref<10000x128xf32, #tpu.memory_space<vmem_shared>>
    tpu.wait_indirect_dma semaphore(%arg32 : memref<!tpu.dma_semaphore, #tpu.memory_space<semaphore_mem>>) src(%arg19 : memref<80x128xf32, #tpu.memory_space<vmem>>) dst(%dma_wait3A_339 : memref<10000x128xf32, #tpu.memory_space<vmem_shared>>)
    %dma_wait3A_340 = arith.constant 0 : i32
    %dma_wait3A_341 = arith.constant 0 : i32
    %dma_wait3A_342 = tpu.memref_slice %arg11[%dma_wait3A_340, %dma_wait3A_341] : memref<10000x128xf32, #tpu.memory_space<vmem_shared>> -> memref<10000x128xf32, #tpu.memory_space<vmem_shared>>
    tpu.wait_indirect_dma semaphore(%arg33 : memref<!tpu.dma_semaphore, #tpu.memory_space<semaphore_mem>>) src(%arg20 : memref<80x128xf32, #tpu.memory_space<vmem>>) dst(%dma_wait3A_342 : memref<10000x128xf32, #tpu.memory_space<vmem_shared>>)
    %dma_wait3A_343 = arith.constant 0 : i32
    %dma_wait3A_344 = arith.constant 0 : i32
    %dma_wait3A_345 = tpu.memref_slice %arg14[%dma_wait3A_343, %dma_wait3A_344] : memref<3x80xi32, #tpu.memory_space<vmem>> -> memref<1x80xi32, #tpu.memory_space<vmem>>
    %dma_wait3A_346 = tpu.memref_squeeze %dma_wait3A_345 : memref<1x80xi32, #tpu.memory_space<vmem>> -> memref<80xi32, #tpu.memory_space<vmem>>
    %dma_wait3A_347 = arith.constant 0 : i32
    %dma_wait3A_348 = tpu.memref_slice %arg4[%dma_wait3A_347] : memref<160000xi32, #tpu.memory_space<hbm>> -> memref<80xi32, #tpu.memory_space<hbm>>
    %dma_wait3A_349 = arith.constant 0 : i32
    %dma_wait3A_350 = tpu.memref_slice %arg14[%dma_wait3A_343, %dma_wait3A_349] : memref<3x80xi32, #tpu.memory_space<vmem>> -> memref<1x80xi32, #tpu.memory_space<vmem>>
    %dma_wait3A_351 = tpu.memref_squeeze %dma_wait3A_350 : memref<1x80xi32, #tpu.memory_space<vmem>> -> memref<80xi32, #tpu.memory_space<vmem>>
    %dma_wait3A_352 = arith.constant 0 : i32
    %dma_wait3A_353 = tpu.memref_slice %arg4[%dma_wait3A_352] : memref<160000xi32, #tpu.memory_space<hbm>> -> memref<80xi32, #tpu.memory_space<hbm>>
    tpu.wait_dma2 semaphore(%arg25 : memref<!tpu.dma_semaphore, #tpu.memory_space<semaphore_mem>>) src(%dma_wait3A_353 : memref<80xi32, #tpu.memory_space<hbm>>) dst(%dma_wait3A_351 : memref<80xi32, #tpu.memory_space<vmem>>)
    %dma_wait3A_354 = arith.constant 1 : i32
    %dma_wait3A_355 = arith.constant 0 : i32
    %dma_wait3A_356 = tpu.memref_slice %arg14[%dma_wait3A_354, %dma_wait3A_355] : memref<3x80xi32, #tpu.memory_space<vmem>> -> memref<1x80xi32, #tpu.memory_space<vmem>>
    %dma_wait3A_357 = tpu.memref_squeeze %dma_wait3A_356 : memref<1x80xi32, #tpu.memory_space<vmem>> -> memref<80xi32, #tpu.memory_space<vmem>>
    %dma_wait3A_358 = arith.constant 0 : i32
    %dma_wait3A_359 = tpu.memref_slice %arg4[%dma_wait3A_358] : memref<160000xi32, #tpu.memory_space<hbm>> -> memref<80xi32, #tpu.memory_space<hbm>>
    %dma_wait3A_360 = arith.constant 0 : i32
    %dma_wait3A_361 = tpu.memref_slice %arg14[%dma_wait3A_354, %dma_wait3A_360] : memref<3x80xi32, #tpu.memory_space<vmem>> -> memref<1x80xi32, #tpu.memory_space<vmem>>
    %dma_wait3A_362 = tpu.memref_squeeze %dma_wait3A_361 : memref<1x80xi32, #tpu.memory_space<vmem>> -> memref<80xi32, #tpu.memory_space<vmem>>
    %dma_wait3A_363 = arith.constant 0 : i32
    %dma_wait3A_364 = tpu.memref_slice %arg4[%dma_wait3A_363] : memref<160000xi32, #tpu.memory_space<hbm>> -> memref<80xi32, #tpu.memory_space<hbm>>
    tpu.wait_dma2 semaphore(%arg25 : memref<!tpu.dma_semaphore, #tpu.memory_space<semaphore_mem>>) src(%dma_wait3A_364 : memref<80xi32, #tpu.memory_space<hbm>>) dst(%dma_wait3A_362 : memref<80xi32, #tpu.memory_space<vmem>>)
    %dma_wait3A_365 = arith.constant 2 : i32
    %dma_wait3A_366 = arith.constant 0 : i32
    %dma_wait3A_367 = tpu.memref_slice %arg14[%dma_wait3A_365, %dma_wait3A_366] : memref<3x80xi32, #tpu.memory_space<vmem>> -> memref<1x80xi32, #tpu.memory_space<vmem>>
    %dma_wait3A_368 = tpu.memref_squeeze %dma_wait3A_367 : memref<1x80xi32, #tpu.memory_space<vmem>> -> memref<80xi32, #tpu.memory_space<vmem>>
    %dma_wait3A_369 = arith.constant 0 : i32
    %dma_wait3A_370 = tpu.memref_slice %arg4[%dma_wait3A_369] : memref<160000xi32, #tpu.memory_space<hbm>> -> memref<80xi32, #tpu.memory_space<hbm>>
    %dma_wait3A_371 = arith.constant 0 : i32
    %dma_wait3A_372 = tpu.memref_slice %arg14[%dma_wait3A_365, %dma_wait3A_371] : memref<3x80xi32, #tpu.memory_space<vmem>> -> memref<1x80xi32, #tpu.memory_space<vmem>>
    %dma_wait3A_373 = tpu.memref_squeeze %dma_wait3A_372 : memref<1x80xi32, #tpu.memory_space<vmem>> -> memref<80xi32, #tpu.memory_space<vmem>>
    %dma_wait3A_374 = arith.constant 0 : i32
    %dma_wait3A_375 = tpu.memref_slice %arg4[%dma_wait3A_374] : memref<160000xi32, #tpu.memory_space<hbm>> -> memref<80xi32, #tpu.memory_space<hbm>>
    tpu.wait_dma2 semaphore(%arg25 : memref<!tpu.dma_semaphore, #tpu.memory_space<semaphore_mem>>) src(%dma_wait3A_375 : memref<80xi32, #tpu.memory_space<hbm>>) dst(%dma_wait3A_373 : memref<80xi32, #tpu.memory_space<vmem>>)
    %barrier3A_376 = arith.constant 0 : index
    tpu.barrier barrier_id(%barrier3A_376)
    "tpu.region"() ({
      %run_scoped3A_377 = tpu.sem_alloc : memref<!tpu.dma_semaphore, #tpu.memory_space<semaphore_mem>>
      %dma_start3A_378 = arith.constant 0 : i32
      %dma_start3A_379 = tpu.memref_slice %arg10[%mul3A_7, %arg0, %dma_start3A_378] : memref<10000x2x128xf32, #tpu.memory_space<hbm>> -> memref<625x1x128xf32, #tpu.memory_space<hbm>>
      %dma_start3A_380 = tpu.memref_squeeze %dma_start3A_379 : memref<625x1x128xf32, #tpu.memory_space<hbm>> -> memref<625x128xf32, #tpu.memory_space<hbm>>
      %dma_start3A_381 = arith.constant 0 : i32
      %dma_start3A_382 = tpu.memref_slice %arg11[%mul3A_7, %dma_start3A_381] : memref<10000x128xf32, #tpu.memory_space<vmem_shared>> -> memref<625x128xf32, #tpu.memory_space<vmem_shared>>
      tpu.enqueue_dma source(%dma_start3A_382 : memref<625x128xf32, #tpu.memory_space<vmem_shared>>) target(%dma_start3A_380 : memref<625x128xf32, #tpu.memory_space<hbm>>) target_semaphore(%run_scoped3A_377 : memref<!tpu.dma_semaphore, #tpu.memory_space<semaphore_mem>>)
      %dma_wait3A_383 = arith.constant 0 : i32
      %dma_wait3A_384 = tpu.memref_slice %arg10[%mul3A_7, %arg0, %dma_wait3A_383] : memref<10000x2x128xf32, #tpu.memory_space<hbm>> -> memref<625x1x128xf32, #tpu.memory_space<hbm>>
      %dma_wait3A_385 = tpu.memref_squeeze %dma_wait3A_384 : memref<625x1x128xf32, #tpu.memory_space<hbm>> -> memref<625x128xf32, #tpu.memory_space<hbm>>
      %dma_wait3A_386 = arith.constant 0 : i32
      %dma_wait3A_387 = tpu.memref_slice %arg11[%mul3A_7, %dma_wait3A_386] : memref<10000x128xf32, #tpu.memory_space<vmem_shared>> -> memref<625x128xf32, #tpu.memory_space<vmem_shared>>
      tpu.wait_dma2 semaphore(%run_scoped3A_377 : memref<!tpu.dma_semaphore, #tpu.memory_space<semaphore_mem>>) src(%dma_wait3A_387 : memref<625x128xf32, #tpu.memory_space<vmem_shared>>) dst(%dma_wait3A_385 : memref<625x128xf32, #tpu.memory_space<hbm>>)
      tpu.yield
    }) : () -> ()
    return
  }
}

module attributes {stable_mosaic.version = 14 : i64} {
  func.func @body(%arg0: i32, %arg1: i32, %arg2: memref<1000x256xf32, #tpu.memory_space<vmem>>, %arg3: memref<256x256xf32, #tpu.memory_space<vmem>>, %arg4: memref<1x256xf32, #tpu.memory_space<vmem>>, %arg5: memref<1x256xf32, #tpu.memory_space<vmem>>, %arg6: memref<1x256xf32, #tpu.memory_space<vmem>>, %arg7: memref<256x256xf32, #tpu.memory_space<vmem>>, %arg8: memref<1x256xf32, #tpu.memory_space<vmem>>, %arg9: memref<1000x256xf32, #tpu.memory_space<vmem>>, %arg10: memref<10000x256xf32, #tpu.memory_space<vmem>>, %arg11: memref<8x256xf32, #tpu.memory_space<vmem>>) attributes {dimension_semantics = [#tpu.dimension_semantics<arbitrary>, #tpu.dimension_semantics<arbitrary>], iteration_bounds = array<i64: 2, 10>, scalar_prefetch = 0 : i64, scratch_operands = 2 : i64, tpu.core_type = #tpu.core_type<tc>, window_params = [{transform_indices = @transform_0, window_bounds = array<i64: 1000, 256>}, {pipeline_mode = #tpu.pipeline_mode<synchronous>, transform_indices = @transform_1, window_bounds = array<i64: 256, 256>}, {pipeline_mode = #tpu.pipeline_mode<synchronous>, transform_indices = @transform_2, window_bounds = array<i64: 1, 256>}, {pipeline_mode = #tpu.pipeline_mode<synchronous>, transform_indices = @transform_3, window_bounds = array<i64: 1, 256>}, {pipeline_mode = #tpu.pipeline_mode<synchronous>, transform_indices = @transform_4, window_bounds = array<i64: 1, 256>}, {pipeline_mode = #tpu.pipeline_mode<synchronous>, transform_indices = @transform_5, window_bounds = array<i64: 256, 256>}, {pipeline_mode = #tpu.pipeline_mode<synchronous>, transform_indices = @transform_6, window_bounds = array<i64: 1, 256>}, {transform_indices = @transform_7, window_bounds = array<i64: 1000, 256>}]} {
    %eq3A = arith.constant 0 : i32
    %eq3A_0 = arith.cmpi eq, %arg0, %eq3A : i32
    %convert_element_type3A = arith.extui %eq3A_0 : i1 to i32
    %cond3A = arith.constant 0 : i32
    %cond3A_1 = arith.cmpi ne, %convert_element_type3A, %cond3A : i32
    scf.if %cond3A_1 {
      %get3A = arith.constant 0 : index
      %get3A_7 = arith.constant 0 : index
      %get3A_8 = vector.load %arg2[%get3A, %get3A_7] : memref<1000x256xf32, #tpu.memory_space<vmem>>, vector<1000x256xf32>
      %get3A_9 = arith.constant 0 : index
      %get3A_10 = arith.constant 0 : index
      %get3A_11 = vector.load %arg3[%get3A_9, %get3A_10] : memref<256x256xf32, #tpu.memory_space<vmem>>, vector<256x256xf32>
      %dot_general3A = arith.constant dense<0.000000e+00> : vector<1000x256xf32>
      %dot_general3A_12 = tpu.matmul %get3A_8, %get3A_11, %dot_general3A {dimension_numbers = #tpu.dot_dimension_numbers<[1], [0], [0], [1], [0, 0, 1, 1], [], []>, transpose_lhs_hint = false} : vector<1000x256xf32>, vector<256x256xf32>, vector<1000x256xf32> -> vector<1000x256xf32>
      %get3A_13 = arith.constant 0 : index
      %get3A_14 = arith.constant 0 : index
      %get3A_15 = vector.load %arg4[%get3A_13, %get3A_14] : memref<1x256xf32, #tpu.memory_space<vmem>>, vector<1x256xf32>
      %add3A = vector.broadcast %get3A_15 : vector<1x256xf32> to vector<1000x256xf32>
      %add3A_16 = arith.addf %dot_general3A_12, %add3A : vector<1000x256xf32>
      %mul3A = arith.constant 1000 : i32
      %mul3A_17 = arith.muli %arg1, %mul3A : i32
      %swap3A = arith.index_cast %mul3A_17 : i32 to index
      %swap3A_18 = arith.constant 0 : index
      %swap3A_19 = vector.load %arg10[%swap3A, %swap3A_18] : memref<10000x256xf32, #tpu.memory_space<vmem>>, vector<1000x256xf32>
      tpu.vector_store %arg10[%swap3A, %swap3A_18], %add3A_16 {strides = array<i32>} : memref<10000x256xf32, #tpu.memory_space<vmem>>, vector<1000x256xf32>,
      %eq3A_20 = arith.constant 0 : i32
      %eq3A_21 = arith.cmpi eq, %arg1, %eq3A_20 : i32
      %convert_element_type3A_22 = arith.extui %eq3A_21 : i1 to i32
      %cond3A_23 = arith.constant 0 : i32
      %cond3A_24 = arith.cmpi ne, %convert_element_type3A_22, %cond3A_23 : i32
      scf.if %cond3A_24 {
        %broadcast_in_dim3A_44 = arith.constant 0.000000e+00 : f32
        %broadcast_in_dim3A_45 = vector.broadcast %broadcast_in_dim3A_44 : f32 to vector<8x256xf32>
        %swap3A_46 = arith.constant 0 : index
        %swap3A_47 = arith.constant 0 : index
        %swap3A_48 = vector.load %arg11[%swap3A_46, %swap3A_47] : memref<8x256xf32, #tpu.memory_space<vmem>>, vector<8x256xf32>
        tpu.vector_store %arg11[%swap3A_46, %swap3A_47], %broadcast_in_dim3A_45 {strides = array<i32>} : memref<8x256xf32, #tpu.memory_space<vmem>>, vector<8x256xf32>,
      } else {
      }
      %get3A_25 = arith.constant 0 : index
      %get3A_26 = arith.constant 0 : index
      %get3A_27 = vector.load %arg11[%get3A_25, %get3A_26] : memref<8x256xf32, #tpu.memory_space<vmem>>, vector<1x256xf32>
      %reduce_sum3A = arith.constant dense<0.000000e+00> : vector<256xf32>
      %reduce_sum3A_28 = vector.multi_reduction <add>, %add3A_16, %reduce_sum3A [0] : vector<1000x256xf32> to vector<256xf32>
      %broadcast_in_dim3A = vector.shape_cast %reduce_sum3A_28 : vector<256xf32> to vector<1x256xf32>
      %add3A_29 = arith.addf %get3A_27, %broadcast_in_dim3A : vector<1x256xf32>
      %swap3A_30 = arith.constant 0 : index
      %swap3A_31 = arith.constant 0 : index
      %swap3A_32 = vector.load %arg11[%swap3A_30, %swap3A_31] : memref<8x256xf32, #tpu.memory_space<vmem>>, vector<1x256xf32>
      tpu.vector_store %arg11[%swap3A_30, %swap3A_31], %add3A_29 {strides = array<i32>} : memref<8x256xf32, #tpu.memory_space<vmem>>, vector<1x256xf32>,
      %get3A_33 = arith.constant 1 : index
      %get3A_34 = arith.constant 0 : index
      %get3A_35 = vector.load %arg11[%get3A_33, %get3A_34] : memref<8x256xf32, #tpu.memory_space<vmem>>, vector<1x256xf32>
      %mul3A_36 = arith.mulf %add3A_16, %add3A_16 : vector<1000x256xf32>
      %reduce_sum3A_37 = arith.constant dense<0.000000e+00> : vector<256xf32>
      %reduce_sum3A_38 = vector.multi_reduction <add>, %mul3A_36, %reduce_sum3A_37 [0] : vector<1000x256xf32> to vector<256xf32>
      %broadcast_in_dim3A_39 = vector.shape_cast %reduce_sum3A_38 : vector<256xf32> to vector<1x256xf32>
      %add3A_40 = arith.addf %get3A_35, %broadcast_in_dim3A_39 : vector<1x256xf32>
      %swap3A_41 = arith.constant 1 : index
      %swap3A_42 = arith.constant 0 : index
      %swap3A_43 = vector.load %arg11[%swap3A_41, %swap3A_42] : memref<8x256xf32, #tpu.memory_space<vmem>>, vector<1x256xf32>
      tpu.vector_store %arg11[%swap3A_41, %swap3A_42], %add3A_40 {strides = array<i32>} : memref<8x256xf32, #tpu.memory_space<vmem>>, vector<1x256xf32>,
    } else {
    }
    %eq3A_2 = arith.constant 1 : i32
    %eq3A_3 = arith.cmpi eq, %arg0, %eq3A_2 : i32
    %convert_element_type3A_4 = arith.extui %eq3A_3 : i1 to i32
    %cond3A_5 = arith.constant 0 : i32
    %cond3A_6 = arith.cmpi ne, %convert_element_type3A_4, %cond3A_5 : i32
    scf.if %cond3A_6 {
      %get3A = arith.constant 0 : index
      %get3A_7 = arith.constant 0 : index
      %get3A_8 = vector.load %arg11[%get3A, %get3A_7] : memref<8x256xf32, #tpu.memory_space<vmem>>, vector<1x256xf32>
      %div3A = arith.constant 1.000000e+04 : f32
      %div3A_9 = vector.broadcast %div3A : f32 to vector<1x256xf32>
      %div3A_10 = arith.divf %get3A_8, %div3A_9 : vector<1x256xf32>
      %get3A_11 = arith.constant 1 : index
      %get3A_12 = arith.constant 0 : index
      %get3A_13 = vector.load %arg11[%get3A_11, %get3A_12] : memref<8x256xf32, #tpu.memory_space<vmem>>, vector<1x256xf32>
      %div3A_14 = arith.constant 1.000000e+04 : f32
      %div3A_15 = vector.broadcast %div3A_14 : f32 to vector<1x256xf32>
      %div3A_16 = arith.divf %get3A_13, %div3A_15 : vector<1x256xf32>
      %mul3A = arith.mulf %div3A_10, %div3A_10 : vector<1x256xf32>
      %sub3A = arith.subf %div3A_16, %mul3A : vector<1x256xf32>
      %add3A = arith.constant 9.99999974E-6 : f32
      %add3A_17 = vector.broadcast %add3A : f32 to vector<1x256xf32>
      %add3A_18 = arith.addf %sub3A, %add3A_17 : vector<1x256xf32>
      %rsqrt3A = math.rsqrt %add3A_18 : vector<1x256xf32>
      %mul3A_19 = arith.constant 1000 : i32
      %mul3A_20 = arith.muli %arg1, %mul3A_19 : i32
      %get3A_21 = arith.index_cast %mul3A_20 : i32 to index
      %get3A_22 = arith.constant 0 : index
      %get3A_23 = vector.load %arg10[%get3A_21, %get3A_22] : memref<10000x256xf32, #tpu.memory_space<vmem>>, vector<1000x256xf32>
      %sub3A_24 = vector.broadcast %div3A_10 : vector<1x256xf32> to vector<1000x256xf32>
      %sub3A_25 = arith.subf %get3A_23, %sub3A_24 : vector<1000x256xf32>
      %get3A_26 = arith.constant 0 : index
      %get3A_27 = arith.constant 0 : index
      %get3A_28 = vector.load %arg5[%get3A_26, %get3A_27] : memref<1x256xf32, #tpu.memory_space<vmem>>, vector<1x256xf32>
      %mul3A_29 = arith.mulf %rsqrt3A, %get3A_28 : vector<1x256xf32>
      %mul3A_30 = vector.broadcast %mul3A_29 : vector<1x256xf32> to vector<1000x256xf32>
      %mul3A_31 = arith.mulf %sub3A_25, %mul3A_30 : vector<1000x256xf32>
      %get3A_32 = arith.constant 0 : index
      %get3A_33 = arith.constant 0 : index
      %get3A_34 = vector.load %arg6[%get3A_32, %get3A_33] : memref<1x256xf32, #tpu.memory_space<vmem>>, vector<1x256xf32>
      %add3A_35 = vector.broadcast %get3A_34 : vector<1x256xf32> to vector<1000x256xf32>
      %add3A_36 = arith.addf %mul3A_31, %add3A_35 : vector<1000x256xf32>
      %max3A = arith.constant 0.000000e+00 : f32
      %max3A_37 = vector.broadcast %max3A : f32 to vector<1000x256xf32>
      %max3A_38 = arith.maximumf %add3A_36, %max3A_37 : vector<1000x256xf32>
      %get3A_39 = arith.constant 0 : index
      %get3A_40 = arith.constant 0 : index
      %get3A_41 = vector.load %arg7[%get3A_39, %get3A_40] : memref<256x256xf32, #tpu.memory_space<vmem>>, vector<256x256xf32>
      %dot_general3A = arith.constant dense<0.000000e+00> : vector<1000x256xf32>
      %dot_general3A_42 = tpu.matmul %max3A_38, %get3A_41, %dot_general3A {dimension_numbers = #tpu.dot_dimension_numbers<[1], [0], [0], [1], [0, 0, 1, 1], [], []>, transpose_lhs_hint = false} : vector<1000x256xf32>, vector<256x256xf32>, vector<1000x256xf32> -> vector<1000x256xf32>
      %get3A_43 = arith.constant 0 : index
      %get3A_44 = arith.constant 0 : index
      %get3A_45 = vector.load %arg8[%get3A_43, %get3A_44] : memref<1x256xf32, #tpu.memory_space<vmem>>, vector<1x256xf32>
      %add3A_46 = vector.broadcast %get3A_45 : vector<1x256xf32> to vector<1000x256xf32>
      %add3A_47 = arith.addf %dot_general3A_42, %add3A_46 : vector<1000x256xf32>
      %swap3A = arith.constant 0 : index
      %swap3A_48 = arith.constant 0 : index
      %swap3A_49 = vector.load %arg9[%swap3A, %swap3A_48] : memref<1000x256xf32, #tpu.memory_space<vmem>>, vector<1000x256xf32>
      tpu.vector_store %arg9[%swap3A, %swap3A_48], %add3A_47 {strides = array<i32>} : memref<1000x256xf32, #tpu.memory_space<vmem>>, vector<1000x256xf32>,
    } else {
    }
    return
  }
  func.func @transform_0(%arg0: i32, %arg1: i32) -> (i32, i32) {
    %sub3A = arith.constant 1 : i32
    %sub3A_0 = arith.subi %sub3A, %arg0 : i32
    %mul3A = arith.muli %arg1, %sub3A_0 : i32
    %c0_i32 = arith.constant 0 : i32
    %c0_i32_1 = arith.constant 0 : i32
    return %mul3A, %c0_i32 : i32, i32
  }
  func.func @transform_1(%arg0: i32, %arg1: i32) -> (i32, i32) {
    %c0_i32 = arith.constant 0 : i32
    %c0_i32_0 = arith.constant 0 : i32
    %c0_i32_1 = arith.constant 0 : i32
    return %c0_i32, %c0_i32_0 : i32, i32
  }
  func.func @transform_2(%arg0: i32, %arg1: i32) -> (i32, i32) {
    %c0_i32 = arith.constant 0 : i32
    %c0_i32_0 = arith.constant 0 : i32
    %c0_i32_1 = arith.constant 0 : i32
    return %c0_i32, %c0_i32_0 : i32, i32
  }
  func.func @transform_3(%arg0: i32, %arg1: i32) -> (i32, i32) {
    %c0_i32 = arith.constant 0 : i32
    %c0_i32_0 = arith.constant 0 : i32
    %c0_i32_1 = arith.constant 0 : i32
    return %c0_i32, %c0_i32_0 : i32, i32
  }
  func.func @transform_4(%arg0: i32, %arg1: i32) -> (i32, i32) {
    %c0_i32 = arith.constant 0 : i32
    %c0_i32_0 = arith.constant 0 : i32
    %c0_i32_1 = arith.constant 0 : i32
    return %c0_i32, %c0_i32_0 : i32, i32
  }
  func.func @transform_5(%arg0: i32, %arg1: i32) -> (i32, i32) {
    %c0_i32 = arith.constant 0 : i32
    %c0_i32_0 = arith.constant 0 : i32
    %c0_i32_1 = arith.constant 0 : i32
    return %c0_i32, %c0_i32_0 : i32, i32
  }
  func.func @transform_6(%arg0: i32, %arg1: i32) -> (i32, i32) {
    %c0_i32 = arith.constant 0 : i32
    %c0_i32_0 = arith.constant 0 : i32
    %c0_i32_1 = arith.constant 0 : i32
    return %c0_i32, %c0_i32_0 : i32, i32
  }
  func.func @transform_7(%arg0: i32, %arg1: i32) -> (i32, i32) {
    %mul3A = arith.muli %arg1, %arg0 : i32
    %c0_i32 = arith.constant 0 : i32
    %c0_i32_0 = arith.constant 0 : i32
    return %mul3A, %c0_i32 : i32, i32
  }
}

</mosaic_0001>

<sc_bundles>
// kernel: kernel.4.cloned.1.call-start
scs
__scs_entry_jumppad:
0x0: {  	(pc) =	sbr.rel $0x88, $3  }
0x1: {  	(tag) =	ssettag $0x0;
	lr =	simm.s32 $0x1  }
0x2: {  	[smem:$0x3F93] =	sst lr;
	_ =	strace $0xD0000000  }
0x3: {  	_ = 	snop  }
0x4: {  	_ = 	snop  }
0x5: {  	_ = 	snop  }
0x6: {  	_ = 	snop  }
0x7: {  	_ = 	snop  }
__scs_overlays_trampoline_lowered:
0x8: {  	[smem:$0x3FA2] =	sst s0  }
0x9: {  	[smem:$0x3FA3] =	sst s1  }
0xa: {  	[smem:$0x3FA4] =	sst s2  }
0xb: {  	[smem:$0x3FA5] =	sst s3  }
0xc: {  	[smem:$0x3FA6] =	sst s4  }
0xd: {  	[smem:$0x3FA7] =	sst s5  }
0xe: {  	[smem:$0x3FA8] =	sst s6  }
0xf: {  	[smem:$0x3FA9] =	sst s7  }
0x10: {  	[smem:$0x3FAA] =	sst s8  }
0x11: {  	[smem:$0x3FAB] =	sst s9;
	s0 =	simm.s32 @!p0 $0x0  }
0x12: {  	s1 =	sld [smem:$0x3F91];
	s0 =	simm.s32 @p0 $0x1  }
0x13: {  	[smem:$0x3FAC] =	sst s0;
	s0 =	simm.s32 @!p1 $0x0  }
0x14: {  	s2 =	sld [smem:$0x3F90];
	s0 =	simm.s32 @p1 $0x1  }
0x15: {  	[smem:$0x3FAD] =	sst s0;
	s0 =	simm.s32 @!p2 $0x0  }
0x16: {  	s3 =	sld [smem:$0x3FDB];
	s0 =	simm.s32 @p2 $0x1  }
0x17: {  	s4 =	simm.s32 $0x1BF5;
	[smem:$0x3FAF] =	sst s0  }
0x18: {  	s0 =	sld [smem:$0x3F92];
	_ =	swait.ge [sflag:s4], $0x0  }
0x19: {  	s7 =	sld [smem:$0x3F93]  }
0x1a: {  	s8 =	sadd.s32 $0xFFFFE003, lr  }
0x1b: {  	s9 =	sadd.s32 $0xFFFFFEF7, lr;
	s5 =	simm.s32 $0xFFFFFFFF;
	p2 =	slt.u32 s8, $0xFFFFF086  }
0x1c: {  	p1 =	slt.u32 s9, $0xF7A;
	s5 =	simm.s32 @!p2 $0x0  }
0x1d: {  	s5 =	simm.s32 @p1 $0x1;
	p0 =	seq.s32 s7, s2  }
0x1e: {  	s7 =	smul.u32 @!p0 $0xF7A, s2;
	p2 =	seq.s32 @!p0 s5, $0x0  }
0x1f: {  	s9 =	smul.u32 $0xF7A, s1;
	s8 =	simm.s32 @!p0 $0x1BF5;
	p2 =	por !p2, p0  }
0x20: {  	[sflag:s8] =	ssyncset.s32 @!p0 $0xFFFFF086;
	s6 =	sadd.s32 @!p0 s3, s7;
	s7 =	simm.s32 @!p0 $0x108  }
0x21: {  	s3 =	sadd.s32 s3, s9;
	s6 =	sadd.s32 @!p0 $0x88, s6;
	s7 =	simm.s32 @p2 $0x1082  }
0x22: {  	[simem:s7], [sflag:s8] =	dma.local @!p0 [hbm:s6], $0xF7A  }
0x23: {  	s9 =	sor.u32 $0xD0000000, s2;
	s6 =	simm.s32 $0x108;
	_ =	swait.ge @!p0 [sflag:s8], $0x0  }
0x24: {  	s3 =	sadd.s32 $0x88, s3;
	s6 =	simm.s32 @!p1 $0x1082;
	[sflag:s4] =	ssyncset.s32 $0xFFFFF086  }
0x25: {  	[simem:s6], [sflag:s4] =	dma.local [hbm:s3], $0xF7A  }
0x26: {  	[smem:$0x3F93] =	sst s1;
	(tag) =	ssettag s2;
	_ =	strace s9  }
0x27: {  	s1 =	sld [smem:$0x3FA3]  }
0x28: {  	s2 =	sld [smem:$0x3FA4]  }
0x29: {  	s4 =	sld [smem:$0x3FA6]  }
0x2a: {  	p0 =	seq.s32 s5, $0x0;
	s5 =	sld [smem:$0x3FA7]  }
0x2b: {  	s6 =	sld [smem:$0x3FA8]  }
0x2c: {  	s7 =	sld [smem:$0x3FA9]  }
0x2d: {  	s3 =	simm.s32 $0x108;
	s8 =	sld [smem:$0x3FAA]  }
0x2e: {  	s3 =	simm.s32 @!p0 $0x1082;
	s9 =	sld [smem:$0x3FAB]  }
0x2f: {  	lr =	sadd.s32 s0, s3;
	s0 =	sld [smem:$0x3FA2]  }
0x30: {  	s3 =	sld [smem:$0x3FA5]  }
0x31: {  	[smem:$0x3FAE] =	sst s10  }
0x32: {  	s10 =	sld [smem:$0x3FAC];
	_ =	sdelay $0x3  }
0x33: {  	p0 =	seq.s32 s10, $0x1;
	s10 =	sld [smem:$0x3FAE];
	_ =	sdelay $0x3  }
0x34: {  	[smem:$0x3FAE] =	sst s10  }
0x35: {  	s10 =	sld [smem:$0x3FAD];
	_ =	sdelay $0x3  }
0x36: {  	p1 =	seq.s32 s10, $0x1;
	s10 =	sld [smem:$0x3FAE];
	_ =	sdelay $0x3  }
0x37: {  	[smem:$0x3FAE] =	sst s10  }
0x38: {  	s10 =	sld [smem:$0x3FAF]  }
0x39: {  	_ = 	snop;
	(pc) =	sbr.ind lr, $3  }
0x3a: {  	_ = 	snop  }
0x3b: {  	_ = 	snop  }
0x3c: {  	p2 =	seq.s32 s10, $0x1;
	s10 =	sld [smem:$0x3FAE]  }
0x3d: {  	_ =	shalt  }
0x3e: {  	_ =	shalt  }
0x3f: {  	_ =	shalt  }
0x40: {  	_ =	shalt  }
0x41: {  	_ =	shalt  }
0x42: {  	_ =	shalt  }
0x43: {  	_ =	shalt  }
0x44: {  	_ =	shalt  }
0x45: {  	_ =	shalt  }
0x46: {  	_ =	shalt  }
0x47: {  	_ =	shalt  }
0x48: {  	_ =	shalt  }
0x49: {  	_ =	shalt  }
0x4a: {  	_ =	shalt  }
0x4b: {  	_ =	shalt  }
0x4c: {  	_ =	shalt  }
0x4d: {  	_ =	shalt  }
0x4e: {  	_ =	shalt  }
0x4f: {  	_ =	shalt  }
0x50: {  	_ =	shalt  }
0x51: {  	_ =	shalt  }
0x52: {  	_ =	shalt  }
0x53: {  	_ =	shalt  }
0x54: {  	_ =	shalt  }
0x55: {  	_ =	shalt  }
0x56: {  	_ =	shalt  }
0x57: {  	_ =	shalt  }
0x58: {  	_ =	shalt  }
0x59: {  	_ =	shalt  }
0x5a: {  	_ =	shalt  }
0x5b: {  	_ =	shalt  }
0x5c: {  	_ =	shalt  }
0x5d: {  	_ =	shalt  }
0x5e: {  	_ =	shalt  }
0x5f: {  	_ =	shalt  }
0x60: {  	_ =	shalt  }
0x61: {  	_ =	shalt  }
0x62: {  	_ =	shalt  }
0x63: {  	_ =	shalt  }
0x64: {  	_ =	shalt  }
0x65: {  	_ =	shalt  }
0x66: {  	_ =	shalt  }
0x67: {  	_ =	shalt  }
0x68: {  	_ =	shalt  }
0x69: {  	_ =	shalt  }
0x6a: {  	_ =	shalt  }
0x6b: {  	_ =	shalt  }
0x6c: {  	_ =	shalt  }
0x6d: {  	_ =	shalt  }
0x6e: {  	_ =	shalt  }
0x6f: {  	_ =	shalt  }
0x70: {  	_ =	shalt  }
0x71: {  	_ =	shalt  }
0x72: {  	_ =	shalt  }
0x73: {  	_ =	shalt  }
0x74: {  	_ =	shalt  }
0x75: {  	_ =	shalt  }
0x76: {  	_ =	shalt  }
0x77: {  	_ =	shalt  }
0x78: {  	_ =	shalt  }
0x79: {  	_ =	shalt  }
0x7a: {  	_ =	shalt  }
0x7b: {  	_ =	shalt  }
0x7c: {  	_ =	shalt  }
0x7d: {  	_ =	shalt  }
0x7e: {  	_ =	shalt  }
0x7f: {  	_ =	shalt  }
0x80: {  	_ =	shalt  }
0x81: {  	_ =	shalt  }
0x82: {  	_ =	shalt  }
0x83: {  	_ =	shalt  }
0x84: {  	_ =	shalt  }
0x85: {  	_ =	shalt  }
0x86: {  	_ =	shalt  }
0x87: {  	_ =	shalt  }
.Lfunc_end0:
.L_simem_size_0:
called_computation_lowered:
.L_overlay_start_0:
0x88: {  	s2 =	sld [smem:$0x3FD9]  }
0x89: {  	s3 =	sld [smem:$0x3FFE];
	_ =	sdelay $0x1  }
0x8a: {  	s1 =	srdreg.scid  }
0x8b: {  	s0 =	sand.u32 $0x1, s1  }
0x8c: {  	s17 =	sshll.u32 s0, $0xA;
	s2 =	sadd.s32 s3, s2  }
0x8d: {  	s2 =	sadd.s32 s2, s17  }
0x8e: {  	[smem:$0x3FBA] =	sst s2  }
0x8f: {  	_ = 	snop  }
0x90: {  	s2 =	sld [smem:$0x3FD0];
	(tm) =	ssettm $0x1  }
0x91: {  	s18 =	sld [smem:$0x3FFB];
	_ =	sdelay $0x3  }
0x92: {  	_ =	strace s18  }
0x93: {  	s3 =	sld [smem:$0x3FFC];
	_ =	sdelay $0x3  }
0x94: {  	_ =	strace s3  }
0x95: {  	s3 =	sld [smem:$0x3FFD];
	_ =	sdelay $0x3  }
0x96: {  	_ =	strace s3  }
0x97: {  	_ =	strace $0x8FFFFFFF  }
0x98: {  	s19 =	sld [smem:$0x3FDB];
	_ =	sdelay $0x1  }
0x99: {  	s4 =	simm.s32 $_scs_section_size  }
0x9a: {  	s5 =	simm.s32 $_size__tile_overlayer_lowered;
	s6 =	simm.s32 $_tile_overlayer_lowered  }
0x9b: {  	s22 =	simm.s32 $0x1BFF;
	s21 =	sshll.u32 s6, $0x1;
	s3 =	sadd.s32 s4, s19  }
0x9c: {  	s7 =	simm.s32 $0x0;
	s20 =	sshll.u32 s5, $0x1;
	s5 =	sadd.s32 s21, s3  }
0x9d: {  	[timem:s7], [sflag:s22] =	dma.local [hbm:s5], s20  }
0x9e: {  	_ =	swait.ge [sflag:s22], s20  }
0x9f: {  	s4 =	ssub.s32 $0x0, s20;
	[sflag:s22] =	ssyncset.done $0x0  }
0xa0: {  	[sflag:s22] =	ssyncadd.s32 s4;
	_ =	sdelay $0x1  }
0xa1: {  	s23 =	simm.s32 $0x1B8B  }
0xa2: {  	_ =	swait.ge [sflag:s23], $0x1  }
0xa3: {  	[sflag:s23] =	ssyncset.done $0x0  }
0xa4: {  	s25 =	simm.s32 $0x1B8E;
	s24 =	sld [smem:$0x3FFE];
	[sflag:s23] =	ssyncadd.s32 $0xFFFFFFFF  }
0xa5: {  	s26 =	simm.s32 $execute0_lowered;
	[smem:$0x3FD2] =	sst s25  }
0xa6: {  	s5 =	sshll.u32 s26, $0x1;
	_ =	strace $0x80000046;
	[dreg:$0x1] =	wrdreg $0xFFFFFFFF  }
0xa7: {  	s28 =	simm.s32 $_size_execute0_lowered;
	s3 =	sadd.s32 s3, s5;
	[dreg:$0x0] =	wrdreg $0x0  }
0xa8: {  	s5 =	sshll.u32 s28, $0x1;
	[dreg:$0x2] =	wrdreg s3  }
0xa9: {  	[dreg:$0x3] =	wrdreg s5  }
0xaa: {  	[dreg:$0x4] =	wrdreg $0xC0  }
0xab: {  	_ =	task [dreg:s7], $0x5FFFF  }
0xac: {  	[dreg:$0x1] =	wrdreg $0xFFFFFFFF  }
0xad: {  	[dreg:$0x0] =	wrdreg $0x60  }
0xae: {  	[dreg:$0x2] =	wrdreg s2  }
0xaf: {  	[dreg:$0x3] =	wrdreg s24  }
0xb0: {  	[dreg:$0x4] =	wrdreg $0x0  }
0xb1: {  	[dreg:$0x5] =	wrdreg $0x138800  }
0xb2: {  	[dreg:$0x6] =	wrdreg $0x9  }
0xb3: {  	_ =	task.clear_ibuf [dreg:s7], $0x7FFFF;
	_ =	strace $0x90000046  }
0xb4: {  	s29 =	simm.s32 $0x9;
	_ =	strace $0x80000048  }
0xb5: {  	_ =	swait.ge [sflag:s29], $0x1  }
0xb6: {  	[sflag:s29] =	ssyncadd.s32 $0xFFFFFFFF  }
0xb7: {  	_ =	strace $0x90000048  }
0xb8: {  	_ =	sfence  }
0xb9: {  	s30 =	sld [smem:$0x0];
	_ =	sdelay $0x2  }
0xba: {  	s31 =	sshll.u32 s1, $0xD;
	s1 =	sshrl.u32 s1, $0x2  }
0xbb: {  	s3 =	sand.u32 $0x4000, s31;
	s1 =	sadd.s32 s1, s30  }
0xbc: {  	s0 =	sor.u32 s3, s0;
	s1 =	sshll.u32 s1, $0x11  }
0xbd: {  	s0 =	sor.u32 s1, s0  }
0xbe: {  	s0 =	sadd.s32 $0x8F2B, s0  }
0xbf: {  	[sflag:s0] =	ssyncadd.remote.s32 $0x1  }
0xc0: {  	_ =	sfence.sel $0xFFFF  }
0xc1: {  	[dreg:$0x0] =	wrdreg $0xFFFFFFFF;
	(pc) =	sbr.abs _section_cstart, $3  }
0xc2: {  	[dreg:$0x1] =	wrdreg $0xFFFFFFFF  }
0xc3: {  	_ =	task.clear_ibuf [dreg:s7], $0x2FFFF;
	_ =	strace $0x9FFFFFFF  }
0xc4: {  	(tm) =	ssettm $0x7FFFFFFF  }
0xc5: {  	_ =	shalt  }
tec
execute0_lowered:
.L_overlay_start_1:
0x0: {  	(tag) =	ssettag $0x1  }
0x1: {  	s6 =	rddreg [dreg:$0x0]  }
0x2: {  	s5 =	rddreg [dreg:$0x1]  }
0x3: {  	s31 =	rddreg [dreg:$0x2]  }
0x4: {  	s2 =	rddreg [dreg:$0x3]  }
0x5: {  	s3 =	simm.s32 $0x0;
	s24 =	stileid.u32;
	s0 =	srdreg.scid  }
0x6: {  	s30 =	simm.s32 $0x100;
	s28 =	simm.s32 $0x50;
	s7 =	smul.u32 $0x271, s24  }
0x7: {  	[smem:$0x7FF] =	sst s3;
	s0 =	sand.u32 $0x1, s0;
	s1 =	smul.u32 $0x27100, s24  }
0x8: {  	p0 =	sne.s32 s24, $0x0;
	_ =	strace $0x80000047;
	s8 =	sshll.u32 s0, $0x7  }
0x9: {  	s4 =	ssub.s32 $0x2, s0;
	s9 =	sadd.s32 $0x50, s7;
	s10 =	sor.u32 s8, s1  }
0xa: {  	s11 =	sshrl.u32 s4, $0x1;
	s18 =	sadd.s32 $0xF0, s7;
	s19 =	sadd.s32 $0x140, s7  }
0xb: {  	s20 =	sadd.s32 $0x190, s7;
	s21 =	sadd.s32 $0x1E0, s7;
	s12 =	sshll.u32 s9, $0x8  }
0xc: {  	s10 =	sshrl.u32 s10, $0x3;
	s4 =	ssub.s32 s4, s11;
	s14 =	sshll.u32 s18, $0x8  }
0xd: {  	s15 =	sshll.u32 s19, $0x8;
	s16 =	sshll.u32 s20, $0x8;
	s17 =	sshll.u32 s21, $0x8  }
0xe: {  	s22 =	sor.u32 s8, s12;
	s12 =	sadd.s32 $0xA0, s7;
	s14 =	sor.u32 s8, s14  }
0xf: {  	s15 =	sor.u32 s8, s15;
	s7 =	sadd.s32 $0x230, s7;
	s16 =	sor.u32 s8, s16  }
0x10: {  	s17 =	sor.u32 s8, s17;
	s11 =	sshrl.u32 s22, $0x3;
	s13 =	sshll.u32 s12, $0x8  }
0x11: {  	s22 =	sshll.u32 s7, $0x8;
	s25 =	sshrl.u32 s14, $0x3;
	s26 =	sshrl.u32 s15, $0x3  }
0x12: {  	s16 =	sshrl.u32 s16, $0x3;
	s14 =	sadd.s32 $0x5A800, s5;
	s13 =	sor.u32 s8, s13  }
0x13: {  	s8 =	sor.u32 s8, s22;
	s22 =	smul.u32 $0x4E200, s24;
	s11 =	sadd.s32 s6, s11  }
0x14: {  	s15 =	sadd.s32 s6, s26;
	[dreg:$0x5] =	wrdreg s11;
	s23 =	sshrl.u32 s13, $0x3  }
0x15: {  	s13 =	sadd.s32 s6, s25;
	[dreg:$0x8] =	wrdreg s15;
	s8 =	sshrl.u32 s8, $0x3  }
0x16: {  	s15 =	sadd.s32 $0x55800, s5;
	s11 =	sadd.s32 s6, s23;
	[dreg:$0x7] =	wrdreg s13  }
0x17: {  	s23 =	sshrl.u32 s17, $0x3;
	s8 =	sadd.s32 s6, s8;
	s26 =	sshrl.u32 s22, $0x2  }
0x18: {  	s13 =	sadd.s32 $0x1C00, s5;
	s17 =	sadd.s32 $0x5F800, s5;
	[dreg:$0x6] =	wrdreg s11  }
0x19: {  	s22 =	sadd.s32 $0x2D0800, s5;
	s11 =	sadd.s32 s6, s16;
	[dreg:$0xb] =	wrdreg s8  }
0x1a: {  	s25 =	sadd.s32 s6, s23;
	s6 =	sadd.s32 s6, s10;
	[dreg:$0xe] =	wrdreg s22  }
0x1b: {  	s16 =	sadd.s32 $0x50800, s5;
	s29 =	sadd.s32 s26, s31;
	[dreg:$0x9] =	wrdreg s11  }
0x1c: {  	s23 =	sshll.u32 s9, $0x7;
	s26 =	sshll.u32 s18, $0x7;
	[dreg:$0xa] =	wrdreg s25  }
0x1d: {  	s18 =	sshll.u32 s20, $0x7;
	s1 =	sadd.s32 s17, s1;
	[dreg:$0xc] =	wrdreg s6  }
0x1e: {  	s9 =	smul.u32 $0x2710, s24;
	s20 =	sshll.u32 s21, $0x7;
	[dreg:$0x1b] =	wrdreg s1  }
0x1f: {  	s6 =	sadd.s32 s10, s5;
	s11 =	sadd.s32 $0x50000, s5;
	[dreg:$0x10] =	wrdreg s29  }
0x20: {  	s5 =	sadd.s32 $0x50400, s5;
	s25 =	sshll.u32 s12, $0x7;
	[dreg:$0xd] =	wrdreg s11  }
0x21: {  	s12 =	sshll.u32 s19, $0x7;
	s19 =	sadd.s32 s18, s31;
	[dreg:$0xf] =	wrdreg s5  }
0x22: {  	s21 =	sshll.u32 s7, $0x7;
	s5 =	sadd.s32 s23, s31;
	[dreg:$0x15] =	wrdreg s19  }
0x23: {  	s8 =	simm.s32 $0x2;
	s10 =	sadd.s32 s25, s31;
	[dreg:$0x11] =	wrdreg s5  }
0x24: {  	s24 =	simm.s32 $0x9;
	s11 =	sadd.s32 s26, s31;
	[dreg:$0x12] =	wrdreg s10  }
0x25: {  	s1 =	simm.s32 $0x0;
	s19 =	sadd.s32 $0x2D0A00, s6;
	[dreg:$0x13] =	wrdreg s11  }
0x26: {  	s22 =	sshrl.u32 s9, $0x3;
	s5 =	sadd.s32 s12, s31;
	[dreg:$0x1f] =	wrdreg s19  }
0x27: {  	s25 =	sadd.s32 $0x50, s9;
	s23 =	sadd.s32 s14, s22;
	[dreg:$0x14] =	wrdreg s5  }
0x28: {  	s6 =	simm.s32 $0x3;
	s26 =	sadd.s32 s15, s22;
	[dreg:$0x18] =	wrdreg s23  }
0x29: {  	s7 =	sadd.s32 s16, s22;
	s11 =	smov.u32 s25;
	[dreg:$0x19] =	wrdreg s26  }
0x2a: {  	s22 =	scvt.s32.f32 s0;
	s5 =	sadd.s32 s20, s31;
	[dreg:$0x1a] =	wrdreg s7  }
0x2b: {  	s19 =	simm.s32 $0x80;
	s20 =	smax.u32 s4, $0x1;
	[dreg:$0x16] =	wrdreg s5  }
0x2c: {  	s26 =	sadd.s32 $0x2000, s2;
	s7 =	simm.s32 $0xB;
	[smem:$0x7FB] =	sst s20  }
0x2d: {  	s23 =	simm.s32 $0x14340;
	s5 =	sadd.s32 s21, s31;
	[smem:$0x7FD] =	sst s26  }
0x2e: {  	s21 =	sadd.s32 $0xF0, s9;
	[dreg:$0x17] =	wrdreg s5;
	s5 =	sshrl.u32 s25, $0x3  }
0x2f: {  	s20 =	simm.s32 $0x7;
	[smem:$0x7FC] =	sst s21;
	s10 =	sadd.s32 s14, s5  }
0x30: {  	s26 =	simm.s32 $0x8;
	s12 =	sadd.s32 s15, s5;
	[dreg:$0x1c] =	wrdreg s10  }
0x31: {  	s21 =	simm.s32 $0x5;
	s18 =	sadd.s32 s16, s5;
	[dreg:$0x1d] =	wrdreg s12  }
0x32: {  	s25 =	simm.s32 $0x6;
	[dreg:$0x1e] =	wrdreg s18;
	s12 =	sadd.s32 $0xA0, s9  }
0x33: {  	v0 =	vmov s0;
	v1 =	vmov s22;
	s10 =	simm.s32 $0x16B40;
	s9 =	simm.s32 $0x4;
	s18 =	simm.s32 $0x1  }
.LBB2_1:
0x34: {  	[smem:$0x7FA] =	sst s1  }
0x35: {  	s0 =	rddreg [dreg:$0xe];
	s5 =	simm.s32 $0x1E340  }
0x36: {  	[tilespmem:s5], [sflag:$0xB] =	stream.linear.gather [hbm4b:s0+s3], $0x80, $0x38;
	[tilespmem:$0x1E3C0] =	vst v63  }
0x37: {  	_ =	swait.ge [sflag:s7], $0x80  }
0x38: {  	s1 =	simm.s32 @!p0 $0x14340;
	[sflag:s7] =	ssyncset.done $0x0  }
0x39: {  	s0 =	simm.s32 @!p0 $0x0;
	s4 =	rddreg [dreg:$0xd];
	[sflag:s7] =	ssyncadd.s32 $0xFFFFFF80  }
0x3a: {  	v2 =	vld [tilespmem:$0x1E340];
	[tilespmem:s1], [sflag:$0xB] =	stream.linear.gather @!p0 [hbm4b:s4+s0], $0x2000, $0x38  }
0x3b: {  	s4 =	simm.s32 @!p0 $0xB  }
0x3c: {  	_ =	swait.ge @!p0 [sflag:s4], $0x2000  }
0x3d: {  	[sflag:s4] =	ssyncset.done @!p0 $0x0  }
0x3e: {  	[sflag:s4] =	ssyncadd.s32 @!p0 $0xFFFFE000  }
0x3f: {  	[spmem:s2] =	stream.linear.scatter @!p0 [tilespmem:s1], [sflag:$0xB], $0x2000, $0x38;
	[tilespmem:$0x1E3C0] =	vst v63  }
0x40: {  	_ =	swait.ge @!p0 [sflag:s4], $0x2000  }
0x41: {  	[sflag:s4] =	ssyncset.done @!p0 $0x0  }
0x42: {  	s5 =	rddreg [dreg:$0xf];
	[sflag:s4] =	ssyncadd.s32 @!p0 $0xFFFFE000  }
0x43: {  	[tilespmem:s1], [sflag:$0xB] =	stream.linear.gather @!p0 [hbm4b:s5+s0], $0x1C00, $0x38;
	[tilespmem:$0x1E3C0] =	vst v63  }
0x44: {  	_ =	swait.ge @!p0 [sflag:s4], $0x1C00  }
0x45: {  	s0 =	sld [smem:$0x7FD]  }
0x46: {  	[sflag:s4] =	ssyncset.done @!p0 $0x0  }
0x47: {  	[sflag:s4] =	ssyncadd.s32 @!p0 $0xFFFFE400  }
0x48: {  	[spmem:s0] =	stream.linear.scatter @!p0 [tilespmem:s1], [sflag:$0xB], $0x1C00, $0x38;
	[tilespmem:$0x1E3C0] =	vst v63  }
0x49: {  	_ =	swait.ge @!p0 [sflag:s4], $0x1C00  }
0x4a: {  	[sflag:s4] =	ssyncset.done @!p0 $0x0  }
0x4b: {  	s22 =	rddreg [dreg:$0xc];
	[sflag:s4] =	ssyncadd.s32 @!p0 $0xFFFFE400  }
0x4c: {  	[tilespmem:s23], [sflag:$0xB] =	stream.strided.gather [hbm4b:s22+s19], $0x2800, s30, s19, $0x38;
	[tilespmem:$0x1E3C0] =	vst v63  }
0x4d: {  	_ =	swait.ge [sflag:s7], $0x2800  }
0x4e: {  	[sflag:s7] =	ssyncset.done $0x0  }
0x4f: {  	s0 =	simm.s32 $0x14440;
	[sflag:s7] =	ssyncadd.s32 $0xFFFFD800  }
0x50: {  	v3 =	vld [tilespmem:s0+$0xF0]  }
0x51: {  	v4 =	vld [tilespmem:s0+$0xFFFFFF10]  }
0x52: {  	v5 =	vld [tilespmem:s0+$0xFFFFFF20]  }
0x53: {  	v6 =	vld [tilespmem:s0+$0xFFFFFF30]  }
0x54: {  	v2 =	vadd.f32 $1.000000000e+00, v2;
	v9 =	vld [tilespmem:s0+$0xFFFFFF60]  }
0x55: {  	v7 =	vld [tilespmem:s0+$0xFFFFFF40]  }
0x56: {  	v8 =	vld [tilespmem:s0+$0xFFFFFF50];
	v3 =	vmul.f32 v3, v2  }
0x57: {  	v11 =	vld [tilespmem:s0+$0xFFFFFF80];
	v4 =	vmul.f32 v4, v2  }
0x58: {  	v10 =	vld [tilespmem:s0+$0xFFFFFF70];
	v5 =	vmul.f32 v5, v2;
	[tilespmem:s0+$0xF0] =	vst v3  }
0x59: {  	v9 =	vmul.f32 v9, v2;
	v3 =	vld [tilespmem:s0+$0xFFFFFF90];
	[tilespmem:s0+$0xFFFFFF10] =	vst v4  }
0x5a: {  	v4 =	vmul.f32 v6, v2;
	v6 =	vld [tilespmem:s0+$0xFFFFFFA0];
	[tilespmem:s0+$0xFFFFFF20] =	vst v5;
	v5 =	vmul.f32 v7, v2  }
0x5b: {  	[tilespmem:s0+$0xFFFFFF60] =	vst v9;
	v9 =	vld [tilespmem:s0+$0xFFFFFFF0]  }
0x5c: {  	v7 =	vld [tilespmem:s0+$0xFFFFFFB0];
	[tilespmem:s0+$0xFFFFFF40] =	vst v5;
	v5 =	vmul.f32 v11, v2  }
0x5d: {  	[tilespmem:s0+$0xFFFFFF30] =	vst v4;
	v4 =	vmul.f32 v8, v2;
	v8 =	vld [tilespmem:s0+$0xFFFFFFC0]  }
0x5e: {  	v11 =	vld [tilespmem:s0+$0xFFFFFFD0];
	[tilespmem:s0+$0xFFFFFF80] =	vst v5;
	v5 =	vmul.f32 v10, v2  }
0x5f: {  	[tilespmem:s0+$0xFFFFFF50] =	vst v4;
	v4 =	vld [tilespmem:s0+$0xFFFFFFE0];
	v3 =	vmul.f32 v3, v2  }
0x60: {  	v10 =	vld [tilespmem:s0+$0x30];
	v9 =	vmul.f32 v9, v2;
	[tilespmem:s0+$0xFFFFFF70] =	vst v5  }
0x61: {  	v5 =	vmul.f32 v6, v2;
	v6 =	vld [tilespmem:s0+$0x0];
	[tilespmem:s0+$0xFFFFFF90] =	vst v3  }
0x62: {  	v3 =	vmul.f32 v7, v2;
	v7 =	vld [tilespmem:s0+$0x10];
	[tilespmem:s0+$0xFFFFFFF0] =	vst v9  }
0x63: {  	[tilespmem:s0+$0xFFFFFFA0] =	vst v5;
	v5 =	vmul.f32 v8, v2;
	v8 =	vld [tilespmem:s0+$0x20]  }
0x64: {  	v9 =	vld [tilespmem:s0+$0x80];
	[tilespmem:s0+$0xFFFFFFB0] =	vst v3;
	v3 =	vmul.f32 v11, v2  }
0x65: {  	v4 =	vmul.f32 v4, v2;
	[tilespmem:s0+$0xFFFFFFC0] =	vst v5;
	v5 =	vld [tilespmem:s0+$0x40]  }
0x66: {  	[tilespmem:s0+$0xFFFFFFD0] =	vst v3;
	v3 =	vmul.f32 v6, v2  }
0x67: {  	v6 =	vld [tilespmem:s0+$0x50];
	[tilespmem:s0+$0xFFFFFFE0] =	vst v4;
	v7 =	vmul.f32 v7, v2  }
0x68: {  	v4 =	vld [tilespmem:s0+$0x60];
	[tilespmem:s0+$0x0] =	vst v3;
	v3 =	vmul.f32 v8, v2  }
0x69: {  	v9 =	vmul.f32 v9, v2;
	v8 =	vld [tilespmem:s0+$0x70];
	[tilespmem:s0+$0x10] =	vst v7  }
0x6a: {  	v7 =	vmul.f32 v10, v2;
	v10 =	vld [tilespmem:s0+$0x90];
	[tilespmem:s0+$0x20] =	vst v3;
	v3 =	vmul.f32 v5, v2  }
0x6b: {  	v11 =	vld [tilespmem:s0+$0xA0];
	[tilespmem:s0+$0x80] =	vst v9  }
0x6c: {  	v5 =	vmul.f32 v6, v2;
	[tilespmem:s0+$0x40] =	vst v3;
	v3 =	vld [tilespmem:s0+$0xB0]  }
0x6d: {  	[tilespmem:s0+$0x30] =	vst v7;
	v6 =	vmul.f32 v4, v2;
	v4 =	vld [tilespmem:s0+$0xC0]  }
0x6e: {  	[tilespmem:s0+$0x50] =	vst v5;
	v7 =	vmul.f32 v8, v2;
	v5 =	vld [tilespmem:s0+$0xD0]  }
0x6f: {  	[tilespmem:s0+$0x60] =	vst v6;
	v6 =	vld [tilespmem:s0+$0xE0];
	v8 =	vmul.f32 v10, v2  }
0x70: {  	s1 =	simm.s32 $0x0;
	s4 =	simm.s32 $0x14640;
	v9 =	vmul.f32 v11, v2;
	[tilespmem:s0+$0x70] =	vst v7;
	v7 =	vld [tilespmem:s0+$0xFFFFFF00]  }
.LBB2_2:
0x71: {  	v10 =	vld [tilespmem:s4+$0xF0];
	s1 =	sadd.s32 $0x4, s1;
	[tilespmem:s0+$0x90] =	vst v8;
	v3 =	vmul.f32 v3, v2  }
0x72: {  	v8 =	vld [tilespmem:s4+$0xFFFFFF10];
	p1 =	slt.u32 s1, $0x4C;
	[tilespmem:s0+$0xA0] =	vst v9;
	v4 =	vmul.f32 v4, v2  }
0x73: {  	v9 =	vld [tilespmem:s4+$0xFFFFFF20];
	[tilespmem:s0+$0xB0] =	vst v3;
	v3 =	vmul.f32 v5, v2  }
0x74: {  	v5 =	vld [tilespmem:s4+$0xFFFFFF30];
	[tilespmem:s0+$0xC0] =	vst v4;
	v4 =	vmul.f32 v6, v2  }
0x75: {  	v6 =	vld [tilespmem:s4+$0xFFFFFF40];
	v7 =	vmul.f32 v7, v2;
	[tilespmem:s0+$0xD0] =	vst v3  }
0x76: {  	v3 =	vld [tilespmem:s4+$0xFFFFFF50];
	v10 =	vmul.f32 v10, v2;
	[tilespmem:s0+$0xE0] =	vst v4  }
0x77: {  	v4 =	vmul.f32 v8, v2;
	v8 =	vld [tilespmem:s4+$0xFFFFFF60];
	[tilespmem:s0+$0xFFFFFF00] =	vst v7;
	s0 =	smov.u32 s4  }
0x78: {  	v7 =	vmul.f32 v9, v2;
	v9 =	vld [tilespmem:s4+$0xFFFFFF70];
	[tilespmem:s4+$0xF0] =	vst v10  }
0x79: {  	[tilespmem:s4+$0xFFFFFF10] =	vst v4;
	v4 =	vmul.f32 v5, v2;
	v5 =	vld [tilespmem:s4+$0xFFFFFF80]  }
0x7a: {  	[tilespmem:s4+$0xFFFFFF20] =	vst v7;
	v6 =	vmul.f32 v6, v2;
	v7 =	vld [tilespmem:s4+$0xFFFFFF90]  }
0x7b: {  	[tilespmem:s4+$0xFFFFFF30] =	vst v4;
	v3 =	vmul.f32 v3, v2;
	v4 =	vld [tilespmem:s4+$0xFFFFFFA0]  }
0x7c: {  	[tilespmem:s4+$0xFFFFFF40] =	vst v6;
	v6 =	vmul.f32 v8, v2;
	v8 =	vld [tilespmem:s4+$0xFFFFFFB0]  }
0x7d: {  	[tilespmem:s4+$0xFFFFFF50] =	vst v3;
	v3 =	vmul.f32 v9, v2;
	v9 =	vld [tilespmem:s4+$0xFFFFFFC0]  }
0x7e: {  	[tilespmem:s4+$0xFFFFFF60] =	vst v6;
	v5 =	vmul.f32 v5, v2;
	v6 =	vld [tilespmem:s4+$0xFFFFFFD0]  }
0x7f: {  	[tilespmem:s4+$0xFFFFFF70] =	vst v3;
	v3 =	vmul.f32 v7, v2;
	v7 =	vld [tilespmem:s4+$0xFFFFFFE0]  }
0x80: {  	[tilespmem:s4+$0xFFFFFF80] =	vst v5;
	v4 =	vmul.f32 v4, v2;
	v5 =	vld [tilespmem:s4+$0xFFFFFFF0]  }
0x81: {  	[tilespmem:s4+$0xFFFFFF90] =	vst v3;
	v3 =	vmul.f32 v8, v2;
	v8 =	vld [tilespmem:s4+$0x0]  }
0x82: {  	[tilespmem:s4+$0xFFFFFFA0] =	vst v4;
	v4 =	vmul.f32 v9, v2;
	v9 =	vld [tilespmem:s4+$0x10]  }
0x83: {  	[tilespmem:s4+$0xFFFFFFB0] =	vst v3;
	v3 =	vmul.f32 v6, v2;
	v6 =	vld [tilespmem:s4+$0x20]  }
0x84: {  	[tilespmem:s4+$0xFFFFFFC0] =	vst v4;
	v4 =	vmul.f32 v7, v2;
	v7 =	vld [tilespmem:s4+$0x30]  }
0x85: {  	[tilespmem:s4+$0xFFFFFFD0] =	vst v3;
	v3 =	vmul.f32 v5, v2;
	v5 =	vld [tilespmem:s4+$0x40]  }
0x86: {  	[tilespmem:s4+$0xFFFFFFE0] =	vst v4;
	v4 =	vmul.f32 v8, v2;
	v8 =	vld [tilespmem:s4+$0x50]  }
0x87: {  	[tilespmem:s4+$0xFFFFFFF0] =	vst v3;
	v3 =	vmul.f32 v9, v2;
	v9 =	vld [tilespmem:s4+$0x60]  }
0x88: {  	[tilespmem:s4+$0x0] =	vst v4;
	v4 =	vmul.f32 v6, v2;
	v6 =	vld [tilespmem:s4+$0x70]  }
0x89: {  	[tilespmem:s4+$0x10] =	vst v3;
	v3 =	vmul.f32 v7, v2;
	v7 =	vld [tilespmem:s4+$0x80]  }
0x8a: {  	[tilespmem:s4+$0x20] =	vst v4;
	v4 =	vmul.f32 v5, v2;
	v10 =	vld [tilespmem:s4+$0x90]  }
0x8b: {  	[tilespmem:s4+$0x30] =	vst v3;
	v5 =	vmul.f32 v8, v2;
	v11 =	vld [tilespmem:s4+$0xA0]  }
.Ltmp0:
0x8c: {  	[tilespmem:s4+$0x40] =	vst v4;
	v8 =	vmul.f32 v9, v2;
	v3 =	vld [tilespmem:s4+$0xB0];
	(pc) =	sbr.rel @p1 .LBB2_2-.Ltmp0, $4  }
0x8d: {  	[tilespmem:s4+$0x50] =	vst v5;
	v6 =	vmul.f32 v6, v2;
	v4 =	vld [tilespmem:s4+$0xC0]  }
0x8e: {  	[tilespmem:s4+$0x60] =	vst v8;
	v9 =	vmul.f32 v7, v2;
	v5 =	vld [tilespmem:s4+$0xD0]  }
0x8f: {  	[tilespmem:s4+$0x70] =	vst v6;
	v8 =	vmul.f32 v10, v2;
	v6 =	vld [tilespmem:s4+$0xE0]  }
0x90: {  	s4 =	sadd.s32 $0x200, s4;
	v7 =	vld [tilespmem:s0+$0xFFFFFF00];
	[tilespmem:s0+$0x80] =	vst v9;
	v9 =	vmul.f32 v11, v2  }
0x91: {  	[tilespmem:s0+$0x90] =	vst v8;
	v3 =	vmul.f32 v3, v2  }
0x92: {  	[tilespmem:s0+$0xA0] =	vst v9;
	v4 =	vmul.f32 v4, v2  }
0x93: {  	[tilespmem:s0+$0xB0] =	vst v3;
	v3 =	vmul.f32 v5, v2  }
0x94: {  	[tilespmem:s0+$0xC0] =	vst v4;
	v4 =	vmul.f32 v6, v2  }
0x95: {  	v5 =	vmul.f32 v7, v2;
	[tilespmem:s0+$0xD0] =	vst v3  }
0x96: {  	[tilespmem:s0+$0xE0] =	vst v4  }
0x97: {  	[tilespmem:s0+$0xFFFFFF00] =	vst v5  }
0x98: {  	[spmem:s29] =	stream.linear.scatter [tilespmem:s23], [sflag:$0xB], $0x2800, $0x38;
	[tilespmem:$0x1E3C0] =	vst v63  }
0x99: {  	_ =	swait.ge [sflag:s7], $0x2800  }
0x9a: {  	[sflag:s7] =	ssyncset.done $0x0  }
0x9b: {  	s29 =	rddreg [dreg:$0x5];
	[sflag:s7] =	ssyncadd.s32 $0xFFFFD800  }
0x9c: {  	[tilespmem:s23], [sflag:$0xB] =	stream.strided.gather [hbm4b:s29+s19], $0x2800, s30, s19, $0x38;
	[tilespmem:$0x1E3C0] =	vst v63  }
0x9d: {  	_ =	swait.ge [sflag:s7], $0x2800  }
0x9e: {  	[sflag:s7] =	ssyncset.done $0x0  }
0x9f: {  	s0 =	simm.s32 $0x14440;
	[sflag:s7] =	ssyncadd.s32 $0xFFFFD800  }
0xa0: {  	v3 =	vld [tilespmem:s0+$0xF0]  }
0xa1: {  	v4 =	vld [tilespmem:s0+$0xFFFFFF10]  }
0xa2: {  	v5 =	vld [tilespmem:s0+$0xFFFFFF20]  }
0xa3: {  	v6 =	vld [tilespmem:s0+$0xFFFFFF30]  }
0xa4: {  	v9 =	vld [tilespmem:s0+$0xFFFFFF60]  }
0xa5: {  	v7 =	vld [tilespmem:s0+$0xFFFFFF40]  }
0xa6: {  	v8 =	vld [tilespmem:s0+$0xFFFFFF50];
	v3 =	vmul.f32 v3, v2  }
0xa7: {  	v11 =	vld [tilespmem:s0+$0xFFFFFF80];
	v4 =	vmul.f32 v4, v2  }
0xa8: {  	v10 =	vld [tilespmem:s0+$0xFFFFFF70];
	v5 =	vmul.f32 v5, v2;
	[tilespmem:s0+$0xF0] =	vst v3  }
0xa9: {  	v9 =	vmul.f32 v9, v2;
	v3 =	vld [tilespmem:s0+$0xFFFFFF90];
	[tilespmem:s0+$0xFFFFFF10] =	vst v4  }
0xaa: {  	v4 =	vmul.f32 v6, v2;
	v6 =	vld [tilespmem:s0+$0xFFFFFFA0];
	[tilespmem:s0+$0xFFFFFF20] =	vst v5;
	v5 =	vmul.f32 v7, v2  }
0xab: {  	[tilespmem:s0+$0xFFFFFF60] =	vst v9;
	v9 =	vld [tilespmem:s0+$0xFFFFFFF0]  }
0xac: {  	v7 =	vld [tilespmem:s0+$0xFFFFFFB0];
	[tilespmem:s0+$0xFFFFFF40] =	vst v5;
	v5 =	vmul.f32 v11, v2  }
0xad: {  	[tilespmem:s0+$0xFFFFFF30] =	vst v4;
	v4 =	vmul.f32 v8, v2;
	v8 =	vld [tilespmem:s0+$0xFFFFFFC0]  }
0xae: {  	v11 =	vld [tilespmem:s0+$0xFFFFFFD0];
	[tilespmem:s0+$0xFFFFFF80] =	vst v5;
	v5 =	vmul.f32 v10, v2  }
0xaf: {  	[tilespmem:s0+$0xFFFFFF50] =	vst v4;
	v4 =	vld [tilespmem:s0+$0xFFFFFFE0];
	v3 =	vmul.f32 v3, v2  }
0xb0: {  	v10 =	vld [tilespmem:s0+$0x30];
	v9 =	vmul.f32 v9, v2;
	[tilespmem:s0+$0xFFFFFF70] =	vst v5  }
0xb1: {  	v5 =	vmul.f32 v6, v2;
	v6 =	vld [tilespmem:s0+$0x0];
	[tilespmem:s0+$0xFFFFFF90] =	vst v3  }
0xb2: {  	v3 =	vmul.f32 v7, v2;
	v7 =	vld [tilespmem:s0+$0x10];
	[tilespmem:s0+$0xFFFFFFF0] =	vst v9  }
0xb3: {  	[tilespmem:s0+$0xFFFFFFA0] =	vst v5;
	v5 =	vmul.f32 v8, v2;
	v8 =	vld [tilespmem:s0+$0x20]  }
0xb4: {  	v9 =	vld [tilespmem:s0+$0x80];
	[tilespmem:s0+$0xFFFFFFB0] =	vst v3;
	v3 =	vmul.f32 v11, v2  }
0xb5: {  	v4 =	vmul.f32 v4, v2;
	[tilespmem:s0+$0xFFFFFFC0] =	vst v5;
	v5 =	vld [tilespmem:s0+$0x40]  }
0xb6: {  	[tilespmem:s0+$0xFFFFFFD0] =	vst v3;
	v3 =	vmul.f32 v6, v2  }
0xb7: {  	v6 =	vld [tilespmem:s0+$0x50];
	[tilespmem:s0+$0xFFFFFFE0] =	vst v4;
	v7 =	vmul.f32 v7, v2  }
0xb8: {  	v4 =	vld [tilespmem:s0+$0x60];
	[tilespmem:s0+$0x0] =	vst v3;
	v3 =	vmul.f32 v8, v2  }
0xb9: {  	v9 =	vmul.f32 v9, v2;
	v8 =	vld [tilespmem:s0+$0x70];
	[tilespmem:s0+$0x10] =	vst v7  }
0xba: {  	v7 =	vmul.f32 v10, v2;
	v10 =	vld [tilespmem:s0+$0x90];
	[tilespmem:s0+$0x20] =	vst v3;
	v3 =	vmul.f32 v5, v2  }
0xbb: {  	v11 =	vld [tilespmem:s0+$0xA0];
	[tilespmem:s0+$0x80] =	vst v9  }
0xbc: {  	v5 =	vmul.f32 v6, v2;
	[tilespmem:s0+$0x40] =	vst v3;
	v3 =	vld [tilespmem:s0+$0xB0]  }
0xbd: {  	[tilespmem:s0+$0x30] =	vst v7;
	v6 =	vmul.f32 v4, v2;
	v4 =	vld [tilespmem:s0+$0xC0]  }
0xbe: {  	[tilespmem:s0+$0x50] =	vst v5;
	v7 =	vmul.f32 v8, v2;
	v5 =	vld [tilespmem:s0+$0xD0]  }
0xbf: {  	[tilespmem:s0+$0x60] =	vst v6;
	v6 =	vld [tilespmem:s0+$0xE0];
	v8 =	vmul.f32 v10, v2  }
0xc0: {  	s1 =	simm.s32 $0x0;
	s4 =	simm.s32 $0x14640;
	v9 =	vmul.f32 v11, v2;
	[tilespmem:s0+$0x70] =	vst v7;
	v7 =	vld [tilespmem:s0+$0xFFFFFF00]  }
.LBB2_4:
0xc1: {  	v10 =	vld [tilespmem:s4+$0xF0];
	s1 =	sadd.s32 $0x4, s1;
	[tilespmem:s0+$0x90] =	vst v8;
	v3 =	vmul.f32 v3, v2  }
0xc2: {  	v8 =	vld [tilespmem:s4+$0xFFFFFF10];
	p1 =	slt.u32 s1, $0x4C;
	[tilespmem:s0+$0xA0] =	vst v9;
	v4 =	vmul.f32 v4, v2  }
0xc3: {  	v9 =	vld [tilespmem:s4+$0xFFFFFF20];
	[tilespmem:s0+$0xB0] =	vst v3;
	v3 =	vmul.f32 v5, v2  }
0xc4: {  	v5 =	vld [tilespmem:s4+$0xFFFFFF30];
	[tilespmem:s0+$0xC0] =	vst v4;
	v4 =	vmul.f32 v6, v2  }
0xc5: {  	v6 =	vld [tilespmem:s4+$0xFFFFFF40];
	v7 =	vmul.f32 v7, v2;
	[tilespmem:s0+$0xD0] =	vst v3  }
0xc6: {  	v3 =	vld [tilespmem:s4+$0xFFFFFF50];
	v10 =	vmul.f32 v10, v2;
	[tilespmem:s0+$0xE0] =	vst v4  }
0xc7: {  	v4 =	vmul.f32 v8, v2;
	v8 =	vld [tilespmem:s4+$0xFFFFFF60];
	[tilespmem:s0+$0xFFFFFF00] =	vst v7;
	s0 =	smov.u32 s4  }
0xc8: {  	v7 =	vmul.f32 v9, v2;
	v9 =	vld [tilespmem:s4+$0xFFFFFF70];
	[tilespmem:s4+$0xF0] =	vst v10  }
0xc9: {  	[tilespmem:s4+$0xFFFFFF10] =	vst v4;
	v4 =	vmul.f32 v5, v2;
	v5 =	vld [tilespmem:s4+$0xFFFFFF80]  }
0xca: {  	[tilespmem:s4+$0xFFFFFF20] =	vst v7;
	v6 =	vmul.f32 v6, v2;
	v7 =	vld [tilespmem:s4+$0xFFFFFF90]  }
0xcb: {  	[tilespmem:s4+$0xFFFFFF30] =	vst v4;
	v3 =	vmul.f32 v3, v2;
	v4 =	vld [tilespmem:s4+$0xFFFFFFA0]  }
0xcc: {  	[tilespmem:s4+$0xFFFFFF40] =	vst v6;
	v6 =	vmul.f32 v8, v2;
	v8 =	vld [tilespmem:s4+$0xFFFFFFB0]  }
0xcd: {  	[tilespmem:s4+$0xFFFFFF50] =	vst v3;
	v3 =	vmul.f32 v9, v2;
	v9 =	vld [tilespmem:s4+$0xFFFFFFC0]  }
0xce: {  	[tilespmem:s4+$0xFFFFFF60] =	vst v6;
	v5 =	vmul.f32 v5, v2;
	v6 =	vld [tilespmem:s4+$0xFFFFFFD0]  }
0xcf: {  	[tilespmem:s4+$0xFFFFFF70] =	vst v3;
	v3 =	vmul.f32 v7, v2;
	v7 =	vld [tilespmem:s4+$0xFFFFFFE0]  }
0xd0: {  	[tilespmem:s4+$0xFFFFFF80] =	vst v5;
	v4 =	vmul.f32 v4, v2;
	v5 =	vld [tilespmem:s4+$0xFFFFFFF0]  }
0xd1: {  	[tilespmem:s4+$0xFFFFFF90] =	vst v3;
	v3 =	vmul.f32 v8, v2;
	v8 =	vld [tilespmem:s4+$0x0]  }
0xd2: {  	[tilespmem:s4+$0xFFFFFFA0] =	vst v4;
	v4 =	vmul.f32 v9, v2;
	v9 =	vld [tilespmem:s4+$0x10]  }
0xd3: {  	[tilespmem:s4+$0xFFFFFFB0] =	vst v3;
	v3 =	vmul.f32 v6, v2;
	v6 =	vld [tilespmem:s4+$0x20]  }
0xd4: {  	[tilespmem:s4+$0xFFFFFFC0] =	vst v4;
	v4 =	vmul.f32 v7, v2;
	v7 =	vld [tilespmem:s4+$0x30]  }
0xd5: {  	[tilespmem:s4+$0xFFFFFFD0] =	vst v3;
	v3 =	vmul.f32 v5, v2;
	v5 =	vld [tilespmem:s4+$0x40]  }
0xd6: {  	[tilespmem:s4+$0xFFFFFFE0] =	vst v4;
	v4 =	vmul.f32 v8, v2;
	v8 =	vld [tilespmem:s4+$0x50]  }
0xd7: {  	[tilespmem:s4+$0xFFFFFFF0] =	vst v3;
	v3 =	vmul.f32 v9, v2;
	v9 =	vld [tilespmem:s4+$0x60]  }
0xd8: {  	[tilespmem:s4+$0x0] =	vst v4;
	v4 =	vmul.f32 v6, v2;
	v6 =	vld [tilespmem:s4+$0x70]  }
0xd9: {  	[tilespmem:s4+$0x10] =	vst v3;
	v3 =	vmul.f32 v7, v2;
	v7 =	vld [tilespmem:s4+$0x80]  }
0xda: {  	[tilespmem:s4+$0x20] =	vst v4;
	v4 =	vmul.f32 v5, v2;
	v10 =	vld [tilespmem:s4+$0x90]  }
0xdb: {  	[tilespmem:s4+$0x30] =	vst v3;
	v5 =	vmul.f32 v8, v2;
	v11 =	vld [tilespmem:s4+$0xA0]  }
.Ltmp1:
0xdc: {  	[tilespmem:s4+$0x40] =	vst v4;
	v8 =	vmul.f32 v9, v2;
	v3 =	vld [tilespmem:s4+$0xB0];
	(pc) =	sbr.rel @p1 .LBB2_4-.Ltmp1, $4  }
0xdd: {  	[tilespmem:s4+$0x50] =	vst v5;
	v6 =	vmul.f32 v6, v2;
	v4 =	vld [tilespmem:s4+$0xC0]  }
0xde: {  	[tilespmem:s4+$0x60] =	vst v8;
	v9 =	vmul.f32 v7, v2;
	v5 =	vld [tilespmem:s4+$0xD0]  }
0xdf: {  	[tilespmem:s4+$0x70] =	vst v6;
	v8 =	vmul.f32 v10, v2;
	v6 =	vld [tilespmem:s4+$0xE0]  }
0xe0: {  	s4 =	sadd.s32 $0x200, s4;
	v7 =	vld [tilespmem:s0+$0xFFFFFF00];
	[tilespmem:s0+$0x80] =	vst v9;
	v9 =	vmul.f32 v11, v2  }
0xe1: {  	[tilespmem:s0+$0x90] =	vst v8;
	v3 =	vmul.f32 v3, v2  }
0xe2: {  	[tilespmem:s0+$0xA0] =	vst v9;
	v4 =	vmul.f32 v4, v2  }
0xe3: {  	[tilespmem:s0+$0xB0] =	vst v3;
	v3 =	vmul.f32 v5, v2  }
0xe4: {  	[tilespmem:s0+$0xC0] =	vst v4;
	v4 =	vmul.f32 v6, v2  }
0xe5: {  	v5 =	vmul.f32 v7, v2;
	[tilespmem:s0+$0xD0] =	vst v3  }
0xe6: {  	[tilespmem:s0+$0xE0] =	vst v4  }
0xe7: {  	[tilespmem:s0+$0xFFFFFF00] =	vst v5  }
0xe8: {  	s0 =	rddreg [dreg:$0x11]  }
0xe9: {  	[spmem:s0] =	stream.linear.scatter [tilespmem:s23], [sflag:$0xB], $0x2800, $0x38;
	[tilespmem:$0x1E3C0] =	vst v63  }
0xea: {  	_ =	swait.ge [sflag:s7], $0x2800  }
0xeb: {  	[sflag:s7] =	ssyncset.done $0x0  }
0xec: {  	s29 =	rddreg [dreg:$0x6];
	[sflag:s7] =	ssyncadd.s32 $0xFFFFD800  }
0xed: {  	[tilespmem:s23], [sflag:$0xB] =	stream.strided.gather [hbm4b:s29+s19], $0x2800, s30, s19, $0x38;
	[tilespmem:$0x1E3C0] =	vst v63  }
0xee: {  	_ =	swait.ge [sflag:s7], $0x2800  }
0xef: {  	[sflag:s7] =	ssyncset.done $0x0  }
0xf0: {  	s0 =	simm.s32 $0x14440;
	[sflag:s7] =	ssyncadd.s32 $0xFFFFD800  }
0xf1: {  	v3 =	vld [tilespmem:s0+$0xF0]  }
0xf2: {  	v4 =	vld [tilespmem:s0+$0xFFFFFF10]  }
0xf3: {  	v5 =	vld [tilespmem:s0+$0xFFFFFF20]  }
0xf4: {  	v6 =	vld [tilespmem:s0+$0xFFFFFF30]  }
0xf5: {  	v9 =	vld [tilespmem:s0+$0xFFFFFF60]  }
0xf6: {  	v7 =	vld [tilespmem:s0+$0xFFFFFF40]  }
0xf7: {  	v8 =	vld [tilespmem:s0+$0xFFFFFF50];
	v3 =	vmul.f32 v3, v2  }
0xf8: {  	v11 =	vld [tilespmem:s0+$0xFFFFFF80];
	v4 =	vmul.f32 v4, v2  }
0xf9: {  	v10 =	vld [tilespmem:s0+$0xFFFFFF70];
	v5 =	vmul.f32 v5, v2;
	[tilespmem:s0+$0xF0] =	vst v3  }
0xfa: {  	v9 =	vmul.f32 v9, v2;
	v3 =	vld [tilespmem:s0+$0xFFFFFF90];
	[tilespmem:s0+$0xFFFFFF10] =	vst v4  }
0xfb: {  	v4 =	vmul.f32 v6, v2;
	v6 =	vld [tilespmem:s0+$0xFFFFFFA0];
	[tilespmem:s0+$0xFFFFFF20] =	vst v5;
	v5 =	vmul.f32 v7, v2  }
0xfc: {  	[tilespmem:s0+$0xFFFFFF60] =	vst v9;
	v9 =	vld [tilespmem:s0+$0xFFFFFFF0]  }
0xfd: {  	v7 =	vld [tilespmem:s0+$0xFFFFFFB0];
	[tilespmem:s0+$0xFFFFFF40] =	vst v5;
	v5 =	vmul.f32 v11, v2  }
0xfe: {  	[tilespmem:s0+$0xFFFFFF30] =	vst v4;
	v4 =	vmul.f32 v8, v2;
	v8 =	vld [tilespmem:s0+$0xFFFFFFC0]  }
0xff: {  	v11 =	vld [tilespmem:s0+$0xFFFFFFD0];
	[tilespmem:s0+$0xFFFFFF80] =	vst v5;
	v5 =	vmul.f32 v10, v2  }
0x100: {  	[tilespmem:s0+$0xFFFFFF50] =	vst v4;
	v4 =	vld [tilespmem:s0+$0xFFFFFFE0];
	v3 =	vmul.f32 v3, v2  }
0x101: {  	v10 =	vld [tilespmem:s0+$0x30];
	v9 =	vmul.f32 v9, v2;
	[tilespmem:s0+$0xFFFFFF70] =	vst v5  }
0x102: {  	v5 =	vmul.f32 v6, v2;
	v6 =	vld [tilespmem:s0+$0x0];
	[tilespmem:s0+$0xFFFFFF90] =	vst v3  }
0x103: {  	v3 =	vmul.f32 v7, v2;
	v7 =	vld [tilespmem:s0+$0x10];
	[tilespmem:s0+$0xFFFFFFF0] =	vst v9  }
0x104: {  	[tilespmem:s0+$0xFFFFFFA0] =	vst v5;
	v5 =	vmul.f32 v8, v2;
	v8 =	vld [tilespmem:s0+$0x20]  }
0x105: {  	v9 =	vld [tilespmem:s0+$0x80];
	[tilespmem:s0+$0xFFFFFFB0] =	vst v3;
	v3 =	vmul.f32 v11, v2  }
0x106: {  	v4 =	vmul.f32 v4, v2;
	[tilespmem:s0+$0xFFFFFFC0] =	vst v5;
	v5 =	vld [tilespmem:s0+$0x40]  }
0x107: {  	[tilespmem:s0+$0xFFFFFFD0] =	vst v3;
	v3 =	vmul.f32 v6, v2  }
0x108: {  	v6 =	vld [tilespmem:s0+$0x50];
	[tilespmem:s0+$0xFFFFFFE0] =	vst v4;
	v7 =	vmul.f32 v7, v2  }
0x109: {  	v4 =	vld [tilespmem:s0+$0x60];
	[tilespmem:s0+$0x0] =	vst v3;
	v3 =	vmul.f32 v8, v2  }
0x10a: {  	v9 =	vmul.f32 v9, v2;
	v8 =	vld [tilespmem:s0+$0x70];
	[tilespmem:s0+$0x10] =	vst v7  }
0x10b: {  	v7 =	vmul.f32 v10, v2;
	v10 =	vld [tilespmem:s0+$0x90];
	[tilespmem:s0+$0x20] =	vst v3;
	v3 =	vmul.f32 v5, v2  }
0x10c: {  	v11 =	vld [tilespmem:s0+$0xA0];
	[tilespmem:s0+$0x80] =	vst v9  }
0x10d: {  	v5 =	vmul.f32 v6, v2;
	[tilespmem:s0+$0x40] =	vst v3;
	v3 =	vld [tilespmem:s0+$0xB0]  }
0x10e: {  	[tilespmem:s0+$0x30] =	vst v7;
	v6 =	vmul.f32 v4, v2;
	v4 =	vld [tilespmem:s0+$0xC0]  }
0x10f: {  	[tilespmem:s0+$0x50] =	vst v5;
	v7 =	vmul.f32 v8, v2;
	v5 =	vld [tilespmem:s0+$0xD0]  }
0x110: {  	[tilespmem:s0+$0x60] =	vst v6;
	v6 =	vld [tilespmem:s0+$0xE0];
	v8 =	vmul.f32 v10, v2  }
0x111: {  	s1 =	simm.s32 $0x0;
	s4 =	simm.s32 $0x14640;
	v9 =	vmul.f32 v11, v2;
	[tilespmem:s0+$0x70] =	vst v7;
	v7 =	vld [tilespmem:s0+$0xFFFFFF00]  }
.LBB2_6:
0x112: {  	v10 =	vld [tilespmem:s4+$0xF0];
	s1 =	sadd.s32 $0x4, s1;
	[tilespmem:s0+$0x90] =	vst v8;
	v3 =	vmul.f32 v3, v2  }
0x113: {  	v8 =	vld [tilespmem:s4+$0xFFFFFF10];
	p1 =	slt.u32 s1, $0x4C;
	[tilespmem:s0+$0xA0] =	vst v9;
	v4 =	vmul.f32 v4, v2  }
0x114: {  	v9 =	vld [tilespmem:s4+$0xFFFFFF20];
	[tilespmem:s0+$0xB0] =	vst v3;
	v3 =	vmul.f32 v5, v2  }
0x115: {  	v5 =	vld [tilespmem:s4+$0xFFFFFF30];
	[tilespmem:s0+$0xC0] =	vst v4;
	v4 =	vmul.f32 v6, v2  }
0x116: {  	v6 =	vld [tilespmem:s4+$0xFFFFFF40];
	v7 =	vmul.f32 v7, v2;
	[tilespmem:s0+$0xD0] =	vst v3  }
0x117: {  	v3 =	vld [tilespmem:s4+$0xFFFFFF50];
	v10 =	vmul.f32 v10, v2;
	[tilespmem:s0+$0xE0] =	vst v4  }
0x118: {  	v4 =	vmul.f32 v8, v2;
	v8 =	vld [tilespmem:s4+$0xFFFFFF60];
	[tilespmem:s0+$0xFFFFFF00] =	vst v7;
	s0 =	smov.u32 s4  }
0x119: {  	v7 =	vmul.f32 v9, v2;
	v9 =	vld [tilespmem:s4+$0xFFFFFF70];
	[tilespmem:s4+$0xF0] =	vst v10  }
0x11a: {  	[tilespmem:s4+$0xFFFFFF10] =	vst v4;
	v4 =	vmul.f32 v5, v2;
	v5 =	vld [tilespmem:s4+$0xFFFFFF80]  }
0x11b: {  	[tilespmem:s4+$0xFFFFFF20] =	vst v7;
	v6 =	vmul.f32 v6, v2;
	v7 =	vld [tilespmem:s4+$0xFFFFFF90]  }
0x11c: {  	[tilespmem:s4+$0xFFFFFF30] =	vst v4;
	v3 =	vmul.f32 v3, v2;
	v4 =	vld [tilespmem:s4+$0xFFFFFFA0]  }
0x11d: {  	[tilespmem:s4+$0xFFFFFF40] =	vst v6;
	v6 =	vmul.f32 v8, v2;
	v8 =	vld [tilespmem:s4+$0xFFFFFFB0]  }
0x11e: {  	[tilespmem:s4+$0xFFFFFF50] =	vst v3;
	v3 =	vmul.f32 v9, v2;
	v9 =	vld [tilespmem:s4+$0xFFFFFFC0]  }
0x11f: {  	[tilespmem:s4+$0xFFFFFF60] =	vst v6;
	v5 =	vmul.f32 v5, v2;
	v6 =	vld [tilespmem:s4+$0xFFFFFFD0]  }
0x120: {  	[tilespmem:s4+$0xFFFFFF70] =	vst v3;
	v3 =	vmul.f32 v7, v2;
	v7 =	vld [tilespmem:s4+$0xFFFFFFE0]  }
0x121: {  	[tilespmem:s4+$0xFFFFFF80] =	vst v5;
	v4 =	vmul.f32 v4, v2;
	v5 =	vld [tilespmem:s4+$0xFFFFFFF0]  }
0x122: {  	[tilespmem:s4+$0xFFFFFF90] =	vst v3;
	v3 =	vmul.f32 v8, v2;
	v8 =	vld [tilespmem:s4+$0x0]  }
0x123: {  	[tilespmem:s4+$0xFFFFFFA0] =	vst v4;
	v4 =	vmul.f32 v9, v2;
	v9 =	vld [tilespmem:s4+$0x10]  }
0x124: {  	[tilespmem:s4+$0xFFFFFFB0] =	vst v3;
	v3 =	vmul.f32 v6, v2;
	v6 =	vld [tilespmem:s4+$0x20]  }
0x125: {  	[tilespmem:s4+$0xFFFFFFC0] =	vst v4;
	v4 =	vmul.f32 v7, v2;
	v7 =	vld [tilespmem:s4+$0x30]  }
0x126: {  	[tilespmem:s4+$0xFFFFFFD0] =	vst v3;
	v3 =	vmul.f32 v5, v2;
	v5 =	vld [tilespmem:s4+$0x40]  }
0x127: {  	[tilespmem:s4+$0xFFFFFFE0] =	vst v4;
	v4 =	vmul.f32 v8, v2;
	v8 =	vld [tilespmem:s4+$0x50]  }
0x128: {  	[tilespmem:s4+$0xFFFFFFF0] =	vst v3;
	v3 =	vmul.f32 v9, v2;
	v9 =	vld [tilespmem:s4+$0x60]  }
0x129: {  	[tilespmem:s4+$0x0] =	vst v4;
	v4 =	vmul.f32 v6, v2;
	v6 =	vld [tilespmem:s4+$0x70]  }
0x12a: {  	[tilespmem:s4+$0x10] =	vst v3;
	v3 =	vmul.f32 v7, v2;
	v7 =	vld [tilespmem:s4+$0x80]  }
0x12b: {  	[tilespmem:s4+$0x20] =	vst v4;
	v4 =	vmul.f32 v5, v2;
	v10 =	vld [tilespmem:s4+$0x90]  }
0x12c: {  	[tilespmem:s4+$0x30] =	vst v3;
	v5 =	vmul.f32 v8, v2;
	v11 =	vld [tilespmem:s4+$0xA0]  }
.Ltmp2:
0x12d: {  	[tilespmem:s4+$0x40] =	vst v4;
	v8 =	vmul.f32 v9, v2;
	v3 =	vld [tilespmem:s4+$0xB0];
	(pc) =	sbr.rel @p1 .LBB2_6-.Ltmp2, $4  }
0x12e: {  	[tilespmem:s4+$0x50] =	vst v5;
	v6 =	vmul.f32 v6, v2;
	v4 =	vld [tilespmem:s4+$0xC0]  }
0x12f: {  	[tilespmem:s4+$0x60] =	vst v8;
	v9 =	vmul.f32 v7, v2;
	v5 =	vld [tilespmem:s4+$0xD0]  }
0x130: {  	[tilespmem:s4+$0x70] =	vst v6;
	v8 =	vmul.f32 v10, v2;
	v6 =	vld [tilespmem:s4+$0xE0]  }
0x131: {  	s4 =	sadd.s32 $0x200, s4;
	v7 =	vld [tilespmem:s0+$0xFFFFFF00];
	[tilespmem:s0+$0x80] =	vst v9;
	v9 =	vmul.f32 v11, v2  }
0x132: {  	[tilespmem:s0+$0x90] =	vst v8;
	v3 =	vmul.f32 v3, v2  }
0x133: {  	[tilespmem:s0+$0xA0] =	vst v9;
	v4 =	vmul.f32 v4, v2  }
0x134: {  	[tilespmem:s0+$0xB0] =	vst v3;
	v3 =	vmul.f32 v5, v2  }
0x135: {  	[tilespmem:s0+$0xC0] =	vst v4;
	v4 =	vmul.f32 v6, v2  }
0x136: {  	v5 =	vmul.f32 v7, v2;
	[tilespmem:s0+$0xD0] =	vst v3  }
0x137: {  	[tilespmem:s0+$0xE0] =	vst v4  }
0x138: {  	[tilespmem:s0+$0xFFFFFF00] =	vst v5  }
0x139: {  	s0 =	rddreg [dreg:$0x12]  }
0x13a: {  	[spmem:s0] =	stream.linear.scatter [tilespmem:s23], [sflag:$0xB], $0x2800, $0x38;
	[tilespmem:$0x1E3C0] =	vst v63  }
0x13b: {  	_ =	swait.ge [sflag:s7], $0x2800  }
0x13c: {  	[sflag:s7] =	ssyncset.done $0x0  }
0x13d: {  	s29 =	rddreg [dreg:$0x7];
	[sflag:s7] =	ssyncadd.s32 $0xFFFFD800  }
0x13e: {  	[tilespmem:s23], [sflag:$0xB] =	stream.strided.gather [hbm4b:s29+s19], $0x2800, s30, s19, $0x38;
	[tilespmem:$0x1E3C0] =	vst v63  }
0x13f: {  	_ =	swait.ge [sflag:s7], $0x2800  }
0x140: {  	[sflag:s7] =	ssyncset.done $0x0  }
0x141: {  	s0 =	simm.s32 $0x14440;
	[sflag:s7] =	ssyncadd.s32 $0xFFFFD800  }
0x142: {  	v3 =	vld [tilespmem:s0+$0xF0]  }
0x143: {  	v4 =	vld [tilespmem:s0+$0xFFFFFF10]  }
0x144: {  	v5 =	vld [tilespmem:s0+$0xFFFFFF20]  }
0x145: {  	v6 =	vld [tilespmem:s0+$0xFFFFFF30]  }
0x146: {  	v9 =	vld [tilespmem:s0+$0xFFFFFF60]  }
0x147: {  	v7 =	vld [tilespmem:s0+$0xFFFFFF40]  }
0x148: {  	v8 =	vld [tilespmem:s0+$0xFFFFFF50];
	v3 =	vmul.f32 v3, v2  }
0x149: {  	v11 =	vld [tilespmem:s0+$0xFFFFFF80];
	v4 =	vmul.f32 v4, v2  }
0x14a: {  	v10 =	vld [tilespmem:s0+$0xFFFFFF70];
	v5 =	vmul.f32 v5, v2;
	[tilespmem:s0+$0xF0] =	vst v3  }
0x14b: {  	v9 =	vmul.f32 v9, v2;
	v3 =	vld [tilespmem:s0+$0xFFFFFF90];
	[tilespmem:s0+$0xFFFFFF10] =	vst v4  }
0x14c: {  	v4 =	vmul.f32 v6, v2;
	v6 =	vld [tilespmem:s0+$0xFFFFFFA0];
	[tilespmem:s0+$0xFFFFFF20] =	vst v5;
	v5 =	vmul.f32 v7, v2  }
0x14d: {  	[tilespmem:s0+$0xFFFFFF60] =	vst v9;
	v9 =	vld [tilespmem:s0+$0xFFFFFFF0]  }
0x14e: {  	v7 =	vld [tilespmem:s0+$0xFFFFFFB0];
	[tilespmem:s0+$0xFFFFFF40] =	vst v5;
	v5 =	vmul.f32 v11, v2  }
0x14f: {  	[tilespmem:s0+$0xFFFFFF30] =	vst v4;
	v4 =	vmul.f32 v8, v2;
	v8 =	vld [tilespmem:s0+$0xFFFFFFC0]  }
0x150: {  	v11 =	vld [tilespmem:s0+$0xFFFFFFD0];
	[tilespmem:s0+$0xFFFFFF80] =	vst v5;
	v5 =	vmul.f32 v10, v2  }
0x151: {  	[tilespmem:s0+$0xFFFFFF50] =	vst v4;
	v4 =	vld [tilespmem:s0+$0xFFFFFFE0];
	v3 =	vmul.f32 v3, v2  }
0x152: {  	v10 =	vld [tilespmem:s0+$0x30];
	v9 =	vmul.f32 v9, v2;
	[tilespmem:s0+$0xFFFFFF70] =	vst v5  }
0x153: {  	v5 =	vmul.f32 v6, v2;
	v6 =	vld [tilespmem:s0+$0x0];
	[tilespmem:s0+$0xFFFFFF90] =	vst v3  }
0x154: {  	v3 =	vmul.f32 v7, v2;
	v7 =	vld [tilespmem:s0+$0x10];
	[tilespmem:s0+$0xFFFFFFF0] =	vst v9  }
0x155: {  	[tilespmem:s0+$0xFFFFFFA0] =	vst v5;
	v5 =	vmul.f32 v8, v2;
	v8 =	vld [tilespmem:s0+$0x20]  }
0x156: {  	v9 =	vld [tilespmem:s0+$0x80];
	[tilespmem:s0+$0xFFFFFFB0] =	vst v3;
	v3 =	vmul.f32 v11, v2  }
0x157: {  	v4 =	vmul.f32 v4, v2;
	[tilespmem:s0+$0xFFFFFFC0] =	vst v5;
	v5 =	vld [tilespmem:s0+$0x40]  }
0x158: {  	[tilespmem:s0+$0xFFFFFFD0] =	vst v3;
	v3 =	vmul.f32 v6, v2  }
0x159: {  	v6 =	vld [tilespmem:s0+$0x50];
	[tilespmem:s0+$0xFFFFFFE0] =	vst v4;
	v7 =	vmul.f32 v7, v2  }
0x15a: {  	v4 =	vld [tilespmem:s0+$0x60];
	[tilespmem:s0+$0x0] =	vst v3;
	v3 =	vmul.f32 v8, v2  }
0x15b: {  	v9 =	vmul.f32 v9, v2;
	v8 =	vld [tilespmem:s0+$0x70];
	[tilespmem:s0+$0x10] =	vst v7  }
0x15c: {  	v7 =	vmul.f32 v10, v2;
	v10 =	vld [tilespmem:s0+$0x90];
	[tilespmem:s0+$0x20] =	vst v3;
	v3 =	vmul.f32 v5, v2  }
0x15d: {  	v11 =	vld [tilespmem:s0+$0xA0];
	[tilespmem:s0+$0x80] =	vst v9  }
0x15e: {  	v5 =	vmul.f32 v6, v2;
	[tilespmem:s0+$0x40] =	vst v3;
	v3 =	vld [tilespmem:s0+$0xB0]  }
0x15f: {  	[tilespmem:s0+$0x30] =	vst v7;
	v6 =	vmul.f32 v4, v2;
	v4 =	vld [tilespmem:s0+$0xC0]  }
0x160: {  	[tilespmem:s0+$0x50] =	vst v5;
	v7 =	vmul.f32 v8, v2;
	v5 =	vld [tilespmem:s0+$0xD0]  }
0x161: {  	[tilespmem:s0+$0x60] =	vst v6;
	v6 =	vld [tilespmem:s0+$0xE0];
	v8 =	vmul.f32 v10, v2  }
0x162: {  	s1 =	simm.s32 $0x0;
	s4 =	simm.s32 $0x14640;
	v9 =	vmul.f32 v11, v2;
	[tilespmem:s0+$0x70] =	vst v7;
	v7 =	vld [tilespmem:s0+$0xFFFFFF00]  }
.LBB2_8:
0x163: {  	v10 =	vld [tilespmem:s4+$0xF0];
	s1 =	sadd.s32 $0x4, s1;
	[tilespmem:s0+$0x90] =	vst v8;
	v3 =	vmul.f32 v3, v2  }
0x164: {  	v8 =	vld [tilespmem:s4+$0xFFFFFF10];
	p1 =	slt.u32 s1, $0x4C;
	[tilespmem:s0+$0xA0] =	vst v9;
	v4 =	vmul.f32 v4, v2  }
0x165: {  	v9 =	vld [tilespmem:s4+$0xFFFFFF20];
	[tilespmem:s0+$0xB0] =	vst v3;
	v3 =	vmul.f32 v5, v2  }
0x166: {  	v5 =	vld [tilespmem:s4+$0xFFFFFF30];
	[tilespmem:s0+$0xC0] =	vst v4;
	v4 =	vmul.f32 v6, v2  }
0x167: {  	v6 =	vld [tilespmem:s4+$0xFFFFFF40];
	v7 =	vmul.f32 v7, v2;
	[tilespmem:s0+$0xD0] =	vst v3  }
0x168: {  	v3 =	vld [tilespmem:s4+$0xFFFFFF50];
	v10 =	vmul.f32 v10, v2;
	[tilespmem:s0+$0xE0] =	vst v4  }
0x169: {  	v4 =	vmul.f32 v8, v2;
	v8 =	vld [tilespmem:s4+$0xFFFFFF60];
	[tilespmem:s0+$0xFFFFFF00] =	vst v7;
	s0 =	smov.u32 s4  }
0x16a: {  	v7 =	vmul.f32 v9, v2;
	v9 =	vld [tilespmem:s4+$0xFFFFFF70];
	[tilespmem:s4+$0xF0] =	vst v10  }
0x16b: {  	[tilespmem:s4+$0xFFFFFF10] =	vst v4;
	v4 =	vmul.f32 v5, v2;
	v5 =	vld [tilespmem:s4+$0xFFFFFF80]  }
0x16c: {  	[tilespmem:s4+$0xFFFFFF20] =	vst v7;
	v6 =	vmul.f32 v6, v2;
	v7 =	vld [tilespmem:s4+$0xFFFFFF90]  }
0x16d: {  	[tilespmem:s4+$0xFFFFFF30] =	vst v4;
	v3 =	vmul.f32 v3, v2;
	v4 =	vld [tilespmem:s4+$0xFFFFFFA0]  }
0x16e: {  	[tilespmem:s4+$0xFFFFFF40] =	vst v6;
	v6 =	vmul.f32 v8, v2;
	v8 =	vld [tilespmem:s4+$0xFFFFFFB0]  }
0x16f: {  	[tilespmem:s4+$0xFFFFFF50] =	vst v3;
	v3 =	vmul.f32 v9, v2;
	v9 =	vld [tilespmem:s4+$0xFFFFFFC0]  }
0x170: {  	[tilespmem:s4+$0xFFFFFF60] =	vst v6;
	v5 =	vmul.f32 v5, v2;
	v6 =	vld [tilespmem:s4+$0xFFFFFFD0]  }
0x171: {  	[tilespmem:s4+$0xFFFFFF70] =	vst v3;
	v3 =	vmul.f32 v7, v2;
	v7 =	vld [tilespmem:s4+$0xFFFFFFE0]  }
0x172: {  	[tilespmem:s4+$0xFFFFFF80] =	vst v5;
	v4 =	vmul.f32 v4, v2;
	v5 =	vld [tilespmem:s4+$0xFFFFFFF0]  }
0x173: {  	[tilespmem:s4+$0xFFFFFF90] =	vst v3;
	v3 =	vmul.f32 v8, v2;
	v8 =	vld [tilespmem:s4+$0x0]  }
0x174: {  	[tilespmem:s4+$0xFFFFFFA0] =	vst v4;
	v4 =	vmul.f32 v9, v2;
	v9 =	vld [tilespmem:s4+$0x10]  }
0x175: {  	[tilespmem:s4+$0xFFFFFFB0] =	vst v3;
	v3 =	vmul.f32 v6, v2;
	v6 =	vld [tilespmem:s4+$0x20]  }
0x176: {  	[tilespmem:s4+$0xFFFFFFC0] =	vst v4;
	v4 =	vmul.f32 v7, v2;
	v7 =	vld [tilespmem:s4+$0x30]  }
0x177: {  	[tilespmem:s4+$0xFFFFFFD0] =	vst v3;
	v3 =	vmul.f32 v5, v2;
	v5 =	vld [tilespmem:s4+$0x40]  }
0x178: {  	[tilespmem:s4+$0xFFFFFFE0] =	vst v4;
	v4 =	vmul.f32 v8, v2;
	v8 =	vld [tilespmem:s4+$0x50]  }
0x179: {  	[tilespmem:s4+$0xFFFFFFF0] =	vst v3;
	v3 =	vmul.f32 v9, v2;
	v9 =	vld [tilespmem:s4+$0x60]  }
0x17a: {  	[tilespmem:s4+$0x0] =	vst v4;
	v4 =	vmul.f32 v6, v2;
	v6 =	vld [tilespmem:s4+$0x70]  }
0x17b: {  	[tilespmem:s4+$0x10] =	vst v3;
	v3 =	vmul.f32 v7, v2;
	v7 =	vld [tilespmem:s4+$0x80]  }
0x17c: {  	[tilespmem:s4+$0x20] =	vst v4;
	v4 =	vmul.f32 v5, v2;
	v10 =	vld [tilespmem:s4+$0x90]  }
0x17d: {  	[tilespmem:s4+$0x30] =	vst v3;
	v5 =	vmul.f32 v8, v2;
	v11 =	vld [tilespmem:s4+$0xA0]  }
.Ltmp3:
0x17e: {  	[tilespmem:s4+$0x40] =	vst v4;
	v8 =	vmul.f32 v9, v2;
	v3 =	vld [tilespmem:s4+$0xB0];
	(pc) =	sbr.rel @p1 .LBB2_8-.Ltmp3, $4  }
0x17f: {  	[tilespmem:s4+$0x50] =	vst v5;
	v6 =	vmul.f32 v6, v2;
	v4 =	vld [tilespmem:s4+$0xC0]  }
0x180: {  	[tilespmem:s4+$0x60] =	vst v8;
	v9 =	vmul.f32 v7, v2;
	v5 =	vld [tilespmem:s4+$0xD0]  }
0x181: {  	[tilespmem:s4+$0x70] =	vst v6;
	v8 =	vmul.f32 v10, v2;
	v6 =	vld [tilespmem:s4+$0xE0]  }
0x182: {  	s4 =	sadd.s32 $0x200, s4;
	v7 =	vld [tilespmem:s0+$0xFFFFFF00];
	[tilespmem:s0+$0x80] =	vst v9;
	v9 =	vmul.f32 v11, v2  }
0x183: {  	[tilespmem:s0+$0x90] =	vst v8;
	v3 =	vmul.f32 v3, v2  }
0x184: {  	[tilespmem:s0+$0xA0] =	vst v9;
	v4 =	vmul.f32 v4, v2  }
0x185: {  	[tilespmem:s0+$0xB0] =	vst v3;
	v3 =	vmul.f32 v5, v2  }
0x186: {  	[tilespmem:s0+$0xC0] =	vst v4;
	v4 =	vmul.f32 v6, v2  }
0x187: {  	v5 =	vmul.f32 v7, v2;
	[tilespmem:s0+$0xD0] =	vst v3  }
0x188: {  	[tilespmem:s0+$0xE0] =	vst v4  }
0x189: {  	[tilespmem:s0+$0xFFFFFF00] =	vst v5  }
0x18a: {  	s0 =	rddreg [dreg:$0x13]  }
0x18b: {  	[spmem:s0] =	stream.linear.scatter [tilespmem:s23], [sflag:$0xB], $0x2800, $0x38;
	[tilespmem:$0x1E3C0] =	vst v63  }
0x18c: {  	_ =	swait.ge [sflag:s7], $0x2800  }
0x18d: {  	[sflag:s7] =	ssyncset.done $0x0  }
0x18e: {  	s29 =	rddreg [dreg:$0x8];
	[sflag:s7] =	ssyncadd.s32 $0xFFFFD800  }
0x18f: {  	[tilespmem:s23], [sflag:$0xB] =	stream.strided.gather [hbm4b:s29+s19], $0x2800, s30, s19, $0x38;
	[tilespmem:$0x1E3C0] =	vst v63  }
0x190: {  	_ =	swait.ge [sflag:s7], $0x2800  }
0x191: {  	[sflag:s7] =	ssyncset.done $0x0  }
0x192: {  	s0 =	simm.s32 $0x14440;
	[sflag:s7] =	ssyncadd.s32 $0xFFFFD800  }
0x193: {  	v3 =	vld [tilespmem:s0+$0xF0]  }
0x194: {  	v4 =	vld [tilespmem:s0+$0xFFFFFF10]  }
0x195: {  	v5 =	vld [tilespmem:s0+$0xFFFFFF20]  }
0x196: {  	v6 =	vld [tilespmem:s0+$0xFFFFFF30]  }
0x197: {  	v9 =	vld [tilespmem:s0+$0xFFFFFF60]  }
0x198: {  	v7 =	vld [tilespmem:s0+$0xFFFFFF40]  }
0x199: {  	v8 =	vld [tilespmem:s0+$0xFFFFFF50];
	v3 =	vmul.f32 v3, v2  }
0x19a: {  	v11 =	vld [tilespmem:s0+$0xFFFFFF80];
	v4 =	vmul.f32 v4, v2  }
0x19b: {  	v10 =	vld [tilespmem:s0+$0xFFFFFF70];
	v5 =	vmul.f32 v5, v2;
	[tilespmem:s0+$0xF0] =	vst v3  }
0x19c: {  	v9 =	vmul.f32 v9, v2;
	v3 =	vld [tilespmem:s0+$0xFFFFFF90];
	[tilespmem:s0+$0xFFFFFF10] =	vst v4  }
0x19d: {  	v4 =	vmul.f32 v6, v2;
	v6 =	vld [tilespmem:s0+$0xFFFFFFA0];
	[tilespmem:s0+$0xFFFFFF20] =	vst v5;
	v5 =	vmul.f32 v7, v2  }
0x19e: {  	[tilespmem:s0+$0xFFFFFF60] =	vst v9;
	v9 =	vld [tilespmem:s0+$0xFFFFFFF0]  }
0x19f: {  	v7 =	vld [tilespmem:s0+$0xFFFFFFB0];
	[tilespmem:s0+$0xFFFFFF40] =	vst v5;
	v5 =	vmul.f32 v11, v2  }
0x1a0: {  	[tilespmem:s0+$0xFFFFFF30] =	vst v4;
	v4 =	vmul.f32 v8, v2;
	v8 =	vld [tilespmem:s0+$0xFFFFFFC0]  }
0x1a1: {  	v11 =	vld [tilespmem:s0+$0xFFFFFFD0];
	[tilespmem:s0+$0xFFFFFF80] =	vst v5;
	v5 =	vmul.f32 v10, v2  }
0x1a2: {  	[tilespmem:s0+$0xFFFFFF50] =	vst v4;
	v4 =	vld [tilespmem:s0+$0xFFFFFFE0];
	v3 =	vmul.f32 v3, v2  }
0x1a3: {  	v10 =	vld [tilespmem:s0+$0x30];
	v9 =	vmul.f32 v9, v2;
	[tilespmem:s0+$0xFFFFFF70] =	vst v5  }
0x1a4: {  	v5 =	vmul.f32 v6, v2;
	v6 =	vld [tilespmem:s0+$0x0];
	[tilespmem:s0+$0xFFFFFF90] =	vst v3  }
0x1a5: {  	v3 =	vmul.f32 v7, v2;
	v7 =	vld [tilespmem:s0+$0x10];
	[tilespmem:s0+$0xFFFFFFF0] =	vst v9  }
0x1a6: {  	[tilespmem:s0+$0xFFFFFFA0] =	vst v5;
	v5 =	vmul.f32 v8, v2;
	v8 =	vld [tilespmem:s0+$0x20]  }
0x1a7: {  	v9 =	vld [tilespmem:s0+$0x80];
	[tilespmem:s0+$0xFFFFFFB0] =	vst v3;
	v3 =	vmul.f32 v11, v2  }
0x1a8: {  	v4 =	vmul.f32 v4, v2;
	[tilespmem:s0+$0xFFFFFFC0] =	vst v5;
	v5 =	vld [tilespmem:s0+$0x40]  }
0x1a9: {  	[tilespmem:s0+$0xFFFFFFD0] =	vst v3;
	v3 =	vmul.f32 v6, v2  }
0x1aa: {  	v6 =	vld [tilespmem:s0+$0x50];
	[tilespmem:s0+$0xFFFFFFE0] =	vst v4;
	v7 =	vmul.f32 v7, v2  }
0x1ab: {  	v4 =	vld [tilespmem:s0+$0x60];
	[tilespmem:s0+$0x0] =	vst v3;
	v3 =	vmul.f32 v8, v2  }
0x1ac: {  	v9 =	vmul.f32 v9, v2;
	v8 =	vld [tilespmem:s0+$0x70];
	[tilespmem:s0+$0x10] =	vst v7  }
0x1ad: {  	v7 =	vmul.f32 v10, v2;
	v10 =	vld [tilespmem:s0+$0x90];
	[tilespmem:s0+$0x20] =	vst v3;
	v3 =	vmul.f32 v5, v2  }
0x1ae: {  	v11 =	vld [tilespmem:s0+$0xA0];
	[tilespmem:s0+$0x80] =	vst v9  }
0x1af: {  	v5 =	vmul.f32 v6, v2;
	[tilespmem:s0+$0x40] =	vst v3;
	v3 =	vld [tilespmem:s0+$0xB0]  }
0x1b0: {  	[tilespmem:s0+$0x30] =	vst v7;
	v6 =	vmul.f32 v4, v2;
	v4 =	vld [tilespmem:s0+$0xC0]  }
0x1b1: {  	[tilespmem:s0+$0x50] =	vst v5;
	v7 =	vmul.f32 v8, v2;
	v5 =	vld [tilespmem:s0+$0xD0]  }
0x1b2: {  	[tilespmem:s0+$0x60] =	vst v6;
	v6 =	vld [tilespmem:s0+$0xE0];
	v8 =	vmul.f32 v10, v2  }
0x1b3: {  	s1 =	simm.s32 $0x0;
	s4 =	simm.s32 $0x14640;
	v9 =	vmul.f32 v11, v2;
	[tilespmem:s0+$0x70] =	vst v7;
	v7 =	vld [tilespmem:s0+$0xFFFFFF00]  }
.LBB2_10:
0x1b4: {  	v10 =	vld [tilespmem:s4+$0xF0];
	s1 =	sadd.s32 $0x4, s1;
	[tilespmem:s0+$0x90] =	vst v8;
	v3 =	vmul.f32 v3, v2  }
0x1b5: {  	v8 =	vld [tilespmem:s4+$0xFFFFFF10];
	p1 =	slt.u32 s1, $0x4C;
	[tilespmem:s0+$0xA0] =	vst v9;
	v4 =	vmul.f32 v4, v2  }
0x1b6: {  	v9 =	vld [tilespmem:s4+$0xFFFFFF20];
	[tilespmem:s0+$0xB0] =	vst v3;
	v3 =	vmul.f32 v5, v2  }
0x1b7: {  	v5 =	vld [tilespmem:s4+$0xFFFFFF30];
	[tilespmem:s0+$0xC0] =	vst v4;
	v4 =	vmul.f32 v6, v2  }
0x1b8: {  	v6 =	vld [tilespmem:s4+$0xFFFFFF40];
	v7 =	vmul.f32 v7, v2;
	[tilespmem:s0+$0xD0] =	vst v3  }
0x1b9: {  	v3 =	vld [tilespmem:s4+$0xFFFFFF50];
	v10 =	vmul.f32 v10, v2;
	[tilespmem:s0+$0xE0] =	vst v4  }
0x1ba: {  	v4 =	vmul.f32 v8, v2;
	v8 =	vld [tilespmem:s4+$0xFFFFFF60];
	[tilespmem:s0+$0xFFFFFF00] =	vst v7;
	s0 =	smov.u32 s4  }
0x1bb: {  	v7 =	vmul.f32 v9, v2;
	v9 =	vld [tilespmem:s4+$0xFFFFFF70];
	[tilespmem:s4+$0xF0] =	vst v10  }
0x1bc: {  	[tilespmem:s4+$0xFFFFFF10] =	vst v4;
	v4 =	vmul.f32 v5, v2;
	v5 =	vld [tilespmem:s4+$0xFFFFFF80]  }
0x1bd: {  	[tilespmem:s4+$0xFFFFFF20] =	vst v7;
	v6 =	vmul.f32 v6, v2;
	v7 =	vld [tilespmem:s4+$0xFFFFFF90]  }
0x1be: {  	[tilespmem:s4+$0xFFFFFF30] =	vst v4;
	v3 =	vmul.f32 v3, v2;
	v4 =	vld [tilespmem:s4+$0xFFFFFFA0]  }
0x1bf: {  	[tilespmem:s4+$0xFFFFFF40] =	vst v6;
	v6 =	vmul.f32 v8, v2;
	v8 =	vld [tilespmem:s4+$0xFFFFFFB0]  }
0x1c0: {  	[tilespmem:s4+$0xFFFFFF50] =	vst v3;
	v3 =	vmul.f32 v9, v2;
	v9 =	vld [tilespmem:s4+$0xFFFFFFC0]  }
0x1c1: {  	[tilespmem:s4+$0xFFFFFF60] =	vst v6;
	v5 =	vmul.f32 v5, v2;
	v6 =	vld [tilespmem:s4+$0xFFFFFFD0]  }
0x1c2: {  	[tilespmem:s4+$0xFFFFFF70] =	vst v3;
	v3 =	vmul.f32 v7, v2;
	v7 =	vld [tilespmem:s4+$0xFFFFFFE0]  }
0x1c3: {  	[tilespmem:s4+$0xFFFFFF80] =	vst v5;
	v4 =	vmul.f32 v4, v2;
	v5 =	vld [tilespmem:s4+$0xFFFFFFF0]  }
0x1c4: {  	[tilespmem:s4+$0xFFFFFF90] =	vst v3;
	v3 =	vmul.f32 v8, v2;
	v8 =	vld [tilespmem:s4+$0x0]  }
0x1c5: {  	[tilespmem:s4+$0xFFFFFFA0] =	vst v4;
	v4 =	vmul.f32 v9, v2;
	v9 =	vld [tilespmem:s4+$0x10]  }
0x1c6: {  	[tilespmem:s4+$0xFFFFFFB0] =	vst v3;
	v3 =	vmul.f32 v6, v2;
	v6 =	vld [tilespmem:s4+$0x20]  }
0x1c7: {  	[tilespmem:s4+$0xFFFFFFC0] =	vst v4;
	v4 =	vmul.f32 v7, v2;
	v7 =	vld [tilespmem:s4+$0x30]  }
0x1c8: {  	[tilespmem:s4+$0xFFFFFFD0] =	vst v3;
	v3 =	vmul.f32 v5, v2;
	v5 =	vld [tilespmem:s4+$0x40]  }
0x1c9: {  	[tilespmem:s4+$0xFFFFFFE0] =	vst v4;
	v4 =	vmul.f32 v8, v2;
	v8 =	vld [tilespmem:s4+$0x50]  }
0x1ca: {  	[tilespmem:s4+$0xFFFFFFF0] =	vst v3;
	v3 =	vmul.f32 v9, v2;
	v9 =	vld [tilespmem:s4+$0x60]  }
0x1cb: {  	[tilespmem:s4+$0x0] =	vst v4;
	v4 =	vmul.f32 v6, v2;
	v6 =	vld [tilespmem:s4+$0x70]  }
0x1cc: {  	[tilespmem:s4+$0x10] =	vst v3;
	v3 =	vmul.f32 v7, v2;
	v7 =	vld [tilespmem:s4+$0x80]  }
0x1cd: {  	[tilespmem:s4+$0x20] =	vst v4;
	v4 =	vmul.f32 v5, v2;
	v10 =	vld [tilespmem:s4+$0x90]  }
0x1ce: {  	[tilespmem:s4+$0x30] =	vst v3;
	v5 =	vmul.f32 v8, v2;
	v11 =	vld [tilespmem:s4+$0xA0]  }
.Ltmp4:
0x1cf: {  	[tilespmem:s4+$0x40] =	vst v4;
	v8 =	vmul.f32 v9, v2;
	v3 =	vld [tilespmem:s4+$0xB0];
	(pc) =	sbr.rel @p1 .LBB2_10-.Ltmp4, $4  }
0x1d0: {  	[tilespmem:s4+$0x50] =	vst v5;
	v6 =	vmul.f32 v6, v2;
	v4 =	vld [tilespmem:s4+$0xC0]  }
0x1d1: {  	[tilespmem:s4+$0x60] =	vst v8;
	v9 =	vmul.f32 v7, v2;
	v5 =	vld [tilespmem:s4+$0xD0]  }
0x1d2: {  	[tilespmem:s4+$0x70] =	vst v6;
	v8 =	vmul.f32 v10, v2;
	v6 =	vld [tilespmem:s4+$0xE0]  }
0x1d3: {  	s4 =	sadd.s32 $0x200, s4;
	v7 =	vld [tilespmem:s0+$0xFFFFFF00];
	[tilespmem:s0+$0x80] =	vst v9;
	v9 =	vmul.f32 v11, v2  }
0x1d4: {  	[tilespmem:s0+$0x90] =	vst v8;
	v3 =	vmul.f32 v3, v2  }
0x1d5: {  	[tilespmem:s0+$0xA0] =	vst v9;
	v4 =	vmul.f32 v4, v2  }
0x1d6: {  	[tilespmem:s0+$0xB0] =	vst v3;
	v3 =	vmul.f32 v5, v2  }
0x1d7: {  	[tilespmem:s0+$0xC0] =	vst v4;
	v4 =	vmul.f32 v6, v2  }
0x1d8: {  	v5 =	vmul.f32 v7, v2;
	[tilespmem:s0+$0xD0] =	vst v3  }
0x1d9: {  	[tilespmem:s0+$0xE0] =	vst v4  }
0x1da: {  	[tilespmem:s0+$0xFFFFFF00] =	vst v5  }
0x1db: {  	s0 =	rddreg [dreg:$0x14]  }
0x1dc: {  	[spmem:s0] =	stream.linear.scatter [tilespmem:s23], [sflag:$0xB], $0x2800, $0x38;
	[tilespmem:$0x1E3C0] =	vst v63  }
0x1dd: {  	_ =	swait.ge [sflag:s7], $0x2800  }
0x1de: {  	[sflag:s7] =	ssyncset.done $0x0  }
0x1df: {  	s29 =	rddreg [dreg:$0x9];
	[sflag:s7] =	ssyncadd.s32 $0xFFFFD800  }
0x1e0: {  	[tilespmem:s23], [sflag:$0xB] =	stream.strided.gather [hbm4b:s29+s19], $0x2800, s30, s19, $0x38;
	[tilespmem:$0x1E3C0] =	vst v63  }
0x1e1: {  	_ =	swait.ge [sflag:s7], $0x2800  }
0x1e2: {  	[sflag:s7] =	ssyncset.done $0x0  }
0x1e3: {  	s0 =	simm.s32 $0x14440;
	[sflag:s7] =	ssyncadd.s32 $0xFFFFD800  }
0x1e4: {  	v3 =	vld [tilespmem:s0+$0xF0]  }
0x1e5: {  	v4 =	vld [tilespmem:s0+$0xFFFFFF10]  }
0x1e6: {  	v5 =	vld [tilespmem:s0+$0xFFFFFF20]  }
0x1e7: {  	v6 =	vld [tilespmem:s0+$0xFFFFFF30]  }
0x1e8: {  	v9 =	vld [tilespmem:s0+$0xFFFFFF60]  }
0x1e9: {  	v7 =	vld [tilespmem:s0+$0xFFFFFF40]  }
0x1ea: {  	v8 =	vld [tilespmem:s0+$0xFFFFFF50];
	v3 =	vmul.f32 v3, v2  }
0x1eb: {  	v11 =	vld [tilespmem:s0+$0xFFFFFF80];
	v4 =	vmul.f32 v4, v2  }
0x1ec: {  	v10 =	vld [tilespmem:s0+$0xFFFFFF70];
	v5 =	vmul.f32 v5, v2;
	[tilespmem:s0+$0xF0] =	vst v3  }
0x1ed: {  	v9 =	vmul.f32 v9, v2;
	v3 =	vld [tilespmem:s0+$0xFFFFFF90];
	[tilespmem:s0+$0xFFFFFF10] =	vst v4  }
0x1ee: {  	v4 =	vmul.f32 v6, v2;
	v6 =	vld [tilespmem:s0+$0xFFFFFFA0];
	[tilespmem:s0+$0xFFFFFF20] =	vst v5;
	v5 =	vmul.f32 v7, v2  }
0x1ef: {  	[tilespmem:s0+$0xFFFFFF60] =	vst v9;
	v9 =	vld [tilespmem:s0+$0xFFFFFFF0]  }
0x1f0: {  	v7 =	vld [tilespmem:s0+$0xFFFFFFB0];
	[tilespmem:s0+$0xFFFFFF40] =	vst v5;
	v5 =	vmul.f32 v11, v2  }
0x1f1: {  	[tilespmem:s0+$0xFFFFFF30] =	vst v4;
	v4 =	vmul.f32 v8, v2;
	v8 =	vld [tilespmem:s0+$0xFFFFFFC0]  }
0x1f2: {  	v11 =	vld [tilespmem:s0+$0xFFFFFFD0];
	[tilespmem:s0+$0xFFFFFF80] =	vst v5;
	v5 =	vmul.f32 v10, v2  }
0x1f3: {  	[tilespmem:s0+$0xFFFFFF50] =	vst v4;
	v4 =	vld [tilespmem:s0+$0xFFFFFFE0];
	v3 =	vmul.f32 v3, v2  }
0x1f4: {  	v10 =	vld [tilespmem:s0+$0x30];
	v9 =	vmul.f32 v9, v2;
	[tilespmem:s0+$0xFFFFFF70] =	vst v5  }
0x1f5: {  	v5 =	vmul.f32 v6, v2;
	v6 =	vld [tilespmem:s0+$0x0];
	[tilespmem:s0+$0xFFFFFF90] =	vst v3  }
0x1f6: {  	v3 =	vmul.f32 v7, v2;
	v7 =	vld [tilespmem:s0+$0x10];
	[tilespmem:s0+$0xFFFFFFF0] =	vst v9  }
0x1f7: {  	[tilespmem:s0+$0xFFFFFFA0] =	vst v5;
	v5 =	vmul.f32 v8, v2;
	v8 =	vld [tilespmem:s0+$0x20]  }
0x1f8: {  	v9 =	vld [tilespmem:s0+$0x80];
	[tilespmem:s0+$0xFFFFFFB0] =	vst v3;
	v3 =	vmul.f32 v11, v2  }
0x1f9: {  	v4 =	vmul.f32 v4, v2;
	[tilespmem:s0+$0xFFFFFFC0] =	vst v5;
	v5 =	vld [tilespmem:s0+$0x40]  }
0x1fa: {  	[tilespmem:s0+$0xFFFFFFD0] =	vst v3;
	v3 =	vmul.f32 v6, v2  }
0x1fb: {  	v6 =	vld [tilespmem:s0+$0x50];
	[tilespmem:s0+$0xFFFFFFE0] =	vst v4;
	v7 =	vmul.f32 v7, v2  }
0x1fc: {  	v4 =	vld [tilespmem:s0+$0x60];
	[tilespmem:s0+$0x0] =	vst v3;
	v3 =	vmul.f32 v8, v2  }
0x1fd: {  	v9 =	vmul.f32 v9, v2;
	v8 =	vld [tilespmem:s0+$0x70];
	[tilespmem:s0+$0x10] =	vst v7  }
0x1fe: {  	v7 =	vmul.f32 v10, v2;
	v10 =	vld [tilespmem:s0+$0x90];
	[tilespmem:s0+$0x20] =	vst v3;
	v3 =	vmul.f32 v5, v2  }
0x1ff: {  	v11 =	vld [tilespmem:s0+$0xA0];
	[tilespmem:s0+$0x80] =	vst v9  }
0x200: {  	v5 =	vmul.f32 v6, v2;
	[tilespmem:s0+$0x40] =	vst v3;
	v3 =	vld [tilespmem:s0+$0xB0]  }
0x201: {  	[tilespmem:s0+$0x30] =	vst v7;
	v6 =	vmul.f32 v4, v2;
	v4 =	vld [tilespmem:s0+$0xC0]  }
0x202: {  	[tilespmem:s0+$0x50] =	vst v5;
	v7 =	vmul.f32 v8, v2;
	v5 =	vld [tilespmem:s0+$0xD0]  }
0x203: {  	[tilespmem:s0+$0x60] =	vst v6;
	v6 =	vld [tilespmem:s0+$0xE0];
	v8 =	vmul.f32 v10, v2  }
0x204: {  	s1 =	simm.s32 $0x0;
	s4 =	simm.s32 $0x14640;
	v9 =	vmul.f32 v11, v2;
	[tilespmem:s0+$0x70] =	vst v7;
	v7 =	vld [tilespmem:s0+$0xFFFFFF00]  }
.LBB2_12:
0x205: {  	v10 =	vld [tilespmem:s4+$0xF0];
	s1 =	sadd.s32 $0x4, s1;
	[tilespmem:s0+$0x90] =	vst v8;
	v3 =	vmul.f32 v3, v2  }
0x206: {  	v8 =	vld [tilespmem:s4+$0xFFFFFF10];
	p1 =	slt.u32 s1, $0x4C;
	[tilespmem:s0+$0xA0] =	vst v9;
	v4 =	vmul.f32 v4, v2  }
0x207: {  	v9 =	vld [tilespmem:s4+$0xFFFFFF20];
	[tilespmem:s0+$0xB0] =	vst v3;
	v3 =	vmul.f32 v5, v2  }
0x208: {  	v5 =	vld [tilespmem:s4+$0xFFFFFF30];
	[tilespmem:s0+$0xC0] =	vst v4;
	v4 =	vmul.f32 v6, v2  }
0x209: {  	v6 =	vld [tilespmem:s4+$0xFFFFFF40];
	v7 =	vmul.f32 v7, v2;
	[tilespmem:s0+$0xD0] =	vst v3  }
0x20a: {  	v3 =	vld [tilespmem:s4+$0xFFFFFF50];
	v10 =	vmul.f32 v10, v2;
	[tilespmem:s0+$0xE0] =	vst v4  }
0x20b: {  	v4 =	vmul.f32 v8, v2;
	v8 =	vld [tilespmem:s4+$0xFFFFFF60];
	[tilespmem:s0+$0xFFFFFF00] =	vst v7;
	s0 =	smov.u32 s4  }
0x20c: {  	v7 =	vmul.f32 v9, v2;
	v9 =	vld [tilespmem:s4+$0xFFFFFF70];
	[tilespmem:s4+$0xF0] =	vst v10  }
0x20d: {  	[tilespmem:s4+$0xFFFFFF10] =	vst v4;
	v4 =	vmul.f32 v5, v2;
	v5 =	vld [tilespmem:s4+$0xFFFFFF80]  }
0x20e: {  	[tilespmem:s4+$0xFFFFFF20] =	vst v7;
	v6 =	vmul.f32 v6, v2;
	v7 =	vld [tilespmem:s4+$0xFFFFFF90]  }
0x20f: {  	[tilespmem:s4+$0xFFFFFF30] =	vst v4;
	v3 =	vmul.f32 v3, v2;
	v4 =	vld [tilespmem:s4+$0xFFFFFFA0]  }
0x210: {  	[tilespmem:s4+$0xFFFFFF40] =	vst v6;
	v6 =	vmul.f32 v8, v2;
	v8 =	vld [tilespmem:s4+$0xFFFFFFB0]  }
0x211: {  	[tilespmem:s4+$0xFFFFFF50] =	vst v3;
	v3 =	vmul.f32 v9, v2;
	v9 =	vld [tilespmem:s4+$0xFFFFFFC0]  }
0x212: {  	[tilespmem:s4+$0xFFFFFF60] =	vst v6;
	v5 =	vmul.f32 v5, v2;
	v6 =	vld [tilespmem:s4+$0xFFFFFFD0]  }
0x213: {  	[tilespmem:s4+$0xFFFFFF70] =	vst v3;
	v3 =	vmul.f32 v7, v2;
	v7 =	vld [tilespmem:s4+$0xFFFFFFE0]  }
0x214: {  	[tilespmem:s4+$0xFFFFFF80] =	vst v5;
	v4 =	vmul.f32 v4, v2;
	v5 =	vld [tilespmem:s4+$0xFFFFFFF0]  }
0x215: {  	[tilespmem:s4+$0xFFFFFF90] =	vst v3;
	v3 =	vmul.f32 v8, v2;
	v8 =	vld [tilespmem:s4+$0x0]  }
0x216: {  	[tilespmem:s4+$0xFFFFFFA0] =	vst v4;
	v4 =	vmul.f32 v9, v2;
	v9 =	vld [tilespmem:s4+$0x10]  }
0x217: {  	[tilespmem:s4+$0xFFFFFFB0] =	vst v3;
	v3 =	vmul.f32 v6, v2;
	v6 =	vld [tilespmem:s4+$0x20]  }
0x218: {  	[tilespmem:s4+$0xFFFFFFC0] =	vst v4;
	v4 =	vmul.f32 v7, v2;
	v7 =	vld [tilespmem:s4+$0x30]  }
0x219: {  	[tilespmem:s4+$0xFFFFFFD0] =	vst v3;
	v3 =	vmul.f32 v5, v2;
	v5 =	vld [tilespmem:s4+$0x40]  }
0x21a: {  	[tilespmem:s4+$0xFFFFFFE0] =	vst v4;
	v4 =	vmul.f32 v8, v2;
	v8 =	vld [tilespmem:s4+$0x50]  }
0x21b: {  	[tilespmem:s4+$0xFFFFFFF0] =	vst v3;
	v3 =	vmul.f32 v9, v2;
	v9 =	vld [tilespmem:s4+$0x60]  }
0x21c: {  	[tilespmem:s4+$0x0] =	vst v4;
	v4 =	vmul.f32 v6, v2;
	v6 =	vld [tilespmem:s4+$0x70]  }
0x21d: {  	[tilespmem:s4+$0x10] =	vst v3;
	v3 =	vmul.f32 v7, v2;
	v7 =	vld [tilespmem:s4+$0x80]  }
0x21e: {  	[tilespmem:s4+$0x20] =	vst v4;
	v4 =	vmul.f32 v5, v2;
	v10 =	vld [tilespmem:s4+$0x90]  }
0x21f: {  	[tilespmem:s4+$0x30] =	vst v3;
	v5 =	vmul.f32 v8, v2;
	v11 =	vld [tilespmem:s4+$0xA0]  }
.Ltmp5:
0x220: {  	[tilespmem:s4+$0x40] =	vst v4;
	v8 =	vmul.f32 v9, v2;
	v3 =	vld [tilespmem:s4+$0xB0];
	(pc) =	sbr.rel @p1 .LBB2_12-.Ltmp5, $4  }
0x221: {  	[tilespmem:s4+$0x50] =	vst v5;
	v6 =	vmul.f32 v6, v2;
	v4 =	vld [tilespmem:s4+$0xC0]  }
0x222: {  	[tilespmem:s4+$0x60] =	vst v8;
	v9 =	vmul.f32 v7, v2;
	v5 =	vld [tilespmem:s4+$0xD0]  }
0x223: {  	[tilespmem:s4+$0x70] =	vst v6;
	v8 =	vmul.f32 v10, v2;
	v6 =	vld [tilespmem:s4+$0xE0]  }
0x224: {  	s4 =	sadd.s32 $0x200, s4;
	v7 =	vld [tilespmem:s0+$0xFFFFFF00];
	[tilespmem:s0+$0x80] =	vst v9;
	v9 =	vmul.f32 v11, v2  }
0x225: {  	[tilespmem:s0+$0x90] =	vst v8;
	v3 =	vmul.f32 v3, v2  }
0x226: {  	[tilespmem:s0+$0xA0] =	vst v9;
	v4 =	vmul.f32 v4, v2  }
0x227: {  	[tilespmem:s0+$0xB0] =	vst v3;
	v3 =	vmul.f32 v5, v2  }
0x228: {  	[tilespmem:s0+$0xC0] =	vst v4;
	v4 =	vmul.f32 v6, v2  }
0x229: {  	v5 =	vmul.f32 v7, v2;
	[tilespmem:s0+$0xD0] =	vst v3  }
0x22a: {  	[tilespmem:s0+$0xE0] =	vst v4  }
0x22b: {  	[tilespmem:s0+$0xFFFFFF00] =	vst v5  }
0x22c: {  	s0 =	rddreg [dreg:$0x15]  }
0x22d: {  	[spmem:s0] =	stream.linear.scatter [tilespmem:s23], [sflag:$0xB], $0x2800, $0x38;
	[tilespmem:$0x1E3C0] =	vst v63  }
0x22e: {  	_ =	swait.ge [sflag:s7], $0x2800  }
0x22f: {  	[sflag:s7] =	ssyncset.done $0x0  }
0x230: {  	s29 =	rddreg [dreg:$0xa];
	[sflag:s7] =	ssyncadd.s32 $0xFFFFD800  }
0x231: {  	[tilespmem:s23], [sflag:$0xB] =	stream.strided.gather [hbm4b:s29+s19], $0x2800, s30, s19, $0x38;
	[tilespmem:$0x1E3C0] =	vst v63  }
0x232: {  	_ =	swait.ge [sflag:s7], $0x2800  }
0x233: {  	[sflag:s7] =	ssyncset.done $0x0  }
0x234: {  	s0 =	simm.s32 $0x14440;
	[sflag:s7] =	ssyncadd.s32 $0xFFFFD800  }
0x235: {  	v3 =	vld [tilespmem:s0+$0xF0]  }
0x236: {  	v4 =	vld [tilespmem:s0+$0xFFFFFF10]  }
0x237: {  	v5 =	vld [tilespmem:s0+$0xFFFFFF20]  }
0x238: {  	v6 =	vld [tilespmem:s0+$0xFFFFFF30]  }
0x239: {  	v9 =	vld [tilespmem:s0+$0xFFFFFF60]  }
0x23a: {  	v7 =	vld [tilespmem:s0+$0xFFFFFF40]  }
0x23b: {  	v8 =	vld [tilespmem:s0+$0xFFFFFF50];
	v3 =	vmul.f32 v3, v2  }
0x23c: {  	v11 =	vld [tilespmem:s0+$0xFFFFFF80];
	v4 =	vmul.f32 v4, v2  }
0x23d: {  	v10 =	vld [tilespmem:s0+$0xFFFFFF70];
	v5 =	vmul.f32 v5, v2;
	[tilespmem:s0+$0xF0] =	vst v3  }
0x23e: {  	v9 =	vmul.f32 v9, v2;
	v3 =	vld [tilespmem:s0+$0xFFFFFF90];
	[tilespmem:s0+$0xFFFFFF10] =	vst v4  }
0x23f: {  	v4 =	vmul.f32 v6, v2;
	v6 =	vld [tilespmem:s0+$0xFFFFFFA0];
	[tilespmem:s0+$0xFFFFFF20] =	vst v5;
	v5 =	vmul.f32 v7, v2  }
0x240: {  	[tilespmem:s0+$0xFFFFFF60] =	vst v9;
	v9 =	vld [tilespmem:s0+$0xFFFFFFF0]  }
0x241: {  	v7 =	vld [tilespmem:s0+$0xFFFFFFB0];
	[tilespmem:s0+$0xFFFFFF40] =	vst v5;
	v5 =	vmul.f32 v11, v2  }
0x242: {  	[tilespmem:s0+$0xFFFFFF30] =	vst v4;
	v4 =	vmul.f32 v8, v2;
	v8 =	vld [tilespmem:s0+$0xFFFFFFC0]  }
0x243: {  	v11 =	vld [tilespmem:s0+$0xFFFFFFD0];
	[tilespmem:s0+$0xFFFFFF80] =	vst v5;
	v5 =	vmul.f32 v10, v2  }
0x244: {  	[tilespmem:s0+$0xFFFFFF50] =	vst v4;
	v4 =	vld [tilespmem:s0+$0xFFFFFFE0];
	v3 =	vmul.f32 v3, v2  }
0x245: {  	v10 =	vld [tilespmem:s0+$0x30];
	v9 =	vmul.f32 v9, v2;
	[tilespmem:s0+$0xFFFFFF70] =	vst v5  }
0x246: {  	v5 =	vmul.f32 v6, v2;
	v6 =	vld [tilespmem:s0+$0x0];
	[tilespmem:s0+$0xFFFFFF90] =	vst v3  }
0x247: {  	v3 =	vmul.f32 v7, v2;
	v7 =	vld [tilespmem:s0+$0x10];
	[tilespmem:s0+$0xFFFFFFF0] =	vst v9  }
0x248: {  	[tilespmem:s0+$0xFFFFFFA0] =	vst v5;
	v5 =	vmul.f32 v8, v2;
	v8 =	vld [tilespmem:s0+$0x20]  }
0x249: {  	v9 =	vld [tilespmem:s0+$0x80];
	[tilespmem:s0+$0xFFFFFFB0] =	vst v3;
	v3 =	vmul.f32 v11, v2  }
0x24a: {  	v4 =	vmul.f32 v4, v2;
	[tilespmem:s0+$0xFFFFFFC0] =	vst v5;
	v5 =	vld [tilespmem:s0+$0x40]  }
0x24b: {  	[tilespmem:s0+$0xFFFFFFD0] =	vst v3;
	v3 =	vmul.f32 v6, v2  }
0x24c: {  	v6 =	vld [tilespmem:s0+$0x50];
	[tilespmem:s0+$0xFFFFFFE0] =	vst v4;
	v7 =	vmul.f32 v7, v2  }
0x24d: {  	v4 =	vld [tilespmem:s0+$0x60];
	[tilespmem:s0+$0x0] =	vst v3;
	v3 =	vmul.f32 v8, v2  }
0x24e: {  	v9 =	vmul.f32 v9, v2;
	v8 =	vld [tilespmem:s0+$0x70];
	[tilespmem:s0+$0x10] =	vst v7  }
0x24f: {  	v7 =	vmul.f32 v10, v2;
	v10 =	vld [tilespmem:s0+$0x90];
	[tilespmem:s0+$0x20] =	vst v3;
	v3 =	vmul.f32 v5, v2  }
0x250: {  	v11 =	vld [tilespmem:s0+$0xA0];
	[tilespmem:s0+$0x80] =	vst v9  }
0x251: {  	v5 =	vmul.f32 v6, v2;
	[tilespmem:s0+$0x40] =	vst v3;
	v3 =	vld [tilespmem:s0+$0xB0]  }
0x252: {  	[tilespmem:s0+$0x30] =	vst v7;
	v6 =	vmul.f32 v4, v2;
	v4 =	vld [tilespmem:s0+$0xC0]  }
0x253: {  	[tilespmem:s0+$0x50] =	vst v5;
	v7 =	vmul.f32 v8, v2;
	v5 =	vld [tilespmem:s0+$0xD0]  }
0x254: {  	[tilespmem:s0+$0x60] =	vst v6;
	v6 =	vld [tilespmem:s0+$0xE0];
	v8 =	vmul.f32 v10, v2  }
0x255: {  	s1 =	simm.s32 $0x0;
	s4 =	simm.s32 $0x14640;
	v9 =	vmul.f32 v11, v2;
	[tilespmem:s0+$0x70] =	vst v7;
	v7 =	vld [tilespmem:s0+$0xFFFFFF00]  }
.LBB2_14:
0x256: {  	v10 =	vld [tilespmem:s4+$0xF0];
	s1 =	sadd.s32 $0x4, s1;
	[tilespmem:s0+$0x90] =	vst v8;
	v3 =	vmul.f32 v3, v2  }
0x257: {  	v8 =	vld [tilespmem:s4+$0xFFFFFF10];
	p1 =	slt.u32 s1, $0x4C;
	[tilespmem:s0+$0xA0] =	vst v9;
	v4 =	vmul.f32 v4, v2  }
0x258: {  	v9 =	vld [tilespmem:s4+$0xFFFFFF20];
	[tilespmem:s0+$0xB0] =	vst v3;
	v3 =	vmul.f32 v5, v2  }
0x259: {  	v5 =	vld [tilespmem:s4+$0xFFFFFF30];
	[tilespmem:s0+$0xC0] =	vst v4;
	v4 =	vmul.f32 v6, v2  }
0x25a: {  	v6 =	vld [tilespmem:s4+$0xFFFFFF40];
	v7 =	vmul.f32 v7, v2;
	[tilespmem:s0+$0xD0] =	vst v3  }
0x25b: {  	v3 =	vld [tilespmem:s4+$0xFFFFFF50];
	v10 =	vmul.f32 v10, v2;
	[tilespmem:s0+$0xE0] =	vst v4  }
0x25c: {  	v4 =	vmul.f32 v8, v2;
	v8 =	vld [tilespmem:s4+$0xFFFFFF60];
	[tilespmem:s0+$0xFFFFFF00] =	vst v7;
	s0 =	smov.u32 s4  }
0x25d: {  	v7 =	vmul.f32 v9, v2;
	v9 =	vld [tilespmem:s4+$0xFFFFFF70];
	[tilespmem:s4+$0xF0] =	vst v10  }
0x25e: {  	[tilespmem:s4+$0xFFFFFF10] =	vst v4;
	v4 =	vmul.f32 v5, v2;
	v5 =	vld [tilespmem:s4+$0xFFFFFF80]  }
0x25f: {  	[tilespmem:s4+$0xFFFFFF20] =	vst v7;
	v6 =	vmul.f32 v6, v2;
	v7 =	vld [tilespmem:s4+$0xFFFFFF90]  }
0x260: {  	[tilespmem:s4+$0xFFFFFF30] =	vst v4;
	v3 =	vmul.f32 v3, v2;
	v4 =	vld [tilespmem:s4+$0xFFFFFFA0]  }
0x261: {  	[tilespmem:s4+$0xFFFFFF40] =	vst v6;
	v6 =	vmul.f32 v8, v2;
	v8 =	vld [tilespmem:s4+$0xFFFFFFB0]  }
0x262: {  	[tilespmem:s4+$0xFFFFFF50] =	vst v3;
	v3 =	vmul.f32 v9, v2;
	v9 =	vld [tilespmem:s4+$0xFFFFFFC0]  }
0x263: {  	[tilespmem:s4+$0xFFFFFF60] =	vst v6;
	v5 =	vmul.f32 v5, v2;
	v6 =	vld [tilespmem:s4+$0xFFFFFFD0]  }
0x264: {  	[tilespmem:s4+$0xFFFFFF70] =	vst v3;
	v3 =	vmul.f32 v7, v2;
	v7 =	vld [tilespmem:s4+$0xFFFFFFE0]  }
0x265: {  	[tilespmem:s4+$0xFFFFFF80] =	vst v5;
	v4 =	vmul.f32 v4, v2;
	v5 =	vld [tilespmem:s4+$0xFFFFFFF0]  }
0x266: {  	[tilespmem:s4+$0xFFFFFF90] =	vst v3;
	v3 =	vmul.f32 v8, v2;
	v8 =	vld [tilespmem:s4+$0x0]  }
0x267: {  	[tilespmem:s4+$0xFFFFFFA0] =	vst v4;
	v4 =	vmul.f32 v9, v2;
	v9 =	vld [tilespmem:s4+$0x10]  }
0x268: {  	[tilespmem:s4+$0xFFFFFFB0] =	vst v3;
	v3 =	vmul.f32 v6, v2;
	v6 =	vld [tilespmem:s4+$0x20]  }
0x269: {  	[tilespmem:s4+$0xFFFFFFC0] =	vst v4;
	v4 =	vmul.f32 v7, v2;
	v7 =	vld [tilespmem:s4+$0x30]  }
0x26a: {  	[tilespmem:s4+$0xFFFFFFD0] =	vst v3;
	v3 =	vmul.f32 v5, v2;
	v5 =	vld [tilespmem:s4+$0x40]  }
0x26b: {  	[tilespmem:s4+$0xFFFFFFE0] =	vst v4;
	v4 =	vmul.f32 v8, v2;
	v8 =	vld [tilespmem:s4+$0x50]  }
0x26c: {  	[tilespmem:s4+$0xFFFFFFF0] =	vst v3;
	v3 =	vmul.f32 v9, v2;
	v9 =	vld [tilespmem:s4+$0x60]  }
0x26d: {  	[tilespmem:s4+$0x0] =	vst v4;
	v4 =	vmul.f32 v6, v2;
	v6 =	vld [tilespmem:s4+$0x70]  }
0x26e: {  	[tilespmem:s4+$0x10] =	vst v3;
	v3 =	vmul.f32 v7, v2;
	v7 =	vld [tilespmem:s4+$0x80]  }
0x26f: {  	[tilespmem:s4+$0x20] =	vst v4;
	v4 =	vmul.f32 v5, v2;
	v10 =	vld [tilespmem:s4+$0x90]  }
0x270: {  	[tilespmem:s4+$0x30] =	vst v3;
	v5 =	vmul.f32 v8, v2;
	v11 =	vld [tilespmem:s4+$0xA0]  }
.Ltmp6:
0x271: {  	[tilespmem:s4+$0x40] =	vst v4;
	v8 =	vmul.f32 v9, v2;
	v3 =	vld [tilespmem:s4+$0xB0];
	(pc) =	sbr.rel @p1 .LBB2_14-.Ltmp6, $4  }
0x272: {  	[tilespmem:s4+$0x50] =	vst v5;
	v6 =	vmul.f32 v6, v2;
	v4 =	vld [tilespmem:s4+$0xC0]  }
0x273: {  	[tilespmem:s4+$0x60] =	vst v8;
	v9 =	vmul.f32 v7, v2;
	v5 =	vld [tilespmem:s4+$0xD0]  }
0x274: {  	[tilespmem:s4+$0x70] =	vst v6;
	v8 =	vmul.f32 v10, v2;
	v6 =	vld [tilespmem:s4+$0xE0]  }
0x275: {  	s4 =	sadd.s32 $0x200, s4;
	v7 =	vld [tilespmem:s0+$0xFFFFFF00];
	[tilespmem:s0+$0x80] =	vst v9;
	v9 =	vmul.f32 v11, v2  }
0x276: {  	[tilespmem:s0+$0x90] =	vst v8;
	v3 =	vmul.f32 v3, v2  }
0x277: {  	[tilespmem:s0+$0xA0] =	vst v9;
	v4 =	vmul.f32 v4, v2  }
0x278: {  	[tilespmem:s0+$0xB0] =	vst v3;
	v3 =	vmul.f32 v5, v2  }
0x279: {  	[tilespmem:s0+$0xC0] =	vst v4;
	v4 =	vmul.f32 v6, v2  }
0x27a: {  	v5 =	vmul.f32 v7, v2;
	[tilespmem:s0+$0xD0] =	vst v3  }
0x27b: {  	[tilespmem:s0+$0xE0] =	vst v4  }
0x27c: {  	[tilespmem:s0+$0xFFFFFF00] =	vst v5  }
0x27d: {  	s0 =	rddreg [dreg:$0x16]  }
0x27e: {  	[spmem:s0] =	stream.linear.scatter [tilespmem:s23], [sflag:$0xB], $0x2800, $0x38;
	[tilespmem:$0x1E3C0] =	vst v63  }
0x27f: {  	_ =	swait.ge [sflag:s7], $0x2800  }
0x280: {  	[sflag:s7] =	ssyncset.done $0x0  }
0x281: {  	s29 =	rddreg [dreg:$0xb];
	[sflag:s7] =	ssyncadd.s32 $0xFFFFD800  }
0x282: {  	[tilespmem:s23], [sflag:$0xB] =	stream.strided.gather [hbm4b:s29+s19], $0x2080, s30, s19, $0x38;
	[tilespmem:$0x1E3C0] =	vst v63  }
0x283: {  	_ =	swait.ge [sflag:s7], $0x2080  }
0x284: {  	[sflag:s7] =	ssyncset.done $0x0  }
0x285: {  	s0 =	simm.s32 $0x14440;
	[sflag:s7] =	ssyncadd.s32 $0xFFFFDF80  }
0x286: {  	v3 =	vld [tilespmem:s0+$0xF0]  }
0x287: {  	v4 =	vld [tilespmem:s0+$0xFFFFFF10]  }
0x288: {  	v5 =	vld [tilespmem:s0+$0xFFFFFF20]  }
0x289: {  	v6 =	vld [tilespmem:s0+$0xFFFFFF30]  }
0x28a: {  	v9 =	vld [tilespmem:s0+$0xFFFFFF60]  }
0x28b: {  	v7 =	vld [tilespmem:s0+$0xFFFFFF40]  }
0x28c: {  	v8 =	vld [tilespmem:s0+$0xFFFFFF50];
	v3 =	vmul.f32 v3, v2  }
0x28d: {  	v11 =	vld [tilespmem:s0+$0xFFFFFF80];
	v4 =	vmul.f32 v4, v2  }
0x28e: {  	v10 =	vld [tilespmem:s0+$0xFFFFFF70];
	v5 =	vmul.f32 v5, v2;
	[tilespmem:s0+$0xF0] =	vst v3  }
0x28f: {  	v9 =	vmul.f32 v9, v2;
	v3 =	vld [tilespmem:s0+$0xFFFFFF90];
	[tilespmem:s0+$0xFFFFFF10] =	vst v4  }
0x290: {  	v4 =	vmul.f32 v6, v2;
	v6 =	vld [tilespmem:s0+$0xFFFFFFA0];
	[tilespmem:s0+$0xFFFFFF20] =	vst v5;
	v5 =	vmul.f32 v7, v2  }
0x291: {  	[tilespmem:s0+$0xFFFFFF60] =	vst v9;
	v9 =	vld [tilespmem:s0+$0xFFFFFFF0]  }
0x292: {  	v7 =	vld [tilespmem:s0+$0xFFFFFFB0];
	[tilespmem:s0+$0xFFFFFF40] =	vst v5;
	v5 =	vmul.f32 v11, v2  }
0x293: {  	[tilespmem:s0+$0xFFFFFF30] =	vst v4;
	v4 =	vmul.f32 v8, v2;
	v8 =	vld [tilespmem:s0+$0xFFFFFFC0]  }
0x294: {  	v11 =	vld [tilespmem:s0+$0xFFFFFFD0];
	[tilespmem:s0+$0xFFFFFF80] =	vst v5;
	v5 =	vmul.f32 v10, v2  }
0x295: {  	[tilespmem:s0+$0xFFFFFF50] =	vst v4;
	v4 =	vld [tilespmem:s0+$0xFFFFFFE0];
	v3 =	vmul.f32 v3, v2  }
0x296: {  	v10 =	vld [tilespmem:s0+$0x30];
	v9 =	vmul.f32 v9, v2;
	[tilespmem:s0+$0xFFFFFF70] =	vst v5  }
0x297: {  	v5 =	vmul.f32 v6, v2;
	v6 =	vld [tilespmem:s0+$0x0];
	[tilespmem:s0+$0xFFFFFF90] =	vst v3  }
0x298: {  	v3 =	vmul.f32 v7, v2;
	v7 =	vld [tilespmem:s0+$0x10];
	[tilespmem:s0+$0xFFFFFFF0] =	vst v9  }
0x299: {  	[tilespmem:s0+$0xFFFFFFA0] =	vst v5;
	v5 =	vmul.f32 v8, v2;
	v8 =	vld [tilespmem:s0+$0x20]  }
0x29a: {  	v9 =	vld [tilespmem:s0+$0x80];
	[tilespmem:s0+$0xFFFFFFB0] =	vst v3;
	v3 =	vmul.f32 v11, v2  }
0x29b: {  	v4 =	vmul.f32 v4, v2;
	[tilespmem:s0+$0xFFFFFFC0] =	vst v5;
	v5 =	vld [tilespmem:s0+$0x40]  }
0x29c: {  	[tilespmem:s0+$0xFFFFFFD0] =	vst v3;
	v3 =	vmul.f32 v6, v2  }
0x29d: {  	v6 =	vld [tilespmem:s0+$0x50];
	[tilespmem:s0+$0xFFFFFFE0] =	vst v4;
	v7 =	vmul.f32 v7, v2  }
0x29e: {  	v4 =	vld [tilespmem:s0+$0x60];
	[tilespmem:s0+$0x0] =	vst v3;
	v3 =	vmul.f32 v8, v2  }
0x29f: {  	v9 =	vmul.f32 v9, v2;
	v8 =	vld [tilespmem:s0+$0x70];
	[tilespmem:s0+$0x10] =	vst v7  }
0x2a0: {  	v7 =	vmul.f32 v10, v2;
	v10 =	vld [tilespmem:s0+$0x90];
	[tilespmem:s0+$0x20] =	vst v3;
	v3 =	vmul.f32 v5, v2  }
0x2a1: {  	v11 =	vld [tilespmem:s0+$0xA0];
	[tilespmem:s0+$0x80] =	vst v9  }
0x2a2: {  	v5 =	vmul.f32 v6, v2;
	[tilespmem:s0+$0x40] =	vst v3;
	v3 =	vld [tilespmem:s0+$0xB0]  }
0x2a3: {  	[tilespmem:s0+$0x30] =	vst v7;
	v6 =	vmul.f32 v4, v2;
	v4 =	vld [tilespmem:s0+$0xC0]  }
0x2a4: {  	[tilespmem:s0+$0x50] =	vst v5;
	v7 =	vmul.f32 v8, v2;
	v5 =	vld [tilespmem:s0+$0xD0]  }
0x2a5: {  	[tilespmem:s0+$0x60] =	vst v6;
	v6 =	vld [tilespmem:s0+$0xE0];
	v8 =	vmul.f32 v10, v2  }
0x2a6: {  	s1 =	simm.s32 $0x0;
	s4 =	simm.s32 $0x14640;
	v9 =	vmul.f32 v11, v2;
	[tilespmem:s0+$0x70] =	vst v7;
	v7 =	vld [tilespmem:s0+$0xFFFFFF00]  }
.LBB2_16:
0x2a7: {  	v10 =	vld [tilespmem:s4+$0xF0];
	s1 =	sadd.s32 $0x4, s1;
	[tilespmem:s0+$0x90] =	vst v8;
	v3 =	vmul.f32 v3, v2  }
0x2a8: {  	v8 =	vld [tilespmem:s4+$0xFFFFFF10];
	p1 =	slt.u32 s1, $0x3C;
	[tilespmem:s0+$0xA0] =	vst v9;
	v4 =	vmul.f32 v4, v2  }
0x2a9: {  	v9 =	vld [tilespmem:s4+$0xFFFFFF20];
	[tilespmem:s0+$0xB0] =	vst v3;
	v3 =	vmul.f32 v5, v2  }
0x2aa: {  	v5 =	vld [tilespmem:s4+$0xFFFFFF30];
	[tilespmem:s0+$0xC0] =	vst v4;
	v4 =	vmul.f32 v6, v2  }
0x2ab: {  	v6 =	vld [tilespmem:s4+$0xFFFFFF40];
	v7 =	vmul.f32 v7, v2;
	[tilespmem:s0+$0xD0] =	vst v3  }
0x2ac: {  	v3 =	vld [tilespmem:s4+$0xFFFFFF50];
	v10 =	vmul.f32 v10, v2;
	[tilespmem:s0+$0xE0] =	vst v4  }
0x2ad: {  	v4 =	vmul.f32 v8, v2;
	v8 =	vld [tilespmem:s4+$0xFFFFFF60];
	[tilespmem:s0+$0xFFFFFF00] =	vst v7;
	s0 =	smov.u32 s4  }
0x2ae: {  	v7 =	vmul.f32 v9, v2;
	v9 =	vld [tilespmem:s4+$0xFFFFFF70];
	[tilespmem:s4+$0xF0] =	vst v10  }
0x2af: {  	[tilespmem:s4+$0xFFFFFF10] =	vst v4;
	v4 =	vmul.f32 v5, v2;
	v5 =	vld [tilespmem:s4+$0xFFFFFF80]  }
0x2b0: {  	[tilespmem:s4+$0xFFFFFF20] =	vst v7;
	v6 =	vmul.f32 v6, v2;
	v7 =	vld [tilespmem:s4+$0xFFFFFF90]  }
0x2b1: {  	[tilespmem:s4+$0xFFFFFF30] =	vst v4;
	v3 =	vmul.f32 v3, v2;
	v4 =	vld [tilespmem:s4+$0xFFFFFFA0]  }
0x2b2: {  	[tilespmem:s4+$0xFFFFFF40] =	vst v6;
	v6 =	vmul.f32 v8, v2;
	v8 =	vld [tilespmem:s4+$0xFFFFFFB0]  }
0x2b3: {  	[tilespmem:s4+$0xFFFFFF50] =	vst v3;
	v3 =	vmul.f32 v9, v2;
	v9 =	vld [tilespmem:s4+$0xFFFFFFC0]  }
0x2b4: {  	[tilespmem:s4+$0xFFFFFF60] =	vst v6;
	v5 =	vmul.f32 v5, v2;
	v6 =	vld [tilespmem:s4+$0xFFFFFFD0]  }
0x2b5: {  	[tilespmem:s4+$0xFFFFFF70] =	vst v3;
	v3 =	vmul.f32 v7, v2;
	v7 =	vld [tilespmem:s4+$0xFFFFFFE0]  }
0x2b6: {  	[tilespmem:s4+$0xFFFFFF80] =	vst v5;
	v4 =	vmul.f32 v4, v2;
	v5 =	vld [tilespmem:s4+$0xFFFFFFF0]  }
0x2b7: {  	[tilespmem:s4+$0xFFFFFF90] =	vst v3;
	v3 =	vmul.f32 v8, v2;
	v8 =	vld [tilespmem:s4+$0x0]  }
0x2b8: {  	[tilespmem:s4+$0xFFFFFFA0] =	vst v4;
	v4 =	vmul.f32 v9, v2;
	v9 =	vld [tilespmem:s4+$0x10]  }
0x2b9: {  	[tilespmem:s4+$0xFFFFFFB0] =	vst v3;
	v3 =	vmul.f32 v6, v2;
	v6 =	vld [tilespmem:s4+$0x20]  }
0x2ba: {  	[tilespmem:s4+$0xFFFFFFC0] =	vst v4;
	v4 =	vmul.f32 v7, v2;
	v7 =	vld [tilespmem:s4+$0x30]  }
0x2bb: {  	[tilespmem:s4+$0xFFFFFFD0] =	vst v3;
	v3 =	vmul.f32 v5, v2;
	v5 =	vld [tilespmem:s4+$0x40]  }
0x2bc: {  	[tilespmem:s4+$0xFFFFFFE0] =	vst v4;
	v4 =	vmul.f32 v8, v2;
	v8 =	vld [tilespmem:s4+$0x50]  }
0x2bd: {  	[tilespmem:s4+$0xFFFFFFF0] =	vst v3;
	v3 =	vmul.f32 v9, v2;
	v9 =	vld [tilespmem:s4+$0x60]  }
0x2be: {  	[tilespmem:s4+$0x0] =	vst v4;
	v4 =	vmul.f32 v6, v2;
	v6 =	vld [tilespmem:s4+$0x70]  }
0x2bf: {  	[tilespmem:s4+$0x10] =	vst v3;
	v3 =	vmul.f32 v7, v2;
	v7 =	vld [tilespmem:s4+$0x80]  }
0x2c0: {  	[tilespmem:s4+$0x20] =	vst v4;
	v4 =	vmul.f32 v5, v2;
	v10 =	vld [tilespmem:s4+$0x90]  }
0x2c1: {  	[tilespmem:s4+$0x30] =	vst v3;
	v5 =	vmul.f32 v8, v2;
	v11 =	vld [tilespmem:s4+$0xA0]  }
.Ltmp7:
0x2c2: {  	[tilespmem:s4+$0x40] =	vst v4;
	v8 =	vmul.f32 v9, v2;
	v3 =	vld [tilespmem:s4+$0xB0];
	(pc) =	sbr.rel @p1 .LBB2_16-.Ltmp7, $4  }
0x2c3: {  	[tilespmem:s4+$0x50] =	vst v5;
	v6 =	vmul.f32 v6, v2;
	v4 =	vld [tilespmem:s4+$0xC0]  }
0x2c4: {  	[tilespmem:s4+$0x60] =	vst v8;
	v9 =	vmul.f32 v7, v2;
	v5 =	vld [tilespmem:s4+$0xD0]  }
0x2c5: {  	[tilespmem:s4+$0x70] =	vst v6;
	v8 =	vmul.f32 v10, v2;
	v6 =	vld [tilespmem:s4+$0xE0]  }
0x2c6: {  	s4 =	sadd.s32 $0x200, s4;
	v7 =	vld [tilespmem:s0+$0xFFFFFF00];
	[tilespmem:s0+$0x80] =	vst v9;
	v9 =	vmul.f32 v11, v2  }
0x2c7: {  	[tilespmem:s0+$0x90] =	vst v8;
	v3 =	vmul.f32 v3, v2  }
0x2c8: {  	[tilespmem:s0+$0xA0] =	vst v9;
	v4 =	vmul.f32 v4, v2  }
0x2c9: {  	[tilespmem:s0+$0xB0] =	vst v3;
	v3 =	vmul.f32 v5, v2  }
0x2ca: {  	[tilespmem:s0+$0xC0] =	vst v4;
	v45 =	vmul.f32 v6, v2  }
0x2cb: {  	v46 =	vmul.f32 v7, v2;
	[tilespmem:s0+$0xD0] =	vst v3  }
0x2cc: {  	[tilespmem:s0+$0xE0] =	vst v45  }
0x2cd: {  	[tilespmem:s0+$0xFFFFFF00] =	vst v46  }
0x2ce: {  	v3 =	vld [tilespmem:$0x16340]  }
0x2cf: {  	v4 =	vld [tilespmem:$0x16350]  }
0x2d0: {  	v5 =	vld [tilespmem:$0x16360]  }
0x2d1: {  	v47 =	vld [tilespmem:$0x16370]  }
0x2d2: {  	v48 =	vld [tilespmem:$0x16380]  }
0x2d3: {  	v8 =	vld [tilespmem:$0x16390];
	v3 =	vmul.f32 v3, v2  }
0x2d4: {  	v9 =	vld [tilespmem:$0x163A0];
	v4 =	vmul.f32 v4, v2  }
0x2d5: {  	v49 =	vld [tilespmem:$0x163B0];
	[tilespmem:$0x16340] =	vst v3;
	v3 =	vmul.f32 v5, v2  }
0x2d6: {  	v50 =	vmul.f32 v47, v2;
	[tilespmem:$0x16350] =	vst v4  }
0x2d7: {  	[tilespmem:$0x16360] =	vst v3;
	v3 =	vmul.f32 v48, v2  }
0x2d8: {  	v51 =	vmul.f32 v8, v2;
	[tilespmem:$0x16370] =	vst v50  }
0x2d9: {  	[tilespmem:$0x16380] =	vst v3;
	v3 =	vmul.f32 v9, v2  }
0x2da: {  	[tilespmem:$0x16390] =	vst v51;
	v2 =	vmul.f32 v49, v2  }
0x2db: {  	[tilespmem:$0x163A0] =	vst v3  }
0x2dc: {  	s0 =	rddreg [dreg:$0x17];
	[tilespmem:$0x163B0] =	vst v2  }
0x2dd: {  	[spmem:s0] =	stream.linear.scatter [tilespmem:s23], [sflag:$0xB], $0x2080, $0x38;
	[tilespmem:$0x1E3C0] =	vst v63  }
0x2de: {  	_ =	swait.ge [sflag:s7], $0x2080  }
0x2df: {  	[sflag:s7] =	ssyncset.done $0x0  }
0x2e0: {  	[sflag:s7] =	ssyncadd.s32 $0xFFFFDF80  }
0x2e1: {  	[bflag:$0x0] =	sbarrier.arrive $0xFFFF  }
0x2e2: {  	s29 =	simm.s32 $0x0;
	s1 =	simm.s32 $0x13C40;
	s19 =	rddreg [dreg:$0x18]  }
0x2e3: {  	[tilespmem:s1], [sflag:$0xB] =	stream.linear.gather [hbm4b:s19+s29], $0x50, $0x38;
	[tilespmem:$0x1E3C0] =	vst v63  }
0x2e4: {  	_ =	swait.ge [sflag:s7], $0x50  }
0x2e5: {  	[sflag:s7] =	ssyncset.done $0x0  }
0x2e6: {  	s30 =	simm.s32 $0x13CC0;
	s22 =	rddreg [dreg:$0x19];
	[sflag:s7] =	ssyncadd.s32 $0xFFFFFFB0  }
0x2e7: {  	[tilespmem:s30], [sflag:$0xB] =	stream.linear.gather [hbm4b:s22+s29], $0x50, $0x38;
	[tilespmem:$0x1E3C0] =	vst v63  }
0x2e8: {  	_ =	swait.ge [sflag:s7], $0x50  }
0x2e9: {  	[sflag:s7] =	ssyncset.done $0x0  }
0x2ea: {  	s5 =	simm.s32 $0x13D40;
	s4 =	rddreg [dreg:$0x1a];
	[sflag:s7] =	ssyncadd.s32 $0xFFFFFFB0  }
0x2eb: {  	[tilespmem:s5], [sflag:$0xB] =	stream.linear.gather [hbm4b:s4+s29], $0x50, $0x38;
	[tilespmem:$0x1E3C0] =	vst v63  }
0x2ec: {  	_ =	swait.ge [sflag:s7], $0x50  }
0x2ed: {  	[sflag:s7] =	ssyncset.done $0x0  }
0x2ee: {  	[sflag:s7] =	ssyncadd.s32 $0xFFFFFFB0  }
0x2ef: {  	v2 =	vld [tilespmem:$0x13C40]  }
0x2f0: {  	v3 =	vld [tilespmem:$0x13D40]  }
0x2f1: {  	v52 =	vld [tilespmem:$0x13CC0]  }
0x2f2: {  	v53 =	vld [tilespmem:$0x13C50]  }
0x2f3: {  	v54 =	vld [tilespmem:$0x13D50]  }
0x2f4: {  	v55 =	vld [tilespmem:$0x13CD0]  }
0x2f5: {  	v56 =	vld [tilespmem:$0x13C60];
	v2 =	vshll.u32 v2, $0x1  }
0x2f6: {  	v57 =	vld [tilespmem:$0x13CE0];
	v3 =	vshll.u32 v3, $0x1;
	[tilespmem:$0x14240] =	vst v52;
	v2 =	vor.u32 v0, v2  }
0x2f7: {  	[tilespmem:$0x14040] =	vst v2;
	v2 =	vor.u32 v0, v3;
	v3 =	vld [tilespmem:$0x13D60]  }
0x2f8: {  	v59 =	vld [tilespmem:$0x13C70];
	[tilespmem:$0x140C0] =	vst v2;
	v2 =	vshll.u32 v53, $0x1  }
0x2f9: {  	v60 =	vld [tilespmem:$0x13D70];
	v58 =	vshll.u32 v54, $0x1;
	[tilespmem:$0x14250] =	vst v55;
	v2 =	vor.u32 v0, v2  }
0x2fa: {  	v61 =	vld [tilespmem:$0x13CF0];
	[tilespmem:$0x14050] =	vst v2;
	v2 =	vor.u32 v0, v58  }
0x2fb: {  	v62 =	vld [tilespmem:$0x13C80];
	[tilespmem:$0x140D0] =	vst v2;
	v2 =	vshll.u32 v56, $0x1  }
0x2fc: {  	v63 =	vld [tilespmem:$0x13D00];
	[tilespmem:$0x14260] =	vst v57;
	v2 =	vor.u32 v0, v2;
	v3 =	vshll.u32 v3, $0x1  }
0x2fd: {  	[tilespmem:$0x14060] =	vst v2;
	v2 =	vor.u32 v0, v3;
	v3 =	vld [tilespmem:$0x13D80]  }
0x2fe: {  	[tilespmem:$0x140E0] =	vst v2;
	v2 =	vshll.u32 v59, $0x1  }
0x2ff: {  	v4 =	vshll.u32 v60, $0x1;
	[tilespmem:$0x14270] =	vst v61;
	v2 =	vor.u32 v0, v2  }
0x300: {  	[tilespmem:$0x14070] =	vst v2;
	v2 =	vor.u32 v0, v4  }
0x301: {  	[tilespmem:$0x140F0] =	vst v2;
	v2 =	vshll.u32 v62, $0x1  }
0x302: {  	[tilespmem:$0x14280] =	vst v63;
	v2 =	vor.u32 v0, v2;
	v3 =	vshll.u32 v3, $0x1  }
0x303: {  	[tilespmem:$0x14080] =	vst v2;
	v2 =	vor.u32 v0, v3  }
0x304: {  	s19 =	simm.s32 $0x14040;
	[tilespmem:$0x14100] =	vst v2  }
0x305: {  	[tilespmem:s23], [sflag:$0x3] =	stream.indirect.gather [hbm4b:s13+s28], $0x80, s19, s28, $0xb8;
	[tilespmem:$0x1E3C0] =	vst v63  }
0x306: {  	s30 =	simm.s32 $0x19340;
	s22 =	rddreg [dreg:$0x1b]  }
0x307: {  	[tilespmem:s30], [sflag:$0x7] =	stream.linear.gather [hbm4b:s22+s29], $0x2800, $0x38;
	[tilespmem:$0x1E3C0] =	vst v63  }
0x308: {  	s4 =	simm.s32 $0x13E40;
	s1 =	rddreg [dreg:$0x1c]  }
0x309: {  	[tilespmem:s4], [sflag:$0x2] =	stream.linear.gather [hbm4b:s1+s29], $0x50, $0x38;
	[tilespmem:$0x1E3C0] =	vst v63  }
0x30a: {  	s5 =	rddreg [dreg:$0x1d];
	s7 =	simm.s32 $0x13EC0  }
0x30b: {  	[tilespmem:s7], [sflag:$0x2] =	stream.linear.gather [hbm4b:s5+s29], $0x50, $0x38;
	[tilespmem:$0x1E3C0] =	vst v63  }
0x30c: {  	s19 =	rddreg [dreg:$0x1e];
	s22 =	simm.s32 $0x13F40  }
0x30d: {  	[tilespmem:s22], [sflag:$0x2] =	stream.linear.gather [hbm4b:s19+s29], $0x50, $0x38;
	[tilespmem:$0x1E3C0] =	vst v63  }
0x30e: {  	_ =	swait.ge [sflag:s6], $0x2800  }
0x30f: {  	[sflag:s6] =	ssyncset.done $0x0  }
0x310: {  	s30 =	simm.s32 $0x140C0;
	[sflag:s6] =	ssyncadd.s32 $0xFFFFD800  }
0x311: {  	[tilespmem:s23], [sflag:$0x5] =	stream.indirect.gather.add.f32 [spmem:s2], $0x80, s30, s28, $0xb8;
	[tilespmem:$0x1E3C0] =	vst v63  }
.LBB2_18:
0x312: {  	_ =	swait.ge [sflag:s8], $0x50  }
0x313: {  	[sflag:s8] =	ssyncset.done $0x0  }
0x314: {  	[sflag:s8] =	ssyncadd.s32 $0xFFFFFFB0  }
0x315: {  	_ =	swait.ge [sflag:s8], $0x50  }
0x316: {  	[sflag:s8] =	ssyncset.done $0x0  }
0x317: {  	[sflag:s8] =	ssyncadd.s32 $0xFFFFFFB0  }
0x318: {  	_ =	swait.ge [sflag:s8], $0x50  }
0x319: {  	p1 =	seq.s32 s29, $0x0;
	[sflag:s8] =	ssyncset.done $0x0  }
0x31a: {  	s0 =	simm.s32 @!p1 $0xA;
	[sflag:s8] =	ssyncadd.s32 $0xFFFFFFB0  }
0x31b: {  	_ =	swait.ge @!p1 [sflag:s0], $0x2800  }
0x31c: {  	[sflag:s0] =	ssyncset.done @!p1 $0x0  }
0x31d: {  	[sflag:s0] =	ssyncadd.s32 @!p1 $0xFFFFD800  }
0x31e: {  	v2 =	vld [tilespmem:$0x13E40]  }
0x31f: {  	v3 =	vld [tilespmem:$0x13F40]  }
0x320: {  	v4 =	vld [tilespmem:$0x13EC0]  }
0x321: {  	v5 =	vld [tilespmem:$0x13E50]  }
0x322: {  	v6 =	vld [tilespmem:$0x13F50]  }
0x323: {  	v7 =	vld [tilespmem:$0x13ED0]  }
0x324: {  	v2 =	vshll.u32 v2, $0x1  }
0x325: {  	v8 =	vld [tilespmem:$0x13E60];
	v3 =	vshll.u32 v3, $0x1;
	[tilespmem:$0x142C0] =	vst v4;
	v2 =	vor.u32 v0, v2  }
0x326: {  	[tilespmem:$0x14140] =	vst v2;
	v2 =	vor.u32 v0, v3;
	v3 =	vld [tilespmem:$0x13F60]  }
0x327: {  	v4 =	vshll.u32 v6, $0x1;
	v6 =	vld [tilespmem:$0x13E70];
	[tilespmem:$0x141C0] =	vst v2;
	v2 =	vshll.u32 v5, $0x1  }
0x328: {  	[tilespmem:$0x142D0] =	vst v7;
	v5 =	vld [tilespmem:$0x13EE0];
	v2 =	vor.u32 v0, v2  }
0x329: {  	[tilespmem:$0x14150] =	vst v2;
	v2 =	vor.u32 v0, v4;
	v4 =	vld [tilespmem:$0x13F70]  }
0x32a: {  	v7 =	vld [tilespmem:$0x13E80];
	[tilespmem:$0x141D0] =	vst v2;
	v2 =	vshll.u32 v8, $0x1  }
0x32b: {  	v8 =	vld [tilespmem:$0x13EF0];
	v2 =	vor.u32 v0, v2;
	v3 =	vshll.u32 v3, $0x1  }
0x32c: {  	[tilespmem:$0x14160] =	vst v2;
	v2 =	vor.u32 v0, v3;
	v3 =	vld [tilespmem:$0x13F80]  }
0x32d: {  	[tilespmem:$0x141E0] =	vst v2;
	v2 =	vshll.u32 v6, $0x1  }
0x32e: {  	[tilespmem:$0x142E0] =	vst v5;
	v2 =	vor.u32 v0, v2;
	v4 =	vshll.u32 v4, $0x1  }
0x32f: {  	[tilespmem:$0x14170] =	vst v2;
	v2 =	vor.u32 v0, v4;
	v4 =	vld [tilespmem:$0x13F00]  }
0x330: {  	[tilespmem:$0x141F0] =	vst v2;
	v2 =	vshll.u32 v7, $0x1  }
0x331: {  	[tilespmem:$0x142F0] =	vst v8;
	v2 =	vor.u32 v0, v2;
	v3 =	vshll.u32 v3, $0x1  }
0x332: {  	s19 =	smul.u32 $0xA0, s29;
	[tilespmem:$0x14180] =	vst v2;
	v2 =	vor.u32 v0, v3  }
0x333: {  	[tilespmem:$0x14200] =	vst v2  }
0x334: {  	s1 =	simm.s32 $0x14140;
	s22 =	sadd.s32 s19, s11;
	[tilespmem:$0x14300] =	vst v4  }
0x335: {  	[tilespmem:s10], [sflag:$0x4] =	stream.indirect.gather [hbm4b:s13+s28], $0x80, s1, s28, $0xb8;
	[tilespmem:$0x1E3C0] =	vst v63  }
0x336: {  	s30 =	sadd.s32 s12, s19;
	s1 =	sshll.u32 s22, $0x4  }
0x337: {  	s4 =	simm.s32 $0x1BB40;
	s0 =	sshrl.u32 s30, $0x3;
	s1 =	sadd.s32 s17, s1  }
0x338: {  	[tilespmem:s4], [sflag:$0x8] =	stream.linear.gather [hbm4b:s1+s3], $0x2800, $0x38;
	[tilespmem:$0x1E3C0] =	vst v63  }
0x339: {  	s5 =	simm.s32 $0x13C40;
	s4 =	sadd.s32 s14, s0  }
0x33a: {  	[tilespmem:s5], [sflag:$0x1] =	stream.linear.gather [hbm4b:s4+s3], $0x50, $0x38;
	[tilespmem:$0x1E3C0] =	vst v63  }
0x33b: {  	s19 =	simm.s32 $0x13CC0;
	s7 =	sadd.s32 s15, s0  }
0x33c: {  	[tilespmem:s19], [sflag:$0x1] =	stream.linear.gather [hbm4b:s7+s3], $0x50, $0x38;
	[tilespmem:$0x1E3C0] =	vst v63  }
0x33d: {  	s22 =	simm.s32 $0x13D40;
	s0 =	sadd.s32 s16, s0  }
0x33e: {  	[tilespmem:s22], [sflag:$0x1] =	stream.linear.gather [hbm4b:s0+s3], $0x50, $0x38;
	[tilespmem:$0x1E3C0] =	vst v63  }
0x33f: {  	_ =	swait.ge [sflag:s21], $0x2800  }
0x340: {  	[sflag:s21] =	ssyncset.done $0x0  }
0x341: {  	[sflag:s21] =	ssyncadd.s32 $0xFFFFD800  }
0x342: {  	_ =	swait.ge [sflag:s20], $0x2800  }
0x343: {  	[sflag:s20] =	ssyncset.done $0x0  }
0x344: {  	s0 =	simm.s32 $0x14440;
	[sflag:s20] =	ssyncadd.s32 $0xFFFFD800  }
0x345: {  	v2 =	vld [tilespmem:s0+$0x80]  }
0x346: {  	v3 =	vld [tilespmem:s0+$0x90]  }
0x347: {  	v4 =	vld [tilespmem:s0+$0xA0]  }
0x348: {  	v5 =	vld [tilespmem:s0+$0xB0]  }
0x349: {  	v6 =	vld [tilespmem:s0+$0xC0]  }
0x34a: {  	v7 =	vld [tilespmem:s0+$0xD0]  }
0x34b: {  	v8 =	vld [tilespmem:s0+$0xFFFFFF10]  }
0x34c: {  	v10 =	vld [tilespmem:s0+$0xFFFFFF90]  }
0x34d: {  	v11 =	vld [tilespmem:s0+$0xFFFFFFA0]  }
0x34e: {  	v12 =	vld [tilespmem:s0+$0xF0]  }
0x34f: {  	v14 =	vld [tilespmem:s0+$0xFFFFFFF0];
	v2 =	vmax.f32 v2, $0.0e+00  }
0x350: {  	v8 =	vmax.f32 v8, $0.0e+00;
	[tilespmem:s0+$0x80] =	vst v2;
	v2 =	vld [tilespmem:s0+$0xE0]  }
0x351: {  	v3 =	vmax.f32 v3, $0.0e+00;
	[tilespmem:s0+$0xFFFFFF10] =	vst v8;
	v8 =	vld [tilespmem:s0+$0xFFFFFFB0]  }
0x352: {  	[tilespmem:s0+$0x90] =	vst v3;
	v3 =	vmax.f32 v4, $0.0e+00;
	v4 =	vld [tilespmem:s0+$0xFFFFFF20]  }
0x353: {  	[tilespmem:s0+$0xA0] =	vst v3;
	v3 =	vmax.f32 v5, $0.0e+00;
	v5 =	vld [tilespmem:s0+$0xFFFFFF30]  }
0x354: {  	[tilespmem:s0+$0xB0] =	vst v3;
	v3 =	vmax.f32 v6, $0.0e+00;
	v6 =	vld [tilespmem:s0+$0xFFFFFF40]  }
0x355: {  	[tilespmem:s0+$0xC0] =	vst v3;
	v3 =	vmax.f32 v7, $0.0e+00;
	v7 =	vld [tilespmem:s0+$0xFFFFFF50];
	v2 =	vmax.f32 v2, $0.0e+00  }
0x356: {  	v8 =	vmax.f32 v8, $0.0e+00;
	[tilespmem:s0+$0xE0] =	vst v2;
	v2 =	vld [tilespmem:s0+$0xFFFFFF80]  }
0x357: {  	[tilespmem:s0+$0xFFFFFFB0] =	vst v8;
	v8 =	vld [tilespmem:s0+$0x50]  }
0x358: {  	[tilespmem:s0+$0xD0] =	vst v3;
	v3 =	vld [tilespmem:s0+$0xFFFFFF60];
	v5 =	vmax.f32 v5, $0.0e+00  }
0x359: {  	s5 =	simm.s32 $0x19440;
	[tilespmem:s0+$0xFFFFFF30] =	vst v5;
	v5 =	vld [tilespmem:s0+$0xFFFFFFD0]  }
0x35a: {  	v4 =	vmax.f32 v4, $0.0e+00;
	v9 =	vld [tilespmem:s5+$0x80]  }
0x35b: {  	[tilespmem:s0+$0xFFFFFF20] =	vst v4;
	v4 =	vld [tilespmem:s0+$0xFFFFFFC0];
	v2 =	vmax.f32 v2, $0.0e+00  }
0x35c: {  	s4 =	simm.s32 $0x14640;
	v8 =	vmax.f32 v8, $0.0e+00;
	[tilespmem:s0+$0xFFFFFF80] =	vst v2;
	v2 =	vmax.f32 v6, $0.0e+00;
	v6 =	vld [tilespmem:s0+$0xFFFFFFE0]  }
0x35d: {  	[tilespmem:s0+$0x50] =	vst v8;
	v8 =	vld [tilespmem:s4+$0xD0]  }
0x35e: {  	v5 =	vmax.f32 v5, $0.0e+00;
	[tilespmem:s0+$0xFFFFFF40] =	vst v2;
	v2 =	vmax.f32 v7, $0.0e+00;
	v7 =	vld [tilespmem:s0+$0x10]  }
0x35f: {  	v9 =	vmul.f32 v9, v1;
	[tilespmem:s0+$0xFFFFFFD0] =	vst v5;
	v5 =	vld [tilespmem:s0+$0x60]  }
0x360: {  	[tilespmem:s0+$0xFFFFFF50] =	vst v2;
	v2 =	vmax.f32 v3, $0.0e+00;
	v3 =	vld [tilespmem:s0+$0x0]  }
0x361: {  	v9 =	vadd.f32 v9, v12;
	[tilespmem:s0+$0xFFFFFF60] =	vst v2;
	v2 =	vmax.f32 v10, $0.0e+00;
	v10 =	vld [tilespmem:s0+$0x20]  }
0x362: {  	[tilespmem:s0+$0xFFFFFF90] =	vst v2;
	v2 =	vmax.f32 v11, $0.0e+00;
	v11 =	vld [tilespmem:s0+$0x30]  }
0x363: {  	v9 =	vmax.f32 v9, $0.0e+00;
	[tilespmem:s0+$0xFFFFFFA0] =	vst v2;
	v2 =	vmax.f32 v4, $0.0e+00;
	v4 =	vld [tilespmem:s0+$0x40]  }
0x364: {  	[tilespmem:s0+$0xF0] =	vst v9;
	v9 =	vld [tilespmem:s4+$0xE0]  }
0x365: {  	v8 =	vmax.f32 v8, $0.0e+00;
	[tilespmem:s0+$0xFFFFFFC0] =	vst v2;
	v2 =	vmax.f32 v6, $0.0e+00;
	v6 =	vld [tilespmem:s0+$0xFFFFFF00]  }
0x366: {  	[tilespmem:s4+$0xD0] =	vst v8;
	v8 =	vld [tilespmem:s4+$0xFFFFFF50]  }
0x367: {  	v7 =	vmax.f32 v7, $0.0e+00;
	[tilespmem:s0+$0xFFFFFFE0] =	vst v2;
	v2 =	vld [tilespmem:s0+$0xFFFFFF70]  }
0x368: {  	v3 =	vmax.f32 v3, $0.0e+00;
	[tilespmem:s0+$0x10] =	vst v7;
	v7 =	vld [tilespmem:s4+$0x90]  }
0x369: {  	[tilespmem:s0+$0x0] =	vst v3;
	v3 =	vld [tilespmem:s4+$0x80];
	v10 =	vmax.f32 v10, $0.0e+00  }
0x36a: {  	v11 =	vmax.f32 v11, $0.0e+00;
	[tilespmem:s0+$0x20] =	vst v10;
	v10 =	vld [tilespmem:s4+$0xA0]  }
0x36b: {  	v4 =	vmax.f32 v4, $0.0e+00;
	[tilespmem:s0+$0x30] =	vst v11;
	v11 =	vld [tilespmem:s4+$0xB0]  }
0x36c: {  	v9 =	vmax.f32 v9, $0.0e+00;
	[tilespmem:s0+$0x40] =	vst v4;
	v4 =	vld [tilespmem:s4+$0xC0]  }
0x36d: {  	v13 =	vld [tilespmem:s5+$0xFFFFFF80];
	[tilespmem:s4+$0xE0] =	vst v9;
	v7 =	vmax.f32 v7, $0.0e+00  }
0x36e: {  	v9 =	vld [tilespmem:s4+$0xFFFFFF60];
	v3 =	vmax.f32 v3, $0.0e+00;
	[tilespmem:s4+$0x90] =	vst v7  }
0x36f: {  	v7 =	vld [tilespmem:s4+$0xFFFFFF10];
	[tilespmem:s4+$0x80] =	vst v3;
	v10 =	vmax.f32 v10, $0.0e+00  }
0x370: {  	[tilespmem:s4+$0xA0] =	vst v10;
	v10 =	vld [tilespmem:s4+$0xFFFFFF20];
	v11 =	vmax.f32 v11, $0.0e+00  }
0x371: {  	[tilespmem:s4+$0xB0] =	vst v11;
	v11 =	vld [tilespmem:s4+$0xFFFFFF30];
	v4 =	vmax.f32 v4, $0.0e+00  }
0x372: {  	s7 =	simm.s32 $0x19640;
	v6 =	vmax.f32 v6, $0.0e+00;
	[tilespmem:s4+$0xC0] =	vst v4;
	v4 =	vld [tilespmem:s4+$0xFFFFFF40]  }
0x373: {  	v5 =	vmax.f32 v5, $0.0e+00;
	[tilespmem:s0+$0xFFFFFF00] =	vst v6;
	v6 =	vld [tilespmem:s7+$0x80]  }
0x374: {  	[tilespmem:s0+$0x60] =	vst v5;
	v5 =	vmax.f32 v7, $0.0e+00;
	v7 =	vld [tilespmem:s4+$0xFFFFFF80]  }
0x375: {  	v63 =	vld [tilespmem:s5+$0xFFFFFF00];
	[tilespmem:s4+$0xFFFFFF10] =	vst v5;
	v5 =	vmax.f32 v10, $0.0e+00  }
0x376: {  	v10 =	vld [tilespmem:s4+$0xF0];
	[tilespmem:s4+$0xFFFFFF20] =	vst v5;
	v5 =	vmax.f32 v11, $0.0e+00  }
0x377: {  	v62 =	vmul.f32 v13, v1;
	v11 =	vld [tilespmem:s4+$0xFFFFFF90];
	[tilespmem:s4+$0xFFFFFF30] =	vst v5;
	v4 =	vmax.f32 v4, $0.0e+00  }
0x378: {  	v5 =	vld [tilespmem:s4+$0xFFFFFFA0];
	[tilespmem:s4+$0xFFFFFF40] =	vst v4;
	v4 =	vmax.f32 v8, $0.0e+00  }
0x379: {  	v3 =	vld [tilespmem:s0+$0x70];
	v12 =	vadd.f32 v62, v14;
	[tilespmem:s4+$0xFFFFFF50] =	vst v4;
	v4 =	vmul.f32 v6, v1;
	v6 =	vmax.f32 v7, $0.0e+00  }
0x37a: {  	v8 =	vld [tilespmem:s4+$0xFFFFFFB0];
	[tilespmem:s4+$0xFFFFFF80] =	vst v6;
	v6 =	vmax.f32 v9, $0.0e+00  }
0x37b: {  	v7 =	vld [tilespmem:s4+$0xFFFFFFC0];
	v9 =	vmax.f32 v12, $0.0e+00;
	[tilespmem:s4+$0xFFFFFF60] =	vst v6  }
0x37c: {  	v6 =	vld [tilespmem:s4+$0xFFFFFFD0];
	v4 =	vadd.f32 v4, v10;
	[tilespmem:s0+$0xFFFFFFF0] =	vst v9;
	v9 =	vmax.f32 v11, $0.0e+00  }
0x37d: {  	v10 =	vld [tilespmem:s4+$0xFFFFFFE0];
	[tilespmem:s4+$0xFFFFFF90] =	vst v9;
	v5 =	vmax.f32 v5, $0.0e+00  }
0x37e: {  	v9 =	vld [tilespmem:s4+$0x0];
	v4 =	vmax.f32 v4, $0.0e+00;
	[tilespmem:s4+$0xFFFFFFA0] =	vst v5  }
0x37f: {  	v11 =	vld [tilespmem:s4+$0x10];
	[tilespmem:s4+$0xF0] =	vst v4;
	v4 =	vmax.f32 v8, $0.0e+00  }
0x380: {  	v5 =	vld [tilespmem:s4+$0x20];
	v7 =	vmax.f32 v7, $0.0e+00;
	[tilespmem:s4+$0xFFFFFFB0] =	vst v4  }
0x381: {  	v4 =	vld [tilespmem:s4+$0x30];
	[tilespmem:s4+$0xFFFFFFC0] =	vst v7;
	v6 =	vmax.f32 v6, $0.0e+00  }
0x382: {  	v7 =	vld [tilespmem:s4+$0x40];
	v8 =	vmax.f32 v10, $0.0e+00;
	[tilespmem:s4+$0xFFFFFFD0] =	vst v6  }
0x383: {  	v10 =	vld [tilespmem:s4+$0x50];
	v6 =	vmax.f32 v9, $0.0e+00;
	[tilespmem:s4+$0xFFFFFFE0] =	vst v8  }
0x384: {  	v8 =	vmax.f32 v11, $0.0e+00;
	v11 =	vld [tilespmem:s4+$0xFFFFFF00];
	[tilespmem:s4+$0x0] =	vst v6  }
0x385: {  	v9 =	vld [tilespmem:s4+$0x60];
	v6 =	vmax.f32 v5, $0.0e+00;
	[tilespmem:s4+$0x10] =	vst v8  }
0x386: {  	v5 =	vld [tilespmem:s7+$0xFFFFFF80];
	[tilespmem:s4+$0x20] =	vst v6;
	v4 =	vmax.f32 v4, $0.0e+00  }
0x387: {  	v6 =	vld [tilespmem:s5+$0x0];
	v7 =	vmax.f32 v7, $0.0e+00;
	[tilespmem:s4+$0x30] =	vst v4  }
0x388: {  	v10 =	vmax.f32 v10, $0.0e+00;
	v4 =	vld [tilespmem:s4+$0xFFFFFF70];
	[tilespmem:s4+$0x40] =	vst v7  }
0x389: {  	s1 =	simm.s32 $0x14840;
	v8 =	vld [tilespmem:s4+$0xFFFFFFF0];
	v7 =	vmax.f32 v11, $0.0e+00;
	[tilespmem:s4+$0x50] =	vst v10  }
0x38a: {  	s19 =	simm.s32 $0x19640;
	s22 =	simm.s32 $0x4;
	s5 =	sshll.u32 s29, $0x1;
	v9 =	vmax.f32 v9, $0.0e+00;
	v10 =	vmul.f32 v63, v1;
	[tilespmem:s4+$0xFFFFFF00] =	vst v7;
	v7 =	vld [tilespmem:s4+$0x70]  }
.LBB2_19:
0x38b: {  	v11 =	vld [tilespmem:s1+$0x80];
	v5 =	vmul.f32 v5, v1;
	[tilespmem:s4+$0x60] =	vst v9  }
0x38c: {  	v9 =	vld [tilespmem:s1+$0x90];
	v10 =	vadd.f32 v10, v2;
	v6 =	vmul.f32 v6, v1  }
0x38d: {  	v12 =	vld [tilespmem:s1+$0xA0];
	v2 =	vmov v4  }
0x38e: {  	v4 =	vld [tilespmem:s1+$0xB0];
	v5 =	vadd.f32 v5, v8;
	v8 =	vmax.f32 v10, $0.0e+00;
	v6 =	vadd.f32 v6, v3  }
0x38f: {  	v10 =	vld [tilespmem:s1+$0xC0];
	[tilespmem:s0+$0xFFFFFF70] =	vst v8;
	v3 =	vmov v7  }
0x390: {  	v7 =	vmax.f32 v11, $0.0e+00;
	v8 =	vld [tilespmem:s1+$0xD0];
	v5 =	vmax.f32 v5, $0.0e+00;
	v6 =	vmax.f32 v6, $0.0e+00  }
0x391: {  	s22 =	sadd.s32 $0x4, s22;
	[tilespmem:s1+$0x80] =	vst v7;
	v7 =	vmax.f32 v9, $0.0e+00;
	v9 =	vld [tilespmem:s1+$0xE0]  }
0x392: {  	p1 =	slt.u32 s22, $0x4C;
	v11 =	vld [tilespmem:s1+$0xFFFFFF10];
	[tilespmem:s1+$0x90] =	vst v7;
	v7 =	vmax.f32 v12, $0.0e+00  }
0x393: {  	v12 =	vld [tilespmem:s1+$0xFFFFFF20];
	[tilespmem:s1+$0xA0] =	vst v7;
	v4 =	vmax.f32 v4, $0.0e+00  }
0x394: {  	v7 =	vld [tilespmem:s1+$0xFFFFFF30];
	[tilespmem:s1+$0xB0] =	vst v4;
	v4 =	vmax.f32 v10, $0.0e+00  }
0x395: {  	v10 =	vld [tilespmem:s1+$0xFFFFFF40];
	[tilespmem:s1+$0xC0] =	vst v4;
	v4 =	vmax.f32 v8, $0.0e+00  }
0x396: {  	v8 =	vld [tilespmem:s1+$0xFFFFFF50];
	[tilespmem:s1+$0xD0] =	vst v4;
	v4 =	vmax.f32 v9, $0.0e+00  }
0x397: {  	s7 =	sadd.s32 $0x200, s7;
	v9 =	vmax.f32 v11, $0.0e+00;
	v11 =	vld [tilespmem:s1+$0xFFFFFF60];
	[tilespmem:s1+$0xE0] =	vst v4  }
0x398: {  	[tilespmem:s1+$0xFFFFFF10] =	vst v9;
	v4 =	vmax.f32 v12, $0.0e+00;
	v9 =	vld [tilespmem:s7+$0x80]  }
0x399: {  	[tilespmem:s1+$0xFFFFFF20] =	vst v4;
	v4 =	vmax.f32 v7, $0.0e+00;
	v7 =	vld [tilespmem:s1+$0xFFFFFF80]  }
0x39a: {  	[tilespmem:s1+$0xFFFFFF30] =	vst v4;
	v4 =	vmax.f32 v10, $0.0e+00;
	v10 =	vld [tilespmem:s1+$0xF0]  }
0x39b: {  	[tilespmem:s1+$0xFFFFFF40] =	vst v4;
	v4 =	vmax.f32 v8, $0.0e+00;
	v8 =	vld [tilespmem:s1+$0xFFFFFF90]  }
0x39c: {  	[tilespmem:s1+$0xFFFFFF50] =	vst v4;
	v4 =	vmax.f32 v11, $0.0e+00;
	v11 =	vld [tilespmem:s1+$0xFFFFFFA0]  }
0x39d: {  	[tilespmem:s1+$0xFFFFFF60] =	vst v4;
	v4 =	vld [tilespmem:s1+$0xFFFFFFB0];
	v9 =	vmul.f32 v9, v1  }
0x39e: {  	v7 =	vmax.f32 v7, $0.0e+00;
	v12 =	vld [tilespmem:s1+$0xFFFFFFC0];
	[tilespmem:s4+$0xFFFFFFF0] =	vst v5  }
0x39f: {  	[tilespmem:s1+$0xFFFFFF80] =	vst v7;
	v5 =	vld [tilespmem:s1+$0xFFFFFFD0];
	v7 =	vadd.f32 v9, v10  }
0x3a0: {  	v8 =	vmax.f32 v8, $0.0e+00;
	v9 =	vld [tilespmem:s1+$0xFFFFFFE0];
	[tilespmem:s0+$0x70] =	vst v6;
	s0 =	smov.u32 s4;
	s4 =	smov.u32 s1  }
0x3a1: {  	[tilespmem:s1+$0xFFFFFF90] =	vst v8;
	v6 =	vmax.f32 v11, $0.0e+00;
	v8 =	vld [tilespmem:s1+$0x0];
	v7 =	vmax.f32 v7, $0.0e+00  }
0x3a2: {  	v4 =	vmax.f32 v4, $0.0e+00;
	v10 =	vld [tilespmem:s1+$0x10];
	[tilespmem:s1+$0xF0] =	vst v7  }
0x3a3: {  	[tilespmem:s1+$0xFFFFFFA0] =	vst v6;
	v6 =	vmax.f32 v12, $0.0e+00;
	v7 =	vld [tilespmem:s1+$0x20]  }
0x3a4: {  	[tilespmem:s1+$0xFFFFFFB0] =	vst v4;
	v4 =	vmax.f32 v5, $0.0e+00;
	v5 =	vld [tilespmem:s1+$0x30]  }
0x3a5: {  	[tilespmem:s1+$0xFFFFFFC0] =	vst v6;
	v6 =	vmax.f32 v9, $0.0e+00;
	v9 =	vld [tilespmem:s1+$0x40]  }
0x3a6: {  	[tilespmem:s1+$0xFFFFFFD0] =	vst v4;
	v4 =	vmax.f32 v8, $0.0e+00;
	v8 =	vld [tilespmem:s1+$0x50]  }
0x3a7: {  	[tilespmem:s1+$0xFFFFFFE0] =	vst v6;
	v6 =	vmax.f32 v10, $0.0e+00;
	v10 =	vld [tilespmem:s1+$0x60]  }
0x3a8: {  	v11 =	vld [tilespmem:s1+$0xFFFFFF00];
	[tilespmem:s1+$0x0] =	vst v4;
	v4 =	vmax.f32 v7, $0.0e+00  }
0x3a9: {  	[tilespmem:s1+$0x10] =	vst v6;
	v6 =	vmax.f32 v5, $0.0e+00;
	v12 =	vld [tilespmem:s19+$0xFFFFFF00]  }
.Ltmp8:
0x3aa: {  	v5 =	vld [tilespmem:s7+$0xFFFFFF80];
	[tilespmem:s1+$0x20] =	vst v4;
	v7 =	vmax.f32 v9, $0.0e+00;
	(pc) =	sbr.rel @p1 .LBB2_19-.Ltmp8, $4  }
0x3ab: {  	[tilespmem:s1+$0x30] =	vst v6;
	v13 =	vmax.f32 v8, $0.0e+00;
	v6 =	vld [tilespmem:s19+$0x0];
	s19 =	smov.u32 s7  }
0x3ac: {  	v4 =	vld [tilespmem:s1+$0xFFFFFF70];
	[tilespmem:s1+$0x40] =	vst v7;
	v9 =	vmax.f32 v10, $0.0e+00  }
0x3ad: {  	v7 =	vmax.f32 v11, $0.0e+00;
	v8 =	vld [tilespmem:s1+$0xFFFFFFF0];
	[tilespmem:s1+$0x50] =	vst v13  }
0x3ae: {  	s1 =	sadd.s32 $0x200, s1;
	[tilespmem:s4+$0xFFFFFF00] =	vst v7;
	v7 =	vld [tilespmem:s4+$0x70];
	v10 =	vmul.f32 v12, v1  }
0x3af: {  	[tilespmem:s4+$0x60] =	vst v9;
	v9 =	vld [tilespmem:s19+$0xFFFFFF00]  }
0x3b0: {  	v11 =	vld [tilespmem:s19+$0x0];
	_ =	sdelay $0x1  }
0x3b1: {  	v5 =	vmul.f32 v5, v1  }
0x3b2: {  	v2 =	vadd.f32 v10, v2;
	v6 =	vmul.f32 v6, v1  }
0x3b3: {  	v5 =	vadd.f32 v5, v8;
	v8 =	vmul.f32 v9, v1  }
0x3b4: {  	v2 =	vmax.f32 v2, $0.0e+00;
	v3 =	vadd.f32 v6, v3;
	v6 =	vmul.f32 v11, v1  }
0x3b5: {  	[tilespmem:s0+$0xFFFFFF70] =	vst v2;
	v2 =	vmax.f32 v5, $0.0e+00;
	v4 =	vadd.f32 v8, v4  }
0x3b6: {  	v3 =	vmax.f32 v3, $0.0e+00;
	[tilespmem:s4+$0xFFFFFFF0] =	vst v2;
	v2 =	vadd.f32 v6, v7  }
0x3b7: {  	[tilespmem:s0+$0x70] =	vst v3;
	v3 =	vmax.f32 v4, $0.0e+00  }
0x3b8: {  	[tilespmem:s4+$0xFFFFFF70] =	vst v3;
	v2 =	vmax.f32 v2, $0.0e+00  }
0x3b9: {  	[tilespmem:s4+$0x70] =	vst v2;
	s4 =	simm.s32 $0x14240  }
0x3ba: {  	[spmem:s31] =	stream.indirect.scatter.add.f32 [tilespmem:s23], [sflag:$0x9], $0x80, s4, s28, $0xb8;
	[tilespmem:$0x1E3C0] =	vst v63  }
0x3bb: {  	_ =	swait.ge [sflag:s9], $0x2800  }
0x3bc: {  	[sflag:s9] =	ssyncset.done $0x0  }
0x3bd: {  	s7 =	simm.s32 $0x141C0;
	[sflag:s9] =	ssyncadd.s32 $0xFFFFD800  }
0x3be: {  	[tilespmem:s10], [sflag:$0x6] =	stream.indirect.gather.add.f32 [spmem:s2], $0x80, s7, s28, $0xb8;
	[tilespmem:$0x1E3C0] =	vst v63  }
0x3bf: {  	_ =	swait.ge [sflag:s18], $0x50  }
0x3c0: {  	[sflag:s18] =	ssyncset.done $0x0  }
0x3c1: {  	[sflag:s18] =	ssyncadd.s32 $0xFFFFFFB0  }
0x3c2: {  	_ =	swait.ge [sflag:s18], $0x50  }
0x3c3: {  	[sflag:s18] =	ssyncset.done $0x0  }
0x3c4: {  	[sflag:s18] =	ssyncadd.s32 $0xFFFFFFB0  }
0x3c5: {  	_ =	swait.ge [sflag:s18], $0x50  }
0x3c6: {  	[sflag:s18] =	ssyncset.done $0x0  }
0x3c7: {  	[sflag:s18] =	ssyncadd.s32 $0xFFFFFFB0  }
0x3c8: {  	_ =	swait.ge [sflag:s24], $0x2800  }
0x3c9: {  	[sflag:s24] =	ssyncset.done $0x0  }
0x3ca: {  	[sflag:s24] =	ssyncadd.s32 $0xFFFFD800  }
0x3cb: {  	v2 =	vld [tilespmem:$0x13C40]  }
0x3cc: {  	v3 =	vld [tilespmem:$0x13D40]  }
0x3cd: {  	v4 =	vld [tilespmem:$0x13CC0]  }
0x3ce: {  	v5 =	vld [tilespmem:$0x13C50]  }
0x3cf: {  	v6 =	vld [tilespmem:$0x13D50]  }
0x3d0: {  	v7 =	vld [tilespmem:$0x13CD0]  }
0x3d1: {  	v2 =	vshll.u32 v2, $0x1  }
0x3d2: {  	v8 =	vld [tilespmem:$0x13C60];
	v3 =	vshll.u32 v3, $0x1;
	[tilespmem:$0x14240] =	vst v4;
	v2 =	vor.u32 v0, v2  }
0x3d3: {  	[tilespmem:$0x14040] =	vst v2;
	v2 =	vor.u32 v0, v3;
	v3 =	vld [tilespmem:$0x13D60]  }
0x3d4: {  	v4 =	vshll.u32 v6, $0x1;
	v6 =	vld [tilespmem:$0x13C70];
	[tilespmem:$0x140C0] =	vst v2;
	v2 =	vshll.u32 v5, $0x1  }
0x3d5: {  	[tilespmem:$0x14250] =	vst v7;
	v5 =	vld [tilespmem:$0x13CE0];
	v2 =	vor.u32 v0, v2  }
0x3d6: {  	[tilespmem:$0x14050] =	vst v2;
	v2 =	vor.u32 v0, v4;
	v4 =	vld [tilespmem:$0x13D70]  }
0x3d7: {  	v7 =	vld [tilespmem:$0x13C80];
	[tilespmem:$0x140D0] =	vst v2;
	v2 =	vshll.u32 v8, $0x1  }
0x3d8: {  	v8 =	vld [tilespmem:$0x13CF0];
	v2 =	vor.u32 v0, v2;
	v3 =	vshll.u32 v3, $0x1  }
0x3d9: {  	[tilespmem:$0x14060] =	vst v2;
	v2 =	vor.u32 v0, v3;
	v3 =	vld [tilespmem:$0x13D80]  }
0x3da: {  	[tilespmem:$0x140E0] =	vst v2;
	v2 =	vshll.u32 v6, $0x1  }
0x3db: {  	[tilespmem:$0x14260] =	vst v5;
	v2 =	vor.u32 v0, v2;
	v4 =	vshll.u32 v4, $0x1  }
0x3dc: {  	[tilespmem:$0x14070] =	vst v2;
	v2 =	vor.u32 v0, v4;
	v4 =	vld [tilespmem:$0x13D00]  }
0x3dd: {  	[tilespmem:$0x140F0] =	vst v2;
	v2 =	vshll.u32 v7, $0x1  }
0x3de: {  	[tilespmem:$0x14270] =	vst v8;
	v2 =	vor.u32 v0, v2;
	v3 =	vshll.u32 v3, $0x1  }
0x3df: {  	[tilespmem:$0x14080] =	vst v2;
	v2 =	vor.u32 v0, v3  }
0x3e0: {  	s22 =	sshll.u32 s30, $0x4;
	[tilespmem:$0x14100] =	vst v2  }
0x3e1: {  	s1 =	smin.u32 s5, $0x79;
	s19 =	simm.s32 $0x14040;
	s4 =	sld [smem:$0x7FC];
	[tilespmem:$0x14280] =	vst v4  }
0x3e2: {  	[tilespmem:s23], [sflag:$0x3] =	stream.indirect.gather [hbm4b:s13+s28], $0x80, s19, s28, $0xb8;
	[tilespmem:$0x1E3C0] =	vst v63  }
0x3e3: {  	s30 =	simm.s32 $0x19340;
	s1 =	smul.u32 $0x50, s1;
	s0 =	sadd.s32 s17, s22  }
0x3e4: {  	[tilespmem:s30], [sflag:$0x7] =	stream.linear.gather [hbm4b:s0+s3], $0x2800, $0x38;
	[tilespmem:$0x1E3C0] =	vst v63  }
0x3e5: {  	s0 =	sadd.s32 s1, s4  }
0x3e6: {  	s0 =	sshrl.u32 s0, $0x3  }
0x3e7: {  	s7 =	simm.s32 $0x13E40;
	s5 =	sadd.s32 s14, s0  }
0x3e8: {  	[tilespmem:s7], [sflag:$0x2] =	stream.linear.gather [hbm4b:s5+s3], $0x50, $0x38;
	[tilespmem:$0x1E3C0] =	vst v63  }
0x3e9: {  	s22 =	simm.s32 $0x13EC0;
	s19 =	sadd.s32 s15, s0  }
0x3ea: {  	[tilespmem:s22], [sflag:$0x2] =	stream.linear.gather [hbm4b:s19+s3], $0x50, $0x38;
	[tilespmem:$0x1E3C0] =	vst v63  }
0x3eb: {  	s30 =	simm.s32 $0x13F40;
	s0 =	sadd.s32 s16, s0  }
0x3ec: {  	[tilespmem:s30], [sflag:$0x2] =	stream.linear.gather [hbm4b:s0+s3], $0x50, $0x38;
	[tilespmem:$0x1E3C0] =	vst v63  }
0x3ed: {  	_ =	swait.ge [sflag:s25], $0x2800  }
0x3ee: {  	[sflag:s25] =	ssyncset.done $0x0  }
0x3ef: {  	[sflag:s25] =	ssyncadd.s32 $0xFFFFD800  }
0x3f0: {  	_ =	swait.ge [sflag:s26], $0x2800  }
0x3f1: {  	[sflag:s26] =	ssyncset.done $0x0  }
0x3f2: {  	s0 =	simm.s32 $0x16C40;
	[sflag:s26] =	ssyncadd.s32 $0xFFFFD800  }
0x3f3: {  	v2 =	vld [tilespmem:s0+$0x80]  }
0x3f4: {  	v3 =	vld [tilespmem:s0+$0x90]  }
0x3f5: {  	v4 =	vld [tilespmem:s0+$0xA0]  }
0x3f6: {  	v5 =	vld [tilespmem:s0+$0xB0]  }
0x3f7: {  	v6 =	vld [tilespmem:s0+$0xC0]  }
0x3f8: {  	v7 =	vld [tilespmem:s0+$0xD0]  }
0x3f9: {  	v8 =	vld [tilespmem:s0+$0xFFFFFF10]  }
0x3fa: {  	v10 =	vld [tilespmem:s0+$0xFFFFFF90]  }
0x3fb: {  	v11 =	vld [tilespmem:s0+$0xFFFFFFA0]  }
0x3fc: {  	v12 =	vld [tilespmem:s0+$0xF0]  }
0x3fd: {  	v14 =	vld [tilespmem:s0+$0xFFFFFFF0];
	v2 =	vmax.f32 v2, $0.0e+00  }
0x3fe: {  	v8 =	vmax.f32 v8, $0.0e+00;
	[tilespmem:s0+$0x80] =	vst v2;
	v2 =	vld [tilespmem:s0+$0xE0]  }
0x3ff: {  	v3 =	vmax.f32 v3, $0.0e+00;
	[tilespmem:s0+$0xFFFFFF10] =	vst v8;
	v8 =	vld [tilespmem:s0+$0xFFFFFFB0]  }
0x400: {  	[tilespmem:s0+$0x90] =	vst v3;
	v3 =	vmax.f32 v4, $0.0e+00;
	v4 =	vld [tilespmem:s0+$0xFFFFFF20]  }
0x401: {  	[tilespmem:s0+$0xA0] =	vst v3;
	v3 =	vmax.f32 v5, $0.0e+00;
	v5 =	vld [tilespmem:s0+$0xFFFFFF30]  }
0x402: {  	[tilespmem:s0+$0xB0] =	vst v3;
	v3 =	vmax.f32 v6, $0.0e+00;
	v6 =	vld [tilespmem:s0+$0xFFFFFF40]  }
0x403: {  	[tilespmem:s0+$0xC0] =	vst v3;
	v3 =	vmax.f32 v7, $0.0e+00;
	v7 =	vld [tilespmem:s0+$0xFFFFFF50];
	v2 =	vmax.f32 v2, $0.0e+00  }
0x404: {  	v8 =	vmax.f32 v8, $0.0e+00;
	[tilespmem:s0+$0xE0] =	vst v2;
	v2 =	vld [tilespmem:s0+$0xFFFFFF80]  }
0x405: {  	[tilespmem:s0+$0xFFFFFFB0] =	vst v8;
	v8 =	vld [tilespmem:s0+$0x50]  }
0x406: {  	[tilespmem:s0+$0xD0] =	vst v3;
	v3 =	vld [tilespmem:s0+$0xFFFFFF60];
	v5 =	vmax.f32 v5, $0.0e+00  }
0x407: {  	s7 =	simm.s32 $0x1BC40;
	[tilespmem:s0+$0xFFFFFF30] =	vst v5;
	v5 =	vld [tilespmem:s0+$0xFFFFFFD0]  }
0x408: {  	v4 =	vmax.f32 v4, $0.0e+00;
	v9 =	vld [tilespmem:s7+$0x80]  }
0x409: {  	[tilespmem:s0+$0xFFFFFF20] =	vst v4;
	v4 =	vld [tilespmem:s0+$0xFFFFFFC0];
	v2 =	vmax.f32 v2, $0.0e+00  }
0x40a: {  	s4 =	simm.s32 $0x16E40;
	v8 =	vmax.f32 v8, $0.0e+00;
	[tilespmem:s0+$0xFFFFFF80] =	vst v2;
	v2 =	vmax.f32 v6, $0.0e+00;
	v6 =	vld [tilespmem:s0+$0xFFFFFFE0]  }
0x40b: {  	[tilespmem:s0+$0x50] =	vst v8;
	v8 =	vld [tilespmem:s4+$0xD0]  }
0x40c: {  	v5 =	vmax.f32 v5, $0.0e+00;
	[tilespmem:s0+$0xFFFFFF40] =	vst v2;
	v2 =	vmax.f32 v7, $0.0e+00;
	v7 =	vld [tilespmem:s0+$0x10]  }
0x40d: {  	v9 =	vmul.f32 v9, v1;
	[tilespmem:s0+$0xFFFFFFD0] =	vst v5;
	v5 =	vld [tilespmem:s0+$0x60]  }
0x40e: {  	[tilespmem:s0+$0xFFFFFF50] =	vst v2;
	v2 =	vmax.f32 v3, $0.0e+00;
	v3 =	vld [tilespmem:s0+$0x0]  }
0x40f: {  	v9 =	vadd.f32 v9, v12;
	[tilespmem:s0+$0xFFFFFF60] =	vst v2;
	v2 =	vmax.f32 v10, $0.0e+00;
	v10 =	vld [tilespmem:s0+$0x20]  }
0x410: {  	[tilespmem:s0+$0xFFFFFF90] =	vst v2;
	v2 =	vmax.f32 v11, $0.0e+00;
	v11 =	vld [tilespmem:s0+$0x30]  }
0x411: {  	v9 =	vmax.f32 v9, $0.0e+00;
	[tilespmem:s0+$0xFFFFFFA0] =	vst v2;
	v2 =	vmax.f32 v4, $0.0e+00;
	v4 =	vld [tilespmem:s0+$0x40]  }
0x412: {  	[tilespmem:s0+$0xF0] =	vst v9;
	v9 =	vld [tilespmem:s4+$0xE0]  }
0x413: {  	v8 =	vmax.f32 v8, $0.0e+00;
	[tilespmem:s0+$0xFFFFFFC0] =	vst v2;
	v2 =	vmax.f32 v6, $0.0e+00;
	v6 =	vld [tilespmem:s0+$0xFFFFFF00]  }
0x414: {  	[tilespmem:s4+$0xD0] =	vst v8;
	v8 =	vld [tilespmem:s4+$0xFFFFFF50]  }
0x415: {  	v7 =	vmax.f32 v7, $0.0e+00;
	[tilespmem:s0+$0xFFFFFFE0] =	vst v2;
	v2 =	vld [tilespmem:s0+$0xFFFFFF70]  }
0x416: {  	v3 =	vmax.f32 v3, $0.0e+00;
	[tilespmem:s0+$0x10] =	vst v7;
	v7 =	vld [tilespmem:s4+$0x90]  }
0x417: {  	[tilespmem:s0+$0x0] =	vst v3;
	v3 =	vld [tilespmem:s4+$0x80];
	v10 =	vmax.f32 v10, $0.0e+00  }
0x418: {  	v11 =	vmax.f32 v11, $0.0e+00;
	[tilespmem:s0+$0x20] =	vst v10;
	v10 =	vld [tilespmem:s4+$0xA0]  }
0x419: {  	v4 =	vmax.f32 v4, $0.0e+00;
	[tilespmem:s0+$0x30] =	vst v11;
	v11 =	vld [tilespmem:s4+$0xB0]  }
0x41a: {  	v9 =	vmax.f32 v9, $0.0e+00;
	[tilespmem:s0+$0x40] =	vst v4;
	v4 =	vld [tilespmem:s4+$0xC0]  }
0x41b: {  	v13 =	vld [tilespmem:s7+$0xFFFFFF80];
	[tilespmem:s4+$0xE0] =	vst v9;
	v7 =	vmax.f32 v7, $0.0e+00  }
0x41c: {  	v9 =	vld [tilespmem:s4+$0xFFFFFF60];
	v3 =	vmax.f32 v3, $0.0e+00;
	[tilespmem:s4+$0x90] =	vst v7  }
0x41d: {  	v7 =	vld [tilespmem:s4+$0xFFFFFF10];
	[tilespmem:s4+$0x80] =	vst v3;
	v10 =	vmax.f32 v10, $0.0e+00  }
0x41e: {  	[tilespmem:s4+$0xA0] =	vst v10;
	v10 =	vld [tilespmem:s4+$0xFFFFFF20];
	v11 =	vmax.f32 v11, $0.0e+00  }
0x41f: {  	[tilespmem:s4+$0xB0] =	vst v11;
	v11 =	vld [tilespmem:s4+$0xFFFFFF30];
	v4 =	vmax.f32 v4, $0.0e+00  }
0x420: {  	s5 =	simm.s32 $0x1BE40;
	v6 =	vmax.f32 v6, $0.0e+00;
	[tilespmem:s4+$0xC0] =	vst v4;
	v4 =	vld [tilespmem:s4+$0xFFFFFF40]  }
0x421: {  	v5 =	vmax.f32 v5, $0.0e+00;
	[tilespmem:s0+$0xFFFFFF00] =	vst v6;
	v6 =	vld [tilespmem:s5+$0x80]  }
0x422: {  	[tilespmem:s0+$0x60] =	vst v5;
	v5 =	vmax.f32 v7, $0.0e+00;
	v7 =	vld [tilespmem:s4+$0xFFFFFF80]  }
0x423: {  	v63 =	vld [tilespmem:s7+$0xFFFFFF00];
	[tilespmem:s4+$0xFFFFFF10] =	vst v5;
	v5 =	vmax.f32 v10, $0.0e+00  }
0x424: {  	v10 =	vld [tilespmem:s4+$0xF0];
	[tilespmem:s4+$0xFFFFFF20] =	vst v5;
	v5 =	vmax.f32 v11, $0.0e+00  }
0x425: {  	v62 =	vmul.f32 v13, v1;
	v11 =	vld [tilespmem:s4+$0xFFFFFF90];
	[tilespmem:s4+$0xFFFFFF30] =	vst v5;
	v4 =	vmax.f32 v4, $0.0e+00  }
0x426: {  	v5 =	vld [tilespmem:s4+$0xFFFFFFA0];
	[tilespmem:s4+$0xFFFFFF40] =	vst v4;
	v4 =	vmax.f32 v8, $0.0e+00  }
0x427: {  	v3 =	vld [tilespmem:s0+$0x70];
	v12 =	vadd.f32 v62, v14;
	[tilespmem:s4+$0xFFFFFF50] =	vst v4;
	v4 =	vmul.f32 v6, v1;
	v6 =	vmax.f32 v7, $0.0e+00  }
0x428: {  	v8 =	vld [tilespmem:s4+$0xFFFFFFB0];
	[tilespmem:s4+$0xFFFFFF80] =	vst v6;
	v6 =	vmax.f32 v9, $0.0e+00  }
0x429: {  	v7 =	vld [tilespmem:s4+$0xFFFFFFC0];
	v9 =	vmax.f32 v12, $0.0e+00;
	[tilespmem:s4+$0xFFFFFF60] =	vst v6  }
0x42a: {  	v6 =	vld [tilespmem:s4+$0xFFFFFFD0];
	v4 =	vadd.f32 v4, v10;
	[tilespmem:s0+$0xFFFFFFF0] =	vst v9;
	v9 =	vmax.f32 v11, $0.0e+00  }
0x42b: {  	v10 =	vld [tilespmem:s4+$0xFFFFFFE0];
	[tilespmem:s4+$0xFFFFFF90] =	vst v9;
	v5 =	vmax.f32 v5, $0.0e+00  }
0x42c: {  	v9 =	vld [tilespmem:s4+$0x0];
	v4 =	vmax.f32 v4, $0.0e+00;
	[tilespmem:s4+$0xFFFFFFA0] =	vst v5  }
0x42d: {  	v11 =	vld [tilespmem:s4+$0x10];
	[tilespmem:s4+$0xF0] =	vst v4;
	v4 =	vmax.f32 v8, $0.0e+00  }
0x42e: {  	v5 =	vld [tilespmem:s4+$0x20];
	v7 =	vmax.f32 v7, $0.0e+00;
	[tilespmem:s4+$0xFFFFFFB0] =	vst v4  }
0x42f: {  	v4 =	vld [tilespmem:s4+$0x30];
	[tilespmem:s4+$0xFFFFFFC0] =	vst v7;
	v6 =	vmax.f32 v6, $0.0e+00  }
0x430: {  	v7 =	vld [tilespmem:s4+$0x40];
	v8 =	vmax.f32 v10, $0.0e+00;
	[tilespmem:s4+$0xFFFFFFD0] =	vst v6  }
0x431: {  	v6 =	vld [tilespmem:s4+$0x50];
	v9 =	vmax.f32 v9, $0.0e+00;
	[tilespmem:s4+$0xFFFFFFE0] =	vst v8  }
0x432: {  	v8 =	vmax.f32 v11, $0.0e+00;
	v11 =	vld [tilespmem:s4+$0xFFFFFF00];
	[tilespmem:s4+$0x0] =	vst v9  }
0x433: {  	v10 =	vld [tilespmem:s4+$0x60];
	v9 =	vmax.f32 v5, $0.0e+00;
	[tilespmem:s4+$0x10] =	vst v8  }
0x434: {  	v5 =	vld [tilespmem:s5+$0xFFFFFF80];
	[tilespmem:s4+$0x20] =	vst v9;
	v4 =	vmax.f32 v4, $0.0e+00  }
0x435: {  	v8 =	vmax.f32 v7, $0.0e+00;
	v7 =	vld [tilespmem:s7+$0x0];
	[tilespmem:s4+$0x30] =	vst v4  }
0x436: {  	v4 =	vld [tilespmem:s4+$0xFFFFFF70];
	[tilespmem:s4+$0x40] =	vst v8;
	v6 =	vmax.f32 v6, $0.0e+00  }
0x437: {  	v8 =	vld [tilespmem:s4+$0xFFFFFFF0];
	v11 =	vmax.f32 v11, $0.0e+00;
	[tilespmem:s4+$0x50] =	vst v6  }
0x438: {  	s1 =	simm.s32 $0x17040;
	s19 =	simm.s32 $0x1BE40;
	s7 =	simm.s32 $0x4;
	v9 =	vmax.f32 v10, $0.0e+00;
	v10 =	vmul.f32 v63, v1;
	[tilespmem:s4+$0xFFFFFF00] =	vst v11;
	v6 =	vld [tilespmem:s4+$0x70]  }
.LBB2_21:
0x439: {  	v11 =	vld [tilespmem:s1+$0x80];
	v5 =	vmul.f32 v5, v1;
	[tilespmem:s4+$0x60] =	vst v9  }
0x43a: {  	v9 =	vld [tilespmem:s1+$0x90];
	v10 =	vadd.f32 v10, v2;
	v7 =	vmul.f32 v7, v1  }
0x43b: {  	v12 =	vld [tilespmem:s1+$0xA0];
	v2 =	vmov v4  }
0x43c: {  	v4 =	vld [tilespmem:s1+$0xB0];
	v5 =	vadd.f32 v5, v8;
	v8 =	vmax.f32 v10, $0.0e+00;
	v7 =	vadd.f32 v7, v3  }
0x43d: {  	v10 =	vld [tilespmem:s1+$0xC0];
	[tilespmem:s0+$0xFFFFFF70] =	vst v8;
	v3 =	vmov v6  }
0x43e: {  	v6 =	vmax.f32 v11, $0.0e+00;
	v8 =	vld [tilespmem:s1+$0xD0];
	v5 =	vmax.f32 v5, $0.0e+00;
	v7 =	vmax.f32 v7, $0.0e+00  }
0x43f: {  	s7 =	sadd.s32 $0x4, s7;
	[tilespmem:s1+$0x80] =	vst v6;
	v6 =	vmax.f32 v9, $0.0e+00;
	v9 =	vld [tilespmem:s1+$0xE0]  }
0x440: {  	p1 =	slt.u32 s7, $0x4C;
	v11 =	vld [tilespmem:s1+$0xFFFFFF10];
	[tilespmem:s1+$0x90] =	vst v6;
	v6 =	vmax.f32 v12, $0.0e+00  }
0x441: {  	v12 =	vld [tilespmem:s1+$0xFFFFFF20];
	[tilespmem:s1+$0xA0] =	vst v6;
	v4 =	vmax.f32 v4, $0.0e+00  }
0x442: {  	v6 =	vld [tilespmem:s1+$0xFFFFFF30];
	[tilespmem:s1+$0xB0] =	vst v4;
	v4 =	vmax.f32 v10, $0.0e+00  }
0x443: {  	v10 =	vld [tilespmem:s1+$0xFFFFFF40];
	[tilespmem:s1+$0xC0] =	vst v4;
	v4 =	vmax.f32 v8, $0.0e+00  }
0x444: {  	v8 =	vld [tilespmem:s1+$0xFFFFFF50];
	[tilespmem:s1+$0xD0] =	vst v4;
	v4 =	vmax.f32 v9, $0.0e+00  }
0x445: {  	s5 =	sadd.s32 $0x200, s5;
	v9 =	vmax.f32 v11, $0.0e+00;
	v11 =	vld [tilespmem:s1+$0xFFFFFF60];
	[tilespmem:s1+$0xE0] =	vst v4  }
0x446: {  	[tilespmem:s1+$0xFFFFFF10] =	vst v9;
	v4 =	vmax.f32 v12, $0.0e+00;
	v9 =	vld [tilespmem:s5+$0x80]  }
0x447: {  	[tilespmem:s1+$0xFFFFFF20] =	vst v4;
	v4 =	vmax.f32 v6, $0.0e+00;
	v6 =	vld [tilespmem:s1+$0xFFFFFF80]  }
0x448: {  	[tilespmem:s1+$0xFFFFFF30] =	vst v4;
	v4 =	vmax.f32 v10, $0.0e+00;
	v10 =	vld [tilespmem:s1+$0xF0]  }
0x449: {  	[tilespmem:s1+$0xFFFFFF40] =	vst v4;
	v4 =	vmax.f32 v8, $0.0e+00;
	v8 =	vld [tilespmem:s1+$0xFFFFFF90]  }
0x44a: {  	[tilespmem:s1+$0xFFFFFF50] =	vst v4;
	v4 =	vmax.f32 v11, $0.0e+00;
	v11 =	vld [tilespmem:s1+$0xFFFFFFA0]  }
0x44b: {  	[tilespmem:s1+$0xFFFFFF60] =	vst v4;
	v4 =	vld [tilespmem:s1+$0xFFFFFFB0];
	v9 =	vmul.f32 v9, v1  }
0x44c: {  	v6 =	vmax.f32 v6, $0.0e+00;
	v12 =	vld [tilespmem:s1+$0xFFFFFFC0];
	[tilespmem:s4+$0xFFFFFFF0] =	vst v5  }
0x44d: {  	[tilespmem:s1+$0xFFFFFF80] =	vst v6;
	v5 =	vld [tilespmem:s1+$0xFFFFFFD0];
	v6 =	vadd.f32 v9, v10  }
0x44e: {  	v8 =	vmax.f32 v8, $0.0e+00;
	v9 =	vld [tilespmem:s1+$0xFFFFFFE0];
	[tilespmem:s0+$0x70] =	vst v7;
	s0 =	smov.u32 s4;
	s4 =	smov.u32 s1  }
0x44f: {  	[tilespmem:s1+$0xFFFFFF90] =	vst v8;
	v7 =	vmax.f32 v11, $0.0e+00;
	v8 =	vld [tilespmem:s1+$0x0];
	v6 =	vmax.f32 v6, $0.0e+00  }
0x450: {  	v4 =	vmax.f32 v4, $0.0e+00;
	v10 =	vld [tilespmem:s1+$0x10];
	[tilespmem:s1+$0xF0] =	vst v6  }
0x451: {  	[tilespmem:s1+$0xFFFFFFA0] =	vst v7;
	v6 =	vmax.f32 v12, $0.0e+00;
	v7 =	vld [tilespmem:s1+$0x20]  }
0x452: {  	[tilespmem:s1+$0xFFFFFFB0] =	vst v4;
	v4 =	vmax.f32 v5, $0.0e+00;
	v5 =	vld [tilespmem:s1+$0x30]  }
0x453: {  	[tilespmem:s1+$0xFFFFFFC0] =	vst v6;
	v6 =	vmax.f32 v9, $0.0e+00;
	v9 =	vld [tilespmem:s1+$0x40]  }
0x454: {  	[tilespmem:s1+$0xFFFFFFD0] =	vst v4;
	v4 =	vmax.f32 v8, $0.0e+00;
	v8 =	vld [tilespmem:s1+$0x50]  }
0x455: {  	[tilespmem:s1+$0xFFFFFFE0] =	vst v6;
	v6 =	vmax.f32 v10, $0.0e+00;
	v10 =	vld [tilespmem:s1+$0x60]  }
0x456: {  	v11 =	vld [tilespmem:s1+$0xFFFFFF00];
	[tilespmem:s1+$0x0] =	vst v4;
	v4 =	vmax.f32 v7, $0.0e+00  }
0x457: {  	[tilespmem:s1+$0x10] =	vst v6;
	v6 =	vmax.f32 v5, $0.0e+00;
	v12 =	vld [tilespmem:s19+$0xFFFFFF00]  }
.Ltmp9:
0x458: {  	v5 =	vld [tilespmem:s5+$0xFFFFFF80];
	[tilespmem:s1+$0x20] =	vst v4;
	v9 =	vmax.f32 v9, $0.0e+00;
	(pc) =	sbr.rel @p1 .LBB2_21-.Ltmp9, $4  }
0x459: {  	[tilespmem:s1+$0x30] =	vst v6;
	v6 =	vmax.f32 v8, $0.0e+00;
	v7 =	vld [tilespmem:s19+$0x0];
	s19 =	smov.u32 s5  }
0x45a: {  	v4 =	vld [tilespmem:s1+$0xFFFFFF70];
	[tilespmem:s1+$0x40] =	vst v9;
	v9 =	vmax.f32 v10, $0.0e+00  }
0x45b: {  	v10 =	vmax.f32 v11, $0.0e+00;
	v8 =	vld [tilespmem:s1+$0xFFFFFFF0];
	[tilespmem:s1+$0x50] =	vst v6  }
0x45c: {  	s1 =	sadd.s32 $0x200, s1;
	[tilespmem:s4+$0xFFFFFF00] =	vst v10;
	v6 =	vld [tilespmem:s4+$0x70];
	v10 =	vmul.f32 v12, v1  }
0x45d: {  	[tilespmem:s4+$0x60] =	vst v9;
	v61 =	vld [tilespmem:s19+$0xFFFFFF00]  }
0x45e: {  	v11 =	vld [tilespmem:s19+$0x0];
	_ =	sdelay $0x1  }
0x45f: {  	v5 =	vmul.f32 v5, v1  }
0x460: {  	v2 =	vadd.f32 v10, v2;
	v7 =	vmul.f32 v7, v1  }
0x461: {  	v5 =	vadd.f32 v5, v8;
	v62 =	vmul.f32 v61, v1  }
0x462: {  	v2 =	vmax.f32 v2, $0.0e+00;
	v3 =	vadd.f32 v7, v3;
	v63 =	vmul.f32 v11, v1  }
0x463: {  	[tilespmem:s0+$0xFFFFFF70] =	vst v2;
	v2 =	vmax.f32 v5, $0.0e+00;
	v4 =	vadd.f32 v62, v4  }
0x464: {  	v3 =	vmax.f32 v3, $0.0e+00;
	[tilespmem:s4+$0xFFFFFFF0] =	vst v2;
	v2 =	vadd.f32 v63, v6  }
0x465: {  	[tilespmem:s0+$0x70] =	vst v3;
	v3 =	vmax.f32 v4, $0.0e+00  }
0x466: {  	s29 =	sadd.s32 $0x1, s29;
	[tilespmem:s4+$0xFFFFFF70] =	vst v3;
	v2 =	vmax.f32 v2, $0.0e+00  }
0x467: {  	s22 =	simm.s32 $0x142C0;
	p1 =	sne.s32 s29, $0x3E;
	[tilespmem:s4+$0x70] =	vst v2  }
0x468: {  	[spmem:s31] =	stream.indirect.scatter.add.f32 [tilespmem:s10], [sflag:$0xA], $0x80, s22, s28, $0xb8;
	[tilespmem:$0x1E3C0] =	vst v63  }
.Ltmp10:
0x469: {  	_ = 	snop;
	(pc) =	sbr.rel @p1 .LBB2_18-.Ltmp10, $4  }
0x46a: {  	_ =	swait.ge [sflag:s6], $0x2800  }
0x46b: {  	[sflag:s6] =	ssyncset.done $0x0  }
0x46c: {  	s30 =	simm.s32 $0x140C0;
	[sflag:s6] =	ssyncadd.s32 $0xFFFFD800  }
0x46d: {  	[tilespmem:s23], [sflag:$0x5] =	stream.indirect.gather.add.f32 [spmem:s2], $0x80, s30, s28, $0xb8;
	[tilespmem:$0x1E3C0] =	vst v63  }
0x46e: {  	_ =	swait.ge [sflag:s21], $0x2800  }
0x46f: {  	[sflag:s21] =	ssyncset.done $0x0  }
0x470: {  	[sflag:s21] =	ssyncadd.s32 $0xFFFFD800  }
0x471: {  	_ =	swait.ge [sflag:s20], $0x2800  }
0x472: {  	[sflag:s20] =	ssyncset.done $0x0  }
0x473: {  	s0 =	simm.s32 $0x14440;
	[sflag:s20] =	ssyncadd.s32 $0xFFFFD800  }
0x474: {  	v2 =	vld [tilespmem:s0+$0x80]  }
0x475: {  	v3 =	vld [tilespmem:s0+$0x90]  }
0x476: {  	v4 =	vld [tilespmem:s0+$0xA0]  }
0x477: {  	v5 =	vld [tilespmem:s0+$0xB0]  }
0x478: {  	v6 =	vld [tilespmem:s0+$0xC0]  }
0x479: {  	v7 =	vld [tilespmem:s0+$0xD0]  }
0x47a: {  	v8 =	vld [tilespmem:s0+$0xFFFFFF10]  }
0x47b: {  	v10 =	vld [tilespmem:s0+$0xFFFFFF90]  }
0x47c: {  	v11 =	vld [tilespmem:s0+$0xFFFFFFA0]  }
0x47d: {  	v12 =	vld [tilespmem:s0+$0xF0]  }
0x47e: {  	v14 =	vld [tilespmem:s0+$0xFFFFFFF0];
	v2 =	vmax.f32 v2, $0.0e+00  }
0x47f: {  	v8 =	vmax.f32 v8, $0.0e+00;
	[tilespmem:s0+$0x80] =	vst v2;
	v2 =	vld [tilespmem:s0+$0xE0]  }
0x480: {  	v3 =	vmax.f32 v3, $0.0e+00;
	[tilespmem:s0+$0xFFFFFF10] =	vst v8;
	v8 =	vld [tilespmem:s0+$0xFFFFFFB0]  }
0x481: {  	[tilespmem:s0+$0x90] =	vst v3;
	v3 =	vmax.f32 v4, $0.0e+00;
	v4 =	vld [tilespmem:s0+$0xFFFFFF20]  }
0x482: {  	[tilespmem:s0+$0xA0] =	vst v3;
	v3 =	vmax.f32 v5, $0.0e+00;
	v5 =	vld [tilespmem:s0+$0xFFFFFF30]  }
0x483: {  	[tilespmem:s0+$0xB0] =	vst v3;
	v3 =	vmax.f32 v6, $0.0e+00;
	v6 =	vld [tilespmem:s0+$0xFFFFFF40]  }
0x484: {  	[tilespmem:s0+$0xC0] =	vst v3;
	v3 =	vmax.f32 v7, $0.0e+00;
	v7 =	vld [tilespmem:s0+$0xFFFFFF50];
	v2 =	vmax.f32 v2, $0.0e+00  }
0x485: {  	v8 =	vmax.f32 v8, $0.0e+00;
	[tilespmem:s0+$0xE0] =	vst v2;
	v2 =	vld [tilespmem:s0+$0xFFFFFF80]  }
0x486: {  	[tilespmem:s0+$0xFFFFFFB0] =	vst v8;
	v8 =	vld [tilespmem:s0+$0x50]  }
0x487: {  	[tilespmem:s0+$0xD0] =	vst v3;
	v3 =	vld [tilespmem:s0+$0xFFFFFF60];
	v5 =	vmax.f32 v5, $0.0e+00  }
0x488: {  	s7 =	simm.s32 $0x19440;
	[tilespmem:s0+$0xFFFFFF30] =	vst v5;
	v5 =	vld [tilespmem:s0+$0xFFFFFFD0]  }
0x489: {  	v4 =	vmax.f32 v4, $0.0e+00;
	v9 =	vld [tilespmem:s7+$0x80]  }
0x48a: {  	[tilespmem:s0+$0xFFFFFF20] =	vst v4;
	v4 =	vld [tilespmem:s0+$0xFFFFFFC0];
	v2 =	vmax.f32 v2, $0.0e+00  }
0x48b: {  	s4 =	simm.s32 $0x14640;
	v8 =	vmax.f32 v8, $0.0e+00;
	[tilespmem:s0+$0xFFFFFF80] =	vst v2;
	v2 =	vmax.f32 v6, $0.0e+00;
	v6 =	vld [tilespmem:s0+$0xFFFFFFE0]  }
0x48c: {  	[tilespmem:s0+$0x50] =	vst v8;
	v8 =	vld [tilespmem:s4+$0xD0]  }
0x48d: {  	v5 =	vmax.f32 v5, $0.0e+00;
	[tilespmem:s0+$0xFFFFFF40] =	vst v2;
	v2 =	vmax.f32 v7, $0.0e+00;
	v7 =	vld [tilespmem:s0+$0x10]  }
0x48e: {  	v9 =	vmul.f32 v9, v1;
	[tilespmem:s0+$0xFFFFFFD0] =	vst v5;
	v5 =	vld [tilespmem:s0+$0x60]  }
0x48f: {  	[tilespmem:s0+$0xFFFFFF50] =	vst v2;
	v2 =	vmax.f32 v3, $0.0e+00;
	v3 =	vld [tilespmem:s0+$0x0]  }
0x490: {  	v9 =	vadd.f32 v9, v12;
	[tilespmem:s0+$0xFFFFFF60] =	vst v2;
	v2 =	vmax.f32 v10, $0.0e+00;
	v10 =	vld [tilespmem:s0+$0x20]  }
0x491: {  	[tilespmem:s0+$0xFFFFFF90] =	vst v2;
	v2 =	vmax.f32 v11, $0.0e+00;
	v11 =	vld [tilespmem:s0+$0x30]  }
0x492: {  	v9 =	vmax.f32 v9, $0.0e+00;
	[tilespmem:s0+$0xFFFFFFA0] =	vst v2;
	v2 =	vmax.f32 v4, $0.0e+00;
	v4 =	vld [tilespmem:s0+$0x40]  }
0x493: {  	[tilespmem:s0+$0xF0] =	vst v9;
	v9 =	vld [tilespmem:s4+$0xE0]  }
0x494: {  	v8 =	vmax.f32 v8, $0.0e+00;
	[tilespmem:s0+$0xFFFFFFC0] =	vst v2;
	v2 =	vmax.f32 v6, $0.0e+00;
	v6 =	vld [tilespmem:s0+$0xFFFFFF00]  }
0x495: {  	[tilespmem:s4+$0xD0] =	vst v8;
	v8 =	vld [tilespmem:s4+$0xFFFFFF50]  }
0x496: {  	v7 =	vmax.f32 v7, $0.0e+00;
	[tilespmem:s0+$0xFFFFFFE0] =	vst v2;
	v2 =	vld [tilespmem:s0+$0xFFFFFF70]  }
0x497: {  	v3 =	vmax.f32 v3, $0.0e+00;
	[tilespmem:s0+$0x10] =	vst v7;
	v7 =	vld [tilespmem:s4+$0x90]  }
0x498: {  	[tilespmem:s0+$0x0] =	vst v3;
	v3 =	vld [tilespmem:s4+$0x80];
	v10 =	vmax.f32 v10, $0.0e+00  }
0x499: {  	v11 =	vmax.f32 v11, $0.0e+00;
	[tilespmem:s0+$0x20] =	vst v10;
	v10 =	vld [tilespmem:s4+$0xA0]  }
0x49a: {  	v4 =	vmax.f32 v4, $0.0e+00;
	[tilespmem:s0+$0x30] =	vst v11;
	v11 =	vld [tilespmem:s4+$0xB0]  }
0x49b: {  	v9 =	vmax.f32 v9, $0.0e+00;
	[tilespmem:s0+$0x40] =	vst v4;
	v4 =	vld [tilespmem:s4+$0xC0]  }
0x49c: {  	v13 =	vld [tilespmem:s7+$0xFFFFFF80];
	[tilespmem:s4+$0xE0] =	vst v9;
	v7 =	vmax.f32 v7, $0.0e+00  }
0x49d: {  	v9 =	vld [tilespmem:s4+$0xFFFFFF60];
	v3 =	vmax.f32 v3, $0.0e+00;
	[tilespmem:s4+$0x90] =	vst v7  }
0x49e: {  	v7 =	vld [tilespmem:s4+$0xFFFFFF10];
	[tilespmem:s4+$0x80] =	vst v3;
	v10 =	vmax.f32 v10, $0.0e+00  }
0x49f: {  	[tilespmem:s4+$0xA0] =	vst v10;
	v10 =	vld [tilespmem:s4+$0xFFFFFF20];
	v11 =	vmax.f32 v11, $0.0e+00  }
0x4a0: {  	[tilespmem:s4+$0xB0] =	vst v11;
	v11 =	vld [tilespmem:s4+$0xFFFFFF30];
	v4 =	vmax.f32 v4, $0.0e+00  }
0x4a1: {  	s5 =	simm.s32 $0x19640;
	v6 =	vmax.f32 v6, $0.0e+00;
	[tilespmem:s4+$0xC0] =	vst v4;
	v4 =	vld [tilespmem:s4+$0xFFFFFF40]  }
0x4a2: {  	v5 =	vmax.f32 v5, $0.0e+00;
	[tilespmem:s0+$0xFFFFFF00] =	vst v6;
	v6 =	vld [tilespmem:s5+$0x80]  }
0x4a3: {  	[tilespmem:s0+$0x60] =	vst v5;
	v5 =	vmax.f32 v7, $0.0e+00;
	v7 =	vld [tilespmem:s4+$0xFFFFFF80]  }
0x4a4: {  	v63 =	vld [tilespmem:s7+$0xFFFFFF00];
	[tilespmem:s4+$0xFFFFFF10] =	vst v5;
	v5 =	vmax.f32 v10, $0.0e+00  }
0x4a5: {  	v10 =	vld [tilespmem:s4+$0xF0];
	[tilespmem:s4+$0xFFFFFF20] =	vst v5;
	v5 =	vmax.f32 v11, $0.0e+00  }
0x4a6: {  	v62 =	vmul.f32 v13, v1;
	v11 =	vld [tilespmem:s4+$0xFFFFFF90];
	[tilespmem:s4+$0xFFFFFF30] =	vst v5;
	v4 =	vmax.f32 v4, $0.0e+00  }
0x4a7: {  	v5 =	vld [tilespmem:s4+$0xFFFFFFA0];
	[tilespmem:s4+$0xFFFFFF40] =	vst v4;
	v4 =	vmax.f32 v8, $0.0e+00  }
0x4a8: {  	v3 =	vld [tilespmem:s0+$0x70];
	v12 =	vadd.f32 v62, v14;
	[tilespmem:s4+$0xFFFFFF50] =	vst v4;
	v4 =	vmul.f32 v6, v1;
	v6 =	vmax.f32 v7, $0.0e+00  }
0x4a9: {  	v8 =	vld [tilespmem:s4+$0xFFFFFFB0];
	[tilespmem:s4+$0xFFFFFF80] =	vst v6;
	v6 =	vmax.f32 v9, $0.0e+00  }
0x4aa: {  	v7 =	vld [tilespmem:s4+$0xFFFFFFC0];
	v9 =	vmax.f32 v12, $0.0e+00;
	[tilespmem:s4+$0xFFFFFF60] =	vst v6  }
0x4ab: {  	v6 =	vld [tilespmem:s4+$0xFFFFFFD0];
	v4 =	vadd.f32 v4, v10;
	[tilespmem:s0+$0xFFFFFFF0] =	vst v9;
	v9 =	vmax.f32 v11, $0.0e+00  }
0x4ac: {  	v10 =	vld [tilespmem:s4+$0xFFFFFFE0];
	[tilespmem:s4+$0xFFFFFF90] =	vst v9;
	v5 =	vmax.f32 v5, $0.0e+00  }
0x4ad: {  	v9 =	vld [tilespmem:s4+$0x0];
	v4 =	vmax.f32 v4, $0.0e+00;
	[tilespmem:s4+$0xFFFFFFA0] =	vst v5  }
0x4ae: {  	v11 =	vld [tilespmem:s4+$0x10];
	[tilespmem:s4+$0xF0] =	vst v4;
	v4 =	vmax.f32 v8, $0.0e+00  }
0x4af: {  	v5 =	vld [tilespmem:s4+$0x20];
	v7 =	vmax.f32 v7, $0.0e+00;
	[tilespmem:s4+$0xFFFFFFB0] =	vst v4  }
0x4b0: {  	v4 =	vld [tilespmem:s4+$0x30];
	[tilespmem:s4+$0xFFFFFFC0] =	vst v7;
	v6 =	vmax.f32 v6, $0.0e+00  }
0x4b1: {  	v7 =	vld [tilespmem:s4+$0x40];
	v8 =	vmax.f32 v10, $0.0e+00;
	[tilespmem:s4+$0xFFFFFFD0] =	vst v6  }
0x4b2: {  	v6 =	vld [tilespmem:s4+$0x50];
	v9 =	vmax.f32 v9, $0.0e+00;
	[tilespmem:s4+$0xFFFFFFE0] =	vst v8  }
0x4b3: {  	v8 =	vmax.f32 v11, $0.0e+00;
	v11 =	vld [tilespmem:s4+$0xFFFFFF00];
	[tilespmem:s4+$0x0] =	vst v9  }
0x4b4: {  	v10 =	vld [tilespmem:s4+$0x60];
	v9 =	vmax.f32 v5, $0.0e+00;
	[tilespmem:s4+$0x10] =	vst v8  }
0x4b5: {  	v5 =	vld [tilespmem:s5+$0xFFFFFF80];
	[tilespmem:s4+$0x20] =	vst v9;
	v4 =	vmax.f32 v4, $0.0e+00  }
0x4b6: {  	v8 =	vmax.f32 v7, $0.0e+00;
	v7 =	vld [tilespmem:s7+$0x0];
	[tilespmem:s4+$0x30] =	vst v4  }
0x4b7: {  	v4 =	vld [tilespmem:s4+$0xFFFFFF70];
	[tilespmem:s4+$0x40] =	vst v8;
	v6 =	vmax.f32 v6, $0.0e+00  }
0x4b8: {  	v8 =	vld [tilespmem:s4+$0xFFFFFFF0];
	v11 =	vmax.f32 v11, $0.0e+00;
	[tilespmem:s4+$0x50] =	vst v6  }
0x4b9: {  	s1 =	simm.s32 $0x14840;
	s19 =	simm.s32 $0x19640;
	s7 =	simm.s32 $0x4;
	v9 =	vmax.f32 v10, $0.0e+00;
	v10 =	vmul.f32 v63, v1;
	[tilespmem:s4+$0xFFFFFF00] =	vst v11;
	v6 =	vld [tilespmem:s4+$0x70]  }
.LBB2_24:
0x4ba: {  	v11 =	vld [tilespmem:s1+$0x80];
	v5 =	vmul.f32 v5, v1;
	[tilespmem:s4+$0x60] =	vst v9  }
0x4bb: {  	v9 =	vld [tilespmem:s1+$0x90];
	v10 =	vadd.f32 v10, v2;
	v7 =	vmul.f32 v7, v1  }
0x4bc: {  	v12 =	vld [tilespmem:s1+$0xA0];
	v2 =	vmov v4  }
0x4bd: {  	v4 =	vld [tilespmem:s1+$0xB0];
	v5 =	vadd.f32 v5, v8;
	v8 =	vmax.f32 v10, $0.0e+00;
	v7 =	vadd.f32 v7, v3  }
0x4be: {  	v10 =	vld [tilespmem:s1+$0xC0];
	[tilespmem:s0+$0xFFFFFF70] =	vst v8;
	v3 =	vmov v6  }
0x4bf: {  	v6 =	vmax.f32 v11, $0.0e+00;
	v8 =	vld [tilespmem:s1+$0xD0];
	v5 =	vmax.f32 v5, $0.0e+00;
	v7 =	vmax.f32 v7, $0.0e+00  }
0x4c0: {  	s7 =	sadd.s32 $0x4, s7;
	[tilespmem:s1+$0x80] =	vst v6;
	v6 =	vmax.f32 v9, $0.0e+00;
	v9 =	vld [tilespmem:s1+$0xE0]  }
0x4c1: {  	p1 =	slt.u32 s7, $0x4C;
	v11 =	vld [tilespmem:s1+$0xFFFFFF10];
	[tilespmem:s1+$0x90] =	vst v6;
	v6 =	vmax.f32 v12, $0.0e+00  }
0x4c2: {  	v12 =	vld [tilespmem:s1+$0xFFFFFF20];
	[tilespmem:s1+$0xA0] =	vst v6;
	v4 =	vmax.f32 v4, $0.0e+00  }
0x4c3: {  	v6 =	vld [tilespmem:s1+$0xFFFFFF30];
	[tilespmem:s1+$0xB0] =	vst v4;
	v4 =	vmax.f32 v10, $0.0e+00  }
0x4c4: {  	v10 =	vld [tilespmem:s1+$0xFFFFFF40];
	[tilespmem:s1+$0xC0] =	vst v4;
	v4 =	vmax.f32 v8, $0.0e+00  }
0x4c5: {  	v8 =	vld [tilespmem:s1+$0xFFFFFF50];
	[tilespmem:s1+$0xD0] =	vst v4;
	v4 =	vmax.f32 v9, $0.0e+00  }
0x4c6: {  	s5 =	sadd.s32 $0x200, s5;
	v9 =	vmax.f32 v11, $0.0e+00;
	v11 =	vld [tilespmem:s1+$0xFFFFFF60];
	[tilespmem:s1+$0xE0] =	vst v4  }
0x4c7: {  	[tilespmem:s1+$0xFFFFFF10] =	vst v9;
	v4 =	vmax.f32 v12, $0.0e+00;
	v9 =	vld [tilespmem:s5+$0x80]  }
0x4c8: {  	[tilespmem:s1+$0xFFFFFF20] =	vst v4;
	v4 =	vmax.f32 v6, $0.0e+00;
	v6 =	vld [tilespmem:s1+$0xFFFFFF80]  }
0x4c9: {  	[tilespmem:s1+$0xFFFFFF30] =	vst v4;
	v4 =	vmax.f32 v10, $0.0e+00;
	v10 =	vld [tilespmem:s1+$0xF0]  }
0x4ca: {  	[tilespmem:s1+$0xFFFFFF40] =	vst v4;
	v4 =	vmax.f32 v8, $0.0e+00;
	v8 =	vld [tilespmem:s1+$0xFFFFFF90]  }
0x4cb: {  	[tilespmem:s1+$0xFFFFFF50] =	vst v4;
	v4 =	vmax.f32 v11, $0.0e+00;
	v11 =	vld [tilespmem:s1+$0xFFFFFFA0]  }
0x4cc: {  	[tilespmem:s1+$0xFFFFFF60] =	vst v4;
	v4 =	vld [tilespmem:s1+$0xFFFFFFB0];
	v9 =	vmul.f32 v9, v1  }
0x4cd: {  	v6 =	vmax.f32 v6, $0.0e+00;
	v12 =	vld [tilespmem:s1+$0xFFFFFFC0];
	[tilespmem:s4+$0xFFFFFFF0] =	vst v5  }
0x4ce: {  	[tilespmem:s1+$0xFFFFFF80] =	vst v6;
	v5 =	vld [tilespmem:s1+$0xFFFFFFD0];
	v6 =	vadd.f32 v9, v10  }
0x4cf: {  	v8 =	vmax.f32 v8, $0.0e+00;
	v9 =	vld [tilespmem:s1+$0xFFFFFFE0];
	[tilespmem:s0+$0x70] =	vst v7;
	s0 =	smov.u32 s4;
	s4 =	smov.u32 s1  }
0x4d0: {  	[tilespmem:s1+$0xFFFFFF90] =	vst v8;
	v7 =	vmax.f32 v11, $0.0e+00;
	v8 =	vld [tilespmem:s1+$0x0];
	v6 =	vmax.f32 v6, $0.0e+00  }
0x4d1: {  	v4 =	vmax.f32 v4, $0.0e+00;
	v10 =	vld [tilespmem:s1+$0x10];
	[tilespmem:s1+$0xF0] =	vst v6  }
0x4d2: {  	[tilespmem:s1+$0xFFFFFFA0] =	vst v7;
	v6 =	vmax.f32 v12, $0.0e+00;
	v7 =	vld [tilespmem:s1+$0x20]  }
0x4d3: {  	[tilespmem:s1+$0xFFFFFFB0] =	vst v4;
	v4 =	vmax.f32 v5, $0.0e+00;
	v5 =	vld [tilespmem:s1+$0x30]  }
0x4d4: {  	[tilespmem:s1+$0xFFFFFFC0] =	vst v6;
	v6 =	vmax.f32 v9, $0.0e+00;
	v9 =	vld [tilespmem:s1+$0x40]  }
0x4d5: {  	[tilespmem:s1+$0xFFFFFFD0] =	vst v4;
	v4 =	vmax.f32 v8, $0.0e+00;
	v8 =	vld [tilespmem:s1+$0x50]  }
0x4d6: {  	[tilespmem:s1+$0xFFFFFFE0] =	vst v6;
	v6 =	vmax.f32 v10, $0.0e+00;
	v10 =	vld [tilespmem:s1+$0x60]  }
0x4d7: {  	v11 =	vld [tilespmem:s1+$0xFFFFFF00];
	[tilespmem:s1+$0x0] =	vst v4;
	v4 =	vmax.f32 v7, $0.0e+00  }
0x4d8: {  	[tilespmem:s1+$0x10] =	vst v6;
	v6 =	vmax.f32 v5, $0.0e+00;
	v12 =	vld [tilespmem:s19+$0xFFFFFF00]  }
.Ltmp11:
0x4d9: {  	v5 =	vld [tilespmem:s5+$0xFFFFFF80];
	[tilespmem:s1+$0x20] =	vst v4;
	v9 =	vmax.f32 v9, $0.0e+00;
	(pc) =	sbr.rel @p1 .LBB2_24-.Ltmp11, $4  }
0x4da: {  	[tilespmem:s1+$0x30] =	vst v6;
	v6 =	vmax.f32 v8, $0.0e+00;
	v7 =	vld [tilespmem:s19+$0x0];
	s19 =	smov.u32 s5  }
0x4db: {  	v4 =	vld [tilespmem:s1+$0xFFFFFF70];
	[tilespmem:s1+$0x40] =	vst v9;
	v9 =	vmax.f32 v10, $0.0e+00  }
0x4dc: {  	v10 =	vmax.f32 v11, $0.0e+00;
	v8 =	vld [tilespmem:s1+$0xFFFFFFF0];
	[tilespmem:s1+$0x50] =	vst v6  }
0x4dd: {  	s1 =	sadd.s32 $0x200, s1;
	[tilespmem:s4+$0xFFFFFF00] =	vst v10;
	v6 =	vld [tilespmem:s4+$0x70];
	v10 =	vmul.f32 v12, v1  }
0x4de: {  	[tilespmem:s4+$0x60] =	vst v9;
	v61 =	vld [tilespmem:s19+$0xFFFFFF00]  }
0x4df: {  	v11 =	vld [tilespmem:s19+$0x0];
	_ =	sdelay $0x1  }
0x4e0: {  	v5 =	vmul.f32 v5, v1  }
0x4e1: {  	v2 =	vadd.f32 v10, v2;
	v7 =	vmul.f32 v7, v1  }
0x4e2: {  	v5 =	vadd.f32 v5, v8;
	v62 =	vmul.f32 v61, v1  }
0x4e3: {  	v2 =	vmax.f32 v2, $0.0e+00;
	v3 =	vadd.f32 v7, v3;
	v63 =	vmul.f32 v11, v1  }
0x4e4: {  	[tilespmem:s0+$0xFFFFFF70] =	vst v2;
	v2 =	vmax.f32 v5, $0.0e+00;
	v4 =	vadd.f32 v62, v4  }
0x4e5: {  	v3 =	vmax.f32 v3, $0.0e+00;
	[tilespmem:s4+$0xFFFFFFF0] =	vst v2;
	v2 =	vadd.f32 v63, v6  }
0x4e6: {  	[tilespmem:s0+$0x70] =	vst v3;
	v3 =	vmax.f32 v4, $0.0e+00  }
0x4e7: {  	[tilespmem:s4+$0xFFFFFF70] =	vst v3;
	v2 =	vmax.f32 v2, $0.0e+00  }
0x4e8: {  	s5 =	simm.s32 $0x14240;
	[tilespmem:s4+$0x70] =	vst v2  }
0x4e9: {  	[spmem:s31] =	stream.indirect.scatter.add.f32 [tilespmem:s23], [sflag:$0x9], $0x80, s5, s28, $0xb8;
	[tilespmem:$0x1E3C0] =	vst v63  }
0x4ea: {  	_ =	swait.ge [sflag:s24], $0x2800  }
0x4eb: {  	[sflag:s24] =	ssyncset.done $0x0  }
0x4ec: {  	s7 =	simm.s32 $0xA;
	[sflag:s24] =	ssyncadd.s32 $0xFFFFD800  }
0x4ed: {  	_ =	swait.ge [sflag:s7], $0x2800  }
0x4ee: {  	[sflag:s7] =	ssyncset.done $0x0  }
0x4ef: {  	[sflag:s7] =	ssyncadd.s32 $0xFFFFD800  }
0x4f0: {  	_ =	swait.ge [sflag:s8], $0x50  }
0x4f1: {  	[sflag:s8] =	ssyncset.done $0x0  }
0x4f2: {  	[sflag:s8] =	ssyncadd.s32 $0xFFFFFFB0  }
0x4f3: {  	_ =	swait.ge [sflag:s8], $0x50  }
0x4f4: {  	[sflag:s8] =	ssyncset.done $0x0  }
0x4f5: {  	[sflag:s8] =	ssyncadd.s32 $0xFFFFFFB0  }
0x4f6: {  	_ =	swait.ge [sflag:s8], $0x50  }
0x4f7: {  	[sflag:s8] =	ssyncset.done $0x0  }
0x4f8: {  	s19 =	stileid.u32;
	[sflag:s8] =	ssyncadd.s32 $0xFFFFFFB0  }
0x4f9: {  	s0 =	sshll.u32 s19, $0x6;
	[bflag:$0x0] =	sbarrier.arrive $0xFFFF  }
0x4fa: {  	s0 =	sor.u32 $0x1C0B, s0;
	s5 =	simm.s32 $0x20;
	s29 =	rddreg [dreg:$0x10]  }
0x4fb: {  	s7 =	simm.s32 $0x10;
	s22 =	rddreg [dreg:$0x1f];
	s1 =	sshrl.u32 s29, $0x3  }
0x4fc: {  	[hbm:s22@s5], [sflag:s0] =	dma.strided [spmem:s1@s7], $0x2710, s18, $0x10   }
0x4fd: {  	s7 =	simm.s32 $0xB  }
0x4fe: {  	_ =	swait.ge [sflag:s7], $0x2710  }
0x4ff: {  	s19 =	sld [smem:$0x7FA]  }
0x500: {  	s22 =	sld [smem:$0x7FB];
	_ =	sdelay $0x1  }
0x501: {  	s1 =	sadd.s32 $0x1, s19  }
0x502: {  	p1 =	sne.s32 s1, s22  }
.Ltmp12:
0x503: {  	_ = 	snop;
	(pc) =	sbr.rel @p1 .LBB2_1-.Ltmp12, $3  }
0x504: {  	_ =	sdelay $0x1  }
0x505: {  	[sflag:s7] =	ssyncset.done $0x0  }
0x506: {  	s30 =	simm.s32 $0x100;
	[sflag:s7] =	ssyncadd.s32 $0xFFFFD8F0;
	s19 =	simm.s32 $0x80  }
0x507: {  	_ =	sfence.sel $0x180000  }
0x508: {  	[bflag:$0x0] =	sbarrier.arrive $0xFFFF  }
0x509: {  	_ =	strace $0x90000047  }
0x50a: {  	[bflag:$0x2] =	sbarrier.arrive $0xFFFF  }
0x50b: {  	s0 =	rddreg [dreg:$0x4]  }
0x50c: {  	s0 =	sadd.s32 @!p0 $0x100000, s0  }
0x50d: {  	[sflag:s0] =	ssyncadd.tile.s32 @!p0 $0x1;
	_ =	shalt  }
.Lfunc_end2:
_tile_overlayer_lowered:
.L_overlay_start_2:
0x50e: {  	(tag) =	ssettag $0x2  }
0x50f: {  	s0 =	rddreg [dreg:$0x0];
	s2 =	stileid.u32  }
0x510: {  	s1 =	rddreg [dreg:$0x1];
	p0 =	sne.s32 s2, $0x0  }
0x511: {  	s3 =	rddreg [dreg:$0x2];
	[bflag:$0x3] =	sbarrier.arrive $0xFFFF;
	s2 =	simm.s32 @!p0 $0x1C0B  }
0x512: {  	[timem:s3], [sflag:s2] =	dma.local @!p0 [hbm:s0], s1  }
0x513: {  	s0 =	simm.s32 @!p0 $0xB  }
0x514: {  	_ =	swait.ge @!p0 [sflag:s0], s1  }
0x515: {  	s1 =	ssub.s32 @!p0 $0x0, s1;
	[sflag:s0] =	ssyncset.done @!p0 $0x0  }
0x516: {  	[sflag:s0] =	ssyncadd.s32 @!p0 s1  }
0x517: {  	[bflag:$0x3] =	sbarrier.arrive $0xFFFF  }
0x518: {  	_ =	shalt  }

</sc_bundles>
